<compile_context>
chip_gen: v7x
topology: tpu7x:2x2x1
jax: 0.10.2.dev20260603
libtpu: 0.0.44.dev20260713+nightly
codegen_flags: <defaults>
</compile_context>

<pallas_src>
import functools

import jax
import jax.numpy as jnp
from jax.experimental import pallas as pl
from jax.experimental.pallas import tpu as pltpu

EMB = 128
NRAD = 64
CUTOFF = 5.0
GAMMA = 10.0
CH = 80


def _dense_body(S_ref, pN_ref, pCa_ref, pC_ref, rt_emb_ref,
                ligW_ref, ligb_ref, emb_ref, bbW_ref, bbb_ref,
                e01W_ref, e01b_ref, sW1_ref, sb1_ref, sW2_ref, sb2_ref,
                eW1_ref, eb1_ref, bng_ref, bnb_ref, eW2_ref, eb2_ref,
                out_ref):
    f32 = jnp.float32
    S = S_ref[...]
    ligW = ligW_ref[...]
    ligb = ligb_ref[...]
    emb = emb_ref[...]
    R = S.shape[1]

    xs = []
    for k in range(3):
        acc = jnp.zeros((R, EMB), f32)
        deg = jnp.zeros((R, 1), f32)
        for t in range(3):
            Sg = S[k * 3 + t]
            rbf_sum = Sg[:, :NRAD]
            cnt = Sg[:, NRAD:NRAD + 1]
            sw = jnp.dot(rbf_sum, ligW, preferred_element_type=f32) + cnt * ligb
            acc = acc + sw * emb[t:t + 1, :]
            deg = deg + cnt
        acc = acc + deg * emb[k:k + 1, :]
        xs.append(acc)

    pN = pN_ref[...]
    pCa = pCa_ref[...]
    pC = pC_ref[...]

    v1 = pCa - pN
    d1sq = jnp.sum(v1 * v1, axis=1, keepdims=True)
    d1 = jnp.sqrt(d1sq + 1e-12)
    f1 = v1 / jnp.maximum(d1, 1e-8)
    v2 = pC - pCa
    d2sq = jnp.sum(v2 * v2, axis=1, keepdims=True)
    d2 = jnp.sqrt(d2sq + 1e-12)
    f2 = v2 / jnp.maximum(d2, 1e-8)
    cx = f1[:, 1:2] * f2[:, 2:3] - f1[:, 2:3] * f2[:, 1:2]
    cy = f1[:, 2:3] * f2[:, 0:1] - f1[:, 0:1] * f2[:, 2:3]
    cz = f1[:, 0:1] * f2[:, 1:2] - f1[:, 1:2] * f2[:, 0:1]
    cn = jnp.sqrt(cx * cx + cy * cy + cz * cz + 1e-12)
    cn = jnp.maximum(cn, 1e-8)
    f3 = jnp.concatenate([cx / cn, cy / cn, cz / cn], axis=1)

    bbW = bbW_ref[...]
    bbb = bbb_ref[...]
    e01W = e01W_ref[...]
    e01b = e01b_ref[...]
    eW1 = eW1_ref[...]
    eb1 = eb1_ref[...]
    bng = bng_ref[...]
    bnb = bnb_ref[...]
    eW2 = eW2_ref[...]
    eb2 = eb2_ref[...]

    centers = jax.lax.broadcasted_iota(jnp.int32, (R, NRAD), 1).astype(f32) * (
        CUTOFF / (NRAD - 1))

    def backbone_edge(dist_col, vec, repr_u, repr_v):
        rbf = jnp.exp(-GAMMA * (dist_col - centers) ** 2)
        radial = jnp.dot(rbf, bbW, preferred_element_type=f32) + bbb
        base = radial * repr_u * repr_v
        Ed = [jnp.dot(vec[:, d:d + 1] * base, e01W,
                      preferred_element_type=f32) + e01b for d in range(3)]
        frames = (f1, f2, f3)
        scal = []
        for dp in range(3):
            fr = frames[dp]
            s = (Ed[0] * fr[:, 0:1] + Ed[1] * fr[:, 1:2]
                 + Ed[2] * fr[:, 2:3])
            scal.append(s)
        y = jnp.zeros((R, EMB), f32)
        for m in range(32):
            a = (scal[0] * sW1_ref[0, m] + scal[1] * sW1_ref[1, m]
                 + scal[2] * sW1_ref[2, m] + sb1_ref[m])
            y = y + sW2_ref[m, 0] * (a * jax.nn.sigmoid(a))
        y = y + sb2_ref[0] + scal[0]
        h2 = jnp.dot(y, eW1, preferred_element_type=f32) + eb1
        h2 = h2 * bng + bnb
        h2 = jnp.maximum(h2, 0.0)
        return jnp.dot(h2, eW2, preferred_element_type=f32) + eb2

    s1 = backbone_edge(d1, v1, xs[0], xs[1])
    s2 = backbone_edge(d2, v2, xs[1], xs[2])
    out_ref[...] = (s1 + s2) * 0.5 + rt_emb_ref[...]


def _dense_forward(S, pN, pCa, pC, rt_emb, p, interpret=False):
    n = pN.shape[0]
    R = 1000
    grid = (n // R,)
    f32 = jnp.float32

    def rb(i):
        return (i, 0)

    def full2(i):
        return (0, 0)

    def full3(i):
        return (0, 0, 0)

    in_specs = [
        pl.BlockSpec((9, R, CH), lambda i: (0, i, 0)),
        pl.BlockSpec((R, 3), rb),
        pl.BlockSpec((R, 3), rb),
        pl.BlockSpec((R, 3), rb),
        pl.BlockSpec((R, EMB), rb),
        pl.BlockSpec((NRAD, EMB), full2),
        pl.BlockSpec((1, EMB), full2),
        pl.BlockSpec((3, EMB), full2),
        pl.BlockSpec((NRAD, EMB), full2),
        pl.BlockSpec((1, EMB), full2),
        pl.BlockSpec((EMB, EMB), full2),
        pl.BlockSpec((1, EMB), full2),
        pl.BlockSpec(memory_space=pltpu.SMEM),
        pl.BlockSpec(memory_space=pltpu.SMEM),
        pl.BlockSpec(memory_space=pltpu.SMEM),
        pl.BlockSpec(memory_space=pltpu.SMEM),
        pl.BlockSpec((EMB, 2 * EMB), full2),
        pl.BlockSpec((1, 2 * EMB), full2),
        pl.BlockSpec((1, 2 * EMB), full2),
        pl.BlockSpec((1, 2 * EMB), full2),
        pl.BlockSpec((2 * EMB, EMB), full2),
        pl.BlockSpec((1, EMB), full2),
    ]
    return pl.pallas_call(
        _dense_body,
        grid=grid,
        in_specs=in_specs,
        out_specs=pl.BlockSpec((R, EMB), rb),
        out_shape=jax.ShapeDtypeStruct((n, EMB), f32),
        interpret=interpret,
    )(S, pN, pCa, pC, rt_emb,
      p['lig_rbf_W'], p['lig_rbf_b'].reshape(1, EMB), p['backbone_emb'],
      p['bb_rbf_W'], p['bb_rbf_b'].reshape(1, EMB),
      p['edge01_W'], p['edge01_b'].reshape(1, EMB),
      p['scal_W1'], p['scal_b1'], p['scal_W2'], p['scal_b2'],
      p['edge_W1'], p['edge_b1'].reshape(1, 2 * EMB),
      p['edge_bn_gamma'].reshape(1, 2 * EMB), p['edge_bn_beta'].reshape(1, 2 * EMB),
      p['edge_W2'], p['edge_b2'].reshape(1, EMB))


def _edge_accum_xla(pos, edge_index, n):
    i, j = edge_index[0], edge_index[1]
    vec = pos[i] - pos[j]
    dist = jnp.sqrt(jnp.sum(vec * vec, -1) + 1e-12)
    centers = jnp.linspace(0.0, CUTOFF, NRAD)
    rbf = jnp.exp(-GAMMA * (dist[:, None] - centers) ** 2)
    rbfp = jnp.concatenate([rbf, jnp.ones((rbf.shape[0], 1), rbf.dtype)], -1)
    g = ((i % 3) * 3 + (j % 3)) * n + i // 3
    S = jax.ops.segment_sum(rbfp, g, num_segments=9 * n)
    S = jnp.pad(S, ((0, 0), (0, CH - NRAD - 1)))
    return S.reshape(9, n, CH)


def kernel(pos_N, pos_Ca, pos_C, residue_type, batch, edge_index, params):
    p = params
    n = residue_type.shape[0]
    pos = jnp.stack([pos_N, pos_Ca, pos_C], axis=1).reshape(-1, 3)
    S = _edge_accum_xla(pos, edge_index, n)
    rt_emb = p['residue_emb'][residue_type]
    return _dense_forward(S, pos_N, pos_Ca, pos_C, rt_emb, p)

# --- scband reference (transcript-rebuilt; emitter-appended) ---
"""Pipeline reference for scband-frame-net-protein01-44117904065156 (READ-ONLY COPY).

The authoritative reference and input builder live on the scoring server;
editing this copy changes nothing except your own understanding.
"""

import jax, jax.numpy as jnp
import numpy as np

EMB_DIM = 128
NUM_RESIDUE_ACID = 26
NUM_RADIAL = 64
CUTOFF = 5.0
RBF_GAMMA = 10.0
NUM_RESIDUE = 10000
NUM_ATOMS = 3 * NUM_RESIDUE
NUM_EDGES = 480000


def _safe_norm(vec):
    return jnp.sqrt(jnp.sum(vec * vec, axis=-1) + 1e-12)


def _rbf(dist):
    # RBF_repredding_02: gaussian basis, centers linspace(0, cutoff, num_radial)
    centers = jnp.linspace(0.0, CUTOFF, NUM_RADIAL)
    return jnp.exp(-RBF_GAMMA * (dist[..., None] - centers) ** 2)


def _normalize(vec, dist=None, eps=1e-8):
    if dist is None:
        dist = _safe_norm(vec)
    return vec / jnp.clip(dist, eps, None)[..., None]


def _linear(x, W, b):
    return x @ W + b


def _mlp_edge(x, p):
    # MLP [emb, 2*emb, emb]: Linear -> BN(eval: running_mean=0, running_var=1) -> ReLU -> Dropout(eval=identity) -> Linear
    h = _linear(x, p['edge_W1'], p['edge_b1'])
    h = h * p['edge_bn_gamma'] + p['edge_bn_beta']
    h = jax.nn.relu(h)
    return _linear(h, p['edge_W2'], p['edge_b2'])


def _backbone_edge(dist, vec, repr_u, repr_v, backbone_frame, p):
    radial = _linear(_rbf(dist), p['bb_rbf_W'], p['bb_rbf_b'])            # [N, emb]
    edge_repr = vec[:, :, None] * radial[:, None, :] * repr_u[:, None, :] * repr_v[:, None, :]  # [N, 3, emb]
    edge_repr = _linear(edge_repr, p['edge01_W'], p['edge01_b'])          # edge_layers_01: single Linear
    scal = (edge_repr[:, :, None, :] * backbone_frame[:, :, :, None]).sum(axis=1)  # [N, 3, emb]
    scal = jnp.transpose(scal, (0, 2, 1))                                 # [N, emb, 3]
    h = jax.nn.silu(_linear(scal, p['scal_W1'], p['scal_b1']))
    h = _linear(h, p['scal_W2'], p['scal_b2'])[..., 0] + scal[:, :, 0]    # [N, emb]
    return _mlp_edge(h, p)


def _forward(pos_N, pos_Ca, pos_C, params, residue_type, edge_index):
    p = params
    n = residue_type.shape[0]
    residue_type_repr = p['residue_emb'][residue_type]
    ligand_type_repr = jnp.broadcast_to(p['backbone_emb'][None], (n, 3, EMB_DIM)).reshape(-1, EMB_DIM)
    pos = jnp.stack([pos_N, pos_Ca, pos_C], axis=1).reshape(-1, 3)
    i, j = edge_index[0], edge_index[1]
    vec = pos[i] - pos[j]
    dist = _safe_norm(vec)
    radial = _linear(_rbf(dist), p['lig_rbf_W'], p['lig_rbf_b'])
    x_j = ligand_type_repr[j] * radial
    x_i_j = ligand_type_repr[i] + x_j
    x = jax.ops.segment_sum(x_i_j, i, num_segments=pos.shape[0])          # scatter reduce='sum'
    ligand_repr = jnp.transpose(x.reshape(n, 3, EMB_DIM), (1, 0, 2))
    vec_N_Ca = pos_Ca - pos_N
    dist_N_Ca = _safe_norm(vec_N_Ca)
    frame_N_Ca = _normalize(vec_N_Ca, dist_N_Ca)
    vec_Ca_C = pos_C - pos_Ca
    dist_Ca_C = _safe_norm(vec_Ca_C)
    frame_Ca_C = _normalize(vec_Ca_C, dist_Ca_C)
    frame_cross = _normalize(jnp.cross(frame_N_Ca, frame_Ca_C))
    backbone_frame = jnp.stack([frame_N_Ca, frame_Ca_C, frame_cross], axis=2)  # [N, 3, 3]
    s1 = _backbone_edge(dist_N_Ca, vec_N_Ca, ligand_repr[0], ligand_repr[1], backbone_frame, p)
    s2 = _backbone_edge(dist_Ca_C, vec_Ca_C, ligand_repr[1], ligand_repr[2], backbone_frame, p)
    return (s1 + s2) / 2.0 + residue_type_repr


def setup_inputs(seed: int = 0):
    key = jax.random.key(seed)
    ks = jax.random.split(key, 20)
    s = 0.05
    params = {
        'residue_emb': jax.random.normal(ks[6], (NUM_RESIDUE_ACID, EMB_DIM), dtype=jnp.float32) * s,
        'backbone_emb': jax.random.normal(ks[7], (3, EMB_DIM), dtype=jnp.float32) * s,
        'lig_rbf_W': jax.random.normal(ks[8], (NUM_RADIAL, EMB_DIM), dtype=jnp.float32) * s,
        'lig_rbf_b': jnp.zeros((EMB_DIM,), dtype=jnp.float32),
        'bb_rbf_W': jax.random.normal(ks[9], (NUM_RADIAL, EMB_DIM), dtype=jnp.float32) * s,
        'bb_rbf_b': jnp.zeros((EMB_DIM,), dtype=jnp.float32),
        'edge01_W': jax.random.normal(ks[10], (EMB_DIM, EMB_DIM), dtype=jnp.float32) * s,
        'edge01_b': jnp.zeros((EMB_DIM,), dtype=jnp.float32),
        'edge_W1': jax.random.normal(ks[11], (EMB_DIM, 2 * EMB_DIM), dtype=jnp.float32) * s,
        'edge_b1': jnp.zeros((2 * EMB_DIM,), dtype=jnp.float32),
        'edge_bn_gamma': jnp.ones((2 * EMB_DIM,), dtype=jnp.float32),
        'edge_bn_beta': jnp.zeros((2 * EMB_DIM,), dtype=jnp.float32),
        'edge_W2': jax.random.normal(ks[12], (2 * EMB_DIM, EMB_DIM), dtype=jnp.float32) * s,
        'edge_b2': jnp.zeros((EMB_DIM,), dtype=jnp.float32),
        'scal_W1': jax.random.normal(ks[13], (3, 32), dtype=jnp.float32) * 0.3,
        'scal_b1': jnp.zeros((32,), dtype=jnp.float32),
        'scal_W2': jax.random.normal(ks[14], (32, 1), dtype=jnp.float32) * 0.3,
        'scal_b2': jnp.zeros((1,), dtype=jnp.float32),
    }
    return {
        'pos_N': jax.random.normal(ks[0], (NUM_RESIDUE, 3), dtype=jnp.float32) * 3.0,
        'pos_Ca': jax.random.normal(ks[1], (NUM_RESIDUE, 3), dtype=jnp.float32) * 3.0,
        'pos_C': jax.random.normal(ks[2], (NUM_RESIDUE, 3), dtype=jnp.float32) * 3.0,
        'residue_type': jax.random.randint(ks[3], (NUM_RESIDUE,), 0, NUM_RESIDUE_ACID),
        'batch': jnp.sort(jax.random.randint(ks[4], (NUM_RESIDUE,), 0, 16)),
        'edge_index': jax.random.randint(ks[5], (2, NUM_EDGES), 0, NUM_ATOMS),
        'params': params,
    }


def reference(pos_N, pos_Ca, pos_C, residue_type, batch, edge_index, params):
    # batch is only consumed by radius_graph in the original torch code; the
    # radius graph is precomputed here as a fixed-shape edge_index (data-dependent
    # graph construction is not jit-shapeable). The gather/scatter math is identical.
    return _forward(pos_N, pos_Ca, pos_C, params, residue_type, edge_index)

if __name__ == "__main__":
    import jax
    _d = setup_inputs()
    print(jax.jit(kernel)(*tuple(_d.values())))

</pallas_src>

<mosaic_0001>
module attributes {stable_mosaic.version = 14 : i64} {
  func.func @_dense_body(%arg0: i32, %arg1: memref<9x1000x80xf32, #tpu.memory_space<vmem>>, %arg2: memref<1000x3xf32, #tpu.memory_space<vmem>>, %arg3: memref<1000x3xf32, #tpu.memory_space<vmem>>, %arg4: memref<1000x3xf32, #tpu.memory_space<vmem>>, %arg5: memref<1000x128xf32, #tpu.memory_space<vmem>>, %arg6: memref<64x128xf32, #tpu.memory_space<vmem>>, %arg7: memref<1x128xf32, #tpu.memory_space<vmem>>, %arg8: memref<3x128xf32, #tpu.memory_space<vmem>>, %arg9: memref<64x128xf32, #tpu.memory_space<vmem>>, %arg10: memref<1x128xf32, #tpu.memory_space<vmem>>, %arg11: memref<128x128xf32, #tpu.memory_space<vmem>>, %arg12: memref<1x128xf32, #tpu.memory_space<vmem>>, %arg13: memref<3x32xf32, #tpu.memory_space<smem>>, %arg14: memref<32xf32, #tpu.memory_space<smem>>, %arg15: memref<32x1xf32, #tpu.memory_space<smem>>, %arg16: memref<1xf32, #tpu.memory_space<smem>>, %arg17: memref<128x256xf32, #tpu.memory_space<vmem>>, %arg18: memref<1x256xf32, #tpu.memory_space<vmem>>, %arg19: memref<1x256xf32, #tpu.memory_space<vmem>>, %arg20: memref<1x256xf32, #tpu.memory_space<vmem>>, %arg21: memref<256x128xf32, #tpu.memory_space<vmem>>, %arg22: memref<1x128xf32, #tpu.memory_space<vmem>>, %arg23: memref<1000x128xf32, #tpu.memory_space<vmem>>) attributes {dimension_semantics = [#tpu.dimension_semantics<arbitrary>], iteration_bounds = array<i64: 10>, scalar_prefetch = 0 : i64, scratch_operands = 0 : i64, tpu.core_type = #tpu.core_type<tc>, window_params = [{transform_indices = @transform_0, window_bounds = array<i64: 9, 1000, 80>}, {transform_indices = @transform_1, window_bounds = array<i64: 1000, 3>}, {transform_indices = @transform_2, window_bounds = array<i64: 1000, 3>}, {transform_indices = @transform_3, window_bounds = array<i64: 1000, 3>}, {transform_indices = @transform_4, window_bounds = array<i64: 1000, 128>}, {pipeline_mode = #tpu.pipeline_mode<synchronous>, transform_indices = @transform_5, window_bounds = array<i64: 64, 128>}, {pipeline_mode = #tpu.pipeline_mode<synchronous>, transform_indices = @transform_6, window_bounds = array<i64: 1, 128>}, {pipeline_mode = #tpu.pipeline_mode<synchronous>, transform_indices = @transform_7, window_bounds = array<i64: 3, 128>}, {pipeline_mode = #tpu.pipeline_mode<synchronous>, transform_indices = @transform_8, window_bounds = array<i64: 64, 128>}, {pipeline_mode = #tpu.pipeline_mode<synchronous>, transform_indices = @transform_9, window_bounds = array<i64: 1, 128>}, {pipeline_mode = #tpu.pipeline_mode<synchronous>, transform_indices = @transform_10, window_bounds = array<i64: 128, 128>}, {pipeline_mode = #tpu.pipeline_mode<synchronous>, transform_indices = @transform_11, window_bounds = array<i64: 1, 128>}, {transform_indices = @transform_12, window_bounds = array<i64: 3, 32>}, {transform_indices = @transform_13, window_bounds = array<i64: 32>}, {transform_indices = @transform_14, window_bounds = array<i64: 32, 1>}, {transform_indices = @transform_15, window_bounds = array<i64: 1>}, {pipeline_mode = #tpu.pipeline_mode<synchronous>, transform_indices = @transform_16, window_bounds = array<i64: 128, 256>}, {pipeline_mode = #tpu.pipeline_mode<synchronous>, transform_indices = @transform_17, window_bounds = array<i64: 1, 256>}, {pipeline_mode = #tpu.pipeline_mode<synchronous>, transform_indices = @transform_18, window_bounds = array<i64: 1, 256>}, {pipeline_mode = #tpu.pipeline_mode<synchronous>, transform_indices = @transform_19, window_bounds = array<i64: 1, 256>}, {pipeline_mode = #tpu.pipeline_mode<synchronous>, transform_indices = @transform_20, window_bounds = array<i64: 256, 128>}, {pipeline_mode = #tpu.pipeline_mode<synchronous>, transform_indices = @transform_21, window_bounds = array<i64: 1, 128>}, {transform_indices = @transform_22, window_bounds = array<i64: 1000, 128>}]} {
    %get3A = arith.constant 0 : index
    %get3A_0 = arith.constant 0 : index
    %get3A_1 = arith.constant 0 : index
    %get3A_2 = vector.load %arg1[%get3A, %get3A_0, %get3A_1] : memref<9x1000x80xf32, #tpu.memory_space<vmem>>, vector<9x1000x80xf32>
    %get3A_3 = arith.constant 0 : index
    %get3A_4 = arith.constant 0 : index
    %get3A_5 = vector.load %arg6[%get3A_3, %get3A_4] : memref<64x128xf32, #tpu.memory_space<vmem>>, vector<64x128xf32>
    %get3A_6 = arith.constant 0 : index
    %get3A_7 = arith.constant 0 : index
    %get3A_8 = vector.load %arg7[%get3A_6, %get3A_7] : memref<1x128xf32, #tpu.memory_space<vmem>>, vector<1x128xf32>
    %get3A_9 = arith.constant 0 : index
    %get3A_10 = arith.constant 0 : index
    %get3A_11 = vector.load %arg8[%get3A_9, %get3A_10] : memref<3x128xf32, #tpu.memory_space<vmem>>, vector<3x128xf32>
    %broadcast_in_dim3A = arith.constant 0.000000e+00 : f32
    %broadcast_in_dim3A_12 = vector.broadcast %broadcast_in_dim3A : f32 to vector<1000x128xf32>
    %broadcast_in_dim3A_13 = arith.constant 0.000000e+00 : f32
    %broadcast_in_dim3A_14 = vector.broadcast %broadcast_in_dim3A_13 : f32 to vector<1000x1xf32>
    %slice3A = vector.extract_strided_slice %get3A_2 {offsets = [0, 0, 0], sizes = [1, 1000, 80], strides = [1, 1, 1]} : vector<9x1000x80xf32> to vector<1x1000x80xf32>
    %squeeze3A = vector.shape_cast %slice3A : vector<1x1000x80xf32> to vector<1000x80xf32>
    %slice3A_15 = vector.extract_strided_slice %squeeze3A {offsets = [0, 0], sizes = [1000, 64], strides = [1, 1]} : vector<1000x80xf32> to vector<1000x64xf32>
    %slice3A_16 = vector.extract_strided_slice %squeeze3A {offsets = [0, 64], sizes = [1000, 1], strides = [1, 1]} : vector<1000x80xf32> to vector<1000x1xf32>
    %dot_general3A = arith.constant dense<0.000000e+00> : vector<1000x128xf32>
    %dot_general3A_17 = tpu.matmul %slice3A_15, %get3A_5, %dot_general3A {dimension_numbers = #tpu.dot_dimension_numbers<[1], [0], [0], [1], [0, 0, 1, 1], [], []>, transpose_lhs_hint = false} : vector<1000x64xf32>, vector<64x128xf32>, vector<1000x128xf32> -> vector<1000x128xf32>
    %mul3A = vector.broadcast %slice3A_16 : vector<1000x1xf32> to vector<1000x128xf32>
    %mul3A_18 = vector.broadcast %get3A_8 : vector<1x128xf32> to vector<1000x128xf32>
    %mul3A_19 = arith.mulf %mul3A, %mul3A_18 : vector<1000x128xf32>
    %add3A = arith.addf %dot_general3A_17, %mul3A_19 : vector<1000x128xf32>
    %slice3A_20 = vector.extract_strided_slice %get3A_11 {offsets = [0, 0], sizes = [1, 128], strides = [1, 1]} : vector<3x128xf32> to vector<1x128xf32>
    %mul3A_21 = vector.broadcast %slice3A_20 : vector<1x128xf32> to vector<1000x128xf32>
    %mul3A_22 = arith.mulf %add3A, %mul3A_21 : vector<1000x128xf32>
    %add3A_23 = arith.addf %broadcast_in_dim3A_12, %mul3A_22 : vector<1000x128xf32>
    %add3A_24 = arith.addf %broadcast_in_dim3A_14, %slice3A_16 : vector<1000x1xf32>
    %slice3A_25 = vector.extract_strided_slice %get3A_2 {offsets = [1, 0, 0], sizes = [1, 1000, 80], strides = [1, 1, 1]} : vector<9x1000x80xf32> to vector<1x1000x80xf32>
    %squeeze3A_26 = vector.shape_cast %slice3A_25 : vector<1x1000x80xf32> to vector<1000x80xf32>
    %slice3A_27 = vector.extract_strided_slice %squeeze3A_26 {offsets = [0, 0], sizes = [1000, 64], strides = [1, 1]} : vector<1000x80xf32> to vector<1000x64xf32>
    %slice3A_28 = vector.extract_strided_slice %squeeze3A_26 {offsets = [0, 64], sizes = [1000, 1], strides = [1, 1]} : vector<1000x80xf32> to vector<1000x1xf32>
    %dot_general3A_29 = arith.constant dense<0.000000e+00> : vector<1000x128xf32>
    %dot_general3A_30 = tpu.matmul %slice3A_27, %get3A_5, %dot_general3A_29 {dimension_numbers = #tpu.dot_dimension_numbers<[1], [0], [0], [1], [0, 0, 1, 1], [], []>, transpose_lhs_hint = false} : vector<1000x64xf32>, vector<64x128xf32>, vector<1000x128xf32> -> vector<1000x128xf32>
    %mul3A_31 = vector.broadcast %slice3A_28 : vector<1000x1xf32> to vector<1000x128xf32>
    %mul3A_32 = vector.broadcast %get3A_8 : vector<1x128xf32> to vector<1000x128xf32>
    %mul3A_33 = arith.mulf %mul3A_31, %mul3A_32 : vector<1000x128xf32>
    %add3A_34 = arith.addf %dot_general3A_30, %mul3A_33 : vector<1000x128xf32>
    %slice3A_35 = vector.extract_strided_slice %get3A_11 {offsets = [1, 0], sizes = [1, 128], strides = [1, 1]} : vector<3x128xf32> to vector<1x128xf32>
    %mul3A_36 = vector.broadcast %slice3A_35 : vector<1x128xf32> to vector<1000x128xf32>
    %mul3A_37 = arith.mulf %add3A_34, %mul3A_36 : vector<1000x128xf32>
    %add3A_38 = arith.addf %add3A_23, %mul3A_37 : vector<1000x128xf32>
    %add3A_39 = arith.addf %add3A_24, %slice3A_28 : vector<1000x1xf32>
    %slice3A_40 = vector.extract_strided_slice %get3A_2 {offsets = [2, 0, 0], sizes = [1, 1000, 80], strides = [1, 1, 1]} : vector<9x1000x80xf32> to vector<1x1000x80xf32>
    %squeeze3A_41 = vector.shape_cast %slice3A_40 : vector<1x1000x80xf32> to vector<1000x80xf32>
    %slice3A_42 = vector.extract_strided_slice %squeeze3A_41 {offsets = [0, 0], sizes = [1000, 64], strides = [1, 1]} : vector<1000x80xf32> to vector<1000x64xf32>
    %slice3A_43 = vector.extract_strided_slice %squeeze3A_41 {offsets = [0, 64], sizes = [1000, 1], strides = [1, 1]} : vector<1000x80xf32> to vector<1000x1xf32>
    %dot_general3A_44 = arith.constant dense<0.000000e+00> : vector<1000x128xf32>
    %dot_general3A_45 = tpu.matmul %slice3A_42, %get3A_5, %dot_general3A_44 {dimension_numbers = #tpu.dot_dimension_numbers<[1], [0], [0], [1], [0, 0, 1, 1], [], []>, transpose_lhs_hint = false} : vector<1000x64xf32>, vector<64x128xf32>, vector<1000x128xf32> -> vector<1000x128xf32>
    %mul3A_46 = vector.broadcast %slice3A_43 : vector<1000x1xf32> to vector<1000x128xf32>
    %mul3A_47 = vector.broadcast %get3A_8 : vector<1x128xf32> to vector<1000x128xf32>
    %mul3A_48 = arith.mulf %mul3A_46, %mul3A_47 : vector<1000x128xf32>
    %add3A_49 = arith.addf %dot_general3A_45, %mul3A_48 : vector<1000x128xf32>
    %slice3A_50 = vector.extract_strided_slice %get3A_11 {offsets = [2, 0], sizes = [1, 128], strides = [1, 1]} : vector<3x128xf32> to vector<1x128xf32>
    %mul3A_51 = vector.broadcast %slice3A_50 : vector<1x128xf32> to vector<1000x128xf32>
    %mul3A_52 = arith.mulf %add3A_49, %mul3A_51 : vector<1000x128xf32>
    %add3A_53 = arith.addf %add3A_38, %mul3A_52 : vector<1000x128xf32>
    %add3A_54 = arith.addf %add3A_39, %slice3A_43 : vector<1000x1xf32>
    %slice3A_55 = vector.extract_strided_slice %get3A_11 {offsets = [0, 0], sizes = [1, 128], strides = [1, 1]} : vector<3x128xf32> to vector<1x128xf32>
    %mul3A_56 = vector.broadcast %add3A_54 : vector<1000x1xf32> to vector<1000x128xf32>
    %mul3A_57 = vector.broadcast %slice3A_55 : vector<1x128xf32> to vector<1000x128xf32>
    %mul3A_58 = arith.mulf %mul3A_56, %mul3A_57 : vector<1000x128xf32>
    %add3A_59 = arith.addf %add3A_53, %mul3A_58 : vector<1000x128xf32>
    %broadcast_in_dim3A_60 = arith.constant 0.000000e+00 : f32
    %broadcast_in_dim3A_61 = vector.broadcast %broadcast_in_dim3A_60 : f32 to vector<1000x128xf32>
    %broadcast_in_dim3A_62 = arith.constant 0.000000e+00 : f32
    %broadcast_in_dim3A_63 = vector.broadcast %broadcast_in_dim3A_62 : f32 to vector<1000x1xf32>
    %slice3A_64 = vector.extract_strided_slice %get3A_2 {offsets = [3, 0, 0], sizes = [1, 1000, 80], strides = [1, 1, 1]} : vector<9x1000x80xf32> to vector<1x1000x80xf32>
    %squeeze3A_65 = vector.shape_cast %slice3A_64 : vector<1x1000x80xf32> to vector<1000x80xf32>
    %slice3A_66 = vector.extract_strided_slice %squeeze3A_65 {offsets = [0, 0], sizes = [1000, 64], strides = [1, 1]} : vector<1000x80xf32> to vector<1000x64xf32>
    %slice3A_67 = vector.extract_strided_slice %squeeze3A_65 {offsets = [0, 64], sizes = [1000, 1], strides = [1, 1]} : vector<1000x80xf32> to vector<1000x1xf32>
    %dot_general3A_68 = arith.constant dense<0.000000e+00> : vector<1000x128xf32>
    %dot_general3A_69 = tpu.matmul %slice3A_66, %get3A_5, %dot_general3A_68 {dimension_numbers = #tpu.dot_dimension_numbers<[1], [0], [0], [1], [0, 0, 1, 1], [], []>, transpose_lhs_hint = false} : vector<1000x64xf32>, vector<64x128xf32>, vector<1000x128xf32> -> vector<1000x128xf32>
    %mul3A_70 = vector.broadcast %slice3A_67 : vector<1000x1xf32> to vector<1000x128xf32>
    %mul3A_71 = vector.broadcast %get3A_8 : vector<1x128xf32> to vector<1000x128xf32>
    %mul3A_72 = arith.mulf %mul3A_70, %mul3A_71 : vector<1000x128xf32>
    %add3A_73 = arith.addf %dot_general3A_69, %mul3A_72 : vector<1000x128xf32>
    %slice3A_74 = vector.extract_strided_slice %get3A_11 {offsets = [0, 0], sizes = [1, 128], strides = [1, 1]} : vector<3x128xf32> to vector<1x128xf32>
    %mul3A_75 = vector.broadcast %slice3A_74 : vector<1x128xf32> to vector<1000x128xf32>
    %mul3A_76 = arith.mulf %add3A_73, %mul3A_75 : vector<1000x128xf32>
    %add3A_77 = arith.addf %broadcast_in_dim3A_61, %mul3A_76 : vector<1000x128xf32>
    %add3A_78 = arith.addf %broadcast_in_dim3A_63, %slice3A_67 : vector<1000x1xf32>
    %slice3A_79 = vector.extract_strided_slice %get3A_2 {offsets = [4, 0, 0], sizes = [1, 1000, 80], strides = [1, 1, 1]} : vector<9x1000x80xf32> to vector<1x1000x80xf32>
    %squeeze3A_80 = vector.shape_cast %slice3A_79 : vector<1x1000x80xf32> to vector<1000x80xf32>
    %slice3A_81 = vector.extract_strided_slice %squeeze3A_80 {offsets = [0, 0], sizes = [1000, 64], strides = [1, 1]} : vector<1000x80xf32> to vector<1000x64xf32>
    %slice3A_82 = vector.extract_strided_slice %squeeze3A_80 {offsets = [0, 64], sizes = [1000, 1], strides = [1, 1]} : vector<1000x80xf32> to vector<1000x1xf32>
    %dot_general3A_83 = arith.constant dense<0.000000e+00> : vector<1000x128xf32>
    %dot_general3A_84 = tpu.matmul %slice3A_81, %get3A_5, %dot_general3A_83 {dimension_numbers = #tpu.dot_dimension_numbers<[1], [0], [0], [1], [0, 0, 1, 1], [], []>, transpose_lhs_hint = false} : vector<1000x64xf32>, vector<64x128xf32>, vector<1000x128xf32> -> vector<1000x128xf32>
    %mul3A_85 = vector.broadcast %slice3A_82 : vector<1000x1xf32> to vector<1000x128xf32>
    %mul3A_86 = vector.broadcast %get3A_8 : vector<1x128xf32> to vector<1000x128xf32>
    %mul3A_87 = arith.mulf %mul3A_85, %mul3A_86 : vector<1000x128xf32>
    %add3A_88 = arith.addf %dot_general3A_84, %mul3A_87 : vector<1000x128xf32>
    %slice3A_89 = vector.extract_strided_slice %get3A_11 {offsets = [1, 0], sizes = [1, 128], strides = [1, 1]} : vector<3x128xf32> to vector<1x128xf32>
    %mul3A_90 = vector.broadcast %slice3A_89 : vector<1x128xf32> to vector<1000x128xf32>
    %mul3A_91 = arith.mulf %add3A_88, %mul3A_90 : vector<1000x128xf32>
    %add3A_92 = arith.addf %add3A_77, %mul3A_91 : vector<1000x128xf32>
    %add3A_93 = arith.addf %add3A_78, %slice3A_82 : vector<1000x1xf32>
    %slice3A_94 = vector.extract_strided_slice %get3A_2 {offsets = [5, 0, 0], sizes = [1, 1000, 80], strides = [1, 1, 1]} : vector<9x1000x80xf32> to vector<1x1000x80xf32>
    %squeeze3A_95 = vector.shape_cast %slice3A_94 : vector<1x1000x80xf32> to vector<1000x80xf32>
    %slice3A_96 = vector.extract_strided_slice %squeeze3A_95 {offsets = [0, 0], sizes = [1000, 64], strides = [1, 1]} : vector<1000x80xf32> to vector<1000x64xf32>
    %slice3A_97 = vector.extract_strided_slice %squeeze3A_95 {offsets = [0, 64], sizes = [1000, 1], strides = [1, 1]} : vector<1000x80xf32> to vector<1000x1xf32>
    %dot_general3A_98 = arith.constant dense<0.000000e+00> : vector<1000x128xf32>
    %dot_general3A_99 = tpu.matmul %slice3A_96, %get3A_5, %dot_general3A_98 {dimension_numbers = #tpu.dot_dimension_numbers<[1], [0], [0], [1], [0, 0, 1, 1], [], []>, transpose_lhs_hint = false} : vector<1000x64xf32>, vector<64x128xf32>, vector<1000x128xf32> -> vector<1000x128xf32>
    %mul3A_100 = vector.broadcast %slice3A_97 : vector<1000x1xf32> to vector<1000x128xf32>
    %mul3A_101 = vector.broadcast %get3A_8 : vector<1x128xf32> to vector<1000x128xf32>
    %mul3A_102 = arith.mulf %mul3A_100, %mul3A_101 : vector<1000x128xf32>
    %add3A_103 = arith.addf %dot_general3A_99, %mul3A_102 : vector<1000x128xf32>
    %slice3A_104 = vector.extract_strided_slice %get3A_11 {offsets = [2, 0], sizes = [1, 128], strides = [1, 1]} : vector<3x128xf32> to vector<1x128xf32>
    %mul3A_105 = vector.broadcast %slice3A_104 : vector<1x128xf32> to vector<1000x128xf32>
    %mul3A_106 = arith.mulf %add3A_103, %mul3A_105 : vector<1000x128xf32>
    %add3A_107 = arith.addf %add3A_92, %mul3A_106 : vector<1000x128xf32>
    %add3A_108 = arith.addf %add3A_93, %slice3A_97 : vector<1000x1xf32>
    %slice3A_109 = vector.extract_strided_slice %get3A_11 {offsets = [1, 0], sizes = [1, 128], strides = [1, 1]} : vector<3x128xf32> to vector<1x128xf32>
    %mul3A_110 = vector.broadcast %add3A_108 : vector<1000x1xf32> to vector<1000x128xf32>
    %mul3A_111 = vector.broadcast %slice3A_109 : vector<1x128xf32> to vector<1000x128xf32>
    %mul3A_112 = arith.mulf %mul3A_110, %mul3A_111 : vector<1000x128xf32>
    %add3A_113 = arith.addf %add3A_107, %mul3A_112 : vector<1000x128xf32>
    %broadcast_in_dim3A_114 = arith.constant 0.000000e+00 : f32
    %broadcast_in_dim3A_115 = vector.broadcast %broadcast_in_dim3A_114 : f32 to vector<1000x128xf32>
    %broadcast_in_dim3A_116 = arith.constant 0.000000e+00 : f32
    %broadcast_in_dim3A_117 = vector.broadcast %broadcast_in_dim3A_116 : f32 to vector<1000x1xf32>
    %slice3A_118 = vector.extract_strided_slice %get3A_2 {offsets = [6, 0, 0], sizes = [1, 1000, 80], strides = [1, 1, 1]} : vector<9x1000x80xf32> to vector<1x1000x80xf32>
    %squeeze3A_119 = vector.shape_cast %slice3A_118 : vector<1x1000x80xf32> to vector<1000x80xf32>
    %slice3A_120 = vector.extract_strided_slice %squeeze3A_119 {offsets = [0, 0], sizes = [1000, 64], strides = [1, 1]} : vector<1000x80xf32> to vector<1000x64xf32>
    %slice3A_121 = vector.extract_strided_slice %squeeze3A_119 {offsets = [0, 64], sizes = [1000, 1], strides = [1, 1]} : vector<1000x80xf32> to vector<1000x1xf32>
    %dot_general3A_122 = arith.constant dense<0.000000e+00> : vector<1000x128xf32>
    %dot_general3A_123 = tpu.matmul %slice3A_120, %get3A_5, %dot_general3A_122 {dimension_numbers = #tpu.dot_dimension_numbers<[1], [0], [0], [1], [0, 0, 1, 1], [], []>, transpose_lhs_hint = false} : vector<1000x64xf32>, vector<64x128xf32>, vector<1000x128xf32> -> vector<1000x128xf32>
    %mul3A_124 = vector.broadcast %slice3A_121 : vector<1000x1xf32> to vector<1000x128xf32>
    %mul3A_125 = vector.broadcast %get3A_8 : vector<1x128xf32> to vector<1000x128xf32>
    %mul3A_126 = arith.mulf %mul3A_124, %mul3A_125 : vector<1000x128xf32>
    %add3A_127 = arith.addf %dot_general3A_123, %mul3A_126 : vector<1000x128xf32>
    %slice3A_128 = vector.extract_strided_slice %get3A_11 {offsets = [0, 0], sizes = [1, 128], strides = [1, 1]} : vector<3x128xf32> to vector<1x128xf32>
    %mul3A_129 = vector.broadcast %slice3A_128 : vector<1x128xf32> to vector<1000x128xf32>
    %mul3A_130 = arith.mulf %add3A_127, %mul3A_129 : vector<1000x128xf32>
    %add3A_131 = arith.addf %broadcast_in_dim3A_115, %mul3A_130 : vector<1000x128xf32>
    %add3A_132 = arith.addf %broadcast_in_dim3A_117, %slice3A_121 : vector<1000x1xf32>
    %slice3A_133 = vector.extract_strided_slice %get3A_2 {offsets = [7, 0, 0], sizes = [1, 1000, 80], strides = [1, 1, 1]} : vector<9x1000x80xf32> to vector<1x1000x80xf32>
    %squeeze3A_134 = vector.shape_cast %slice3A_133 : vector<1x1000x80xf32> to vector<1000x80xf32>
    %slice3A_135 = vector.extract_strided_slice %squeeze3A_134 {offsets = [0, 0], sizes = [1000, 64], strides = [1, 1]} : vector<1000x80xf32> to vector<1000x64xf32>
    %slice3A_136 = vector.extract_strided_slice %squeeze3A_134 {offsets = [0, 64], sizes = [1000, 1], strides = [1, 1]} : vector<1000x80xf32> to vector<1000x1xf32>
    %dot_general3A_137 = arith.constant dense<0.000000e+00> : vector<1000x128xf32>
    %dot_general3A_138 = tpu.matmul %slice3A_135, %get3A_5, %dot_general3A_137 {dimension_numbers = #tpu.dot_dimension_numbers<[1], [0], [0], [1], [0, 0, 1, 1], [], []>, transpose_lhs_hint = false} : vector<1000x64xf32>, vector<64x128xf32>, vector<1000x128xf32> -> vector<1000x128xf32>
    %mul3A_139 = vector.broadcast %slice3A_136 : vector<1000x1xf32> to vector<1000x128xf32>
    %mul3A_140 = vector.broadcast %get3A_8 : vector<1x128xf32> to vector<1000x128xf32>
    %mul3A_141 = arith.mulf %mul3A_139, %mul3A_140 : vector<1000x128xf32>
    %add3A_142 = arith.addf %dot_general3A_138, %mul3A_141 : vector<1000x128xf32>
    %slice3A_143 = vector.extract_strided_slice %get3A_11 {offsets = [1, 0], sizes = [1, 128], strides = [1, 1]} : vector<3x128xf32> to vector<1x128xf32>
    %mul3A_144 = vector.broadcast %slice3A_143 : vector<1x128xf32> to vector<1000x128xf32>
    %mul3A_145 = arith.mulf %add3A_142, %mul3A_144 : vector<1000x128xf32>
    %add3A_146 = arith.addf %add3A_131, %mul3A_145 : vector<1000x128xf32>
    %add3A_147 = arith.addf %add3A_132, %slice3A_136 : vector<1000x1xf32>
    %slice3A_148 = vector.extract_strided_slice %get3A_2 {offsets = [8, 0, 0], sizes = [1, 1000, 80], strides = [1, 1, 1]} : vector<9x1000x80xf32> to vector<1x1000x80xf32>
    %squeeze3A_149 = vector.shape_cast %slice3A_148 : vector<1x1000x80xf32> to vector<1000x80xf32>
    %slice3A_150 = vector.extract_strided_slice %squeeze3A_149 {offsets = [0, 0], sizes = [1000, 64], strides = [1, 1]} : vector<1000x80xf32> to vector<1000x64xf32>
    %slice3A_151 = vector.extract_strided_slice %squeeze3A_149 {offsets = [0, 64], sizes = [1000, 1], strides = [1, 1]} : vector<1000x80xf32> to vector<1000x1xf32>
    %dot_general3A_152 = arith.constant dense<0.000000e+00> : vector<1000x128xf32>
    %dot_general3A_153 = tpu.matmul %slice3A_150, %get3A_5, %dot_general3A_152 {dimension_numbers = #tpu.dot_dimension_numbers<[1], [0], [0], [1], [0, 0, 1, 1], [], []>, transpose_lhs_hint = false} : vector<1000x64xf32>, vector<64x128xf32>, vector<1000x128xf32> -> vector<1000x128xf32>
    %mul3A_154 = vector.broadcast %slice3A_151 : vector<1000x1xf32> to vector<1000x128xf32>
    %mul3A_155 = vector.broadcast %get3A_8 : vector<1x128xf32> to vector<1000x128xf32>
    %mul3A_156 = arith.mulf %mul3A_154, %mul3A_155 : vector<1000x128xf32>
    %add3A_157 = arith.addf %dot_general3A_153, %mul3A_156 : vector<1000x128xf32>
    %slice3A_158 = vector.extract_strided_slice %get3A_11 {offsets = [2, 0], sizes = [1, 128], strides = [1, 1]} : vector<3x128xf32> to vector<1x128xf32>
    %mul3A_159 = vector.broadcast %slice3A_158 : vector<1x128xf32> to vector<1000x128xf32>
    %mul3A_160 = arith.mulf %add3A_157, %mul3A_159 : vector<1000x128xf32>
    %add3A_161 = arith.addf %add3A_146, %mul3A_160 : vector<1000x128xf32>
    %add3A_162 = arith.addf %add3A_147, %slice3A_151 : vector<1000x1xf32>
    %slice3A_163 = vector.extract_strided_slice %get3A_11 {offsets = [2, 0], sizes = [1, 128], strides = [1, 1]} : vector<3x128xf32> to vector<1x128xf32>
    %mul3A_164 = vector.broadcast %add3A_162 : vector<1000x1xf32> to vector<1000x128xf32>
    %mul3A_165 = vector.broadcast %slice3A_163 : vector<1x128xf32> to vector<1000x128xf32>
    %mul3A_166 = arith.mulf %mul3A_164, %mul3A_165 : vector<1000x128xf32>
    %add3A_167 = arith.addf %add3A_161, %mul3A_166 : vector<1000x128xf32>
    %get3A_168 = arith.constant 0 : index
    %get3A_169 = arith.constant 0 : index
    %get3A_170 = vector.load %arg2[%get3A_168, %get3A_169] : memref<1000x3xf32, #tpu.memory_space<vmem>>, vector<1000x3xf32>
    %get3A_171 = arith.constant 0 : index
    %get3A_172 = arith.constant 0 : index
    %get3A_173 = vector.load %arg3[%get3A_171, %get3A_172] : memref<1000x3xf32, #tpu.memory_space<vmem>>, vector<1000x3xf32>
    %get3A_174 = arith.constant 0 : index
    %get3A_175 = arith.constant 0 : index
    %get3A_176 = vector.load %arg4[%get3A_174, %get3A_175] : memref<1000x3xf32, #tpu.memory_space<vmem>>, vector<1000x3xf32>
    %sub3A = arith.subf %get3A_173, %get3A_170 : vector<1000x3xf32>
    %mul3A_177 = arith.mulf %sub3A, %sub3A : vector<1000x3xf32>
    %reduce_sum3A = arith.constant dense<0.000000e+00> : vector<1000xf32>
    %reduce_sum3A_178 = vector.multi_reduction <add>, %mul3A_177, %reduce_sum3A [1] : vector<1000x3xf32> to vector<1000xf32>
    %broadcast_in_dim3A_179 = vector.shape_cast %reduce_sum3A_178 : vector<1000xf32> to vector<1000x1xf32>
    %add3A_180 = arith.constant 9.99999996E-13 : f32
    %add3A_181 = vector.broadcast %add3A_180 : f32 to vector<1000x1xf32>
    %add3A_182 = arith.addf %broadcast_in_dim3A_179, %add3A_181 : vector<1000x1xf32>
    %sqrt3A = math.sqrt %add3A_182 : vector<1000x1xf32>
    %max3A = arith.constant 9.99999993E-9 : f32
    %max3A_183 = vector.broadcast %max3A : f32 to vector<1000x1xf32>
    %max3A_184 = arith.maximumf %sqrt3A, %max3A_183 : vector<1000x1xf32>
    %div3A = vector.broadcast %max3A_184 : vector<1000x1xf32> to vector<1000x3xf32>
    %div3A_185 = arith.divf %sub3A, %div3A : vector<1000x3xf32>
    %sub3A_186 = arith.subf %get3A_176, %get3A_173 : vector<1000x3xf32>
    %mul3A_187 = arith.mulf %sub3A_186, %sub3A_186 : vector<1000x3xf32>
    %reduce_sum3A_188 = arith.constant dense<0.000000e+00> : vector<1000xf32>
    %reduce_sum3A_189 = vector.multi_reduction <add>, %mul3A_187, %reduce_sum3A_188 [1] : vector<1000x3xf32> to vector<1000xf32>
    %broadcast_in_dim3A_190 = vector.shape_cast %reduce_sum3A_189 : vector<1000xf32> to vector<1000x1xf32>
    %add3A_191 = arith.constant 9.99999996E-13 : f32
    %add3A_192 = vector.broadcast %add3A_191 : f32 to vector<1000x1xf32>
    %add3A_193 = arith.addf %broadcast_in_dim3A_190, %add3A_192 : vector<1000x1xf32>
    %sqrt3A_194 = math.sqrt %add3A_193 : vector<1000x1xf32>
    %max3A_195 = arith.constant 9.99999993E-9 : f32
    %max3A_196 = vector.broadcast %max3A_195 : f32 to vector<1000x1xf32>
    %max3A_197 = arith.maximumf %sqrt3A_194, %max3A_196 : vector<1000x1xf32>
    %div3A_198 = vector.broadcast %max3A_197 : vector<1000x1xf32> to vector<1000x3xf32>
    %div3A_199 = arith.divf %sub3A_186, %div3A_198 : vector<1000x3xf32>
    %slice3A_200 = vector.extract_strided_slice %div3A_185 {offsets = [0, 1], sizes = [1000, 1], strides = [1, 1]} : vector<1000x3xf32> to vector<1000x1xf32>
    %slice3A_201 = vector.extract_strided_slice %div3A_199 {offsets = [0, 2], sizes = [1000, 1], strides = [1, 1]} : vector<1000x3xf32> to vector<1000x1xf32>
    %mul3A_202 = arith.mulf %slice3A_200, %slice3A_201 : vector<1000x1xf32>
    %slice3A_203 = vector.extract_strided_slice %div3A_185 {offsets = [0, 2], sizes = [1000, 1], strides = [1, 1]} : vector<1000x3xf32> to vector<1000x1xf32>
    %slice3A_204 = vector.extract_strided_slice %div3A_199 {offsets = [0, 1], sizes = [1000, 1], strides = [1, 1]} : vector<1000x3xf32> to vector<1000x1xf32>
    %mul3A_205 = arith.mulf %slice3A_203, %slice3A_204 : vector<1000x1xf32>
    %sub3A_206 = arith.subf %mul3A_202, %mul3A_205 : vector<1000x1xf32>
    %slice3A_207 = vector.extract_strided_slice %div3A_185 {offsets = [0, 2], sizes = [1000, 1], strides = [1, 1]} : vector<1000x3xf32> to vector<1000x1xf32>
    %slice3A_208 = vector.extract_strided_slice %div3A_199 {offsets = [0, 0], sizes = [1000, 1], strides = [1, 1]} : vector<1000x3xf32> to vector<1000x1xf32>
    %mul3A_209 = arith.mulf %slice3A_207, %slice3A_208 : vector<1000x1xf32>
    %slice3A_210 = vector.extract_strided_slice %div3A_185 {offsets = [0, 0], sizes = [1000, 1], strides = [1, 1]} : vector<1000x3xf32> to vector<1000x1xf32>
    %slice3A_211 = vector.extract_strided_slice %div3A_199 {offsets = [0, 2], sizes = [1000, 1], strides = [1, 1]} : vector<1000x3xf32> to vector<1000x1xf32>
    %mul3A_212 = arith.mulf %slice3A_210, %slice3A_211 : vector<1000x1xf32>
    %sub3A_213 = arith.subf %mul3A_209, %mul3A_212 : vector<1000x1xf32>
    %slice3A_214 = vector.extract_strided_slice %div3A_185 {offsets = [0, 0], sizes = [1000, 1], strides = [1, 1]} : vector<1000x3xf32> to vector<1000x1xf32>
    %slice3A_215 = vector.extract_strided_slice %div3A_199 {offsets = [0, 1], sizes = [1000, 1], strides = [1, 1]} : vector<1000x3xf32> to vector<1000x1xf32>
    %mul3A_216 = arith.mulf %slice3A_214, %slice3A_215 : vector<1000x1xf32>
    %slice3A_217 = vector.extract_strided_slice %div3A_185 {offsets = [0, 1], sizes = [1000, 1], strides = [1, 1]} : vector<1000x3xf32> to vector<1000x1xf32>
    %slice3A_218 = vector.extract_strided_slice %div3A_199 {offsets = [0, 0], sizes = [1000, 1], strides = [1, 1]} : vector<1000x3xf32> to vector<1000x1xf32>
    %mul3A_219 = arith.mulf %slice3A_217, %slice3A_218 : vector<1000x1xf32>
    %sub3A_220 = arith.subf %mul3A_216, %mul3A_219 : vector<1000x1xf32>
    %mul3A_221 = arith.mulf %sub3A_206, %sub3A_206 : vector<1000x1xf32>
    %mul3A_222 = arith.mulf %sub3A_213, %sub3A_213 : vector<1000x1xf32>
    %add3A_223 = arith.addf %mul3A_221, %mul3A_222 : vector<1000x1xf32>
    %mul3A_224 = arith.mulf %sub3A_220, %sub3A_220 : vector<1000x1xf32>
    %add3A_225 = arith.addf %add3A_223, %mul3A_224 : vector<1000x1xf32>
    %add3A_226 = arith.constant 9.99999996E-13 : f32
    %add3A_227 = vector.broadcast %add3A_226 : f32 to vector<1000x1xf32>
    %add3A_228 = arith.addf %add3A_225, %add3A_227 : vector<1000x1xf32>
    %sqrt3A_229 = math.sqrt %add3A_228 : vector<1000x1xf32>
    %max3A_230 = arith.constant 9.99999993E-9 : f32
    %max3A_231 = vector.broadcast %max3A_230 : f32 to vector<1000x1xf32>
    %max3A_232 = arith.maximumf %sqrt3A_229, %max3A_231 : vector<1000x1xf32>
    %div3A_233 = arith.divf %sub3A_206, %max3A_232 : vector<1000x1xf32>
    %div3A_234 = arith.divf %sub3A_213, %max3A_232 : vector<1000x1xf32>
    %div3A_235 = arith.divf %sub3A_220, %max3A_232 : vector<1000x1xf32>
    %concatenate3A = tpu.concatenate %div3A_233, %div3A_234, %div3A_235 in 1 : vector<1000x1xf32>, vector<1000x1xf32>, vector<1000x1xf32> -> vector<1000x3xf32>
    %get3A_236 = arith.constant 0 : index
    %get3A_237 = arith.constant 0 : index
    %get3A_238 = vector.load %arg9[%get3A_236, %get3A_237] : memref<64x128xf32, #tpu.memory_space<vmem>>, vector<64x128xf32>
    %get3A_239 = arith.constant 0 : index
    %get3A_240 = arith.constant 0 : index
    %get3A_241 = vector.load %arg10[%get3A_239, %get3A_240] : memref<1x128xf32, #tpu.memory_space<vmem>>, vector<1x128xf32>
    %get3A_242 = arith.constant 0 : index
    %get3A_243 = arith.constant 0 : index
    %get3A_244 = vector.load %arg11[%get3A_242, %get3A_243] : memref<128x128xf32, #tpu.memory_space<vmem>>, vector<128x128xf32>
    %get3A_245 = arith.constant 0 : index
    %get3A_246 = arith.constant 0 : index
    %get3A_247 = vector.load %arg12[%get3A_245, %get3A_246] : memref<1x128xf32, #tpu.memory_space<vmem>>, vector<1x128xf32>
    %get3A_248 = arith.constant 0 : index
    %get3A_249 = arith.constant 0 : index
    %get3A_250 = vector.load %arg17[%get3A_248, %get3A_249] : memref<128x256xf32, #tpu.memory_space<vmem>>, vector<128x256xf32>
    %get3A_251 = arith.constant 0 : index
    %get3A_252 = arith.constant 0 : index
    %get3A_253 = vector.load %arg18[%get3A_251, %get3A_252] : memref<1x256xf32, #tpu.memory_space<vmem>>, vector<1x256xf32>
    %get3A_254 = arith.constant 0 : index
    %get3A_255 = arith.constant 0 : index
    %get3A_256 = vector.load %arg19[%get3A_254, %get3A_255] : memref<1x256xf32, #tpu.memory_space<vmem>>, vector<1x256xf32>
    %get3A_257 = arith.constant 0 : index
    %get3A_258 = arith.constant 0 : index
    %get3A_259 = vector.load %arg20[%get3A_257, %get3A_258] : memref<1x256xf32, #tpu.memory_space<vmem>>, vector<1x256xf32>
    %get3A_260 = arith.constant 0 : index
    %get3A_261 = arith.constant 0 : index
    %get3A_262 = vector.load %arg21[%get3A_260, %get3A_261] : memref<256x128xf32, #tpu.memory_space<vmem>>, vector<256x128xf32>
    %get3A_263 = arith.constant 0 : index
    %get3A_264 = arith.constant 0 : index
    %get3A_265 = vector.load %arg22[%get3A_263, %get3A_264] : memref<1x128xf32, #tpu.memory_space<vmem>>, vector<1x128xf32>
    %iota3A = tpu.iota {dimensions = array<i32: 1>} : vector<1000x64xi32>
    %convert_element_type3A = arith.sitofp %iota3A : vector<1000x64xi32> to vector<1000x64xf32>
    %mul3A_266 = arith.constant 0.079365082 : f32
    %mul3A_267 = vector.broadcast %mul3A_266 : f32 to vector<1000x64xf32>
    %mul3A_268 = arith.mulf %convert_element_type3A, %mul3A_267 : vector<1000x64xf32>
    %sub3A_269 = vector.broadcast %sqrt3A : vector<1000x1xf32> to vector<1000x64xf32>
    %sub3A_270 = arith.subf %sub3A_269, %mul3A_268 : vector<1000x64xf32>
    %integer_pow3A = arith.mulf %sub3A_270, %sub3A_270 : vector<1000x64xf32>
    %mul3A_271 = arith.constant -1.000000e+01 : f32
    %mul3A_272 = vector.broadcast %mul3A_271 : f32 to vector<1000x64xf32>
    %mul3A_273 = arith.mulf %mul3A_272, %integer_pow3A : vector<1000x64xf32>
    %exp3A = math.exp %mul3A_273 : vector<1000x64xf32>
    %dot_general3A_274 = arith.constant dense<0.000000e+00> : vector<1000x128xf32>
    %dot_general3A_275 = tpu.matmul %exp3A, %get3A_238, %dot_general3A_274 {dimension_numbers = #tpu.dot_dimension_numbers<[1], [0], [0], [1], [0, 0, 1, 1], [], []>, transpose_lhs_hint = false} : vector<1000x64xf32>, vector<64x128xf32>, vector<1000x128xf32> -> vector<1000x128xf32>
    %add3A_276 = vector.broadcast %get3A_241 : vector<1x128xf32> to vector<1000x128xf32>
    %add3A_277 = arith.addf %dot_general3A_275, %add3A_276 : vector<1000x128xf32>
    %mul3A_278 = arith.mulf %add3A_277, %add3A_59 : vector<1000x128xf32>
    %mul3A_279 = arith.mulf %mul3A_278, %add3A_113 : vector<1000x128xf32>
    %slice3A_280 = vector.extract_strided_slice %sub3A {offsets = [0, 0], sizes = [1000, 1], strides = [1, 1]} : vector<1000x3xf32> to vector<1000x1xf32>
    %mul3A_281 = vector.broadcast %slice3A_280 : vector<1000x1xf32> to vector<1000x128xf32>
    %mul3A_282 = arith.mulf %mul3A_281, %mul3A_279 : vector<1000x128xf32>
    %dot_general3A_283 = arith.constant dense<0.000000e+00> : vector<1000x128xf32>
    %dot_general3A_284 = tpu.matmul %mul3A_282, %get3A_244, %dot_general3A_283 {dimension_numbers = #tpu.dot_dimension_numbers<[1], [0], [0], [1], [0, 0, 1, 1], [], []>, transpose_lhs_hint = false} : vector<1000x128xf32>, vector<128x128xf32>, vector<1000x128xf32> -> vector<1000x128xf32>
    %add3A_285 = vector.broadcast %get3A_247 : vector<1x128xf32> to vector<1000x128xf32>
    %add3A_286 = arith.addf %dot_general3A_284, %add3A_285 : vector<1000x128xf32>
    %slice3A_287 = vector.extract_strided_slice %sub3A {offsets = [0, 1], sizes = [1000, 1], strides = [1, 1]} : vector<1000x3xf32> to vector<1000x1xf32>
    %mul3A_288 = vector.broadcast %slice3A_287 : vector<1000x1xf32> to vector<1000x128xf32>
    %mul3A_289 = arith.mulf %mul3A_288, %mul3A_279 : vector<1000x128xf32>
    %dot_general3A_290 = arith.constant dense<0.000000e+00> : vector<1000x128xf32>
    %dot_general3A_291 = tpu.matmul %mul3A_289, %get3A_244, %dot_general3A_290 {dimension_numbers = #tpu.dot_dimension_numbers<[1], [0], [0], [1], [0, 0, 1, 1], [], []>, transpose_lhs_hint = false} : vector<1000x128xf32>, vector<128x128xf32>, vector<1000x128xf32> -> vector<1000x128xf32>
    %add3A_292 = vector.broadcast %get3A_247 : vector<1x128xf32> to vector<1000x128xf32>
    %add3A_293 = arith.addf %dot_general3A_291, %add3A_292 : vector<1000x128xf32>
    %slice3A_294 = vector.extract_strided_slice %sub3A {offsets = [0, 2], sizes = [1000, 1], strides = [1, 1]} : vector<1000x3xf32> to vector<1000x1xf32>
    %mul3A_295 = vector.broadcast %slice3A_294 : vector<1000x1xf32> to vector<1000x128xf32>
    %mul3A_296 = arith.mulf %mul3A_295, %mul3A_279 : vector<1000x128xf32>
    %dot_general3A_297 = arith.constant dense<0.000000e+00> : vector<1000x128xf32>
    %dot_general3A_298 = tpu.matmul %mul3A_296, %get3A_244, %dot_general3A_297 {dimension_numbers = #tpu.dot_dimension_numbers<[1], [0], [0], [1], [0, 0, 1, 1], [], []>, transpose_lhs_hint = false} : vector<1000x128xf32>, vector<128x128xf32>, vector<1000x128xf32> -> vector<1000x128xf32>
    %add3A_299 = vector.broadcast %get3A_247 : vector<1x128xf32> to vector<1000x128xf32>
    %add3A_300 = arith.addf %dot_general3A_298, %add3A_299 : vector<1000x128xf32>
    %slice3A_301 = vector.extract_strided_slice %div3A_185 {offsets = [0, 0], sizes = [1000, 1], strides = [1, 1]} : vector<1000x3xf32> to vector<1000x1xf32>
    %mul3A_302 = vector.broadcast %slice3A_301 : vector<1000x1xf32> to vector<1000x128xf32>
    %mul3A_303 = arith.mulf %add3A_286, %mul3A_302 : vector<1000x128xf32>
    %slice3A_304 = vector.extract_strided_slice %div3A_185 {offsets = [0, 1], sizes = [1000, 1], strides = [1, 1]} : vector<1000x3xf32> to vector<1000x1xf32>
    %mul3A_305 = vector.broadcast %slice3A_304 : vector<1000x1xf32> to vector<1000x128xf32>
    %mul3A_306 = arith.mulf %add3A_293, %mul3A_305 : vector<1000x128xf32>
    %add3A_307 = arith.addf %mul3A_303, %mul3A_306 : vector<1000x128xf32>
    %slice3A_308 = vector.extract_strided_slice %div3A_185 {offsets = [0, 2], sizes = [1000, 1], strides = [1, 1]} : vector<1000x3xf32> to vector<1000x1xf32>
    %mul3A_309 = vector.broadcast %slice3A_308 : vector<1000x1xf32> to vector<1000x128xf32>
    %mul3A_310 = arith.mulf %add3A_300, %mul3A_309 : vector<1000x128xf32>
    %add3A_311 = arith.addf %add3A_307, %mul3A_310 : vector<1000x128xf32>
    %slice3A_312 = vector.extract_strided_slice %div3A_199 {offsets = [0, 0], sizes = [1000, 1], strides = [1, 1]} : vector<1000x3xf32> to vector<1000x1xf32>
    %mul3A_313 = vector.broadcast %slice3A_312 : vector<1000x1xf32> to vector<1000x128xf32>
    %mul3A_314 = arith.mulf %add3A_286, %mul3A_313 : vector<1000x128xf32>
    %slice3A_315 = vector.extract_strided_slice %div3A_199 {offsets = [0, 1], sizes = [1000, 1], strides = [1, 1]} : vector<1000x3xf32> to vector<1000x1xf32>
    %mul3A_316 = vector.broadcast %slice3A_315 : vector<1000x1xf32> to vector<1000x128xf32>
    %mul3A_317 = arith.mulf %add3A_293, %mul3A_316 : vector<1000x128xf32>
    %add3A_318 = arith.addf %mul3A_314, %mul3A_317 : vector<1000x128xf32>
    %slice3A_319 = vector.extract_strided_slice %div3A_199 {offsets = [0, 2], sizes = [1000, 1], strides = [1, 1]} : vector<1000x3xf32> to vector<1000x1xf32>
    %mul3A_320 = vector.broadcast %slice3A_319 : vector<1000x1xf32> to vector<1000x128xf32>
    %mul3A_321 = arith.mulf %add3A_300, %mul3A_320 : vector<1000x128xf32>
    %add3A_322 = arith.addf %add3A_318, %mul3A_321 : vector<1000x128xf32>
    %slice3A_323 = vector.extract_strided_slice %concatenate3A {offsets = [0, 0], sizes = [1000, 1], strides = [1, 1]} : vector<1000x3xf32> to vector<1000x1xf32>
    %mul3A_324 = vector.broadcast %slice3A_323 : vector<1000x1xf32> to vector<1000x128xf32>
    %mul3A_325 = arith.mulf %add3A_286, %mul3A_324 : vector<1000x128xf32>
    %slice3A_326 = vector.extract_strided_slice %concatenate3A {offsets = [0, 1], sizes = [1000, 1], strides = [1, 1]} : vector<1000x3xf32> to vector<1000x1xf32>
    %mul3A_327 = vector.broadcast %slice3A_326 : vector<1000x1xf32> to vector<1000x128xf32>
    %mul3A_328 = arith.mulf %add3A_293, %mul3A_327 : vector<1000x128xf32>
    %add3A_329 = arith.addf %mul3A_325, %mul3A_328 : vector<1000x128xf32>
    %slice3A_330 = vector.extract_strided_slice %concatenate3A {offsets = [0, 2], sizes = [1000, 1], strides = [1, 1]} : vector<1000x3xf32> to vector<1000x1xf32>
    %mul3A_331 = vector.broadcast %slice3A_330 : vector<1000x1xf32> to vector<1000x128xf32>
    %mul3A_332 = arith.mulf %add3A_300, %mul3A_331 : vector<1000x128xf32>
    %add3A_333 = arith.addf %add3A_329, %mul3A_332 : vector<1000x128xf32>
    %broadcast_in_dim3A_334 = arith.constant 0.000000e+00 : f32
    %broadcast_in_dim3A_335 = vector.broadcast %broadcast_in_dim3A_334 : f32 to vector<1000x128xf32>
    %get3A_336 = arith.constant 0 : index
    %get3A_337 = arith.constant 0 : index
    %get3A_338 = memref.load %arg13[%get3A_336, %get3A_337] : memref<3x32xf32, #tpu.memory_space<smem>>
    %mul3A_339 = vector.broadcast %get3A_338 : f32 to vector<1000x128xf32>
    %mul3A_340 = arith.mulf %add3A_311, %mul3A_339 : vector<1000x128xf32>
    %get3A_341 = arith.constant 1 : index
    %get3A_342 = arith.constant 0 : index
    %get3A_343 = memref.load %arg13[%get3A_341, %get3A_342] : memref<3x32xf32, #tpu.memory_space<smem>>
    %mul3A_344 = vector.broadcast %get3A_343 : f32 to vector<1000x128xf32>
    %mul3A_345 = arith.mulf %add3A_322, %mul3A_344 : vector<1000x128xf32>
    %add3A_346 = arith.addf %mul3A_340, %mul3A_345 : vector<1000x128xf32>
    %get3A_347 = arith.constant 2 : index
    %get3A_348 = arith.constant 0 : index
    %get3A_349 = memref.load %arg13[%get3A_347, %get3A_348] : memref<3x32xf32, #tpu.memory_space<smem>>
    %mul3A_350 = vector.broadcast %get3A_349 : f32 to vector<1000x128xf32>
    %mul3A_351 = arith.mulf %add3A_333, %mul3A_350 : vector<1000x128xf32>
    %add3A_352 = arith.addf %add3A_346, %mul3A_351 : vector<1000x128xf32>
    %get3A_353 = arith.constant 0 : index
    %get3A_354 = memref.load %arg14[%get3A_353] : memref<32xf32, #tpu.memory_space<smem>>
    %add3A_355 = vector.broadcast %get3A_354 : f32 to vector<1000x128xf32>
    %add3A_356 = arith.addf %add3A_352, %add3A_355 : vector<1000x128xf32>
    %get3A_357 = arith.constant 0 : index
    %get3A_358 = arith.constant 0 : index
    %get3A_359 = memref.load %arg15[%get3A_357, %get3A_358] : memref<32x1xf32, #tpu.memory_space<smem>>
    %logistic3A = arith.negf %add3A_356 : vector<1000x128xf32>
    %logistic3A_360 = math.exp %logistic3A : vector<1000x128xf32>
    %logistic3A_361 = arith.constant 1.000000e+00 : f32
    %logistic3A_362 = vector.broadcast %logistic3A_361 : f32 to vector<1000x128xf32>
    %logistic3A_363 = arith.addf %logistic3A_362, %logistic3A_360 : vector<1000x128xf32>
    %logistic3A_364 = arith.divf %logistic3A_362, %logistic3A_363 : vector<1000x128xf32>
    %mul3A_365 = arith.mulf %add3A_356, %logistic3A_364 : vector<1000x128xf32>
    %mul3A_366 = vector.broadcast %get3A_359 : f32 to vector<1000x128xf32>
    %mul3A_367 = arith.mulf %mul3A_366, %mul3A_365 : vector<1000x128xf32>
    %add3A_368 = arith.addf %broadcast_in_dim3A_335, %mul3A_367 : vector<1000x128xf32>
    %get3A_369 = arith.constant 0 : index
    %get3A_370 = arith.constant 1 : index
    %get3A_371 = memref.load %arg13[%get3A_369, %get3A_370] : memref<3x32xf32, #tpu.memory_space<smem>>
    %mul3A_372 = vector.broadcast %get3A_371 : f32 to vector<1000x128xf32>
    %mul3A_373 = arith.mulf %add3A_311, %mul3A_372 : vector<1000x128xf32>
    %get3A_374 = arith.constant 1 : index
    %get3A_375 = arith.constant 1 : index
    %get3A_376 = memref.load %arg13[%get3A_374, %get3A_375] : memref<3x32xf32, #tpu.memory_space<smem>>
    %mul3A_377 = vector.broadcast %get3A_376 : f32 to vector<1000x128xf32>
    %mul3A_378 = arith.mulf %add3A_322, %mul3A_377 : vector<1000x128xf32>
    %add3A_379 = arith.addf %mul3A_373, %mul3A_378 : vector<1000x128xf32>
    %get3A_380 = arith.constant 2 : index
    %get3A_381 = arith.constant 1 : index
    %get3A_382 = memref.load %arg13[%get3A_380, %get3A_381] : memref<3x32xf32, #tpu.memory_space<smem>>
    %mul3A_383 = vector.broadcast %get3A_382 : f32 to vector<1000x128xf32>
    %mul3A_384 = arith.mulf %add3A_333, %mul3A_383 : vector<1000x128xf32>
    %add3A_385 = arith.addf %add3A_379, %mul3A_384 : vector<1000x128xf32>
    %get3A_386 = arith.constant 1 : index
    %get3A_387 = memref.load %arg14[%get3A_386] : memref<32xf32, #tpu.memory_space<smem>>
    %add3A_388 = vector.broadcast %get3A_387 : f32 to vector<1000x128xf32>
    %add3A_389 = arith.addf %add3A_385, %add3A_388 : vector<1000x128xf32>
    %get3A_390 = arith.constant 1 : index
    %get3A_391 = arith.constant 0 : index
    %get3A_392 = memref.load %arg15[%get3A_390, %get3A_391] : memref<32x1xf32, #tpu.memory_space<smem>>
    %logistic3A_393 = arith.negf %add3A_389 : vector<1000x128xf32>
    %logistic3A_394 = math.exp %logistic3A_393 : vector<1000x128xf32>
    %logistic3A_395 = arith.constant 1.000000e+00 : f32
    %logistic3A_396 = vector.broadcast %logistic3A_395 : f32 to vector<1000x128xf32>
    %logistic3A_397 = arith.addf %logistic3A_396, %logistic3A_394 : vector<1000x128xf32>
    %logistic3A_398 = arith.divf %logistic3A_396, %logistic3A_397 : vector<1000x128xf32>
    %mul3A_399 = arith.mulf %add3A_389, %logistic3A_398 : vector<1000x128xf32>
    %mul3A_400 = vector.broadcast %get3A_392 : f32 to vector<1000x128xf32>
    %mul3A_401 = arith.mulf %mul3A_400, %mul3A_399 : vector<1000x128xf32>
    %add3A_402 = arith.addf %add3A_368, %mul3A_401 : vector<1000x128xf32>
    %get3A_403 = arith.constant 0 : index
    %get3A_404 = arith.constant 2 : index
    %get3A_405 = memref.load %arg13[%get3A_403, %get3A_404] : memref<3x32xf32, #tpu.memory_space<smem>>
    %mul3A_406 = vector.broadcast %get3A_405 : f32 to vector<1000x128xf32>
    %mul3A_407 = arith.mulf %add3A_311, %mul3A_406 : vector<1000x128xf32>
    %get3A_408 = arith.constant 1 : index
    %get3A_409 = arith.constant 2 : index
    %get3A_410 = memref.load %arg13[%get3A_408, %get3A_409] : memref<3x32xf32, #tpu.memory_space<smem>>
    %mul3A_411 = vector.broadcast %get3A_410 : f32 to vector<1000x128xf32>
    %mul3A_412 = arith.mulf %add3A_322, %mul3A_411 : vector<1000x128xf32>
    %add3A_413 = arith.addf %mul3A_407, %mul3A_412 : vector<1000x128xf32>
    %get3A_414 = arith.constant 2 : index
    %get3A_415 = arith.constant 2 : index
    %get3A_416 = memref.load %arg13[%get3A_414, %get3A_415] : memref<3x32xf32, #tpu.memory_space<smem>>
    %mul3A_417 = vector.broadcast %get3A_416 : f32 to vector<1000x128xf32>
    %mul3A_418 = arith.mulf %add3A_333, %mul3A_417 : vector<1000x128xf32>
    %add3A_419 = arith.addf %add3A_413, %mul3A_418 : vector<1000x128xf32>
    %get3A_420 = arith.constant 2 : index
    %get3A_421 = memref.load %arg14[%get3A_420] : memref<32xf32, #tpu.memory_space<smem>>
    %add3A_422 = vector.broadcast %get3A_421 : f32 to vector<1000x128xf32>
    %add3A_423 = arith.addf %add3A_419, %add3A_422 : vector<1000x128xf32>
    %get3A_424 = arith.constant 2 : index
    %get3A_425 = arith.constant 0 : index
    %get3A_426 = memref.load %arg15[%get3A_424, %get3A_425] : memref<32x1xf32, #tpu.memory_space<smem>>
    %logistic3A_427 = arith.negf %add3A_423 : vector<1000x128xf32>
    %logistic3A_428 = math.exp %logistic3A_427 : vector<1000x128xf32>
    %logistic3A_429 = arith.constant 1.000000e+00 : f32
    %logistic3A_430 = vector.broadcast %logistic3A_429 : f32 to vector<1000x128xf32>
    %logistic3A_431 = arith.addf %logistic3A_430, %logistic3A_428 : vector<1000x128xf32>
    %logistic3A_432 = arith.divf %logistic3A_430, %logistic3A_431 : vector<1000x128xf32>
    %mul3A_433 = arith.mulf %add3A_423, %logistic3A_432 : vector<1000x128xf32>
    %mul3A_434 = vector.broadcast %get3A_426 : f32 to vector<1000x128xf32>
    %mul3A_435 = arith.mulf %mul3A_434, %mul3A_433 : vector<1000x128xf32>
    %add3A_436 = arith.addf %add3A_402, %mul3A_435 : vector<1000x128xf32>
    %get3A_437 = arith.constant 0 : index
    %get3A_438 = arith.constant 3 : index
    %get3A_439 = memref.load %arg13[%get3A_437, %get3A_438] : memref<3x32xf32, #tpu.memory_space<smem>>
    %mul3A_440 = vector.broadcast %get3A_439 : f32 to vector<1000x128xf32>
    %mul3A_441 = arith.mulf %add3A_311, %mul3A_440 : vector<1000x128xf32>
    %get3A_442 = arith.constant 1 : index
    %get3A_443 = arith.constant 3 : index
    %get3A_444 = memref.load %arg13[%get3A_442, %get3A_443] : memref<3x32xf32, #tpu.memory_space<smem>>
    %mul3A_445 = vector.broadcast %get3A_444 : f32 to vector<1000x128xf32>
    %mul3A_446 = arith.mulf %add3A_322, %mul3A_445 : vector<1000x128xf32>
    %add3A_447 = arith.addf %mul3A_441, %mul3A_446 : vector<1000x128xf32>
    %get3A_448 = arith.constant 2 : index
    %get3A_449 = arith.constant 3 : index
    %get3A_450 = memref.load %arg13[%get3A_448, %get3A_449] : memref<3x32xf32, #tpu.memory_space<smem>>
    %mul3A_451 = vector.broadcast %get3A_450 : f32 to vector<1000x128xf32>
    %mul3A_452 = arith.mulf %add3A_333, %mul3A_451 : vector<1000x128xf32>
    %add3A_453 = arith.addf %add3A_447, %mul3A_452 : vector<1000x128xf32>
    %get3A_454 = arith.constant 3 : index
    %get3A_455 = memref.load %arg14[%get3A_454] : memref<32xf32, #tpu.memory_space<smem>>
    %add3A_456 = vector.broadcast %get3A_455 : f32 to vector<1000x128xf32>
    %add3A_457 = arith.addf %add3A_453, %add3A_456 : vector<1000x128xf32>
    %get3A_458 = arith.constant 3 : index
    %get3A_459 = arith.constant 0 : index
    %get3A_460 = memref.load %arg15[%get3A_458, %get3A_459] : memref<32x1xf32, #tpu.memory_space<smem>>
    %logistic3A_461 = arith.negf %add3A_457 : vector<1000x128xf32>
    %logistic3A_462 = math.exp %logistic3A_461 : vector<1000x128xf32>
    %logistic3A_463 = arith.constant 1.000000e+00 : f32
    %logistic3A_464 = vector.broadcast %logistic3A_463 : f32 to vector<1000x128xf32>
    %logistic3A_465 = arith.addf %logistic3A_464, %logistic3A_462 : vector<1000x128xf32>
    %logistic3A_466 = arith.divf %logistic3A_464, %logistic3A_465 : vector<1000x128xf32>
    %mul3A_467 = arith.mulf %add3A_457, %logistic3A_466 : vector<1000x128xf32>
    %mul3A_468 = vector.broadcast %get3A_460 : f32 to vector<1000x128xf32>
    %mul3A_469 = arith.mulf %mul3A_468, %mul3A_467 : vector<1000x128xf32>
    %add3A_470 = arith.addf %add3A_436, %mul3A_469 : vector<1000x128xf32>
    %get3A_471 = arith.constant 0 : index
    %get3A_472 = arith.constant 4 : index
    %get3A_473 = memref.load %arg13[%get3A_471, %get3A_472] : memref<3x32xf32, #tpu.memory_space<smem>>
    %mul3A_474 = vector.broadcast %get3A_473 : f32 to vector<1000x128xf32>
    %mul3A_475 = arith.mulf %add3A_311, %mul3A_474 : vector<1000x128xf32>
    %get3A_476 = arith.constant 1 : index
    %get3A_477 = arith.constant 4 : index
    %get3A_478 = memref.load %arg13[%get3A_476, %get3A_477] : memref<3x32xf32, #tpu.memory_space<smem>>
    %mul3A_479 = vector.broadcast %get3A_478 : f32 to vector<1000x128xf32>
    %mul3A_480 = arith.mulf %add3A_322, %mul3A_479 : vector<1000x128xf32>
    %add3A_481 = arith.addf %mul3A_475, %mul3A_480 : vector<1000x128xf32>
    %get3A_482 = arith.constant 2 : index
    %get3A_483 = arith.constant 4 : index
    %get3A_484 = memref.load %arg13[%get3A_482, %get3A_483] : memref<3x32xf32, #tpu.memory_space<smem>>
    %mul3A_485 = vector.broadcast %get3A_484 : f32 to vector<1000x128xf32>
    %mul3A_486 = arith.mulf %add3A_333, %mul3A_485 : vector<1000x128xf32>
    %add3A_487 = arith.addf %add3A_481, %mul3A_486 : vector<1000x128xf32>
    %get3A_488 = arith.constant 4 : index
    %get3A_489 = memref.load %arg14[%get3A_488] : memref<32xf32, #tpu.memory_space<smem>>
    %add3A_490 = vector.broadcast %get3A_489 : f32 to vector<1000x128xf32>
    %add3A_491 = arith.addf %add3A_487, %add3A_490 : vector<1000x128xf32>
    %get3A_492 = arith.constant 4 : index
    %get3A_493 = arith.constant 0 : index
    %get3A_494 = memref.load %arg15[%get3A_492, %get3A_493] : memref<32x1xf32, #tpu.memory_space<smem>>
    %logistic3A_495 = arith.negf %add3A_491 : vector<1000x128xf32>
    %logistic3A_496 = math.exp %logistic3A_495 : vector<1000x128xf32>
    %logistic3A_497 = arith.constant 1.000000e+00 : f32
    %logistic3A_498 = vector.broadcast %logistic3A_497 : f32 to vector<1000x128xf32>
    %logistic3A_499 = arith.addf %logistic3A_498, %logistic3A_496 : vector<1000x128xf32>
    %logistic3A_500 = arith.divf %logistic3A_498, %logistic3A_499 : vector<1000x128xf32>
    %mul3A_501 = arith.mulf %add3A_491, %logistic3A_500 : vector<1000x128xf32>
    %mul3A_502 = vector.broadcast %get3A_494 : f32 to vector<1000x128xf32>
    %mul3A_503 = arith.mulf %mul3A_502, %mul3A_501 : vector<1000x128xf32>
    %add3A_504 = arith.addf %add3A_470, %mul3A_503 : vector<1000x128xf32>
    %get3A_505 = arith.constant 0 : index
    %get3A_506 = arith.constant 5 : index
    %get3A_507 = memref.load %arg13[%get3A_505, %get3A_506] : memref<3x32xf32, #tpu.memory_space<smem>>
    %mul3A_508 = vector.broadcast %get3A_507 : f32 to vector<1000x128xf32>
    %mul3A_509 = arith.mulf %add3A_311, %mul3A_508 : vector<1000x128xf32>
    %get3A_510 = arith.constant 1 : index
    %get3A_511 = arith.constant 5 : index
    %get3A_512 = memref.load %arg13[%get3A_510, %get3A_511] : memref<3x32xf32, #tpu.memory_space<smem>>
    %mul3A_513 = vector.broadcast %get3A_512 : f32 to vector<1000x128xf32>
    %mul3A_514 = arith.mulf %add3A_322, %mul3A_513 : vector<1000x128xf32>
    %add3A_515 = arith.addf %mul3A_509, %mul3A_514 : vector<1000x128xf32>
    %get3A_516 = arith.constant 2 : index
    %get3A_517 = arith.constant 5 : index
    %get3A_518 = memref.load %arg13[%get3A_516, %get3A_517] : memref<3x32xf32, #tpu.memory_space<smem>>
    %mul3A_519 = vector.broadcast %get3A_518 : f32 to vector<1000x128xf32>
    %mul3A_520 = arith.mulf %add3A_333, %mul3A_519 : vector<1000x128xf32>
    %add3A_521 = arith.addf %add3A_515, %mul3A_520 : vector<1000x128xf32>
    %get3A_522 = arith.constant 5 : index
    %get3A_523 = memref.load %arg14[%get3A_522] : memref<32xf32, #tpu.memory_space<smem>>
    %add3A_524 = vector.broadcast %get3A_523 : f32 to vector<1000x128xf32>
    %add3A_525 = arith.addf %add3A_521, %add3A_524 : vector<1000x128xf32>
    %get3A_526 = arith.constant 5 : index
    %get3A_527 = arith.constant 0 : index
    %get3A_528 = memref.load %arg15[%get3A_526, %get3A_527] : memref<32x1xf32, #tpu.memory_space<smem>>
    %logistic3A_529 = arith.negf %add3A_525 : vector<1000x128xf32>
    %logistic3A_530 = math.exp %logistic3A_529 : vector<1000x128xf32>
    %logistic3A_531 = arith.constant 1.000000e+00 : f32
    %logistic3A_532 = vector.broadcast %logistic3A_531 : f32 to vector<1000x128xf32>
    %logistic3A_533 = arith.addf %logistic3A_532, %logistic3A_530 : vector<1000x128xf32>
    %logistic3A_534 = arith.divf %logistic3A_532, %logistic3A_533 : vector<1000x128xf32>
    %mul3A_535 = arith.mulf %add3A_525, %logistic3A_534 : vector<1000x128xf32>
    %mul3A_536 = vector.broadcast %get3A_528 : f32 to vector<1000x128xf32>
    %mul3A_537 = arith.mulf %mul3A_536, %mul3A_535 : vector<1000x128xf32>
    %add3A_538 = arith.addf %add3A_504, %mul3A_537 : vector<1000x128xf32>
    %get3A_539 = arith.constant 0 : index
    %get3A_540 = arith.constant 6 : index
    %get3A_541 = memref.load %arg13[%get3A_539, %get3A_540] : memref<3x32xf32, #tpu.memory_space<smem>>
    %mul3A_542 = vector.broadcast %get3A_541 : f32 to vector<1000x128xf32>
    %mul3A_543 = arith.mulf %add3A_311, %mul3A_542 : vector<1000x128xf32>
    %get3A_544 = arith.constant 1 : index
    %get3A_545 = arith.constant 6 : index
    %get3A_546 = memref.load %arg13[%get3A_544, %get3A_545] : memref<3x32xf32, #tpu.memory_space<smem>>
    %mul3A_547 = vector.broadcast %get3A_546 : f32 to vector<1000x128xf32>
    %mul3A_548 = arith.mulf %add3A_322, %mul3A_547 : vector<1000x128xf32>
    %add3A_549 = arith.addf %mul3A_543, %mul3A_548 : vector<1000x128xf32>
    %get3A_550 = arith.constant 2 : index
    %get3A_551 = arith.constant 6 : index
    %get3A_552 = memref.load %arg13[%get3A_550, %get3A_551] : memref<3x32xf32, #tpu.memory_space<smem>>
    %mul3A_553 = vector.broadcast %get3A_552 : f32 to vector<1000x128xf32>
    %mul3A_554 = arith.mulf %add3A_333, %mul3A_553 : vector<1000x128xf32>
    %add3A_555 = arith.addf %add3A_549, %mul3A_554 : vector<1000x128xf32>
    %get3A_556 = arith.constant 6 : index
    %get3A_557 = memref.load %arg14[%get3A_556] : memref<32xf32, #tpu.memory_space<smem>>
    %add3A_558 = vector.broadcast %get3A_557 : f32 to vector<1000x128xf32>
    %add3A_559 = arith.addf %add3A_555, %add3A_558 : vector<1000x128xf32>
    %get3A_560 = arith.constant 6 : index
    %get3A_561 = arith.constant 0 : index
    %get3A_562 = memref.load %arg15[%get3A_560, %get3A_561] : memref<32x1xf32, #tpu.memory_space<smem>>
    %logistic3A_563 = arith.negf %add3A_559 : vector<1000x128xf32>
    %logistic3A_564 = math.exp %logistic3A_563 : vector<1000x128xf32>
    %logistic3A_565 = arith.constant 1.000000e+00 : f32
    %logistic3A_566 = vector.broadcast %logistic3A_565 : f32 to vector<1000x128xf32>
    %logistic3A_567 = arith.addf %logistic3A_566, %logistic3A_564 : vector<1000x128xf32>
    %logistic3A_568 = arith.divf %logistic3A_566, %logistic3A_567 : vector<1000x128xf32>
    %mul3A_569 = arith.mulf %add3A_559, %logistic3A_568 : vector<1000x128xf32>
    %mul3A_570 = vector.broadcast %get3A_562 : f32 to vector<1000x128xf32>
    %mul3A_571 = arith.mulf %mul3A_570, %mul3A_569 : vector<1000x128xf32>
    %add3A_572 = arith.addf %add3A_538, %mul3A_571 : vector<1000x128xf32>
    %get3A_573 = arith.constant 0 : index
    %get3A_574 = arith.constant 7 : index
    %get3A_575 = memref.load %arg13[%get3A_573, %get3A_574] : memref<3x32xf32, #tpu.memory_space<smem>>
    %mul3A_576 = vector.broadcast %get3A_575 : f32 to vector<1000x128xf32>
    %mul3A_577 = arith.mulf %add3A_311, %mul3A_576 : vector<1000x128xf32>
    %get3A_578 = arith.constant 1 : index
    %get3A_579 = arith.constant 7 : index
    %get3A_580 = memref.load %arg13[%get3A_578, %get3A_579] : memref<3x32xf32, #tpu.memory_space<smem>>
    %mul3A_581 = vector.broadcast %get3A_580 : f32 to vector<1000x128xf32>
    %mul3A_582 = arith.mulf %add3A_322, %mul3A_581 : vector<1000x128xf32>
    %add3A_583 = arith.addf %mul3A_577, %mul3A_582 : vector<1000x128xf32>
    %get3A_584 = arith.constant 2 : index
    %get3A_585 = arith.constant 7 : index
    %get3A_586 = memref.load %arg13[%get3A_584, %get3A_585] : memref<3x32xf32, #tpu.memory_space<smem>>
    %mul3A_587 = vector.broadcast %get3A_586 : f32 to vector<1000x128xf32>
    %mul3A_588 = arith.mulf %add3A_333, %mul3A_587 : vector<1000x128xf32>
    %add3A_589 = arith.addf %add3A_583, %mul3A_588 : vector<1000x128xf32>
    %get3A_590 = arith.constant 7 : index
    %get3A_591 = memref.load %arg14[%get3A_590] : memref<32xf32, #tpu.memory_space<smem>>
    %add3A_592 = vector.broadcast %get3A_591 : f32 to vector<1000x128xf32>
    %add3A_593 = arith.addf %add3A_589, %add3A_592 : vector<1000x128xf32>
    %get3A_594 = arith.constant 7 : index
    %get3A_595 = arith.constant 0 : index
    %get3A_596 = memref.load %arg15[%get3A_594, %get3A_595] : memref<32x1xf32, #tpu.memory_space<smem>>
    %logistic3A_597 = arith.negf %add3A_593 : vector<1000x128xf32>
    %logistic3A_598 = math.exp %logistic3A_597 : vector<1000x128xf32>
    %logistic3A_599 = arith.constant 1.000000e+00 : f32
    %logistic3A_600 = vector.broadcast %logistic3A_599 : f32 to vector<1000x128xf32>
    %logistic3A_601 = arith.addf %logistic3A_600, %logistic3A_598 : vector<1000x128xf32>
    %logistic3A_602 = arith.divf %logistic3A_600, %logistic3A_601 : vector<1000x128xf32>
    %mul3A_603 = arith.mulf %add3A_593, %logistic3A_602 : vector<1000x128xf32>
    %mul3A_604 = vector.broadcast %get3A_596 : f32 to vector<1000x128xf32>
    %mul3A_605 = arith.mulf %mul3A_604, %mul3A_603 : vector<1000x128xf32>
    %add3A_606 = arith.addf %add3A_572, %mul3A_605 : vector<1000x128xf32>
    %get3A_607 = arith.constant 0 : index
    %get3A_608 = arith.constant 8 : index
    %get3A_609 = memref.load %arg13[%get3A_607, %get3A_608] : memref<3x32xf32, #tpu.memory_space<smem>>
    %mul3A_610 = vector.broadcast %get3A_609 : f32 to vector<1000x128xf32>
    %mul3A_611 = arith.mulf %add3A_311, %mul3A_610 : vector<1000x128xf32>
    %get3A_612 = arith.constant 1 : index
    %get3A_613 = arith.constant 8 : index
    %get3A_614 = memref.load %arg13[%get3A_612, %get3A_613] : memref<3x32xf32, #tpu.memory_space<smem>>
    %mul3A_615 = vector.broadcast %get3A_614 : f32 to vector<1000x128xf32>
    %mul3A_616 = arith.mulf %add3A_322, %mul3A_615 : vector<1000x128xf32>
    %add3A_617 = arith.addf %mul3A_611, %mul3A_616 : vector<1000x128xf32>
    %get3A_618 = arith.constant 2 : index
    %get3A_619 = arith.constant 8 : index
    %get3A_620 = memref.load %arg13[%get3A_618, %get3A_619] : memref<3x32xf32, #tpu.memory_space<smem>>
    %mul3A_621 = vector.broadcast %get3A_620 : f32 to vector<1000x128xf32>
    %mul3A_622 = arith.mulf %add3A_333, %mul3A_621 : vector<1000x128xf32>
    %add3A_623 = arith.addf %add3A_617, %mul3A_622 : vector<1000x128xf32>
    %get3A_624 = arith.constant 8 : index
    %get3A_625 = memref.load %arg14[%get3A_624] : memref<32xf32, #tpu.memory_space<smem>>
    %add3A_626 = vector.broadcast %get3A_625 : f32 to vector<1000x128xf32>
    %add3A_627 = arith.addf %add3A_623, %add3A_626 : vector<1000x128xf32>
    %get3A_628 = arith.constant 8 : index
    %get3A_629 = arith.constant 0 : index
    %get3A_630 = memref.load %arg15[%get3A_628, %get3A_629] : memref<32x1xf32, #tpu.memory_space<smem>>
    %logistic3A_631 = arith.negf %add3A_627 : vector<1000x128xf32>
    %logistic3A_632 = math.exp %logistic3A_631 : vector<1000x128xf32>
    %logistic3A_633 = arith.constant 1.000000e+00 : f32
    %logistic3A_634 = vector.broadcast %logistic3A_633 : f32 to vector<1000x128xf32>
    %logistic3A_635 = arith.addf %logistic3A_634, %logistic3A_632 : vector<1000x128xf32>
    %logistic3A_636 = arith.divf %logistic3A_634, %logistic3A_635 : vector<1000x128xf32>
    %mul3A_637 = arith.mulf %add3A_627, %logistic3A_636 : vector<1000x128xf32>
    %mul3A_638 = vector.broadcast %get3A_630 : f32 to vector<1000x128xf32>
    %mul3A_639 = arith.mulf %mul3A_638, %mul3A_637 : vector<1000x128xf32>
    %add3A_640 = arith.addf %add3A_606, %mul3A_639 : vector<1000x128xf32>
    %get3A_641 = arith.constant 0 : index
    %get3A_642 = arith.constant 9 : index
    %get3A_643 = memref.load %arg13[%get3A_641, %get3A_642] : memref<3x32xf32, #tpu.memory_space<smem>>
    %mul3A_644 = vector.broadcast %get3A_643 : f32 to vector<1000x128xf32>
    %mul3A_645 = arith.mulf %add3A_311, %mul3A_644 : vector<1000x128xf32>
    %get3A_646 = arith.constant 1 : index
    %get3A_647 = arith.constant 9 : index
    %get3A_648 = memref.load %arg13[%get3A_646, %get3A_647] : memref<3x32xf32, #tpu.memory_space<smem>>
    %mul3A_649 = vector.broadcast %get3A_648 : f32 to vector<1000x128xf32>
    %mul3A_650 = arith.mulf %add3A_322, %mul3A_649 : vector<1000x128xf32>
    %add3A_651 = arith.addf %mul3A_645, %mul3A_650 : vector<1000x128xf32>
    %get3A_652 = arith.constant 2 : index
    %get3A_653 = arith.constant 9 : index
    %get3A_654 = memref.load %arg13[%get3A_652, %get3A_653] : memref<3x32xf32, #tpu.memory_space<smem>>
    %mul3A_655 = vector.broadcast %get3A_654 : f32 to vector<1000x128xf32>
    %mul3A_656 = arith.mulf %add3A_333, %mul3A_655 : vector<1000x128xf32>
    %add3A_657 = arith.addf %add3A_651, %mul3A_656 : vector<1000x128xf32>
    %get3A_658 = arith.constant 9 : index
    %get3A_659 = memref.load %arg14[%get3A_658] : memref<32xf32, #tpu.memory_space<smem>>
    %add3A_660 = vector.broadcast %get3A_659 : f32 to vector<1000x128xf32>
    %add3A_661 = arith.addf %add3A_657, %add3A_660 : vector<1000x128xf32>
    %get3A_662 = arith.constant 9 : index
    %get3A_663 = arith.constant 0 : index
    %get3A_664 = memref.load %arg15[%get3A_662, %get3A_663] : memref<32x1xf32, #tpu.memory_space<smem>>
    %logistic3A_665 = arith.negf %add3A_661 : vector<1000x128xf32>
    %logistic3A_666 = math.exp %logistic3A_665 : vector<1000x128xf32>
    %logistic3A_667 = arith.constant 1.000000e+00 : f32
    %logistic3A_668 = vector.broadcast %logistic3A_667 : f32 to vector<1000x128xf32>
    %logistic3A_669 = arith.addf %logistic3A_668, %logistic3A_666 : vector<1000x128xf32>
    %logistic3A_670 = arith.divf %logistic3A_668, %logistic3A_669 : vector<1000x128xf32>
    %mul3A_671 = arith.mulf %add3A_661, %logistic3A_670 : vector<1000x128xf32>
    %mul3A_672 = vector.broadcast %get3A_664 : f32 to vector<1000x128xf32>
    %mul3A_673 = arith.mulf %mul3A_672, %mul3A_671 : vector<1000x128xf32>
    %add3A_674 = arith.addf %add3A_640, %mul3A_673 : vector<1000x128xf32>
    %get3A_675 = arith.constant 0 : index
    %get3A_676 = arith.constant 10 : index
    %get3A_677 = memref.load %arg13[%get3A_675, %get3A_676] : memref<3x32xf32, #tpu.memory_space<smem>>
    %mul3A_678 = vector.broadcast %get3A_677 : f32 to vector<1000x128xf32>
    %mul3A_679 = arith.mulf %add3A_311, %mul3A_678 : vector<1000x128xf32>
    %get3A_680 = arith.constant 1 : index
    %get3A_681 = arith.constant 10 : index
    %get3A_682 = memref.load %arg13[%get3A_680, %get3A_681] : memref<3x32xf32, #tpu.memory_space<smem>>
    %mul3A_683 = vector.broadcast %get3A_682 : f32 to vector<1000x128xf32>
    %mul3A_684 = arith.mulf %add3A_322, %mul3A_683 : vector<1000x128xf32>
    %add3A_685 = arith.addf %mul3A_679, %mul3A_684 : vector<1000x128xf32>
    %get3A_686 = arith.constant 2 : index
    %get3A_687 = arith.constant 10 : index
    %get3A_688 = memref.load %arg13[%get3A_686, %get3A_687] : memref<3x32xf32, #tpu.memory_space<smem>>
    %mul3A_689 = vector.broadcast %get3A_688 : f32 to vector<1000x128xf32>
    %mul3A_690 = arith.mulf %add3A_333, %mul3A_689 : vector<1000x128xf32>
    %add3A_691 = arith.addf %add3A_685, %mul3A_690 : vector<1000x128xf32>
    %get3A_692 = arith.constant 10 : index
    %get3A_693 = memref.load %arg14[%get3A_692] : memref<32xf32, #tpu.memory_space<smem>>
    %add3A_694 = vector.broadcast %get3A_693 : f32 to vector<1000x128xf32>
    %add3A_695 = arith.addf %add3A_691, %add3A_694 : vector<1000x128xf32>
    %get3A_696 = arith.constant 10 : index
    %get3A_697 = arith.constant 0 : index
    %get3A_698 = memref.load %arg15[%get3A_696, %get3A_697] : memref<32x1xf32, #tpu.memory_space<smem>>
    %logistic3A_699 = arith.negf %add3A_695 : vector<1000x128xf32>
    %logistic3A_700 = math.exp %logistic3A_699 : vector<1000x128xf32>
    %logistic3A_701 = arith.constant 1.000000e+00 : f32
    %logistic3A_702 = vector.broadcast %logistic3A_701 : f32 to vector<1000x128xf32>
    %logistic3A_703 = arith.addf %logistic3A_702, %logistic3A_700 : vector<1000x128xf32>
    %logistic3A_704 = arith.divf %logistic3A_702, %logistic3A_703 : vector<1000x128xf32>
    %mul3A_705 = arith.mulf %add3A_695, %logistic3A_704 : vector<1000x128xf32>
    %mul3A_706 = vector.broadcast %get3A_698 : f32 to vector<1000x128xf32>
    %mul3A_707 = arith.mulf %mul3A_706, %mul3A_705 : vector<1000x128xf32>
    %add3A_708 = arith.addf %add3A_674, %mul3A_707 : vector<1000x128xf32>
    %get3A_709 = arith.constant 0 : index
    %get3A_710 = arith.constant 11 : index
    %get3A_711 = memref.load %arg13[%get3A_709, %get3A_710] : memref<3x32xf32, #tpu.memory_space<smem>>
    %mul3A_712 = vector.broadcast %get3A_711 : f32 to vector<1000x128xf32>
    %mul3A_713 = arith.mulf %add3A_311, %mul3A_712 : vector<1000x128xf32>
    %get3A_714 = arith.constant 1 : index
    %get3A_715 = arith.constant 11 : index
    %get3A_716 = memref.load %arg13[%get3A_714, %get3A_715] : memref<3x32xf32, #tpu.memory_space<smem>>
    %mul3A_717 = vector.broadcast %get3A_716 : f32 to vector<1000x128xf32>
    %mul3A_718 = arith.mulf %add3A_322, %mul3A_717 : vector<1000x128xf32>
    %add3A_719 = arith.addf %mul3A_713, %mul3A_718 : vector<1000x128xf32>
    %get3A_720 = arith.constant 2 : index
    %get3A_721 = arith.constant 11 : index
    %get3A_722 = memref.load %arg13[%get3A_720, %get3A_721] : memref<3x32xf32, #tpu.memory_space<smem>>
    %mul3A_723 = vector.broadcast %get3A_722 : f32 to vector<1000x128xf32>
    %mul3A_724 = arith.mulf %add3A_333, %mul3A_723 : vector<1000x128xf32>
    %add3A_725 = arith.addf %add3A_719, %mul3A_724 : vector<1000x128xf32>
    %get3A_726 = arith.constant 11 : index
    %get3A_727 = memref.load %arg14[%get3A_726] : memref<32xf32, #tpu.memory_space<smem>>
    %add3A_728 = vector.broadcast %get3A_727 : f32 to vector<1000x128xf32>
    %add3A_729 = arith.addf %add3A_725, %add3A_728 : vector<1000x128xf32>
    %get3A_730 = arith.constant 11 : index
    %get3A_731 = arith.constant 0 : index
    %get3A_732 = memref.load %arg15[%get3A_730, %get3A_731] : memref<32x1xf32, #tpu.memory_space<smem>>
    %logistic3A_733 = arith.negf %add3A_729 : vector<1000x128xf32>
    %logistic3A_734 = math.exp %logistic3A_733 : vector<1000x128xf32>
    %logistic3A_735 = arith.constant 1.000000e+00 : f32
    %logistic3A_736 = vector.broadcast %logistic3A_735 : f32 to vector<1000x128xf32>
    %logistic3A_737 = arith.addf %logistic3A_736, %logistic3A_734 : vector<1000x128xf32>
    %logistic3A_738 = arith.divf %logistic3A_736, %logistic3A_737 : vector<1000x128xf32>
    %mul3A_739 = arith.mulf %add3A_729, %logistic3A_738 : vector<1000x128xf32>
    %mul3A_740 = vector.broadcast %get3A_732 : f32 to vector<1000x128xf32>
    %mul3A_741 = arith.mulf %mul3A_740, %mul3A_739 : vector<1000x128xf32>
    %add3A_742 = arith.addf %add3A_708, %mul3A_741 : vector<1000x128xf32>
    %get3A_743 = arith.constant 0 : index
    %get3A_744 = arith.constant 12 : index
    %get3A_745 = memref.load %arg13[%get3A_743, %get3A_744] : memref<3x32xf32, #tpu.memory_space<smem>>
    %mul3A_746 = vector.broadcast %get3A_745 : f32 to vector<1000x128xf32>
    %mul3A_747 = arith.mulf %add3A_311, %mul3A_746 : vector<1000x128xf32>
    %get3A_748 = arith.constant 1 : index
    %get3A_749 = arith.constant 12 : index
    %get3A_750 = memref.load %arg13[%get3A_748, %get3A_749] : memref<3x32xf32, #tpu.memory_space<smem>>
    %mul3A_751 = vector.broadcast %get3A_750 : f32 to vector<1000x128xf32>
    %mul3A_752 = arith.mulf %add3A_322, %mul3A_751 : vector<1000x128xf32>
    %add3A_753 = arith.addf %mul3A_747, %mul3A_752 : vector<1000x128xf32>
    %get3A_754 = arith.constant 2 : index
    %get3A_755 = arith.constant 12 : index
    %get3A_756 = memref.load %arg13[%get3A_754, %get3A_755] : memref<3x32xf32, #tpu.memory_space<smem>>
    %mul3A_757 = vector.broadcast %get3A_756 : f32 to vector<1000x128xf32>
    %mul3A_758 = arith.mulf %add3A_333, %mul3A_757 : vector<1000x128xf32>
    %add3A_759 = arith.addf %add3A_753, %mul3A_758 : vector<1000x128xf32>
    %get3A_760 = arith.constant 12 : index
    %get3A_761 = memref.load %arg14[%get3A_760] : memref<32xf32, #tpu.memory_space<smem>>
    %add3A_762 = vector.broadcast %get3A_761 : f32 to vector<1000x128xf32>
    %add3A_763 = arith.addf %add3A_759, %add3A_762 : vector<1000x128xf32>
    %get3A_764 = arith.constant 12 : index
    %get3A_765 = arith.constant 0 : index
    %get3A_766 = memref.load %arg15[%get3A_764, %get3A_765] : memref<32x1xf32, #tpu.memory_space<smem>>
    %logistic3A_767 = arith.negf %add3A_763 : vector<1000x128xf32>
    %logistic3A_768 = math.exp %logistic3A_767 : vector<1000x128xf32>
    %logistic3A_769 = arith.constant 1.000000e+00 : f32
    %logistic3A_770 = vector.broadcast %logistic3A_769 : f32 to vector<1000x128xf32>
    %logistic3A_771 = arith.addf %logistic3A_770, %logistic3A_768 : vector<1000x128xf32>
    %logistic3A_772 = arith.divf %logistic3A_770, %logistic3A_771 : vector<1000x128xf32>
    %mul3A_773 = arith.mulf %add3A_763, %logistic3A_772 : vector<1000x128xf32>
    %mul3A_774 = vector.broadcast %get3A_766 : f32 to vector<1000x128xf32>
    %mul3A_775 = arith.mulf %mul3A_774, %mul3A_773 : vector<1000x128xf32>
    %add3A_776 = arith.addf %add3A_742, %mul3A_775 : vector<1000x128xf32>
    %get3A_777 = arith.constant 0 : index
    %get3A_778 = arith.constant 13 : index
    %get3A_779 = memref.load %arg13[%get3A_777, %get3A_778] : memref<3x32xf32, #tpu.memory_space<smem>>
    %mul3A_780 = vector.broadcast %get3A_779 : f32 to vector<1000x128xf32>
    %mul3A_781 = arith.mulf %add3A_311, %mul3A_780 : vector<1000x128xf32>
    %get3A_782 = arith.constant 1 : index
    %get3A_783 = arith.constant 13 : index
    %get3A_784 = memref.load %arg13[%get3A_782, %get3A_783] : memref<3x32xf32, #tpu.memory_space<smem>>
    %mul3A_785 = vector.broadcast %get3A_784 : f32 to vector<1000x128xf32>
    %mul3A_786 = arith.mulf %add3A_322, %mul3A_785 : vector<1000x128xf32>
    %add3A_787 = arith.addf %mul3A_781, %mul3A_786 : vector<1000x128xf32>
    %get3A_788 = arith.constant 2 : index
    %get3A_789 = arith.constant 13 : index
    %get3A_790 = memref.load %arg13[%get3A_788, %get3A_789] : memref<3x32xf32, #tpu.memory_space<smem>>
    %mul3A_791 = vector.broadcast %get3A_790 : f32 to vector<1000x128xf32>
    %mul3A_792 = arith.mulf %add3A_333, %mul3A_791 : vector<1000x128xf32>
    %add3A_793 = arith.addf %add3A_787, %mul3A_792 : vector<1000x128xf32>
    %get3A_794 = arith.constant 13 : index
    %get3A_795 = memref.load %arg14[%get3A_794] : memref<32xf32, #tpu.memory_space<smem>>
    %add3A_796 = vector.broadcast %get3A_795 : f32 to vector<1000x128xf32>
    %add3A_797 = arith.addf %add3A_793, %add3A_796 : vector<1000x128xf32>
    %get3A_798 = arith.constant 13 : index
    %get3A_799 = arith.constant 0 : index
    %get3A_800 = memref.load %arg15[%get3A_798, %get3A_799] : memref<32x1xf32, #tpu.memory_space<smem>>
    %logistic3A_801 = arith.negf %add3A_797 : vector<1000x128xf32>
    %logistic3A_802 = math.exp %logistic3A_801 : vector<1000x128xf32>
    %logistic3A_803 = arith.constant 1.000000e+00 : f32
    %logistic3A_804 = vector.broadcast %logistic3A_803 : f32 to vector<1000x128xf32>
    %logistic3A_805 = arith.addf %logistic3A_804, %logistic3A_802 : vector<1000x128xf32>
    %logistic3A_806 = arith.divf %logistic3A_804, %logistic3A_805 : vector<1000x128xf32>
    %mul3A_807 = arith.mulf %add3A_797, %logistic3A_806 : vector<1000x128xf32>
    %mul3A_808 = vector.broadcast %get3A_800 : f32 to vector<1000x128xf32>
    %mul3A_809 = arith.mulf %mul3A_808, %mul3A_807 : vector<1000x128xf32>
    %add3A_810 = arith.addf %add3A_776, %mul3A_809 : vector<1000x128xf32>
    %get3A_811 = arith.constant 0 : index
    %get3A_812 = arith.constant 14 : index
    %get3A_813 = memref.load %arg13[%get3A_811, %get3A_812] : memref<3x32xf32, #tpu.memory_space<smem>>
    %mul3A_814 = vector.broadcast %get3A_813 : f32 to vector<1000x128xf32>
    %mul3A_815 = arith.mulf %add3A_311, %mul3A_814 : vector<1000x128xf32>
    %get3A_816 = arith.constant 1 : index
    %get3A_817 = arith.constant 14 : index
    %get3A_818 = memref.load %arg13[%get3A_816, %get3A_817] : memref<3x32xf32, #tpu.memory_space<smem>>
    %mul3A_819 = vector.broadcast %get3A_818 : f32 to vector<1000x128xf32>
    %mul3A_820 = arith.mulf %add3A_322, %mul3A_819 : vector<1000x128xf32>
    %add3A_821 = arith.addf %mul3A_815, %mul3A_820 : vector<1000x128xf32>
    %get3A_822 = arith.constant 2 : index
    %get3A_823 = arith.constant 14 : index
    %get3A_824 = memref.load %arg13[%get3A_822, %get3A_823] : memref<3x32xf32, #tpu.memory_space<smem>>
    %mul3A_825 = vector.broadcast %get3A_824 : f32 to vector<1000x128xf32>
    %mul3A_826 = arith.mulf %add3A_333, %mul3A_825 : vector<1000x128xf32>
    %add3A_827 = arith.addf %add3A_821, %mul3A_826 : vector<1000x128xf32>
    %get3A_828 = arith.constant 14 : index
    %get3A_829 = memref.load %arg14[%get3A_828] : memref<32xf32, #tpu.memory_space<smem>>
    %add3A_830 = vector.broadcast %get3A_829 : f32 to vector<1000x128xf32>
    %add3A_831 = arith.addf %add3A_827, %add3A_830 : vector<1000x128xf32>
    %get3A_832 = arith.constant 14 : index
    %get3A_833 = arith.constant 0 : index
    %get3A_834 = memref.load %arg15[%get3A_832, %get3A_833] : memref<32x1xf32, #tpu.memory_space<smem>>
    %logistic3A_835 = arith.negf %add3A_831 : vector<1000x128xf32>
    %logistic3A_836 = math.exp %logistic3A_835 : vector<1000x128xf32>
    %logistic3A_837 = arith.constant 1.000000e+00 : f32
    %logistic3A_838 = vector.broadcast %logistic3A_837 : f32 to vector<1000x128xf32>
    %logistic3A_839 = arith.addf %logistic3A_838, %logistic3A_836 : vector<1000x128xf32>
    %logistic3A_840 = arith.divf %logistic3A_838, %logistic3A_839 : vector<1000x128xf32>
    %mul3A_841 = arith.mulf %add3A_831, %logistic3A_840 : vector<1000x128xf32>
    %mul3A_842 = vector.broadcast %get3A_834 : f32 to vector<1000x128xf32>
    %mul3A_843 = arith.mulf %mul3A_842, %mul3A_841 : vector<1000x128xf32>
    %add3A_844 = arith.addf %add3A_810, %mul3A_843 : vector<1000x128xf32>
    %get3A_845 = arith.constant 0 : index
    %get3A_846 = arith.constant 15 : index
    %get3A_847 = memref.load %arg13[%get3A_845, %get3A_846] : memref<3x32xf32, #tpu.memory_space<smem>>
    %mul3A_848 = vector.broadcast %get3A_847 : f32 to vector<1000x128xf32>
    %mul3A_849 = arith.mulf %add3A_311, %mul3A_848 : vector<1000x128xf32>
    %get3A_850 = arith.constant 1 : index
    %get3A_851 = arith.constant 15 : index
    %get3A_852 = memref.load %arg13[%get3A_850, %get3A_851] : memref<3x32xf32, #tpu.memory_space<smem>>
    %mul3A_853 = vector.broadcast %get3A_852 : f32 to vector<1000x128xf32>
    %mul3A_854 = arith.mulf %add3A_322, %mul3A_853 : vector<1000x128xf32>
    %add3A_855 = arith.addf %mul3A_849, %mul3A_854 : vector<1000x128xf32>
    %get3A_856 = arith.constant 2 : index
    %get3A_857 = arith.constant 15 : index
    %get3A_858 = memref.load %arg13[%get3A_856, %get3A_857] : memref<3x32xf32, #tpu.memory_space<smem>>
    %mul3A_859 = vector.broadcast %get3A_858 : f32 to vector<1000x128xf32>
    %mul3A_860 = arith.mulf %add3A_333, %mul3A_859 : vector<1000x128xf32>
    %add3A_861 = arith.addf %add3A_855, %mul3A_860 : vector<1000x128xf32>
    %get3A_862 = arith.constant 15 : index
    %get3A_863 = memref.load %arg14[%get3A_862] : memref<32xf32, #tpu.memory_space<smem>>
    %add3A_864 = vector.broadcast %get3A_863 : f32 to vector<1000x128xf32>
    %add3A_865 = arith.addf %add3A_861, %add3A_864 : vector<1000x128xf32>
    %get3A_866 = arith.constant 15 : index
    %get3A_867 = arith.constant 0 : index
    %get3A_868 = memref.load %arg15[%get3A_866, %get3A_867] : memref<32x1xf32, #tpu.memory_space<smem>>
    %logistic3A_869 = arith.negf %add3A_865 : vector<1000x128xf32>
    %logistic3A_870 = math.exp %logistic3A_869 : vector<1000x128xf32>
    %logistic3A_871 = arith.constant 1.000000e+00 : f32
    %logistic3A_872 = vector.broadcast %logistic3A_871 : f32 to vector<1000x128xf32>
    %logistic3A_873 = arith.addf %logistic3A_872, %logistic3A_870 : vector<1000x128xf32>
    %logistic3A_874 = arith.divf %logistic3A_872, %logistic3A_873 : vector<1000x128xf32>
    %mul3A_875 = arith.mulf %add3A_865, %logistic3A_874 : vector<1000x128xf32>
    %mul3A_876 = vector.broadcast %get3A_868 : f32 to vector<1000x128xf32>
    %mul3A_877 = arith.mulf %mul3A_876, %mul3A_875 : vector<1000x128xf32>
    %add3A_878 = arith.addf %add3A_844, %mul3A_877 : vector<1000x128xf32>
    %get3A_879 = arith.constant 0 : index
    %get3A_880 = arith.constant 16 : index
    %get3A_881 = memref.load %arg13[%get3A_879, %get3A_880] : memref<3x32xf32, #tpu.memory_space<smem>>
    %mul3A_882 = vector.broadcast %get3A_881 : f32 to vector<1000x128xf32>
    %mul3A_883 = arith.mulf %add3A_311, %mul3A_882 : vector<1000x128xf32>
    %get3A_884 = arith.constant 1 : index
    %get3A_885 = arith.constant 16 : index
    %get3A_886 = memref.load %arg13[%get3A_884, %get3A_885] : memref<3x32xf32, #tpu.memory_space<smem>>
    %mul3A_887 = vector.broadcast %get3A_886 : f32 to vector<1000x128xf32>
    %mul3A_888 = arith.mulf %add3A_322, %mul3A_887 : vector<1000x128xf32>
    %add3A_889 = arith.addf %mul3A_883, %mul3A_888 : vector<1000x128xf32>
    %get3A_890 = arith.constant 2 : index
    %get3A_891 = arith.constant 16 : index
    %get3A_892 = memref.load %arg13[%get3A_890, %get3A_891] : memref<3x32xf32, #tpu.memory_space<smem>>
    %mul3A_893 = vector.broadcast %get3A_892 : f32 to vector<1000x128xf32>
    %mul3A_894 = arith.mulf %add3A_333, %mul3A_893 : vector<1000x128xf32>
    %add3A_895 = arith.addf %add3A_889, %mul3A_894 : vector<1000x128xf32>
    %get3A_896 = arith.constant 16 : index
    %get3A_897 = memref.load %arg14[%get3A_896] : memref<32xf32, #tpu.memory_space<smem>>
    %add3A_898 = vector.broadcast %get3A_897 : f32 to vector<1000x128xf32>
    %add3A_899 = arith.addf %add3A_895, %add3A_898 : vector<1000x128xf32>
    %get3A_900 = arith.constant 16 : index
    %get3A_901 = arith.constant 0 : index
    %get3A_902 = memref.load %arg15[%get3A_900, %get3A_901] : memref<32x1xf32, #tpu.memory_space<smem>>
    %logistic3A_903 = arith.negf %add3A_899 : vector<1000x128xf32>
    %logistic3A_904 = math.exp %logistic3A_903 : vector<1000x128xf32>
    %logistic3A_905 = arith.constant 1.000000e+00 : f32
    %logistic3A_906 = vector.broadcast %logistic3A_905 : f32 to vector<1000x128xf32>
    %logistic3A_907 = arith.addf %logistic3A_906, %logistic3A_904 : vector<1000x128xf32>
    %logistic3A_908 = arith.divf %logistic3A_906, %logistic3A_907 : vector<1000x128xf32>
    %mul3A_909 = arith.mulf %add3A_899, %logistic3A_908 : vector<1000x128xf32>
    %mul3A_910 = vector.broadcast %get3A_902 : f32 to vector<1000x128xf32>
    %mul3A_911 = arith.mulf %mul3A_910, %mul3A_909 : vector<1000x128xf32>
    %add3A_912 = arith.addf %add3A_878, %mul3A_911 : vector<1000x128xf32>
    %get3A_913 = arith.constant 0 : index
    %get3A_914 = arith.constant 17 : index
    %get3A_915 = memref.load %arg13[%get3A_913, %get3A_914] : memref<3x32xf32, #tpu.memory_space<smem>>
    %mul3A_916 = vector.broadcast %get3A_915 : f32 to vector<1000x128xf32>
    %mul3A_917 = arith.mulf %add3A_311, %mul3A_916 : vector<1000x128xf32>
    %get3A_918 = arith.constant 1 : index
    %get3A_919 = arith.constant 17 : index
    %get3A_920 = memref.load %arg13[%get3A_918, %get3A_919] : memref<3x32xf32, #tpu.memory_space<smem>>
    %mul3A_921 = vector.broadcast %get3A_920 : f32 to vector<1000x128xf32>
    %mul3A_922 = arith.mulf %add3A_322, %mul3A_921 : vector<1000x128xf32>
    %add3A_923 = arith.addf %mul3A_917, %mul3A_922 : vector<1000x128xf32>
    %get3A_924 = arith.constant 2 : index
    %get3A_925 = arith.constant 17 : index
    %get3A_926 = memref.load %arg13[%get3A_924, %get3A_925] : memref<3x32xf32, #tpu.memory_space<smem>>
    %mul3A_927 = vector.broadcast %get3A_926 : f32 to vector<1000x128xf32>
    %mul3A_928 = arith.mulf %add3A_333, %mul3A_927 : vector<1000x128xf32>
    %add3A_929 = arith.addf %add3A_923, %mul3A_928 : vector<1000x128xf32>
    %get3A_930 = arith.constant 17 : index
    %get3A_931 = memref.load %arg14[%get3A_930] : memref<32xf32, #tpu.memory_space<smem>>
    %add3A_932 = vector.broadcast %get3A_931 : f32 to vector<1000x128xf32>
    %add3A_933 = arith.addf %add3A_929, %add3A_932 : vector<1000x128xf32>
    %get3A_934 = arith.constant 17 : index
    %get3A_935 = arith.constant 0 : index
    %get3A_936 = memref.load %arg15[%get3A_934, %get3A_935] : memref<32x1xf32, #tpu.memory_space<smem>>
    %logistic3A_937 = arith.negf %add3A_933 : vector<1000x128xf32>
    %logistic3A_938 = math.exp %logistic3A_937 : vector<1000x128xf32>
    %logistic3A_939 = arith.constant 1.000000e+00 : f32
    %logistic3A_940 = vector.broadcast %logistic3A_939 : f32 to vector<1000x128xf32>
    %logistic3A_941 = arith.addf %logistic3A_940, %logistic3A_938 : vector<1000x128xf32>
    %logistic3A_942 = arith.divf %logistic3A_940, %logistic3A_941 : vector<1000x128xf32>
    %mul3A_943 = arith.mulf %add3A_933, %logistic3A_942 : vector<1000x128xf32>
    %mul3A_944 = vector.broadcast %get3A_936 : f32 to vector<1000x128xf32>
    %mul3A_945 = arith.mulf %mul3A_944, %mul3A_943 : vector<1000x128xf32>
    %add3A_946 = arith.addf %add3A_912, %mul3A_945 : vector<1000x128xf32>
    %get3A_947 = arith.constant 0 : index
    %get3A_948 = arith.constant 18 : index
    %get3A_949 = memref.load %arg13[%get3A_947, %get3A_948] : memref<3x32xf32, #tpu.memory_space<smem>>
    %mul3A_950 = vector.broadcast %get3A_949 : f32 to vector<1000x128xf32>
    %mul3A_951 = arith.mulf %add3A_311, %mul3A_950 : vector<1000x128xf32>
    %get3A_952 = arith.constant 1 : index
    %get3A_953 = arith.constant 18 : index
    %get3A_954 = memref.load %arg13[%get3A_952, %get3A_953] : memref<3x32xf32, #tpu.memory_space<smem>>
    %mul3A_955 = vector.broadcast %get3A_954 : f32 to vector<1000x128xf32>
    %mul3A_956 = arith.mulf %add3A_322, %mul3A_955 : vector<1000x128xf32>
    %add3A_957 = arith.addf %mul3A_951, %mul3A_956 : vector<1000x128xf32>
    %get3A_958 = arith.constant 2 : index
    %get3A_959 = arith.constant 18 : index
    %get3A_960 = memref.load %arg13[%get3A_958, %get3A_959] : memref<3x32xf32, #tpu.memory_space<smem>>
    %mul3A_961 = vector.broadcast %get3A_960 : f32 to vector<1000x128xf32>
    %mul3A_962 = arith.mulf %add3A_333, %mul3A_961 : vector<1000x128xf32>
    %add3A_963 = arith.addf %add3A_957, %mul3A_962 : vector<1000x128xf32>
    %get3A_964 = arith.constant 18 : index
    %get3A_965 = memref.load %arg14[%get3A_964] : memref<32xf32, #tpu.memory_space<smem>>
    %add3A_966 = vector.broadcast %get3A_965 : f32 to vector<1000x128xf32>
    %add3A_967 = arith.addf %add3A_963, %add3A_966 : vector<1000x128xf32>
    %get3A_968 = arith.constant 18 : index
    %get3A_969 = arith.constant 0 : index
    %get3A_970 = memref.load %arg15[%get3A_968, %get3A_969] : memref<32x1xf32, #tpu.memory_space<smem>>
    %logistic3A_971 = arith.negf %add3A_967 : vector<1000x128xf32>
    %logistic3A_972 = math.exp %logistic3A_971 : vector<1000x128xf32>
    %logistic3A_973 = arith.constant 1.000000e+00 : f32
    %logistic3A_974 = vector.broadcast %logistic3A_973 : f32 to vector<1000x128xf32>
    %logistic3A_975 = arith.addf %logistic3A_974, %logistic3A_972 : vector<1000x128xf32>
    %logistic3A_976 = arith.divf %logistic3A_974, %logistic3A_975 : vector<1000x128xf32>
    %mul3A_977 = arith.mulf %add3A_967, %logistic3A_976 : vector<1000x128xf32>
    %mul3A_978 = vector.broadcast %get3A_970 : f32 to vector<1000x128xf32>
    %mul3A_979 = arith.mulf %mul3A_978, %mul3A_977 : vector<1000x128xf32>
    %add3A_980 = arith.addf %add3A_946, %mul3A_979 : vector<1000x128xf32>
    %get3A_981 = arith.constant 0 : index
    %get3A_982 = arith.constant 19 : index
    %get3A_983 = memref.load %arg13[%get3A_981, %get3A_982] : memref<3x32xf32, #tpu.memory_space<smem>>
    %mul3A_984 = vector.broadcast %get3A_983 : f32 to vector<1000x128xf32>
    %mul3A_985 = arith.mulf %add3A_311, %mul3A_984 : vector<1000x128xf32>
    %get3A_986 = arith.constant 1 : index
    %get3A_987 = arith.constant 19 : index
    %get3A_988 = memref.load %arg13[%get3A_986, %get3A_987] : memref<3x32xf32, #tpu.memory_space<smem>>
    %mul3A_989 = vector.broadcast %get3A_988 : f32 to vector<1000x128xf32>
    %mul3A_990 = arith.mulf %add3A_322, %mul3A_989 : vector<1000x128xf32>
    %add3A_991 = arith.addf %mul3A_985, %mul3A_990 : vector<1000x128xf32>
    %get3A_992 = arith.constant 2 : index
    %get3A_993 = arith.constant 19 : index
    %get3A_994 = memref.load %arg13[%get3A_992, %get3A_993] : memref<3x32xf32, #tpu.memory_space<smem>>
    %mul3A_995 = vector.broadcast %get3A_994 : f32 to vector<1000x128xf32>
    %mul3A_996 = arith.mulf %add3A_333, %mul3A_995 : vector<1000x128xf32>
    %add3A_997 = arith.addf %add3A_991, %mul3A_996 : vector<1000x128xf32>
    %get3A_998 = arith.constant 19 : index
    %get3A_999 = memref.load %arg14[%get3A_998] : memref<32xf32, #tpu.memory_space<smem>>
    %add3A_1000 = vector.broadcast %get3A_999 : f32 to vector<1000x128xf32>
    %add3A_1001 = arith.addf %add3A_997, %add3A_1000 : vector<1000x128xf32>
    %get3A_1002 = arith.constant 19 : index
    %get3A_1003 = arith.constant 0 : index
    %get3A_1004 = memref.load %arg15[%get3A_1002, %get3A_1003] : memref<32x1xf32, #tpu.memory_space<smem>>
    %logistic3A_1005 = arith.negf %add3A_1001 : vector<1000x128xf32>
    %logistic3A_1006 = math.exp %logistic3A_1005 : vector<1000x128xf32>
    %logistic3A_1007 = arith.constant 1.000000e+00 : f32
    %logistic3A_1008 = vector.broadcast %logistic3A_1007 : f32 to vector<1000x128xf32>
    %logistic3A_1009 = arith.addf %logistic3A_1008, %logistic3A_1006 : vector<1000x128xf32>
    %logistic3A_1010 = arith.divf %logistic3A_1008, %logistic3A_1009 : vector<1000x128xf32>
    %mul3A_1011 = arith.mulf %add3A_1001, %logistic3A_1010 : vector<1000x128xf32>
    %mul3A_1012 = vector.broadcast %get3A_1004 : f32 to vector<1000x128xf32>
    %mul3A_1013 = arith.mulf %mul3A_1012, %mul3A_1011 : vector<1000x128xf32>
    %add3A_1014 = arith.addf %add3A_980, %mul3A_1013 : vector<1000x128xf32>
    %get3A_1015 = arith.constant 0 : index
    %get3A_1016 = arith.constant 20 : index
    %get3A_1017 = memref.load %arg13[%get3A_1015, %get3A_1016] : memref<3x32xf32, #tpu.memory_space<smem>>
    %mul3A_1018 = vector.broadcast %get3A_1017 : f32 to vector<1000x128xf32>
    %mul3A_1019 = arith.mulf %add3A_311, %mul3A_1018 : vector<1000x128xf32>
    %get3A_1020 = arith.constant 1 : index
    %get3A_1021 = arith.constant 20 : index
    %get3A_1022 = memref.load %arg13[%get3A_1020, %get3A_1021] : memref<3x32xf32, #tpu.memory_space<smem>>
    %mul3A_1023 = vector.broadcast %get3A_1022 : f32 to vector<1000x128xf32>
    %mul3A_1024 = arith.mulf %add3A_322, %mul3A_1023 : vector<1000x128xf32>
    %add3A_1025 = arith.addf %mul3A_1019, %mul3A_1024 : vector<1000x128xf32>
    %get3A_1026 = arith.constant 2 : index
    %get3A_1027 = arith.constant 20 : index
    %get3A_1028 = memref.load %arg13[%get3A_1026, %get3A_1027] : memref<3x32xf32, #tpu.memory_space<smem>>
    %mul3A_1029 = vector.broadcast %get3A_1028 : f32 to vector<1000x128xf32>
    %mul3A_1030 = arith.mulf %add3A_333, %mul3A_1029 : vector<1000x128xf32>
    %add3A_1031 = arith.addf %add3A_1025, %mul3A_1030 : vector<1000x128xf32>
    %get3A_1032 = arith.constant 20 : index
    %get3A_1033 = memref.load %arg14[%get3A_1032] : memref<32xf32, #tpu.memory_space<smem>>
    %add3A_1034 = vector.broadcast %get3A_1033 : f32 to vector<1000x128xf32>
    %add3A_1035 = arith.addf %add3A_1031, %add3A_1034 : vector<1000x128xf32>
    %get3A_1036 = arith.constant 20 : index
    %get3A_1037 = arith.constant 0 : index
    %get3A_1038 = memref.load %arg15[%get3A_1036, %get3A_1037] : memref<32x1xf32, #tpu.memory_space<smem>>
    %logistic3A_1039 = arith.negf %add3A_1035 : vector<1000x128xf32>
    %logistic3A_1040 = math.exp %logistic3A_1039 : vector<1000x128xf32>
    %logistic3A_1041 = arith.constant 1.000000e+00 : f32
    %logistic3A_1042 = vector.broadcast %logistic3A_1041 : f32 to vector<1000x128xf32>
    %logistic3A_1043 = arith.addf %logistic3A_1042, %logistic3A_1040 : vector<1000x128xf32>
    %logistic3A_1044 = arith.divf %logistic3A_1042, %logistic3A_1043 : vector<1000x128xf32>
    %mul3A_1045 = arith.mulf %add3A_1035, %logistic3A_1044 : vector<1000x128xf32>
    %mul3A_1046 = vector.broadcast %get3A_1038 : f32 to vector<1000x128xf32>
    %mul3A_1047 = arith.mulf %mul3A_1046, %mul3A_1045 : vector<1000x128xf32>
    %add3A_1048 = arith.addf %add3A_1014, %mul3A_1047 : vector<1000x128xf32>
    %get3A_1049 = arith.constant 0 : index
    %get3A_1050 = arith.constant 21 : index
    %get3A_1051 = memref.load %arg13[%get3A_1049, %get3A_1050] : memref<3x32xf32, #tpu.memory_space<smem>>
    %mul3A_1052 = vector.broadcast %get3A_1051 : f32 to vector<1000x128xf32>
    %mul3A_1053 = arith.mulf %add3A_311, %mul3A_1052 : vector<1000x128xf32>
    %get3A_1054 = arith.constant 1 : index
    %get3A_1055 = arith.constant 21 : index
    %get3A_1056 = memref.load %arg13[%get3A_1054, %get3A_1055] : memref<3x32xf32, #tpu.memory_space<smem>>
    %mul3A_1057 = vector.broadcast %get3A_1056 : f32 to vector<1000x128xf32>
    %mul3A_1058 = arith.mulf %add3A_322, %mul3A_1057 : vector<1000x128xf32>
    %add3A_1059 = arith.addf %mul3A_1053, %mul3A_1058 : vector<1000x128xf32>
    %get3A_1060 = arith.constant 2 : index
    %get3A_1061 = arith.constant 21 : index
    %get3A_1062 = memref.load %arg13[%get3A_1060, %get3A_1061] : memref<3x32xf32, #tpu.memory_space<smem>>
    %mul3A_1063 = vector.broadcast %get3A_1062 : f32 to vector<1000x128xf32>
    %mul3A_1064 = arith.mulf %add3A_333, %mul3A_1063 : vector<1000x128xf32>
    %add3A_1065 = arith.addf %add3A_1059, %mul3A_1064 : vector<1000x128xf32>
    %get3A_1066 = arith.constant 21 : index
    %get3A_1067 = memref.load %arg14[%get3A_1066] : memref<32xf32, #tpu.memory_space<smem>>
    %add3A_1068 = vector.broadcast %get3A_1067 : f32 to vector<1000x128xf32>
    %add3A_1069 = arith.addf %add3A_1065, %add3A_1068 : vector<1000x128xf32>
    %get3A_1070 = arith.constant 21 : index
    %get3A_1071 = arith.constant 0 : index
    %get3A_1072 = memref.load %arg15[%get3A_1070, %get3A_1071] : memref<32x1xf32, #tpu.memory_space<smem>>
    %logistic3A_1073 = arith.negf %add3A_1069 : vector<1000x128xf32>
    %logistic3A_1074 = math.exp %logistic3A_1073 : vector<1000x128xf32>
    %logistic3A_1075 = arith.constant 1.000000e+00 : f32
    %logistic3A_1076 = vector.broadcast %logistic3A_1075 : f32 to vector<1000x128xf32>
    %logistic3A_1077 = arith.addf %logistic3A_1076, %logistic3A_1074 : vector<1000x128xf32>
    %logistic3A_1078 = arith.divf %logistic3A_1076, %logistic3A_1077 : vector<1000x128xf32>
    %mul3A_1079 = arith.mulf %add3A_1069, %logistic3A_1078 : vector<1000x128xf32>
    %mul3A_1080 = vector.broadcast %get3A_1072 : f32 to vector<1000x128xf32>
    %mul3A_1081 = arith.mulf %mul3A_1080, %mul3A_1079 : vector<1000x128xf32>
    %add3A_1082 = arith.addf %add3A_1048, %mul3A_1081 : vector<1000x128xf32>
    %get3A_1083 = arith.constant 0 : index
    %get3A_1084 = arith.constant 22 : index
    %get3A_1085 = memref.load %arg13[%get3A_1083, %get3A_1084] : memref<3x32xf32, #tpu.memory_space<smem>>
    %mul3A_1086 = vector.broadcast %get3A_1085 : f32 to vector<1000x128xf32>
    %mul3A_1087 = arith.mulf %add3A_311, %mul3A_1086 : vector<1000x128xf32>
    %get3A_1088 = arith.constant 1 : index
    %get3A_1089 = arith.constant 22 : index
    %get3A_1090 = memref.load %arg13[%get3A_1088, %get3A_1089] : memref<3x32xf32, #tpu.memory_space<smem>>
    %mul3A_1091 = vector.broadcast %get3A_1090 : f32 to vector<1000x128xf32>
    %mul3A_1092 = arith.mulf %add3A_322, %mul3A_1091 : vector<1000x128xf32>
    %add3A_1093 = arith.addf %mul3A_1087, %mul3A_1092 : vector<1000x128xf32>
    %get3A_1094 = arith.constant 2 : index
    %get3A_1095 = arith.constant 22 : index
    %get3A_1096 = memref.load %arg13[%get3A_1094, %get3A_1095] : memref<3x32xf32, #tpu.memory_space<smem>>
    %mul3A_1097 = vector.broadcast %get3A_1096 : f32 to vector<1000x128xf32>
    %mul3A_1098 = arith.mulf %add3A_333, %mul3A_1097 : vector<1000x128xf32>
    %add3A_1099 = arith.addf %add3A_1093, %mul3A_1098 : vector<1000x128xf32>
    %get3A_1100 = arith.constant 22 : index
    %get3A_1101 = memref.load %arg14[%get3A_1100] : memref<32xf32, #tpu.memory_space<smem>>
    %add3A_1102 = vector.broadcast %get3A_1101 : f32 to vector<1000x128xf32>
    %add3A_1103 = arith.addf %add3A_1099, %add3A_1102 : vector<1000x128xf32>
    %get3A_1104 = arith.constant 22 : index
    %get3A_1105 = arith.constant 0 : index
    %get3A_1106 = memref.load %arg15[%get3A_1104, %get3A_1105] : memref<32x1xf32, #tpu.memory_space<smem>>
    %logistic3A_1107 = arith.negf %add3A_1103 : vector<1000x128xf32>
    %logistic3A_1108 = math.exp %logistic3A_1107 : vector<1000x128xf32>
    %logistic3A_1109 = arith.constant 1.000000e+00 : f32
    %logistic3A_1110 = vector.broadcast %logistic3A_1109 : f32 to vector<1000x128xf32>
    %logistic3A_1111 = arith.addf %logistic3A_1110, %logistic3A_1108 : vector<1000x128xf32>
    %logistic3A_1112 = arith.divf %logistic3A_1110, %logistic3A_1111 : vector<1000x128xf32>
    %mul3A_1113 = arith.mulf %add3A_1103, %logistic3A_1112 : vector<1000x128xf32>
    %mul3A_1114 = vector.broadcast %get3A_1106 : f32 to vector<1000x128xf32>
    %mul3A_1115 = arith.mulf %mul3A_1114, %mul3A_1113 : vector<1000x128xf32>
    %add3A_1116 = arith.addf %add3A_1082, %mul3A_1115 : vector<1000x128xf32>
    %get3A_1117 = arith.constant 0 : index
    %get3A_1118 = arith.constant 23 : index
    %get3A_1119 = memref.load %arg13[%get3A_1117, %get3A_1118] : memref<3x32xf32, #tpu.memory_space<smem>>
    %mul3A_1120 = vector.broadcast %get3A_1119 : f32 to vector<1000x128xf32>
    %mul3A_1121 = arith.mulf %add3A_311, %mul3A_1120 : vector<1000x128xf32>
    %get3A_1122 = arith.constant 1 : index
    %get3A_1123 = arith.constant 23 : index
    %get3A_1124 = memref.load %arg13[%get3A_1122, %get3A_1123] : memref<3x32xf32, #tpu.memory_space<smem>>
    %mul3A_1125 = vector.broadcast %get3A_1124 : f32 to vector<1000x128xf32>
    %mul3A_1126 = arith.mulf %add3A_322, %mul3A_1125 : vector<1000x128xf32>
    %add3A_1127 = arith.addf %mul3A_1121, %mul3A_1126 : vector<1000x128xf32>
    %get3A_1128 = arith.constant 2 : index
    %get3A_1129 = arith.constant 23 : index
    %get3A_1130 = memref.load %arg13[%get3A_1128, %get3A_1129] : memref<3x32xf32, #tpu.memory_space<smem>>
    %mul3A_1131 = vector.broadcast %get3A_1130 : f32 to vector<1000x128xf32>
    %mul3A_1132 = arith.mulf %add3A_333, %mul3A_1131 : vector<1000x128xf32>
    %add3A_1133 = arith.addf %add3A_1127, %mul3A_1132 : vector<1000x128xf32>
    %get3A_1134 = arith.constant 23 : index
    %get3A_1135 = memref.load %arg14[%get3A_1134] : memref<32xf32, #tpu.memory_space<smem>>
    %add3A_1136 = vector.broadcast %get3A_1135 : f32 to vector<1000x128xf32>
    %add3A_1137 = arith.addf %add3A_1133, %add3A_1136 : vector<1000x128xf32>
    %get3A_1138 = arith.constant 23 : index
    %get3A_1139 = arith.constant 0 : index
    %get3A_1140 = memref.load %arg15[%get3A_1138, %get3A_1139] : memref<32x1xf32, #tpu.memory_space<smem>>
    %logistic3A_1141 = arith.negf %add3A_1137 : vector<1000x128xf32>
    %logistic3A_1142 = math.exp %logistic3A_1141 : vector<1000x128xf32>
    %logistic3A_1143 = arith.constant 1.000000e+00 : f32
    %logistic3A_1144 = vector.broadcast %logistic3A_1143 : f32 to vector<1000x128xf32>
    %logistic3A_1145 = arith.addf %logistic3A_1144, %logistic3A_1142 : vector<1000x128xf32>
    %logistic3A_1146 = arith.divf %logistic3A_1144, %logistic3A_1145 : vector<1000x128xf32>
    %mul3A_1147 = arith.mulf %add3A_1137, %logistic3A_1146 : vector<1000x128xf32>
    %mul3A_1148 = vector.broadcast %get3A_1140 : f32 to vector<1000x128xf32>
    %mul3A_1149 = arith.mulf %mul3A_1148, %mul3A_1147 : vector<1000x128xf32>
    %add3A_1150 = arith.addf %add3A_1116, %mul3A_1149 : vector<1000x128xf32>
    %get3A_1151 = arith.constant 0 : index
    %get3A_1152 = arith.constant 24 : index
    %get3A_1153 = memref.load %arg13[%get3A_1151, %get3A_1152] : memref<3x32xf32, #tpu.memory_space<smem>>
    %mul3A_1154 = vector.broadcast %get3A_1153 : f32 to vector<1000x128xf32>
    %mul3A_1155 = arith.mulf %add3A_311, %mul3A_1154 : vector<1000x128xf32>
    %get3A_1156 = arith.constant 1 : index
    %get3A_1157 = arith.constant 24 : index
    %get3A_1158 = memref.load %arg13[%get3A_1156, %get3A_1157] : memref<3x32xf32, #tpu.memory_space<smem>>
    %mul3A_1159 = vector.broadcast %get3A_1158 : f32 to vector<1000x128xf32>
    %mul3A_1160 = arith.mulf %add3A_322, %mul3A_1159 : vector<1000x128xf32>
    %add3A_1161 = arith.addf %mul3A_1155, %mul3A_1160 : vector<1000x128xf32>
    %get3A_1162 = arith.constant 2 : index
    %get3A_1163 = arith.constant 24 : index
    %get3A_1164 = memref.load %arg13[%get3A_1162, %get3A_1163] : memref<3x32xf32, #tpu.memory_space<smem>>
    %mul3A_1165 = vector.broadcast %get3A_1164 : f32 to vector<1000x128xf32>
    %mul3A_1166 = arith.mulf %add3A_333, %mul3A_1165 : vector<1000x128xf32>
    %add3A_1167 = arith.addf %add3A_1161, %mul3A_1166 : vector<1000x128xf32>
    %get3A_1168 = arith.constant 24 : index
    %get3A_1169 = memref.load %arg14[%get3A_1168] : memref<32xf32, #tpu.memory_space<smem>>
    %add3A_1170 = vector.broadcast %get3A_1169 : f32 to vector<1000x128xf32>
    %add3A_1171 = arith.addf %add3A_1167, %add3A_1170 : vector<1000x128xf32>
    %get3A_1172 = arith.constant 24 : index
    %get3A_1173 = arith.constant 0 : index
    %get3A_1174 = memref.load %arg15[%get3A_1172, %get3A_1173] : memref<32x1xf32, #tpu.memory_space<smem>>
    %logistic3A_1175 = arith.negf %add3A_1171 : vector<1000x128xf32>
    %logistic3A_1176 = math.exp %logistic3A_1175 : vector<1000x128xf32>
    %logistic3A_1177 = arith.constant 1.000000e+00 : f32
    %logistic3A_1178 = vector.broadcast %logistic3A_1177 : f32 to vector<1000x128xf32>
    %logistic3A_1179 = arith.addf %logistic3A_1178, %logistic3A_1176 : vector<1000x128xf32>
    %logistic3A_1180 = arith.divf %logistic3A_1178, %logistic3A_1179 : vector<1000x128xf32>
    %mul3A_1181 = arith.mulf %add3A_1171, %logistic3A_1180 : vector<1000x128xf32>
    %mul3A_1182 = vector.broadcast %get3A_1174 : f32 to vector<1000x128xf32>
    %mul3A_1183 = arith.mulf %mul3A_1182, %mul3A_1181 : vector<1000x128xf32>
    %add3A_1184 = arith.addf %add3A_1150, %mul3A_1183 : vector<1000x128xf32>
    %get3A_1185 = arith.constant 0 : index
    %get3A_1186 = arith.constant 25 : index
    %get3A_1187 = memref.load %arg13[%get3A_1185, %get3A_1186] : memref<3x32xf32, #tpu.memory_space<smem>>
    %mul3A_1188 = vector.broadcast %get3A_1187 : f32 to vector<1000x128xf32>
    %mul3A_1189 = arith.mulf %add3A_311, %mul3A_1188 : vector<1000x128xf32>
    %get3A_1190 = arith.constant 1 : index
    %get3A_1191 = arith.constant 25 : index
    %get3A_1192 = memref.load %arg13[%get3A_1190, %get3A_1191] : memref<3x32xf32, #tpu.memory_space<smem>>
    %mul3A_1193 = vector.broadcast %get3A_1192 : f32 to vector<1000x128xf32>
    %mul3A_1194 = arith.mulf %add3A_322, %mul3A_1193 : vector<1000x128xf32>
    %add3A_1195 = arith.addf %mul3A_1189, %mul3A_1194 : vector<1000x128xf32>
    %get3A_1196 = arith.constant 2 : index
    %get3A_1197 = arith.constant 25 : index
    %get3A_1198 = memref.load %arg13[%get3A_1196, %get3A_1197] : memref<3x32xf32, #tpu.memory_space<smem>>
    %mul3A_1199 = vector.broadcast %get3A_1198 : f32 to vector<1000x128xf32>
    %mul3A_1200 = arith.mulf %add3A_333, %mul3A_1199 : vector<1000x128xf32>
    %add3A_1201 = arith.addf %add3A_1195, %mul3A_1200 : vector<1000x128xf32>
    %get3A_1202 = arith.constant 25 : index
    %get3A_1203 = memref.load %arg14[%get3A_1202] : memref<32xf32, #tpu.memory_space<smem>>
    %add3A_1204 = vector.broadcast %get3A_1203 : f32 to vector<1000x128xf32>
    %add3A_1205 = arith.addf %add3A_1201, %add3A_1204 : vector<1000x128xf32>
    %get3A_1206 = arith.constant 25 : index
    %get3A_1207 = arith.constant 0 : index
    %get3A_1208 = memref.load %arg15[%get3A_1206, %get3A_1207] : memref<32x1xf32, #tpu.memory_space<smem>>
    %logistic3A_1209 = arith.negf %add3A_1205 : vector<1000x128xf32>
    %logistic3A_1210 = math.exp %logistic3A_1209 : vector<1000x128xf32>
    %logistic3A_1211 = arith.constant 1.000000e+00 : f32
    %logistic3A_1212 = vector.broadcast %logistic3A_1211 : f32 to vector<1000x128xf32>
    %logistic3A_1213 = arith.addf %logistic3A_1212, %logistic3A_1210 : vector<1000x128xf32>
    %logistic3A_1214 = arith.divf %logistic3A_1212, %logistic3A_1213 : vector<1000x128xf32>
    %mul3A_1215 = arith.mulf %add3A_1205, %logistic3A_1214 : vector<1000x128xf32>
    %mul3A_1216 = vector.broadcast %get3A_1208 : f32 to vector<1000x128xf32>
    %mul3A_1217 = arith.mulf %mul3A_1216, %mul3A_1215 : vector<1000x128xf32>
    %add3A_1218 = arith.addf %add3A_1184, %mul3A_1217 : vector<1000x128xf32>
    %get3A_1219 = arith.constant 0 : index
    %get3A_1220 = arith.constant 26 : index
    %get3A_1221 = memref.load %arg13[%get3A_1219, %get3A_1220] : memref<3x32xf32, #tpu.memory_space<smem>>
    %mul3A_1222 = vector.broadcast %get3A_1221 : f32 to vector<1000x128xf32>
    %mul3A_1223 = arith.mulf %add3A_311, %mul3A_1222 : vector<1000x128xf32>
    %get3A_1224 = arith.constant 1 : index
    %get3A_1225 = arith.constant 26 : index
    %get3A_1226 = memref.load %arg13[%get3A_1224, %get3A_1225] : memref<3x32xf32, #tpu.memory_space<smem>>
    %mul3A_1227 = vector.broadcast %get3A_1226 : f32 to vector<1000x128xf32>
    %mul3A_1228 = arith.mulf %add3A_322, %mul3A_1227 : vector<1000x128xf32>
    %add3A_1229 = arith.addf %mul3A_1223, %mul3A_1228 : vector<1000x128xf32>
    %get3A_1230 = arith.constant 2 : index
    %get3A_1231 = arith.constant 26 : index
    %get3A_1232 = memref.load %arg13[%get3A_1230, %get3A_1231] : memref<3x32xf32, #tpu.memory_space<smem>>
    %mul3A_1233 = vector.broadcast %get3A_1232 : f32 to vector<1000x128xf32>
    %mul3A_1234 = arith.mulf %add3A_333, %mul3A_1233 : vector<1000x128xf32>
    %add3A_1235 = arith.addf %add3A_1229, %mul3A_1234 : vector<1000x128xf32>
    %get3A_1236 = arith.constant 26 : index
    %get3A_1237 = memref.load %arg14[%get3A_1236] : memref<32xf32, #tpu.memory_space<smem>>
    %add3A_1238 = vector.broadcast %get3A_1237 : f32 to vector<1000x128xf32>
    %add3A_1239 = arith.addf %add3A_1235, %add3A_1238 : vector<1000x128xf32>
    %get3A_1240 = arith.constant 26 : index
    %get3A_1241 = arith.constant 0 : index
    %get3A_1242 = memref.load %arg15[%get3A_1240, %get3A_1241] : memref<32x1xf32, #tpu.memory_space<smem>>
    %logistic3A_1243 = arith.negf %add3A_1239 : vector<1000x128xf32>
    %logistic3A_1244 = math.exp %logistic3A_1243 : vector<1000x128xf32>
    %logistic3A_1245 = arith.constant 1.000000e+00 : f32
    %logistic3A_1246 = vector.broadcast %logistic3A_1245 : f32 to vector<1000x128xf32>
    %logistic3A_1247 = arith.addf %logistic3A_1246, %logistic3A_1244 : vector<1000x128xf32>
    %logistic3A_1248 = arith.divf %logistic3A_1246, %logistic3A_1247 : vector<1000x128xf32>
    %mul3A_1249 = arith.mulf %add3A_1239, %logistic3A_1248 : vector<1000x128xf32>
    %mul3A_1250 = vector.broadcast %get3A_1242 : f32 to vector<1000x128xf32>
    %mul3A_1251 = arith.mulf %mul3A_1250, %mul3A_1249 : vector<1000x128xf32>
    %add3A_1252 = arith.addf %add3A_1218, %mul3A_1251 : vector<1000x128xf32>
    %get3A_1253 = arith.constant 0 : index
    %get3A_1254 = arith.constant 27 : index
    %get3A_1255 = memref.load %arg13[%get3A_1253, %get3A_1254] : memref<3x32xf32, #tpu.memory_space<smem>>
    %mul3A_1256 = vector.broadcast %get3A_1255 : f32 to vector<1000x128xf32>
    %mul3A_1257 = arith.mulf %add3A_311, %mul3A_1256 : vector<1000x128xf32>
    %get3A_1258 = arith.constant 1 : index
    %get3A_1259 = arith.constant 27 : index
    %get3A_1260 = memref.load %arg13[%get3A_1258, %get3A_1259] : memref<3x32xf32, #tpu.memory_space<smem>>
    %mul3A_1261 = vector.broadcast %get3A_1260 : f32 to vector<1000x128xf32>
    %mul3A_1262 = arith.mulf %add3A_322, %mul3A_1261 : vector<1000x128xf32>
    %add3A_1263 = arith.addf %mul3A_1257, %mul3A_1262 : vector<1000x128xf32>
    %get3A_1264 = arith.constant 2 : index
    %get3A_1265 = arith.constant 27 : index
    %get3A_1266 = memref.load %arg13[%get3A_1264, %get3A_1265] : memref<3x32xf32, #tpu.memory_space<smem>>
    %mul3A_1267 = vector.broadcast %get3A_1266 : f32 to vector<1000x128xf32>
    %mul3A_1268 = arith.mulf %add3A_333, %mul3A_1267 : vector<1000x128xf32>
    %add3A_1269 = arith.addf %add3A_1263, %mul3A_1268 : vector<1000x128xf32>
    %get3A_1270 = arith.constant 27 : index
    %get3A_1271 = memref.load %arg14[%get3A_1270] : memref<32xf32, #tpu.memory_space<smem>>
    %add3A_1272 = vector.broadcast %get3A_1271 : f32 to vector<1000x128xf32>
    %add3A_1273 = arith.addf %add3A_1269, %add3A_1272 : vector<1000x128xf32>
    %get3A_1274 = arith.constant 27 : index
    %get3A_1275 = arith.constant 0 : index
    %get3A_1276 = memref.load %arg15[%get3A_1274, %get3A_1275] : memref<32x1xf32, #tpu.memory_space<smem>>
    %logistic3A_1277 = arith.negf %add3A_1273 : vector<1000x128xf32>
    %logistic3A_1278 = math.exp %logistic3A_1277 : vector<1000x128xf32>
    %logistic3A_1279 = arith.constant 1.000000e+00 : f32
    %logistic3A_1280 = vector.broadcast %logistic3A_1279 : f32 to vector<1000x128xf32>
    %logistic3A_1281 = arith.addf %logistic3A_1280, %logistic3A_1278 : vector<1000x128xf32>
    %logistic3A_1282 = arith.divf %logistic3A_1280, %logistic3A_1281 : vector<1000x128xf32>
    %mul3A_1283 = arith.mulf %add3A_1273, %logistic3A_1282 : vector<1000x128xf32>
    %mul3A_1284 = vector.broadcast %get3A_1276 : f32 to vector<1000x128xf32>
    %mul3A_1285 = arith.mulf %mul3A_1284, %mul3A_1283 : vector<1000x128xf32>
    %add3A_1286 = arith.addf %add3A_1252, %mul3A_1285 : vector<1000x128xf32>
    %get3A_1287 = arith.constant 0 : index
    %get3A_1288 = arith.constant 28 : index
    %get3A_1289 = memref.load %arg13[%get3A_1287, %get3A_1288] : memref<3x32xf32, #tpu.memory_space<smem>>
    %mul3A_1290 = vector.broadcast %get3A_1289 : f32 to vector<1000x128xf32>
    %mul3A_1291 = arith.mulf %add3A_311, %mul3A_1290 : vector<1000x128xf32>
    %get3A_1292 = arith.constant 1 : index
    %get3A_1293 = arith.constant 28 : index
    %get3A_1294 = memref.load %arg13[%get3A_1292, %get3A_1293] : memref<3x32xf32, #tpu.memory_space<smem>>
    %mul3A_1295 = vector.broadcast %get3A_1294 : f32 to vector<1000x128xf32>
    %mul3A_1296 = arith.mulf %add3A_322, %mul3A_1295 : vector<1000x128xf32>
    %add3A_1297 = arith.addf %mul3A_1291, %mul3A_1296 : vector<1000x128xf32>
    %get3A_1298 = arith.constant 2 : index
    %get3A_1299 = arith.constant 28 : index
    %get3A_1300 = memref.load %arg13[%get3A_1298, %get3A_1299] : memref<3x32xf32, #tpu.memory_space<smem>>
    %mul3A_1301 = vector.broadcast %get3A_1300 : f32 to vector<1000x128xf32>
    %mul3A_1302 = arith.mulf %add3A_333, %mul3A_1301 : vector<1000x128xf32>
    %add3A_1303 = arith.addf %add3A_1297, %mul3A_1302 : vector<1000x128xf32>
    %get3A_1304 = arith.constant 28 : index
    %get3A_1305 = memref.load %arg14[%get3A_1304] : memref<32xf32, #tpu.memory_space<smem>>
    %add3A_1306 = vector.broadcast %get3A_1305 : f32 to vector<1000x128xf32>
    %add3A_1307 = arith.addf %add3A_1303, %add3A_1306 : vector<1000x128xf32>
    %get3A_1308 = arith.constant 28 : index
    %get3A_1309 = arith.constant 0 : index
    %get3A_1310 = memref.load %arg15[%get3A_1308, %get3A_1309] : memref<32x1xf32, #tpu.memory_space<smem>>
    %logistic3A_1311 = arith.negf %add3A_1307 : vector<1000x128xf32>
    %logistic3A_1312 = math.exp %logistic3A_1311 : vector<1000x128xf32>
    %logistic3A_1313 = arith.constant 1.000000e+00 : f32
    %logistic3A_1314 = vector.broadcast %logistic3A_1313 : f32 to vector<1000x128xf32>
    %logistic3A_1315 = arith.addf %logistic3A_1314, %logistic3A_1312 : vector<1000x128xf32>
    %logistic3A_1316 = arith.divf %logistic3A_1314, %logistic3A_1315 : vector<1000x128xf32>
    %mul3A_1317 = arith.mulf %add3A_1307, %logistic3A_1316 : vector<1000x128xf32>
    %mul3A_1318 = vector.broadcast %get3A_1310 : f32 to vector<1000x128xf32>
    %mul3A_1319 = arith.mulf %mul3A_1318, %mul3A_1317 : vector<1000x128xf32>
    %add3A_1320 = arith.addf %add3A_1286, %mul3A_1319 : vector<1000x128xf32>
    %get3A_1321 = arith.constant 0 : index
    %get3A_1322 = arith.constant 29 : index
    %get3A_1323 = memref.load %arg13[%get3A_1321, %get3A_1322] : memref<3x32xf32, #tpu.memory_space<smem>>
    %mul3A_1324 = vector.broadcast %get3A_1323 : f32 to vector<1000x128xf32>
    %mul3A_1325 = arith.mulf %add3A_311, %mul3A_1324 : vector<1000x128xf32>
    %get3A_1326 = arith.constant 1 : index
    %get3A_1327 = arith.constant 29 : index
    %get3A_1328 = memref.load %arg13[%get3A_1326, %get3A_1327] : memref<3x32xf32, #tpu.memory_space<smem>>
    %mul3A_1329 = vector.broadcast %get3A_1328 : f32 to vector<1000x128xf32>
    %mul3A_1330 = arith.mulf %add3A_322, %mul3A_1329 : vector<1000x128xf32>
    %add3A_1331 = arith.addf %mul3A_1325, %mul3A_1330 : vector<1000x128xf32>
    %get3A_1332 = arith.constant 2 : index
    %get3A_1333 = arith.constant 29 : index
    %get3A_1334 = memref.load %arg13[%get3A_1332, %get3A_1333] : memref<3x32xf32, #tpu.memory_space<smem>>
    %mul3A_1335 = vector.broadcast %get3A_1334 : f32 to vector<1000x128xf32>
    %mul3A_1336 = arith.mulf %add3A_333, %mul3A_1335 : vector<1000x128xf32>
    %add3A_1337 = arith.addf %add3A_1331, %mul3A_1336 : vector<1000x128xf32>
    %get3A_1338 = arith.constant 29 : index
    %get3A_1339 = memref.load %arg14[%get3A_1338] : memref<32xf32, #tpu.memory_space<smem>>
    %add3A_1340 = vector.broadcast %get3A_1339 : f32 to vector<1000x128xf32>
    %add3A_1341 = arith.addf %add3A_1337, %add3A_1340 : vector<1000x128xf32>
    %get3A_1342 = arith.constant 29 : index
    %get3A_1343 = arith.constant 0 : index
    %get3A_1344 = memref.load %arg15[%get3A_1342, %get3A_1343] : memref<32x1xf32, #tpu.memory_space<smem>>
    %logistic3A_1345 = arith.negf %add3A_1341 : vector<1000x128xf32>
    %logistic3A_1346 = math.exp %logistic3A_1345 : vector<1000x128xf32>
    %logistic3A_1347 = arith.constant 1.000000e+00 : f32
    %logistic3A_1348 = vector.broadcast %logistic3A_1347 : f32 to vector<1000x128xf32>
    %logistic3A_1349 = arith.addf %logistic3A_1348, %logistic3A_1346 : vector<1000x128xf32>
    %logistic3A_1350 = arith.divf %logistic3A_1348, %logistic3A_1349 : vector<1000x128xf32>
    %mul3A_1351 = arith.mulf %add3A_1341, %logistic3A_1350 : vector<1000x128xf32>
    %mul3A_1352 = vector.broadcast %get3A_1344 : f32 to vector<1000x128xf32>
    %mul3A_1353 = arith.mulf %mul3A_1352, %mul3A_1351 : vector<1000x128xf32>
    %add3A_1354 = arith.addf %add3A_1320, %mul3A_1353 : vector<1000x128xf32>
    %get3A_1355 = arith.constant 0 : index
    %get3A_1356 = arith.constant 30 : index
    %get3A_1357 = memref.load %arg13[%get3A_1355, %get3A_1356] : memref<3x32xf32, #tpu.memory_space<smem>>
    %mul3A_1358 = vector.broadcast %get3A_1357 : f32 to vector<1000x128xf32>
    %mul3A_1359 = arith.mulf %add3A_311, %mul3A_1358 : vector<1000x128xf32>
    %get3A_1360 = arith.constant 1 : index
    %get3A_1361 = arith.constant 30 : index
    %get3A_1362 = memref.load %arg13[%get3A_1360, %get3A_1361] : memref<3x32xf32, #tpu.memory_space<smem>>
    %mul3A_1363 = vector.broadcast %get3A_1362 : f32 to vector<1000x128xf32>
    %mul3A_1364 = arith.mulf %add3A_322, %mul3A_1363 : vector<1000x128xf32>
    %add3A_1365 = arith.addf %mul3A_1359, %mul3A_1364 : vector<1000x128xf32>
    %get3A_1366 = arith.constant 2 : index
    %get3A_1367 = arith.constant 30 : index
    %get3A_1368 = memref.load %arg13[%get3A_1366, %get3A_1367] : memref<3x32xf32, #tpu.memory_space<smem>>
    %mul3A_1369 = vector.broadcast %get3A_1368 : f32 to vector<1000x128xf32>
    %mul3A_1370 = arith.mulf %add3A_333, %mul3A_1369 : vector<1000x128xf32>
    %add3A_1371 = arith.addf %add3A_1365, %mul3A_1370 : vector<1000x128xf32>
    %get3A_1372 = arith.constant 30 : index
    %get3A_1373 = memref.load %arg14[%get3A_1372] : memref<32xf32, #tpu.memory_space<smem>>
    %add3A_1374 = vector.broadcast %get3A_1373 : f32 to vector<1000x128xf32>
    %add3A_1375 = arith.addf %add3A_1371, %add3A_1374 : vector<1000x128xf32>
    %get3A_1376 = arith.constant 30 : index
    %get3A_1377 = arith.constant 0 : index
    %get3A_1378 = memref.load %arg15[%get3A_1376, %get3A_1377] : memref<32x1xf32, #tpu.memory_space<smem>>
    %logistic3A_1379 = arith.negf %add3A_1375 : vector<1000x128xf32>
    %logistic3A_1380 = math.exp %logistic3A_1379 : vector<1000x128xf32>
    %logistic3A_1381 = arith.constant 1.000000e+00 : f32
    %logistic3A_1382 = vector.broadcast %logistic3A_1381 : f32 to vector<1000x128xf32>
    %logistic3A_1383 = arith.addf %logistic3A_1382, %logistic3A_1380 : vector<1000x128xf32>
    %logistic3A_1384 = arith.divf %logistic3A_1382, %logistic3A_1383 : vector<1000x128xf32>
    %mul3A_1385 = arith.mulf %add3A_1375, %logistic3A_1384 : vector<1000x128xf32>
    %mul3A_1386 = vector.broadcast %get3A_1378 : f32 to vector<1000x128xf32>
    %mul3A_1387 = arith.mulf %mul3A_1386, %mul3A_1385 : vector<1000x128xf32>
    %add3A_1388 = arith.addf %add3A_1354, %mul3A_1387 : vector<1000x128xf32>
    %get3A_1389 = arith.constant 0 : index
    %get3A_1390 = arith.constant 31 : index
    %get3A_1391 = memref.load %arg13[%get3A_1389, %get3A_1390] : memref<3x32xf32, #tpu.memory_space<smem>>
    %mul3A_1392 = vector.broadcast %get3A_1391 : f32 to vector<1000x128xf32>
    %mul3A_1393 = arith.mulf %add3A_311, %mul3A_1392 : vector<1000x128xf32>
    %get3A_1394 = arith.constant 1 : index
    %get3A_1395 = arith.constant 31 : index
    %get3A_1396 = memref.load %arg13[%get3A_1394, %get3A_1395] : memref<3x32xf32, #tpu.memory_space<smem>>
    %mul3A_1397 = vector.broadcast %get3A_1396 : f32 to vector<1000x128xf32>
    %mul3A_1398 = arith.mulf %add3A_322, %mul3A_1397 : vector<1000x128xf32>
    %add3A_1399 = arith.addf %mul3A_1393, %mul3A_1398 : vector<1000x128xf32>
    %get3A_1400 = arith.constant 2 : index
    %get3A_1401 = arith.constant 31 : index
    %get3A_1402 = memref.load %arg13[%get3A_1400, %get3A_1401] : memref<3x32xf32, #tpu.memory_space<smem>>
    %mul3A_1403 = vector.broadcast %get3A_1402 : f32 to vector<1000x128xf32>
    %mul3A_1404 = arith.mulf %add3A_333, %mul3A_1403 : vector<1000x128xf32>
    %add3A_1405 = arith.addf %add3A_1399, %mul3A_1404 : vector<1000x128xf32>
    %get3A_1406 = arith.constant 31 : index
    %get3A_1407 = memref.load %arg14[%get3A_1406] : memref<32xf32, #tpu.memory_space<smem>>
    %add3A_1408 = vector.broadcast %get3A_1407 : f32 to vector<1000x128xf32>
    %add3A_1409 = arith.addf %add3A_1405, %add3A_1408 : vector<1000x128xf32>
    %get3A_1410 = arith.constant 31 : index
    %get3A_1411 = arith.constant 0 : index
    %get3A_1412 = memref.load %arg15[%get3A_1410, %get3A_1411] : memref<32x1xf32, #tpu.memory_space<smem>>
    %logistic3A_1413 = arith.negf %add3A_1409 : vector<1000x128xf32>
    %logistic3A_1414 = math.exp %logistic3A_1413 : vector<1000x128xf32>
    %logistic3A_1415 = arith.constant 1.000000e+00 : f32
    %logistic3A_1416 = vector.broadcast %logistic3A_1415 : f32 to vector<1000x128xf32>
    %logistic3A_1417 = arith.addf %logistic3A_1416, %logistic3A_1414 : vector<1000x128xf32>
    %logistic3A_1418 = arith.divf %logistic3A_1416, %logistic3A_1417 : vector<1000x128xf32>
    %mul3A_1419 = arith.mulf %add3A_1409, %logistic3A_1418 : vector<1000x128xf32>
    %mul3A_1420 = vector.broadcast %get3A_1412 : f32 to vector<1000x128xf32>
    %mul3A_1421 = arith.mulf %mul3A_1420, %mul3A_1419 : vector<1000x128xf32>
    %add3A_1422 = arith.addf %add3A_1388, %mul3A_1421 : vector<1000x128xf32>
    %get3A_1423 = arith.constant 0 : index
    %get3A_1424 = memref.load %arg16[%get3A_1423] : memref<1xf32, #tpu.memory_space<smem>>
    %add3A_1425 = vector.broadcast %get3A_1424 : f32 to vector<1000x128xf32>
    %add3A_1426 = arith.addf %add3A_1422, %add3A_1425 : vector<1000x128xf32>
    %add3A_1427 = arith.addf %add3A_1426, %add3A_311 : vector<1000x128xf32>
    %dot_general3A_1428 = arith.constant dense<0.000000e+00> : vector<1000x256xf32>
    %dot_general3A_1429 = tpu.matmul %add3A_1427, %get3A_250, %dot_general3A_1428 {dimension_numbers = #tpu.dot_dimension_numbers<[1], [0], [0], [1], [0, 0, 1, 1], [], []>, transpose_lhs_hint = false} : vector<1000x128xf32>, vector<128x256xf32>, vector<1000x256xf32> -> vector<1000x256xf32>
    %add3A_1430 = vector.broadcast %get3A_253 : vector<1x256xf32> to vector<1000x256xf32>
    %add3A_1431 = arith.addf %dot_general3A_1429, %add3A_1430 : vector<1000x256xf32>
    %mul3A_1432 = vector.broadcast %get3A_256 : vector<1x256xf32> to vector<1000x256xf32>
    %mul3A_1433 = arith.mulf %add3A_1431, %mul3A_1432 : vector<1000x256xf32>
    %add3A_1434 = vector.broadcast %get3A_259 : vector<1x256xf32> to vector<1000x256xf32>
    %add3A_1435 = arith.addf %mul3A_1433, %add3A_1434 : vector<1000x256xf32>
    %max3A_1436 = arith.constant 0.000000e+00 : f32
    %max3A_1437 = vector.broadcast %max3A_1436 : f32 to vector<1000x256xf32>
    %max3A_1438 = arith.maximumf %add3A_1435, %max3A_1437 : vector<1000x256xf32>
    %dot_general3A_1439 = arith.constant dense<0.000000e+00> : vector<1000x128xf32>
    %dot_general3A_1440 = tpu.matmul %max3A_1438, %get3A_262, %dot_general3A_1439 {dimension_numbers = #tpu.dot_dimension_numbers<[1], [0], [0], [1], [0, 0, 1, 1], [], []>, transpose_lhs_hint = false} : vector<1000x256xf32>, vector<256x128xf32>, vector<1000x128xf32> -> vector<1000x128xf32>
    %add3A_1441 = vector.broadcast %get3A_265 : vector<1x128xf32> to vector<1000x128xf32>
    %add3A_1442 = arith.addf %dot_general3A_1440, %add3A_1441 : vector<1000x128xf32>
    %sub3A_1443 = vector.broadcast %sqrt3A_194 : vector<1000x1xf32> to vector<1000x64xf32>
    %sub3A_1444 = arith.subf %sub3A_1443, %mul3A_268 : vector<1000x64xf32>
    %integer_pow3A_1445 = arith.mulf %sub3A_1444, %sub3A_1444 : vector<1000x64xf32>
    %mul3A_1446 = arith.constant -1.000000e+01 : f32
    %mul3A_1447 = vector.broadcast %mul3A_1446 : f32 to vector<1000x64xf32>
    %mul3A_1448 = arith.mulf %mul3A_1447, %integer_pow3A_1445 : vector<1000x64xf32>
    %exp3A_1449 = math.exp %mul3A_1448 : vector<1000x64xf32>
    %dot_general3A_1450 = arith.constant dense<0.000000e+00> : vector<1000x128xf32>
    %dot_general3A_1451 = tpu.matmul %exp3A_1449, %get3A_238, %dot_general3A_1450 {dimension_numbers = #tpu.dot_dimension_numbers<[1], [0], [0], [1], [0, 0, 1, 1], [], []>, transpose_lhs_hint = false} : vector<1000x64xf32>, vector<64x128xf32>, vector<1000x128xf32> -> vector<1000x128xf32>
    %add3A_1452 = vector.broadcast %get3A_241 : vector<1x128xf32> to vector<1000x128xf32>
    %add3A_1453 = arith.addf %dot_general3A_1451, %add3A_1452 : vector<1000x128xf32>
    %mul3A_1454 = arith.mulf %add3A_1453, %add3A_113 : vector<1000x128xf32>
    %mul3A_1455 = arith.mulf %mul3A_1454, %add3A_167 : vector<1000x128xf32>
    %slice3A_1456 = vector.extract_strided_slice %sub3A_186 {offsets = [0, 0], sizes = [1000, 1], strides = [1, 1]} : vector<1000x3xf32> to vector<1000x1xf32>
    %mul3A_1457 = vector.broadcast %slice3A_1456 : vector<1000x1xf32> to vector<1000x128xf32>
    %mul3A_1458 = arith.mulf %mul3A_1457, %mul3A_1455 : vector<1000x128xf32>
    %dot_general3A_1459 = arith.constant dense<0.000000e+00> : vector<1000x128xf32>
    %dot_general3A_1460 = tpu.matmul %mul3A_1458, %get3A_244, %dot_general3A_1459 {dimension_numbers = #tpu.dot_dimension_numbers<[1], [0], [0], [1], [0, 0, 1, 1], [], []>, transpose_lhs_hint = false} : vector<1000x128xf32>, vector<128x128xf32>, vector<1000x128xf32> -> vector<1000x128xf32>
    %add3A_1461 = vector.broadcast %get3A_247 : vector<1x128xf32> to vector<1000x128xf32>
    %add3A_1462 = arith.addf %dot_general3A_1460, %add3A_1461 : vector<1000x128xf32>
    %slice3A_1463 = vector.extract_strided_slice %sub3A_186 {offsets = [0, 1], sizes = [1000, 1], strides = [1, 1]} : vector<1000x3xf32> to vector<1000x1xf32>
    %mul3A_1464 = vector.broadcast %slice3A_1463 : vector<1000x1xf32> to vector<1000x128xf32>
    %mul3A_1465 = arith.mulf %mul3A_1464, %mul3A_1455 : vector<1000x128xf32>
    %dot_general3A_1466 = arith.constant dense<0.000000e+00> : vector<1000x128xf32>
    %dot_general3A_1467 = tpu.matmul %mul3A_1465, %get3A_244, %dot_general3A_1466 {dimension_numbers = #tpu.dot_dimension_numbers<[1], [0], [0], [1], [0, 0, 1, 1], [], []>, transpose_lhs_hint = false} : vector<1000x128xf32>, vector<128x128xf32>, vector<1000x128xf32> -> vector<1000x128xf32>
    %add3A_1468 = vector.broadcast %get3A_247 : vector<1x128xf32> to vector<1000x128xf32>
    %add3A_1469 = arith.addf %dot_general3A_1467, %add3A_1468 : vector<1000x128xf32>
    %slice3A_1470 = vector.extract_strided_slice %sub3A_186 {offsets = [0, 2], sizes = [1000, 1], strides = [1, 1]} : vector<1000x3xf32> to vector<1000x1xf32>
    %mul3A_1471 = vector.broadcast %slice3A_1470 : vector<1000x1xf32> to vector<1000x128xf32>
    %mul3A_1472 = arith.mulf %mul3A_1471, %mul3A_1455 : vector<1000x128xf32>
    %dot_general3A_1473 = arith.constant dense<0.000000e+00> : vector<1000x128xf32>
    %dot_general3A_1474 = tpu.matmul %mul3A_1472, %get3A_244, %dot_general3A_1473 {dimension_numbers = #tpu.dot_dimension_numbers<[1], [0], [0], [1], [0, 0, 1, 1], [], []>, transpose_lhs_hint = false} : vector<1000x128xf32>, vector<128x128xf32>, vector<1000x128xf32> -> vector<1000x128xf32>
    %add3A_1475 = vector.broadcast %get3A_247 : vector<1x128xf32> to vector<1000x128xf32>
    %add3A_1476 = arith.addf %dot_general3A_1474, %add3A_1475 : vector<1000x128xf32>
    %slice3A_1477 = vector.extract_strided_slice %div3A_185 {offsets = [0, 0], sizes = [1000, 1], strides = [1, 1]} : vector<1000x3xf32> to vector<1000x1xf32>
    %mul3A_1478 = vector.broadcast %slice3A_1477 : vector<1000x1xf32> to vector<1000x128xf32>
    %mul3A_1479 = arith.mulf %add3A_1462, %mul3A_1478 : vector<1000x128xf32>
    %slice3A_1480 = vector.extract_strided_slice %div3A_185 {offsets = [0, 1], sizes = [1000, 1], strides = [1, 1]} : vector<1000x3xf32> to vector<1000x1xf32>
    %mul3A_1481 = vector.broadcast %slice3A_1480 : vector<1000x1xf32> to vector<1000x128xf32>
    %mul3A_1482 = arith.mulf %add3A_1469, %mul3A_1481 : vector<1000x128xf32>
    %add3A_1483 = arith.addf %mul3A_1479, %mul3A_1482 : vector<1000x128xf32>
    %slice3A_1484 = vector.extract_strided_slice %div3A_185 {offsets = [0, 2], sizes = [1000, 1], strides = [1, 1]} : vector<1000x3xf32> to vector<1000x1xf32>
    %mul3A_1485 = vector.broadcast %slice3A_1484 : vector<1000x1xf32> to vector<1000x128xf32>
    %mul3A_1486 = arith.mulf %add3A_1476, %mul3A_1485 : vector<1000x128xf32>
    %add3A_1487 = arith.addf %add3A_1483, %mul3A_1486 : vector<1000x128xf32>
    %slice3A_1488 = vector.extract_strided_slice %div3A_199 {offsets = [0, 0], sizes = [1000, 1], strides = [1, 1]} : vector<1000x3xf32> to vector<1000x1xf32>
    %mul3A_1489 = vector.broadcast %slice3A_1488 : vector<1000x1xf32> to vector<1000x128xf32>
    %mul3A_1490 = arith.mulf %add3A_1462, %mul3A_1489 : vector<1000x128xf32>
    %slice3A_1491 = vector.extract_strided_slice %div3A_199 {offsets = [0, 1], sizes = [1000, 1], strides = [1, 1]} : vector<1000x3xf32> to vector<1000x1xf32>
    %mul3A_1492 = vector.broadcast %slice3A_1491 : vector<1000x1xf32> to vector<1000x128xf32>
    %mul3A_1493 = arith.mulf %add3A_1469, %mul3A_1492 : vector<1000x128xf32>
    %add3A_1494 = arith.addf %mul3A_1490, %mul3A_1493 : vector<1000x128xf32>
    %slice3A_1495 = vector.extract_strided_slice %div3A_199 {offsets = [0, 2], sizes = [1000, 1], strides = [1, 1]} : vector<1000x3xf32> to vector<1000x1xf32>
    %mul3A_1496 = vector.broadcast %slice3A_1495 : vector<1000x1xf32> to vector<1000x128xf32>
    %mul3A_1497 = arith.mulf %add3A_1476, %mul3A_1496 : vector<1000x128xf32>
    %add3A_1498 = arith.addf %add3A_1494, %mul3A_1497 : vector<1000x128xf32>
    %slice3A_1499 = vector.extract_strided_slice %concatenate3A {offsets = [0, 0], sizes = [1000, 1], strides = [1, 1]} : vector<1000x3xf32> to vector<1000x1xf32>
    %mul3A_1500 = vector.broadcast %slice3A_1499 : vector<1000x1xf32> to vector<1000x128xf32>
    %mul3A_1501 = arith.mulf %add3A_1462, %mul3A_1500 : vector<1000x128xf32>
    %slice3A_1502 = vector.extract_strided_slice %concatenate3A {offsets = [0, 1], sizes = [1000, 1], strides = [1, 1]} : vector<1000x3xf32> to vector<1000x1xf32>
    %mul3A_1503 = vector.broadcast %slice3A_1502 : vector<1000x1xf32> to vector<1000x128xf32>
    %mul3A_1504 = arith.mulf %add3A_1469, %mul3A_1503 : vector<1000x128xf32>
    %add3A_1505 = arith.addf %mul3A_1501, %mul3A_1504 : vector<1000x128xf32>
    %slice3A_1506 = vector.extract_strided_slice %concatenate3A {offsets = [0, 2], sizes = [1000, 1], strides = [1, 1]} : vector<1000x3xf32> to vector<1000x1xf32>
    %mul3A_1507 = vector.broadcast %slice3A_1506 : vector<1000x1xf32> to vector<1000x128xf32>
    %mul3A_1508 = arith.mulf %add3A_1476, %mul3A_1507 : vector<1000x128xf32>
    %add3A_1509 = arith.addf %add3A_1505, %mul3A_1508 : vector<1000x128xf32>
    %broadcast_in_dim3A_1510 = arith.constant 0.000000e+00 : f32
    %broadcast_in_dim3A_1511 = vector.broadcast %broadcast_in_dim3A_1510 : f32 to vector<1000x128xf32>
    %get3A_1512 = arith.constant 0 : index
    %get3A_1513 = arith.constant 0 : index
    %get3A_1514 = memref.load %arg13[%get3A_1512, %get3A_1513] : memref<3x32xf32, #tpu.memory_space<smem>>
    %mul3A_1515 = vector.broadcast %get3A_1514 : f32 to vector<1000x128xf32>
    %mul3A_1516 = arith.mulf %add3A_1487, %mul3A_1515 : vector<1000x128xf32>
    %get3A_1517 = arith.constant 1 : index
    %get3A_1518 = arith.constant 0 : index
    %get3A_1519 = memref.load %arg13[%get3A_1517, %get3A_1518] : memref<3x32xf32, #tpu.memory_space<smem>>
    %mul3A_1520 = vector.broadcast %get3A_1519 : f32 to vector<1000x128xf32>
    %mul3A_1521 = arith.mulf %add3A_1498, %mul3A_1520 : vector<1000x128xf32>
    %add3A_1522 = arith.addf %mul3A_1516, %mul3A_1521 : vector<1000x128xf32>
    %get3A_1523 = arith.constant 2 : index
    %get3A_1524 = arith.constant 0 : index
    %get3A_1525 = memref.load %arg13[%get3A_1523, %get3A_1524] : memref<3x32xf32, #tpu.memory_space<smem>>
    %mul3A_1526 = vector.broadcast %get3A_1525 : f32 to vector<1000x128xf32>
    %mul3A_1527 = arith.mulf %add3A_1509, %mul3A_1526 : vector<1000x128xf32>
    %add3A_1528 = arith.addf %add3A_1522, %mul3A_1527 : vector<1000x128xf32>
    %get3A_1529 = arith.constant 0 : index
    %get3A_1530 = memref.load %arg14[%get3A_1529] : memref<32xf32, #tpu.memory_space<smem>>
    %add3A_1531 = vector.broadcast %get3A_1530 : f32 to vector<1000x128xf32>
    %add3A_1532 = arith.addf %add3A_1528, %add3A_1531 : vector<1000x128xf32>
    %get3A_1533 = arith.constant 0 : index
    %get3A_1534 = arith.constant 0 : index
    %get3A_1535 = memref.load %arg15[%get3A_1533, %get3A_1534] : memref<32x1xf32, #tpu.memory_space<smem>>
    %logistic3A_1536 = arith.negf %add3A_1532 : vector<1000x128xf32>
    %logistic3A_1537 = math.exp %logistic3A_1536 : vector<1000x128xf32>
    %logistic3A_1538 = arith.constant 1.000000e+00 : f32
    %logistic3A_1539 = vector.broadcast %logistic3A_1538 : f32 to vector<1000x128xf32>
    %logistic3A_1540 = arith.addf %logistic3A_1539, %logistic3A_1537 : vector<1000x128xf32>
    %logistic3A_1541 = arith.divf %logistic3A_1539, %logistic3A_1540 : vector<1000x128xf32>
    %mul3A_1542 = arith.mulf %add3A_1532, %logistic3A_1541 : vector<1000x128xf32>
    %mul3A_1543 = vector.broadcast %get3A_1535 : f32 to vector<1000x128xf32>
    %mul3A_1544 = arith.mulf %mul3A_1543, %mul3A_1542 : vector<1000x128xf32>
    %add3A_1545 = arith.addf %broadcast_in_dim3A_1511, %mul3A_1544 : vector<1000x128xf32>
    %get3A_1546 = arith.constant 0 : index
    %get3A_1547 = arith.constant 1 : index
    %get3A_1548 = memref.load %arg13[%get3A_1546, %get3A_1547] : memref<3x32xf32, #tpu.memory_space<smem>>
    %mul3A_1549 = vector.broadcast %get3A_1548 : f32 to vector<1000x128xf32>
    %mul3A_1550 = arith.mulf %add3A_1487, %mul3A_1549 : vector<1000x128xf32>
    %get3A_1551 = arith.constant 1 : index
    %get3A_1552 = arith.constant 1 : index
    %get3A_1553 = memref.load %arg13[%get3A_1551, %get3A_1552] : memref<3x32xf32, #tpu.memory_space<smem>>
    %mul3A_1554 = vector.broadcast %get3A_1553 : f32 to vector<1000x128xf32>
    %mul3A_1555 = arith.mulf %add3A_1498, %mul3A_1554 : vector<1000x128xf32>
    %add3A_1556 = arith.addf %mul3A_1550, %mul3A_1555 : vector<1000x128xf32>
    %get3A_1557 = arith.constant 2 : index
    %get3A_1558 = arith.constant 1 : index
    %get3A_1559 = memref.load %arg13[%get3A_1557, %get3A_1558] : memref<3x32xf32, #tpu.memory_space<smem>>
    %mul3A_1560 = vector.broadcast %get3A_1559 : f32 to vector<1000x128xf32>
    %mul3A_1561 = arith.mulf %add3A_1509, %mul3A_1560 : vector<1000x128xf32>
    %add3A_1562 = arith.addf %add3A_1556, %mul3A_1561 : vector<1000x128xf32>
    %get3A_1563 = arith.constant 1 : index
    %get3A_1564 = memref.load %arg14[%get3A_1563] : memref<32xf32, #tpu.memory_space<smem>>
    %add3A_1565 = vector.broadcast %get3A_1564 : f32 to vector<1000x128xf32>
    %add3A_1566 = arith.addf %add3A_1562, %add3A_1565 : vector<1000x128xf32>
    %get3A_1567 = arith.constant 1 : index
    %get3A_1568 = arith.constant 0 : index
    %get3A_1569 = memref.load %arg15[%get3A_1567, %get3A_1568] : memref<32x1xf32, #tpu.memory_space<smem>>
    %logistic3A_1570 = arith.negf %add3A_1566 : vector<1000x128xf32>
    %logistic3A_1571 = math.exp %logistic3A_1570 : vector<1000x128xf32>
    %logistic3A_1572 = arith.constant 1.000000e+00 : f32
    %logistic3A_1573 = vector.broadcast %logistic3A_1572 : f32 to vector<1000x128xf32>
    %logistic3A_1574 = arith.addf %logistic3A_1573, %logistic3A_1571 : vector<1000x128xf32>
    %logistic3A_1575 = arith.divf %logistic3A_1573, %logistic3A_1574 : vector<1000x128xf32>
    %mul3A_1576 = arith.mulf %add3A_1566, %logistic3A_1575 : vector<1000x128xf32>
    %mul3A_1577 = vector.broadcast %get3A_1569 : f32 to vector<1000x128xf32>
    %mul3A_1578 = arith.mulf %mul3A_1577, %mul3A_1576 : vector<1000x128xf32>
    %add3A_1579 = arith.addf %add3A_1545, %mul3A_1578 : vector<1000x128xf32>
    %get3A_1580 = arith.constant 0 : index
    %get3A_1581 = arith.constant 2 : index
    %get3A_1582 = memref.load %arg13[%get3A_1580, %get3A_1581] : memref<3x32xf32, #tpu.memory_space<smem>>
    %mul3A_1583 = vector.broadcast %get3A_1582 : f32 to vector<1000x128xf32>
    %mul3A_1584 = arith.mulf %add3A_1487, %mul3A_1583 : vector<1000x128xf32>
    %get3A_1585 = arith.constant 1 : index
    %get3A_1586 = arith.constant 2 : index
    %get3A_1587 = memref.load %arg13[%get3A_1585, %get3A_1586] : memref<3x32xf32, #tpu.memory_space<smem>>
    %mul3A_1588 = vector.broadcast %get3A_1587 : f32 to vector<1000x128xf32>
    %mul3A_1589 = arith.mulf %add3A_1498, %mul3A_1588 : vector<1000x128xf32>
    %add3A_1590 = arith.addf %mul3A_1584, %mul3A_1589 : vector<1000x128xf32>
    %get3A_1591 = arith.constant 2 : index
    %get3A_1592 = arith.constant 2 : index
    %get3A_1593 = memref.load %arg13[%get3A_1591, %get3A_1592] : memref<3x32xf32, #tpu.memory_space<smem>>
    %mul3A_1594 = vector.broadcast %get3A_1593 : f32 to vector<1000x128xf32>
    %mul3A_1595 = arith.mulf %add3A_1509, %mul3A_1594 : vector<1000x128xf32>
    %add3A_1596 = arith.addf %add3A_1590, %mul3A_1595 : vector<1000x128xf32>
    %get3A_1597 = arith.constant 2 : index
    %get3A_1598 = memref.load %arg14[%get3A_1597] : memref<32xf32, #tpu.memory_space<smem>>
    %add3A_1599 = vector.broadcast %get3A_1598 : f32 to vector<1000x128xf32>
    %add3A_1600 = arith.addf %add3A_1596, %add3A_1599 : vector<1000x128xf32>
    %get3A_1601 = arith.constant 2 : index
    %get3A_1602 = arith.constant 0 : index
    %get3A_1603 = memref.load %arg15[%get3A_1601, %get3A_1602] : memref<32x1xf32, #tpu.memory_space<smem>>
    %logistic3A_1604 = arith.negf %add3A_1600 : vector<1000x128xf32>
    %logistic3A_1605 = math.exp %logistic3A_1604 : vector<1000x128xf32>
    %logistic3A_1606 = arith.constant 1.000000e+00 : f32
    %logistic3A_1607 = vector.broadcast %logistic3A_1606 : f32 to vector<1000x128xf32>
    %logistic3A_1608 = arith.addf %logistic3A_1607, %logistic3A_1605 : vector<1000x128xf32>
    %logistic3A_1609 = arith.divf %logistic3A_1607, %logistic3A_1608 : vector<1000x128xf32>
    %mul3A_1610 = arith.mulf %add3A_1600, %logistic3A_1609 : vector<1000x128xf32>
    %mul3A_1611 = vector.broadcast %get3A_1603 : f32 to vector<1000x128xf32>
    %mul3A_1612 = arith.mulf %mul3A_1611, %mul3A_1610 : vector<1000x128xf32>
    %add3A_1613 = arith.addf %add3A_1579, %mul3A_1612 : vector<1000x128xf32>
    %get3A_1614 = arith.constant 0 : index
    %get3A_1615 = arith.constant 3 : index
    %get3A_1616 = memref.load %arg13[%get3A_1614, %get3A_1615] : memref<3x32xf32, #tpu.memory_space<smem>>
    %mul3A_1617 = vector.broadcast %get3A_1616 : f32 to vector<1000x128xf32>
    %mul3A_1618 = arith.mulf %add3A_1487, %mul3A_1617 : vector<1000x128xf32>
    %get3A_1619 = arith.constant 1 : index
    %get3A_1620 = arith.constant 3 : index
    %get3A_1621 = memref.load %arg13[%get3A_1619, %get3A_1620] : memref<3x32xf32, #tpu.memory_space<smem>>
    %mul3A_1622 = vector.broadcast %get3A_1621 : f32 to vector<1000x128xf32>
    %mul3A_1623 = arith.mulf %add3A_1498, %mul3A_1622 : vector<1000x128xf32>
    %add3A_1624 = arith.addf %mul3A_1618, %mul3A_1623 : vector<1000x128xf32>
    %get3A_1625 = arith.constant 2 : index
    %get3A_1626 = arith.constant 3 : index
    %get3A_1627 = memref.load %arg13[%get3A_1625, %get3A_1626] : memref<3x32xf32, #tpu.memory_space<smem>>
    %mul3A_1628 = vector.broadcast %get3A_1627 : f32 to vector<1000x128xf32>
    %mul3A_1629 = arith.mulf %add3A_1509, %mul3A_1628 : vector<1000x128xf32>
    %add3A_1630 = arith.addf %add3A_1624, %mul3A_1629 : vector<1000x128xf32>
    %get3A_1631 = arith.constant 3 : index
    %get3A_1632 = memref.load %arg14[%get3A_1631] : memref<32xf32, #tpu.memory_space<smem>>
    %add3A_1633 = vector.broadcast %get3A_1632 : f32 to vector<1000x128xf32>
    %add3A_1634 = arith.addf %add3A_1630, %add3A_1633 : vector<1000x128xf32>
    %get3A_1635 = arith.constant 3 : index
    %get3A_1636 = arith.constant 0 : index
    %get3A_1637 = memref.load %arg15[%get3A_1635, %get3A_1636] : memref<32x1xf32, #tpu.memory_space<smem>>
    %logistic3A_1638 = arith.negf %add3A_1634 : vector<1000x128xf32>
    %logistic3A_1639 = math.exp %logistic3A_1638 : vector<1000x128xf32>
    %logistic3A_1640 = arith.constant 1.000000e+00 : f32
    %logistic3A_1641 = vector.broadcast %logistic3A_1640 : f32 to vector<1000x128xf32>
    %logistic3A_1642 = arith.addf %logistic3A_1641, %logistic3A_1639 : vector<1000x128xf32>
    %logistic3A_1643 = arith.divf %logistic3A_1641, %logistic3A_1642 : vector<1000x128xf32>
    %mul3A_1644 = arith.mulf %add3A_1634, %logistic3A_1643 : vector<1000x128xf32>
    %mul3A_1645 = vector.broadcast %get3A_1637 : f32 to vector<1000x128xf32>
    %mul3A_1646 = arith.mulf %mul3A_1645, %mul3A_1644 : vector<1000x128xf32>
    %add3A_1647 = arith.addf %add3A_1613, %mul3A_1646 : vector<1000x128xf32>
    %get3A_1648 = arith.constant 0 : index
    %get3A_1649 = arith.constant 4 : index
    %get3A_1650 = memref.load %arg13[%get3A_1648, %get3A_1649] : memref<3x32xf32, #tpu.memory_space<smem>>
    %mul3A_1651 = vector.broadcast %get3A_1650 : f32 to vector<1000x128xf32>
    %mul3A_1652 = arith.mulf %add3A_1487, %mul3A_1651 : vector<1000x128xf32>
    %get3A_1653 = arith.constant 1 : index
    %get3A_1654 = arith.constant 4 : index
    %get3A_1655 = memref.load %arg13[%get3A_1653, %get3A_1654] : memref<3x32xf32, #tpu.memory_space<smem>>
    %mul3A_1656 = vector.broadcast %get3A_1655 : f32 to vector<1000x128xf32>
    %mul3A_1657 = arith.mulf %add3A_1498, %mul3A_1656 : vector<1000x128xf32>
    %add3A_1658 = arith.addf %mul3A_1652, %mul3A_1657 : vector<1000x128xf32>
    %get3A_1659 = arith.constant 2 : index
    %get3A_1660 = arith.constant 4 : index
    %get3A_1661 = memref.load %arg13[%get3A_1659, %get3A_1660] : memref<3x32xf32, #tpu.memory_space<smem>>
    %mul3A_1662 = vector.broadcast %get3A_1661 : f32 to vector<1000x128xf32>
    %mul3A_1663 = arith.mulf %add3A_1509, %mul3A_1662 : vector<1000x128xf32>
    %add3A_1664 = arith.addf %add3A_1658, %mul3A_1663 : vector<1000x128xf32>
    %get3A_1665 = arith.constant 4 : index
    %get3A_1666 = memref.load %arg14[%get3A_1665] : memref<32xf32, #tpu.memory_space<smem>>
    %add3A_1667 = vector.broadcast %get3A_1666 : f32 to vector<1000x128xf32>
    %add3A_1668 = arith.addf %add3A_1664, %add3A_1667 : vector<1000x128xf32>
    %get3A_1669 = arith.constant 4 : index
    %get3A_1670 = arith.constant 0 : index
    %get3A_1671 = memref.load %arg15[%get3A_1669, %get3A_1670] : memref<32x1xf32, #tpu.memory_space<smem>>
    %logistic3A_1672 = arith.negf %add3A_1668 : vector<1000x128xf32>
    %logistic3A_1673 = math.exp %logistic3A_1672 : vector<1000x128xf32>
    %logistic3A_1674 = arith.constant 1.000000e+00 : f32
    %logistic3A_1675 = vector.broadcast %logistic3A_1674 : f32 to vector<1000x128xf32>
    %logistic3A_1676 = arith.addf %logistic3A_1675, %logistic3A_1673 : vector<1000x128xf32>
    %logistic3A_1677 = arith.divf %logistic3A_1675, %logistic3A_1676 : vector<1000x128xf32>
    %mul3A_1678 = arith.mulf %add3A_1668, %logistic3A_1677 : vector<1000x128xf32>
    %mul3A_1679 = vector.broadcast %get3A_1671 : f32 to vector<1000x128xf32>
    %mul3A_1680 = arith.mulf %mul3A_1679, %mul3A_1678 : vector<1000x128xf32>
    %add3A_1681 = arith.addf %add3A_1647, %mul3A_1680 : vector<1000x128xf32>
    %get3A_1682 = arith.constant 0 : index
    %get3A_1683 = arith.constant 5 : index
    %get3A_1684 = memref.load %arg13[%get3A_1682, %get3A_1683] : memref<3x32xf32, #tpu.memory_space<smem>>
    %mul3A_1685 = vector.broadcast %get3A_1684 : f32 to vector<1000x128xf32>
    %mul3A_1686 = arith.mulf %add3A_1487, %mul3A_1685 : vector<1000x128xf32>
    %get3A_1687 = arith.constant 1 : index
    %get3A_1688 = arith.constant 5 : index
    %get3A_1689 = memref.load %arg13[%get3A_1687, %get3A_1688] : memref<3x32xf32, #tpu.memory_space<smem>>
    %mul3A_1690 = vector.broadcast %get3A_1689 : f32 to vector<1000x128xf32>
    %mul3A_1691 = arith.mulf %add3A_1498, %mul3A_1690 : vector<1000x128xf32>
    %add3A_1692 = arith.addf %mul3A_1686, %mul3A_1691 : vector<1000x128xf32>
    %get3A_1693 = arith.constant 2 : index
    %get3A_1694 = arith.constant 5 : index
    %get3A_1695 = memref.load %arg13[%get3A_1693, %get3A_1694] : memref<3x32xf32, #tpu.memory_space<smem>>
    %mul3A_1696 = vector.broadcast %get3A_1695 : f32 to vector<1000x128xf32>
    %mul3A_1697 = arith.mulf %add3A_1509, %mul3A_1696 : vector<1000x128xf32>
    %add3A_1698 = arith.addf %add3A_1692, %mul3A_1697 : vector<1000x128xf32>
    %get3A_1699 = arith.constant 5 : index
    %get3A_1700 = memref.load %arg14[%get3A_1699] : memref<32xf32, #tpu.memory_space<smem>>
    %add3A_1701 = vector.broadcast %get3A_1700 : f32 to vector<1000x128xf32>
    %add3A_1702 = arith.addf %add3A_1698, %add3A_1701 : vector<1000x128xf32>
    %get3A_1703 = arith.constant 5 : index
    %get3A_1704 = arith.constant 0 : index
    %get3A_1705 = memref.load %arg15[%get3A_1703, %get3A_1704] : memref<32x1xf32, #tpu.memory_space<smem>>
    %logistic3A_1706 = arith.negf %add3A_1702 : vector<1000x128xf32>
    %logistic3A_1707 = math.exp %logistic3A_1706 : vector<1000x128xf32>
    %logistic3A_1708 = arith.constant 1.000000e+00 : f32
    %logistic3A_1709 = vector.broadcast %logistic3A_1708 : f32 to vector<1000x128xf32>
    %logistic3A_1710 = arith.addf %logistic3A_1709, %logistic3A_1707 : vector<1000x128xf32>
    %logistic3A_1711 = arith.divf %logistic3A_1709, %logistic3A_1710 : vector<1000x128xf32>
    %mul3A_1712 = arith.mulf %add3A_1702, %logistic3A_1711 : vector<1000x128xf32>
    %mul3A_1713 = vector.broadcast %get3A_1705 : f32 to vector<1000x128xf32>
    %mul3A_1714 = arith.mulf %mul3A_1713, %mul3A_1712 : vector<1000x128xf32>
    %add3A_1715 = arith.addf %add3A_1681, %mul3A_1714 : vector<1000x128xf32>
    %get3A_1716 = arith.constant 0 : index
    %get3A_1717 = arith.constant 6 : index
    %get3A_1718 = memref.load %arg13[%get3A_1716, %get3A_1717] : memref<3x32xf32, #tpu.memory_space<smem>>
    %mul3A_1719 = vector.broadcast %get3A_1718 : f32 to vector<1000x128xf32>
    %mul3A_1720 = arith.mulf %add3A_1487, %mul3A_1719 : vector<1000x128xf32>
    %get3A_1721 = arith.constant 1 : index
    %get3A_1722 = arith.constant 6 : index
    %get3A_1723 = memref.load %arg13[%get3A_1721, %get3A_1722] : memref<3x32xf32, #tpu.memory_space<smem>>
    %mul3A_1724 = vector.broadcast %get3A_1723 : f32 to vector<1000x128xf32>
    %mul3A_1725 = arith.mulf %add3A_1498, %mul3A_1724 : vector<1000x128xf32>
    %add3A_1726 = arith.addf %mul3A_1720, %mul3A_1725 : vector<1000x128xf32>
    %get3A_1727 = arith.constant 2 : index
    %get3A_1728 = arith.constant 6 : index
    %get3A_1729 = memref.load %arg13[%get3A_1727, %get3A_1728] : memref<3x32xf32, #tpu.memory_space<smem>>
    %mul3A_1730 = vector.broadcast %get3A_1729 : f32 to vector<1000x128xf32>
    %mul3A_1731 = arith.mulf %add3A_1509, %mul3A_1730 : vector<1000x128xf32>
    %add3A_1732 = arith.addf %add3A_1726, %mul3A_1731 : vector<1000x128xf32>
    %get3A_1733 = arith.constant 6 : index
    %get3A_1734 = memref.load %arg14[%get3A_1733] : memref<32xf32, #tpu.memory_space<smem>>
    %add3A_1735 = vector.broadcast %get3A_1734 : f32 to vector<1000x128xf32>
    %add3A_1736 = arith.addf %add3A_1732, %add3A_1735 : vector<1000x128xf32>
    %get3A_1737 = arith.constant 6 : index
    %get3A_1738 = arith.constant 0 : index
    %get3A_1739 = memref.load %arg15[%get3A_1737, %get3A_1738] : memref<32x1xf32, #tpu.memory_space<smem>>
    %logistic3A_1740 = arith.negf %add3A_1736 : vector<1000x128xf32>
    %logistic3A_1741 = math.exp %logistic3A_1740 : vector<1000x128xf32>
    %logistic3A_1742 = arith.constant 1.000000e+00 : f32
    %logistic3A_1743 = vector.broadcast %logistic3A_1742 : f32 to vector<1000x128xf32>
    %logistic3A_1744 = arith.addf %logistic3A_1743, %logistic3A_1741 : vector<1000x128xf32>
    %logistic3A_1745 = arith.divf %logistic3A_1743, %logistic3A_1744 : vector<1000x128xf32>
    %mul3A_1746 = arith.mulf %add3A_1736, %logistic3A_1745 : vector<1000x128xf32>
    %mul3A_1747 = vector.broadcast %get3A_1739 : f32 to vector<1000x128xf32>
    %mul3A_1748 = arith.mulf %mul3A_1747, %mul3A_1746 : vector<1000x128xf32>
    %add3A_1749 = arith.addf %add3A_1715, %mul3A_1748 : vector<1000x128xf32>
    %get3A_1750 = arith.constant 0 : index
    %get3A_1751 = arith.constant 7 : index
    %get3A_1752 = memref.load %arg13[%get3A_1750, %get3A_1751] : memref<3x32xf32, #tpu.memory_space<smem>>
    %mul3A_1753 = vector.broadcast %get3A_1752 : f32 to vector<1000x128xf32>
    %mul3A_1754 = arith.mulf %add3A_1487, %mul3A_1753 : vector<1000x128xf32>
    %get3A_1755 = arith.constant 1 : index
    %get3A_1756 = arith.constant 7 : index
    %get3A_1757 = memref.load %arg13[%get3A_1755, %get3A_1756] : memref<3x32xf32, #tpu.memory_space<smem>>
    %mul3A_1758 = vector.broadcast %get3A_1757 : f32 to vector<1000x128xf32>
    %mul3A_1759 = arith.mulf %add3A_1498, %mul3A_1758 : vector<1000x128xf32>
    %add3A_1760 = arith.addf %mul3A_1754, %mul3A_1759 : vector<1000x128xf32>
    %get3A_1761 = arith.constant 2 : index
    %get3A_1762 = arith.constant 7 : index
    %get3A_1763 = memref.load %arg13[%get3A_1761, %get3A_1762] : memref<3x32xf32, #tpu.memory_space<smem>>
    %mul3A_1764 = vector.broadcast %get3A_1763 : f32 to vector<1000x128xf32>
    %mul3A_1765 = arith.mulf %add3A_1509, %mul3A_1764 : vector<1000x128xf32>
    %add3A_1766 = arith.addf %add3A_1760, %mul3A_1765 : vector<1000x128xf32>
    %get3A_1767 = arith.constant 7 : index
    %get3A_1768 = memref.load %arg14[%get3A_1767] : memref<32xf32, #tpu.memory_space<smem>>
    %add3A_1769 = vector.broadcast %get3A_1768 : f32 to vector<1000x128xf32>
    %add3A_1770 = arith.addf %add3A_1766, %add3A_1769 : vector<1000x128xf32>
    %get3A_1771 = arith.constant 7 : index
    %get3A_1772 = arith.constant 0 : index
    %get3A_1773 = memref.load %arg15[%get3A_1771, %get3A_1772] : memref<32x1xf32, #tpu.memory_space<smem>>
    %logistic3A_1774 = arith.negf %add3A_1770 : vector<1000x128xf32>
    %logistic3A_1775 = math.exp %logistic3A_1774 : vector<1000x128xf32>
    %logistic3A_1776 = arith.constant 1.000000e+00 : f32
    %logistic3A_1777 = vector.broadcast %logistic3A_1776 : f32 to vector<1000x128xf32>
    %logistic3A_1778 = arith.addf %logistic3A_1777, %logistic3A_1775 : vector<1000x128xf32>
    %logistic3A_1779 = arith.divf %logistic3A_1777, %logistic3A_1778 : vector<1000x128xf32>
    %mul3A_1780 = arith.mulf %add3A_1770, %logistic3A_1779 : vector<1000x128xf32>
    %mul3A_1781 = vector.broadcast %get3A_1773 : f32 to vector<1000x128xf32>
    %mul3A_1782 = arith.mulf %mul3A_1781, %mul3A_1780 : vector<1000x128xf32>
    %add3A_1783 = arith.addf %add3A_1749, %mul3A_1782 : vector<1000x128xf32>
    %get3A_1784 = arith.constant 0 : index
    %get3A_1785 = arith.constant 8 : index
    %get3A_1786 = memref.load %arg13[%get3A_1784, %get3A_1785] : memref<3x32xf32, #tpu.memory_space<smem>>
    %mul3A_1787 = vector.broadcast %get3A_1786 : f32 to vector<1000x128xf32>
    %mul3A_1788 = arith.mulf %add3A_1487, %mul3A_1787 : vector<1000x128xf32>
    %get3A_1789 = arith.constant 1 : index
    %get3A_1790 = arith.constant 8 : index
    %get3A_1791 = memref.load %arg13[%get3A_1789, %get3A_1790] : memref<3x32xf32, #tpu.memory_space<smem>>
    %mul3A_1792 = vector.broadcast %get3A_1791 : f32 to vector<1000x128xf32>
    %mul3A_1793 = arith.mulf %add3A_1498, %mul3A_1792 : vector<1000x128xf32>
    %add3A_1794 = arith.addf %mul3A_1788, %mul3A_1793 : vector<1000x128xf32>
    %get3A_1795 = arith.constant 2 : index
    %get3A_1796 = arith.constant 8 : index
    %get3A_1797 = memref.load %arg13[%get3A_1795, %get3A_1796] : memref<3x32xf32, #tpu.memory_space<smem>>
    %mul3A_1798 = vector.broadcast %get3A_1797 : f32 to vector<1000x128xf32>
    %mul3A_1799 = arith.mulf %add3A_1509, %mul3A_1798 : vector<1000x128xf32>
    %add3A_1800 = arith.addf %add3A_1794, %mul3A_1799 : vector<1000x128xf32>
    %get3A_1801 = arith.constant 8 : index
    %get3A_1802 = memref.load %arg14[%get3A_1801] : memref<32xf32, #tpu.memory_space<smem>>
    %add3A_1803 = vector.broadcast %get3A_1802 : f32 to vector<1000x128xf32>
    %add3A_1804 = arith.addf %add3A_1800, %add3A_1803 : vector<1000x128xf32>
    %get3A_1805 = arith.constant 8 : index
    %get3A_1806 = arith.constant 0 : index
    %get3A_1807 = memref.load %arg15[%get3A_1805, %get3A_1806] : memref<32x1xf32, #tpu.memory_space<smem>>
    %logistic3A_1808 = arith.negf %add3A_1804 : vector<1000x128xf32>
    %logistic3A_1809 = math.exp %logistic3A_1808 : vector<1000x128xf32>
    %logistic3A_1810 = arith.constant 1.000000e+00 : f32
    %logistic3A_1811 = vector.broadcast %logistic3A_1810 : f32 to vector<1000x128xf32>
    %logistic3A_1812 = arith.addf %logistic3A_1811, %logistic3A_1809 : vector<1000x128xf32>
    %logistic3A_1813 = arith.divf %logistic3A_1811, %logistic3A_1812 : vector<1000x128xf32>
    %mul3A_1814 = arith.mulf %add3A_1804, %logistic3A_1813 : vector<1000x128xf32>
    %mul3A_1815 = vector.broadcast %get3A_1807 : f32 to vector<1000x128xf32>
    %mul3A_1816 = arith.mulf %mul3A_1815, %mul3A_1814 : vector<1000x128xf32>
    %add3A_1817 = arith.addf %add3A_1783, %mul3A_1816 : vector<1000x128xf32>
    %get3A_1818 = arith.constant 0 : index
    %get3A_1819 = arith.constant 9 : index
    %get3A_1820 = memref.load %arg13[%get3A_1818, %get3A_1819] : memref<3x32xf32, #tpu.memory_space<smem>>
    %mul3A_1821 = vector.broadcast %get3A_1820 : f32 to vector<1000x128xf32>
    %mul3A_1822 = arith.mulf %add3A_1487, %mul3A_1821 : vector<1000x128xf32>
    %get3A_1823 = arith.constant 1 : index
    %get3A_1824 = arith.constant 9 : index
    %get3A_1825 = memref.load %arg13[%get3A_1823, %get3A_1824] : memref<3x32xf32, #tpu.memory_space<smem>>
    %mul3A_1826 = vector.broadcast %get3A_1825 : f32 to vector<1000x128xf32>
    %mul3A_1827 = arith.mulf %add3A_1498, %mul3A_1826 : vector<1000x128xf32>
    %add3A_1828 = arith.addf %mul3A_1822, %mul3A_1827 : vector<1000x128xf32>
    %get3A_1829 = arith.constant 2 : index
    %get3A_1830 = arith.constant 9 : index
    %get3A_1831 = memref.load %arg13[%get3A_1829, %get3A_1830] : memref<3x32xf32, #tpu.memory_space<smem>>
    %mul3A_1832 = vector.broadcast %get3A_1831 : f32 to vector<1000x128xf32>
    %mul3A_1833 = arith.mulf %add3A_1509, %mul3A_1832 : vector<1000x128xf32>
    %add3A_1834 = arith.addf %add3A_1828, %mul3A_1833 : vector<1000x128xf32>
    %get3A_1835 = arith.constant 9 : index
    %get3A_1836 = memref.load %arg14[%get3A_1835] : memref<32xf32, #tpu.memory_space<smem>>
    %add3A_1837 = vector.broadcast %get3A_1836 : f32 to vector<1000x128xf32>
    %add3A_1838 = arith.addf %add3A_1834, %add3A_1837 : vector<1000x128xf32>
    %get3A_1839 = arith.constant 9 : index
    %get3A_1840 = arith.constant 0 : index
    %get3A_1841 = memref.load %arg15[%get3A_1839, %get3A_1840] : memref<32x1xf32, #tpu.memory_space<smem>>
    %logistic3A_1842 = arith.negf %add3A_1838 : vector<1000x128xf32>
    %logistic3A_1843 = math.exp %logistic3A_1842 : vector<1000x128xf32>
    %logistic3A_1844 = arith.constant 1.000000e+00 : f32
    %logistic3A_1845 = vector.broadcast %logistic3A_1844 : f32 to vector<1000x128xf32>
    %logistic3A_1846 = arith.addf %logistic3A_1845, %logistic3A_1843 : vector<1000x128xf32>
    %logistic3A_1847 = arith.divf %logistic3A_1845, %logistic3A_1846 : vector<1000x128xf32>
    %mul3A_1848 = arith.mulf %add3A_1838, %logistic3A_1847 : vector<1000x128xf32>
    %mul3A_1849 = vector.broadcast %get3A_1841 : f32 to vector<1000x128xf32>
    %mul3A_1850 = arith.mulf %mul3A_1849, %mul3A_1848 : vector<1000x128xf32>
    %add3A_1851 = arith.addf %add3A_1817, %mul3A_1850 : vector<1000x128xf32>
    %get3A_1852 = arith.constant 0 : index
    %get3A_1853 = arith.constant 10 : index
    %get3A_1854 = memref.load %arg13[%get3A_1852, %get3A_1853] : memref<3x32xf32, #tpu.memory_space<smem>>
    %mul3A_1855 = vector.broadcast %get3A_1854 : f32 to vector<1000x128xf32>
    %mul3A_1856 = arith.mulf %add3A_1487, %mul3A_1855 : vector<1000x128xf32>
    %get3A_1857 = arith.constant 1 : index
    %get3A_1858 = arith.constant 10 : index
    %get3A_1859 = memref.load %arg13[%get3A_1857, %get3A_1858] : memref<3x32xf32, #tpu.memory_space<smem>>
    %mul3A_1860 = vector.broadcast %get3A_1859 : f32 to vector<1000x128xf32>
    %mul3A_1861 = arith.mulf %add3A_1498, %mul3A_1860 : vector<1000x128xf32>
    %add3A_1862 = arith.addf %mul3A_1856, %mul3A_1861 : vector<1000x128xf32>
    %get3A_1863 = arith.constant 2 : index
    %get3A_1864 = arith.constant 10 : index
    %get3A_1865 = memref.load %arg13[%get3A_1863, %get3A_1864] : memref<3x32xf32, #tpu.memory_space<smem>>
    %mul3A_1866 = vector.broadcast %get3A_1865 : f32 to vector<1000x128xf32>
    %mul3A_1867 = arith.mulf %add3A_1509, %mul3A_1866 : vector<1000x128xf32>
    %add3A_1868 = arith.addf %add3A_1862, %mul3A_1867 : vector<1000x128xf32>
    %get3A_1869 = arith.constant 10 : index
    %get3A_1870 = memref.load %arg14[%get3A_1869] : memref<32xf32, #tpu.memory_space<smem>>
    %add3A_1871 = vector.broadcast %get3A_1870 : f32 to vector<1000x128xf32>
    %add3A_1872 = arith.addf %add3A_1868, %add3A_1871 : vector<1000x128xf32>
    %get3A_1873 = arith.constant 10 : index
    %get3A_1874 = arith.constant 0 : index
    %get3A_1875 = memref.load %arg15[%get3A_1873, %get3A_1874] : memref<32x1xf32, #tpu.memory_space<smem>>
    %logistic3A_1876 = arith.negf %add3A_1872 : vector<1000x128xf32>
    %logistic3A_1877 = math.exp %logistic3A_1876 : vector<1000x128xf32>
    %logistic3A_1878 = arith.constant 1.000000e+00 : f32
    %logistic3A_1879 = vector.broadcast %logistic3A_1878 : f32 to vector<1000x128xf32>
    %logistic3A_1880 = arith.addf %logistic3A_1879, %logistic3A_1877 : vector<1000x128xf32>
    %logistic3A_1881 = arith.divf %logistic3A_1879, %logistic3A_1880 : vector<1000x128xf32>
    %mul3A_1882 = arith.mulf %add3A_1872, %logistic3A_1881 : vector<1000x128xf32>
    %mul3A_1883 = vector.broadcast %get3A_1875 : f32 to vector<1000x128xf32>
    %mul3A_1884 = arith.mulf %mul3A_1883, %mul3A_1882 : vector<1000x128xf32>
    %add3A_1885 = arith.addf %add3A_1851, %mul3A_1884 : vector<1000x128xf32>
    %get3A_1886 = arith.constant 0 : index
    %get3A_1887 = arith.constant 11 : index
    %get3A_1888 = memref.load %arg13[%get3A_1886, %get3A_1887] : memref<3x32xf32, #tpu.memory_space<smem>>
    %mul3A_1889 = vector.broadcast %get3A_1888 : f32 to vector<1000x128xf32>
    %mul3A_1890 = arith.mulf %add3A_1487, %mul3A_1889 : vector<1000x128xf32>
    %get3A_1891 = arith.constant 1 : index
    %get3A_1892 = arith.constant 11 : index
    %get3A_1893 = memref.load %arg13[%get3A_1891, %get3A_1892] : memref<3x32xf32, #tpu.memory_space<smem>>
    %mul3A_1894 = vector.broadcast %get3A_1893 : f32 to vector<1000x128xf32>
    %mul3A_1895 = arith.mulf %add3A_1498, %mul3A_1894 : vector<1000x128xf32>
    %add3A_1896 = arith.addf %mul3A_1890, %mul3A_1895 : vector<1000x128xf32>
    %get3A_1897 = arith.constant 2 : index
    %get3A_1898 = arith.constant 11 : index
    %get3A_1899 = memref.load %arg13[%get3A_1897, %get3A_1898] : memref<3x32xf32, #tpu.memory_space<smem>>
    %mul3A_1900 = vector.broadcast %get3A_1899 : f32 to vector<1000x128xf32>
    %mul3A_1901 = arith.mulf %add3A_1509, %mul3A_1900 : vector<1000x128xf32>
    %add3A_1902 = arith.addf %add3A_1896, %mul3A_1901 : vector<1000x128xf32>
    %get3A_1903 = arith.constant 11 : index
    %get3A_1904 = memref.load %arg14[%get3A_1903] : memref<32xf32, #tpu.memory_space<smem>>
    %add3A_1905 = vector.broadcast %get3A_1904 : f32 to vector<1000x128xf32>
    %add3A_1906 = arith.addf %add3A_1902, %add3A_1905 : vector<1000x128xf32>
    %get3A_1907 = arith.constant 11 : index
    %get3A_1908 = arith.constant 0 : index
    %get3A_1909 = memref.load %arg15[%get3A_1907, %get3A_1908] : memref<32x1xf32, #tpu.memory_space<smem>>
    %logistic3A_1910 = arith.negf %add3A_1906 : vector<1000x128xf32>
    %logistic3A_1911 = math.exp %logistic3A_1910 : vector<1000x128xf32>
    %logistic3A_1912 = arith.constant 1.000000e+00 : f32
    %logistic3A_1913 = vector.broadcast %logistic3A_1912 : f32 to vector<1000x128xf32>
    %logistic3A_1914 = arith.addf %logistic3A_1913, %logistic3A_1911 : vector<1000x128xf32>
    %logistic3A_1915 = arith.divf %logistic3A_1913, %logistic3A_1914 : vector<1000x128xf32>
    %mul3A_1916 = arith.mulf %add3A_1906, %logistic3A_1915 : vector<1000x128xf32>
    %mul3A_1917 = vector.broadcast %get3A_1909 : f32 to vector<1000x128xf32>
    %mul3A_1918 = arith.mulf %mul3A_1917, %mul3A_1916 : vector<1000x128xf32>
    %add3A_1919 = arith.addf %add3A_1885, %mul3A_1918 : vector<1000x128xf32>
    %get3A_1920 = arith.constant 0 : index
    %get3A_1921 = arith.constant 12 : index
    %get3A_1922 = memref.load %arg13[%get3A_1920, %get3A_1921] : memref<3x32xf32, #tpu.memory_space<smem>>
    %mul3A_1923 = vector.broadcast %get3A_1922 : f32 to vector<1000x128xf32>
    %mul3A_1924 = arith.mulf %add3A_1487, %mul3A_1923 : vector<1000x128xf32>
    %get3A_1925 = arith.constant 1 : index
    %get3A_1926 = arith.constant 12 : index
    %get3A_1927 = memref.load %arg13[%get3A_1925, %get3A_1926] : memref<3x32xf32, #tpu.memory_space<smem>>
    %mul3A_1928 = vector.broadcast %get3A_1927 : f32 to vector<1000x128xf32>
    %mul3A_1929 = arith.mulf %add3A_1498, %mul3A_1928 : vector<1000x128xf32>
    %add3A_1930 = arith.addf %mul3A_1924, %mul3A_1929 : vector<1000x128xf32>
    %get3A_1931 = arith.constant 2 : index
    %get3A_1932 = arith.constant 12 : index
    %get3A_1933 = memref.load %arg13[%get3A_1931, %get3A_1932] : memref<3x32xf32, #tpu.memory_space<smem>>
    %mul3A_1934 = vector.broadcast %get3A_1933 : f32 to vector<1000x128xf32>
    %mul3A_1935 = arith.mulf %add3A_1509, %mul3A_1934 : vector<1000x128xf32>
    %add3A_1936 = arith.addf %add3A_1930, %mul3A_1935 : vector<1000x128xf32>
    %get3A_1937 = arith.constant 12 : index
    %get3A_1938 = memref.load %arg14[%get3A_1937] : memref<32xf32, #tpu.memory_space<smem>>
    %add3A_1939 = vector.broadcast %get3A_1938 : f32 to vector<1000x128xf32>
    %add3A_1940 = arith.addf %add3A_1936, %add3A_1939 : vector<1000x128xf32>
    %get3A_1941 = arith.constant 12 : index
    %get3A_1942 = arith.constant 0 : index
    %get3A_1943 = memref.load %arg15[%get3A_1941, %get3A_1942] : memref<32x1xf32, #tpu.memory_space<smem>>
    %logistic3A_1944 = arith.negf %add3A_1940 : vector<1000x128xf32>
    %logistic3A_1945 = math.exp %logistic3A_1944 : vector<1000x128xf32>
    %logistic3A_1946 = arith.constant 1.000000e+00 : f32
    %logistic3A_1947 = vector.broadcast %logistic3A_1946 : f32 to vector<1000x128xf32>
    %logistic3A_1948 = arith.addf %logistic3A_1947, %logistic3A_1945 : vector<1000x128xf32>
    %logistic3A_1949 = arith.divf %logistic3A_1947, %logistic3A_1948 : vector<1000x128xf32>
    %mul3A_1950 = arith.mulf %add3A_1940, %logistic3A_1949 : vector<1000x128xf32>
    %mul3A_1951 = vector.broadcast %get3A_1943 : f32 to vector<1000x128xf32>
    %mul3A_1952 = arith.mulf %mul3A_1951, %mul3A_1950 : vector<1000x128xf32>
    %add3A_1953 = arith.addf %add3A_1919, %mul3A_1952 : vector<1000x128xf32>
    %get3A_1954 = arith.constant 0 : index
    %get3A_1955 = arith.constant 13 : index
    %get3A_1956 = memref.load %arg13[%get3A_1954, %get3A_1955] : memref<3x32xf32, #tpu.memory_space<smem>>
    %mul3A_1957 = vector.broadcast %get3A_1956 : f32 to vector<1000x128xf32>
    %mul3A_1958 = arith.mulf %add3A_1487, %mul3A_1957 : vector<1000x128xf32>
    %get3A_1959 = arith.constant 1 : index
    %get3A_1960 = arith.constant 13 : index
    %get3A_1961 = memref.load %arg13[%get3A_1959, %get3A_1960] : memref<3x32xf32, #tpu.memory_space<smem>>
    %mul3A_1962 = vector.broadcast %get3A_1961 : f32 to vector<1000x128xf32>
    %mul3A_1963 = arith.mulf %add3A_1498, %mul3A_1962 : vector<1000x128xf32>
    %add3A_1964 = arith.addf %mul3A_1958, %mul3A_1963 : vector<1000x128xf32>
    %get3A_1965 = arith.constant 2 : index
    %get3A_1966 = arith.constant 13 : index
    %get3A_1967 = memref.load %arg13[%get3A_1965, %get3A_1966] : memref<3x32xf32, #tpu.memory_space<smem>>
    %mul3A_1968 = vector.broadcast %get3A_1967 : f32 to vector<1000x128xf32>
    %mul3A_1969 = arith.mulf %add3A_1509, %mul3A_1968 : vector<1000x128xf32>
    %add3A_1970 = arith.addf %add3A_1964, %mul3A_1969 : vector<1000x128xf32>
    %get3A_1971 = arith.constant 13 : index
    %get3A_1972 = memref.load %arg14[%get3A_1971] : memref<32xf32, #tpu.memory_space<smem>>
    %add3A_1973 = vector.broadcast %get3A_1972 : f32 to vector<1000x128xf32>
    %add3A_1974 = arith.addf %add3A_1970, %add3A_1973 : vector<1000x128xf32>
    %get3A_1975 = arith.constant 13 : index
    %get3A_1976 = arith.constant 0 : index
    %get3A_1977 = memref.load %arg15[%get3A_1975, %get3A_1976] : memref<32x1xf32, #tpu.memory_space<smem>>
    %logistic3A_1978 = arith.negf %add3A_1974 : vector<1000x128xf32>
    %logistic3A_1979 = math.exp %logistic3A_1978 : vector<1000x128xf32>
    %logistic3A_1980 = arith.constant 1.000000e+00 : f32
    %logistic3A_1981 = vector.broadcast %logistic3A_1980 : f32 to vector<1000x128xf32>
    %logistic3A_1982 = arith.addf %logistic3A_1981, %logistic3A_1979 : vector<1000x128xf32>
    %logistic3A_1983 = arith.divf %logistic3A_1981, %logistic3A_1982 : vector<1000x128xf32>
    %mul3A_1984 = arith.mulf %add3A_1974, %logistic3A_1983 : vector<1000x128xf32>
    %mul3A_1985 = vector.broadcast %get3A_1977 : f32 to vector<1000x128xf32>
    %mul3A_1986 = arith.mulf %mul3A_1985, %mul3A_1984 : vector<1000x128xf32>
    %add3A_1987 = arith.addf %add3A_1953, %mul3A_1986 : vector<1000x128xf32>
    %get3A_1988 = arith.constant 0 : index
    %get3A_1989 = arith.constant 14 : index
    %get3A_1990 = memref.load %arg13[%get3A_1988, %get3A_1989] : memref<3x32xf32, #tpu.memory_space<smem>>
    %mul3A_1991 = vector.broadcast %get3A_1990 : f32 to vector<1000x128xf32>
    %mul3A_1992 = arith.mulf %add3A_1487, %mul3A_1991 : vector<1000x128xf32>
    %get3A_1993 = arith.constant 1 : index
    %get3A_1994 = arith.constant 14 : index
    %get3A_1995 = memref.load %arg13[%get3A_1993, %get3A_1994] : memref<3x32xf32, #tpu.memory_space<smem>>
    %mul3A_1996 = vector.broadcast %get3A_1995 : f32 to vector<1000x128xf32>
    %mul3A_1997 = arith.mulf %add3A_1498, %mul3A_1996 : vector<1000x128xf32>
    %add3A_1998 = arith.addf %mul3A_1992, %mul3A_1997 : vector<1000x128xf32>
    %get3A_1999 = arith.constant 2 : index
    %get3A_2000 = arith.constant 14 : index
    %get3A_2001 = memref.load %arg13[%get3A_1999, %get3A_2000] : memref<3x32xf32, #tpu.memory_space<smem>>
    %mul3A_2002 = vector.broadcast %get3A_2001 : f32 to vector<1000x128xf32>
    %mul3A_2003 = arith.mulf %add3A_1509, %mul3A_2002 : vector<1000x128xf32>
    %add3A_2004 = arith.addf %add3A_1998, %mul3A_2003 : vector<1000x128xf32>
    %get3A_2005 = arith.constant 14 : index
    %get3A_2006 = memref.load %arg14[%get3A_2005] : memref<32xf32, #tpu.memory_space<smem>>
    %add3A_2007 = vector.broadcast %get3A_2006 : f32 to vector<1000x128xf32>
    %add3A_2008 = arith.addf %add3A_2004, %add3A_2007 : vector<1000x128xf32>
    %get3A_2009 = arith.constant 14 : index
    %get3A_2010 = arith.constant 0 : index
    %get3A_2011 = memref.load %arg15[%get3A_2009, %get3A_2010] : memref<32x1xf32, #tpu.memory_space<smem>>
    %logistic3A_2012 = arith.negf %add3A_2008 : vector<1000x128xf32>
    %logistic3A_2013 = math.exp %logistic3A_2012 : vector<1000x128xf32>
    %logistic3A_2014 = arith.constant 1.000000e+00 : f32
    %logistic3A_2015 = vector.broadcast %logistic3A_2014 : f32 to vector<1000x128xf32>
    %logistic3A_2016 = arith.addf %logistic3A_2015, %logistic3A_2013 : vector<1000x128xf32>
    %logistic3A_2017 = arith.divf %logistic3A_2015, %logistic3A_2016 : vector<1000x128xf32>
    %mul3A_2018 = arith.mulf %add3A_2008, %logistic3A_2017 : vector<1000x128xf32>
    %mul3A_2019 = vector.broadcast %get3A_2011 : f32 to vector<1000x128xf32>
    %mul3A_2020 = arith.mulf %mul3A_2019, %mul3A_2018 : vector<1000x128xf32>
    %add3A_2021 = arith.addf %add3A_1987, %mul3A_2020 : vector<1000x128xf32>
    %get3A_2022 = arith.constant 0 : index
    %get3A_2023 = arith.constant 15 : index
    %get3A_2024 = memref.load %arg13[%get3A_2022, %get3A_2023] : memref<3x32xf32, #tpu.memory_space<smem>>
    %mul3A_2025 = vector.broadcast %get3A_2024 : f32 to vector<1000x128xf32>
    %mul3A_2026 = arith.mulf %add3A_1487, %mul3A_2025 : vector<1000x128xf32>
    %get3A_2027 = arith.constant 1 : index
    %get3A_2028 = arith.constant 15 : index
    %get3A_2029 = memref.load %arg13[%get3A_2027, %get3A_2028] : memref<3x32xf32, #tpu.memory_space<smem>>
    %mul3A_2030 = vector.broadcast %get3A_2029 : f32 to vector<1000x128xf32>
    %mul3A_2031 = arith.mulf %add3A_1498, %mul3A_2030 : vector<1000x128xf32>
    %add3A_2032 = arith.addf %mul3A_2026, %mul3A_2031 : vector<1000x128xf32>
    %get3A_2033 = arith.constant 2 : index
    %get3A_2034 = arith.constant 15 : index
    %get3A_2035 = memref.load %arg13[%get3A_2033, %get3A_2034] : memref<3x32xf32, #tpu.memory_space<smem>>
    %mul3A_2036 = vector.broadcast %get3A_2035 : f32 to vector<1000x128xf32>
    %mul3A_2037 = arith.mulf %add3A_1509, %mul3A_2036 : vector<1000x128xf32>
    %add3A_2038 = arith.addf %add3A_2032, %mul3A_2037 : vector<1000x128xf32>
    %get3A_2039 = arith.constant 15 : index
    %get3A_2040 = memref.load %arg14[%get3A_2039] : memref<32xf32, #tpu.memory_space<smem>>
    %add3A_2041 = vector.broadcast %get3A_2040 : f32 to vector<1000x128xf32>
    %add3A_2042 = arith.addf %add3A_2038, %add3A_2041 : vector<1000x128xf32>
    %get3A_2043 = arith.constant 15 : index
    %get3A_2044 = arith.constant 0 : index
    %get3A_2045 = memref.load %arg15[%get3A_2043, %get3A_2044] : memref<32x1xf32, #tpu.memory_space<smem>>
    %logistic3A_2046 = arith.negf %add3A_2042 : vector<1000x128xf32>
    %logistic3A_2047 = math.exp %logistic3A_2046 : vector<1000x128xf32>
    %logistic3A_2048 = arith.constant 1.000000e+00 : f32
    %logistic3A_2049 = vector.broadcast %logistic3A_2048 : f32 to vector<1000x128xf32>
    %logistic3A_2050 = arith.addf %logistic3A_2049, %logistic3A_2047 : vector<1000x128xf32>
    %logistic3A_2051 = arith.divf %logistic3A_2049, %logistic3A_2050 : vector<1000x128xf32>
    %mul3A_2052 = arith.mulf %add3A_2042, %logistic3A_2051 : vector<1000x128xf32>
    %mul3A_2053 = vector.broadcast %get3A_2045 : f32 to vector<1000x128xf32>
    %mul3A_2054 = arith.mulf %mul3A_2053, %mul3A_2052 : vector<1000x128xf32>
    %add3A_2055 = arith.addf %add3A_2021, %mul3A_2054 : vector<1000x128xf32>
    %get3A_2056 = arith.constant 0 : index
    %get3A_2057 = arith.constant 16 : index
    %get3A_2058 = memref.load %arg13[%get3A_2056, %get3A_2057] : memref<3x32xf32, #tpu.memory_space<smem>>
    %mul3A_2059 = vector.broadcast %get3A_2058 : f32 to vector<1000x128xf32>
    %mul3A_2060 = arith.mulf %add3A_1487, %mul3A_2059 : vector<1000x128xf32>
    %get3A_2061 = arith.constant 1 : index
    %get3A_2062 = arith.constant 16 : index
    %get3A_2063 = memref.load %arg13[%get3A_2061, %get3A_2062] : memref<3x32xf32, #tpu.memory_space<smem>>
    %mul3A_2064 = vector.broadcast %get3A_2063 : f32 to vector<1000x128xf32>
    %mul3A_2065 = arith.mulf %add3A_1498, %mul3A_2064 : vector<1000x128xf32>
    %add3A_2066 = arith.addf %mul3A_2060, %mul3A_2065 : vector<1000x128xf32>
    %get3A_2067 = arith.constant 2 : index
    %get3A_2068 = arith.constant 16 : index
    %get3A_2069 = memref.load %arg13[%get3A_2067, %get3A_2068] : memref<3x32xf32, #tpu.memory_space<smem>>
    %mul3A_2070 = vector.broadcast %get3A_2069 : f32 to vector<1000x128xf32>
    %mul3A_2071 = arith.mulf %add3A_1509, %mul3A_2070 : vector<1000x128xf32>
    %add3A_2072 = arith.addf %add3A_2066, %mul3A_2071 : vector<1000x128xf32>
    %get3A_2073 = arith.constant 16 : index
    %get3A_2074 = memref.load %arg14[%get3A_2073] : memref<32xf32, #tpu.memory_space<smem>>
    %add3A_2075 = vector.broadcast %get3A_2074 : f32 to vector<1000x128xf32>
    %add3A_2076 = arith.addf %add3A_2072, %add3A_2075 : vector<1000x128xf32>
    %get3A_2077 = arith.constant 16 : index
    %get3A_2078 = arith.constant 0 : index
    %get3A_2079 = memref.load %arg15[%get3A_2077, %get3A_2078] : memref<32x1xf32, #tpu.memory_space<smem>>
    %logistic3A_2080 = arith.negf %add3A_2076 : vector<1000x128xf32>
    %logistic3A_2081 = math.exp %logistic3A_2080 : vector<1000x128xf32>
    %logistic3A_2082 = arith.constant 1.000000e+00 : f32
    %logistic3A_2083 = vector.broadcast %logistic3A_2082 : f32 to vector<1000x128xf32>
    %logistic3A_2084 = arith.addf %logistic3A_2083, %logistic3A_2081 : vector<1000x128xf32>
    %logistic3A_2085 = arith.divf %logistic3A_2083, %logistic3A_2084 : vector<1000x128xf32>
    %mul3A_2086 = arith.mulf %add3A_2076, %logistic3A_2085 : vector<1000x128xf32>
    %mul3A_2087 = vector.broadcast %get3A_2079 : f32 to vector<1000x128xf32>
    %mul3A_2088 = arith.mulf %mul3A_2087, %mul3A_2086 : vector<1000x128xf32>
    %add3A_2089 = arith.addf %add3A_2055, %mul3A_2088 : vector<1000x128xf32>
    %get3A_2090 = arith.constant 0 : index
    %get3A_2091 = arith.constant 17 : index
    %get3A_2092 = memref.load %arg13[%get3A_2090, %get3A_2091] : memref<3x32xf32, #tpu.memory_space<smem>>
    %mul3A_2093 = vector.broadcast %get3A_2092 : f32 to vector<1000x128xf32>
    %mul3A_2094 = arith.mulf %add3A_1487, %mul3A_2093 : vector<1000x128xf32>
    %get3A_2095 = arith.constant 1 : index
    %get3A_2096 = arith.constant 17 : index
    %get3A_2097 = memref.load %arg13[%get3A_2095, %get3A_2096] : memref<3x32xf32, #tpu.memory_space<smem>>
    %mul3A_2098 = vector.broadcast %get3A_2097 : f32 to vector<1000x128xf32>
    %mul3A_2099 = arith.mulf %add3A_1498, %mul3A_2098 : vector<1000x128xf32>
    %add3A_2100 = arith.addf %mul3A_2094, %mul3A_2099 : vector<1000x128xf32>
    %get3A_2101 = arith.constant 2 : index
    %get3A_2102 = arith.constant 17 : index
    %get3A_2103 = memref.load %arg13[%get3A_2101, %get3A_2102] : memref<3x32xf32, #tpu.memory_space<smem>>
    %mul3A_2104 = vector.broadcast %get3A_2103 : f32 to vector<1000x128xf32>
    %mul3A_2105 = arith.mulf %add3A_1509, %mul3A_2104 : vector<1000x128xf32>
    %add3A_2106 = arith.addf %add3A_2100, %mul3A_2105 : vector<1000x128xf32>
    %get3A_2107 = arith.constant 17 : index
    %get3A_2108 = memref.load %arg14[%get3A_2107] : memref<32xf32, #tpu.memory_space<smem>>
    %add3A_2109 = vector.broadcast %get3A_2108 : f32 to vector<1000x128xf32>
    %add3A_2110 = arith.addf %add3A_2106, %add3A_2109 : vector<1000x128xf32>
    %get3A_2111 = arith.constant 17 : index
    %get3A_2112 = arith.constant 0 : index
    %get3A_2113 = memref.load %arg15[%get3A_2111, %get3A_2112] : memref<32x1xf32, #tpu.memory_space<smem>>
    %logistic3A_2114 = arith.negf %add3A_2110 : vector<1000x128xf32>
    %logistic3A_2115 = math.exp %logistic3A_2114 : vector<1000x128xf32>
    %logistic3A_2116 = arith.constant 1.000000e+00 : f32
    %logistic3A_2117 = vector.broadcast %logistic3A_2116 : f32 to vector<1000x128xf32>
    %logistic3A_2118 = arith.addf %logistic3A_2117, %logistic3A_2115 : vector<1000x128xf32>
    %logistic3A_2119 = arith.divf %logistic3A_2117, %logistic3A_2118 : vector<1000x128xf32>
    %mul3A_2120 = arith.mulf %add3A_2110, %logistic3A_2119 : vector<1000x128xf32>
    %mul3A_2121 = vector.broadcast %get3A_2113 : f32 to vector<1000x128xf32>
    %mul3A_2122 = arith.mulf %mul3A_2121, %mul3A_2120 : vector<1000x128xf32>
    %add3A_2123 = arith.addf %add3A_2089, %mul3A_2122 : vector<1000x128xf32>
    %get3A_2124 = arith.constant 0 : index
    %get3A_2125 = arith.constant 18 : index
    %get3A_2126 = memref.load %arg13[%get3A_2124, %get3A_2125] : memref<3x32xf32, #tpu.memory_space<smem>>
    %mul3A_2127 = vector.broadcast %get3A_2126 : f32 to vector<1000x128xf32>
    %mul3A_2128 = arith.mulf %add3A_1487, %mul3A_2127 : vector<1000x128xf32>
    %get3A_2129 = arith.constant 1 : index
    %get3A_2130 = arith.constant 18 : index
    %get3A_2131 = memref.load %arg13[%get3A_2129, %get3A_2130] : memref<3x32xf32, #tpu.memory_space<smem>>
    %mul3A_2132 = vector.broadcast %get3A_2131 : f32 to vector<1000x128xf32>
    %mul3A_2133 = arith.mulf %add3A_1498, %mul3A_2132 : vector<1000x128xf32>
    %add3A_2134 = arith.addf %mul3A_2128, %mul3A_2133 : vector<1000x128xf32>
    %get3A_2135 = arith.constant 2 : index
    %get3A_2136 = arith.constant 18 : index
    %get3A_2137 = memref.load %arg13[%get3A_2135, %get3A_2136] : memref<3x32xf32, #tpu.memory_space<smem>>
    %mul3A_2138 = vector.broadcast %get3A_2137 : f32 to vector<1000x128xf32>
    %mul3A_2139 = arith.mulf %add3A_1509, %mul3A_2138 : vector<1000x128xf32>
    %add3A_2140 = arith.addf %add3A_2134, %mul3A_2139 : vector<1000x128xf32>
    %get3A_2141 = arith.constant 18 : index
    %get3A_2142 = memref.load %arg14[%get3A_2141] : memref<32xf32, #tpu.memory_space<smem>>
    %add3A_2143 = vector.broadcast %get3A_2142 : f32 to vector<1000x128xf32>
    %add3A_2144 = arith.addf %add3A_2140, %add3A_2143 : vector<1000x128xf32>
    %get3A_2145 = arith.constant 18 : index
    %get3A_2146 = arith.constant 0 : index
    %get3A_2147 = memref.load %arg15[%get3A_2145, %get3A_2146] : memref<32x1xf32, #tpu.memory_space<smem>>
    %logistic3A_2148 = arith.negf %add3A_2144 : vector<1000x128xf32>
    %logistic3A_2149 = math.exp %logistic3A_2148 : vector<1000x128xf32>
    %logistic3A_2150 = arith.constant 1.000000e+00 : f32
    %logistic3A_2151 = vector.broadcast %logistic3A_2150 : f32 to vector<1000x128xf32>
    %logistic3A_2152 = arith.addf %logistic3A_2151, %logistic3A_2149 : vector<1000x128xf32>
    %logistic3A_2153 = arith.divf %logistic3A_2151, %logistic3A_2152 : vector<1000x128xf32>
    %mul3A_2154 = arith.mulf %add3A_2144, %logistic3A_2153 : vector<1000x128xf32>
    %mul3A_2155 = vector.broadcast %get3A_2147 : f32 to vector<1000x128xf32>
    %mul3A_2156 = arith.mulf %mul3A_2155, %mul3A_2154 : vector<1000x128xf32>
    %add3A_2157 = arith.addf %add3A_2123, %mul3A_2156 : vector<1000x128xf32>
    %get3A_2158 = arith.constant 0 : index
    %get3A_2159 = arith.constant 19 : index
    %get3A_2160 = memref.load %arg13[%get3A_2158, %get3A_2159] : memref<3x32xf32, #tpu.memory_space<smem>>
    %mul3A_2161 = vector.broadcast %get3A_2160 : f32 to vector<1000x128xf32>
    %mul3A_2162 = arith.mulf %add3A_1487, %mul3A_2161 : vector<1000x128xf32>
    %get3A_2163 = arith.constant 1 : index
    %get3A_2164 = arith.constant 19 : index
    %get3A_2165 = memref.load %arg13[%get3A_2163, %get3A_2164] : memref<3x32xf32, #tpu.memory_space<smem>>
    %mul3A_2166 = vector.broadcast %get3A_2165 : f32 to vector<1000x128xf32>
    %mul3A_2167 = arith.mulf %add3A_1498, %mul3A_2166 : vector<1000x128xf32>
    %add3A_2168 = arith.addf %mul3A_2162, %mul3A_2167 : vector<1000x128xf32>
    %get3A_2169 = arith.constant 2 : index
    %get3A_2170 = arith.constant 19 : index
    %get3A_2171 = memref.load %arg13[%get3A_2169, %get3A_2170] : memref<3x32xf32, #tpu.memory_space<smem>>
    %mul3A_2172 = vector.broadcast %get3A_2171 : f32 to vector<1000x128xf32>
    %mul3A_2173 = arith.mulf %add3A_1509, %mul3A_2172 : vector<1000x128xf32>
    %add3A_2174 = arith.addf %add3A_2168, %mul3A_2173 : vector<1000x128xf32>
    %get3A_2175 = arith.constant 19 : index
    %get3A_2176 = memref.load %arg14[%get3A_2175] : memref<32xf32, #tpu.memory_space<smem>>
    %add3A_2177 = vector.broadcast %get3A_2176 : f32 to vector<1000x128xf32>
    %add3A_2178 = arith.addf %add3A_2174, %add3A_2177 : vector<1000x128xf32>
    %get3A_2179 = arith.constant 19 : index
    %get3A_2180 = arith.constant 0 : index
    %get3A_2181 = memref.load %arg15[%get3A_2179, %get3A_2180] : memref<32x1xf32, #tpu.memory_space<smem>>
    %logistic3A_2182 = arith.negf %add3A_2178 : vector<1000x128xf32>
    %logistic3A_2183 = math.exp %logistic3A_2182 : vector<1000x128xf32>
    %logistic3A_2184 = arith.constant 1.000000e+00 : f32
    %logistic3A_2185 = vector.broadcast %logistic3A_2184 : f32 to vector<1000x128xf32>
    %logistic3A_2186 = arith.addf %logistic3A_2185, %logistic3A_2183 : vector<1000x128xf32>
    %logistic3A_2187 = arith.divf %logistic3A_2185, %logistic3A_2186 : vector<1000x128xf32>
    %mul3A_2188 = arith.mulf %add3A_2178, %logistic3A_2187 : vector<1000x128xf32>
    %mul3A_2189 = vector.broadcast %get3A_2181 : f32 to vector<1000x128xf32>
    %mul3A_2190 = arith.mulf %mul3A_2189, %mul3A_2188 : vector<1000x128xf32>
    %add3A_2191 = arith.addf %add3A_2157, %mul3A_2190 : vector<1000x128xf32>
    %get3A_2192 = arith.constant 0 : index
    %get3A_2193 = arith.constant 20 : index
    %get3A_2194 = memref.load %arg13[%get3A_2192, %get3A_2193] : memref<3x32xf32, #tpu.memory_space<smem>>
    %mul3A_2195 = vector.broadcast %get3A_2194 : f32 to vector<1000x128xf32>
    %mul3A_2196 = arith.mulf %add3A_1487, %mul3A_2195 : vector<1000x128xf32>
    %get3A_2197 = arith.constant 1 : index
    %get3A_2198 = arith.constant 20 : index
    %get3A_2199 = memref.load %arg13[%get3A_2197, %get3A_2198] : memref<3x32xf32, #tpu.memory_space<smem>>
    %mul3A_2200 = vector.broadcast %get3A_2199 : f32 to vector<1000x128xf32>
    %mul3A_2201 = arith.mulf %add3A_1498, %mul3A_2200 : vector<1000x128xf32>
    %add3A_2202 = arith.addf %mul3A_2196, %mul3A_2201 : vector<1000x128xf32>
    %get3A_2203 = arith.constant 2 : index
    %get3A_2204 = arith.constant 20 : index
    %get3A_2205 = memref.load %arg13[%get3A_2203, %get3A_2204] : memref<3x32xf32, #tpu.memory_space<smem>>
    %mul3A_2206 = vector.broadcast %get3A_2205 : f32 to vector<1000x128xf32>
    %mul3A_2207 = arith.mulf %add3A_1509, %mul3A_2206 : vector<1000x128xf32>
    %add3A_2208 = arith.addf %add3A_2202, %mul3A_2207 : vector<1000x128xf32>
    %get3A_2209 = arith.constant 20 : index
    %get3A_2210 = memref.load %arg14[%get3A_2209] : memref<32xf32, #tpu.memory_space<smem>>
    %add3A_2211 = vector.broadcast %get3A_2210 : f32 to vector<1000x128xf32>
    %add3A_2212 = arith.addf %add3A_2208, %add3A_2211 : vector<1000x128xf32>
    %get3A_2213 = arith.constant 20 : index
    %get3A_2214 = arith.constant 0 : index
    %get3A_2215 = memref.load %arg15[%get3A_2213, %get3A_2214] : memref<32x1xf32, #tpu.memory_space<smem>>
    %logistic3A_2216 = arith.negf %add3A_2212 : vector<1000x128xf32>
    %logistic3A_2217 = math.exp %logistic3A_2216 : vector<1000x128xf32>
    %logistic3A_2218 = arith.constant 1.000000e+00 : f32
    %logistic3A_2219 = vector.broadcast %logistic3A_2218 : f32 to vector<1000x128xf32>
    %logistic3A_2220 = arith.addf %logistic3A_2219, %logistic3A_2217 : vector<1000x128xf32>
    %logistic3A_2221 = arith.divf %logistic3A_2219, %logistic3A_2220 : vector<1000x128xf32>
    %mul3A_2222 = arith.mulf %add3A_2212, %logistic3A_2221 : vector<1000x128xf32>
    %mul3A_2223 = vector.broadcast %get3A_2215 : f32 to vector<1000x128xf32>
    %mul3A_2224 = arith.mulf %mul3A_2223, %mul3A_2222 : vector<1000x128xf32>
    %add3A_2225 = arith.addf %add3A_2191, %mul3A_2224 : vector<1000x128xf32>
    %get3A_2226 = arith.constant 0 : index
    %get3A_2227 = arith.constant 21 : index
    %get3A_2228 = memref.load %arg13[%get3A_2226, %get3A_2227] : memref<3x32xf32, #tpu.memory_space<smem>>
    %mul3A_2229 = vector.broadcast %get3A_2228 : f32 to vector<1000x128xf32>
    %mul3A_2230 = arith.mulf %add3A_1487, %mul3A_2229 : vector<1000x128xf32>
    %get3A_2231 = arith.constant 1 : index
    %get3A_2232 = arith.constant 21 : index
    %get3A_2233 = memref.load %arg13[%get3A_2231, %get3A_2232] : memref<3x32xf32, #tpu.memory_space<smem>>
    %mul3A_2234 = vector.broadcast %get3A_2233 : f32 to vector<1000x128xf32>
    %mul3A_2235 = arith.mulf %add3A_1498, %mul3A_2234 : vector<1000x128xf32>
    %add3A_2236 = arith.addf %mul3A_2230, %mul3A_2235 : vector<1000x128xf32>
    %get3A_2237 = arith.constant 2 : index
    %get3A_2238 = arith.constant 21 : index
    %get3A_2239 = memref.load %arg13[%get3A_2237, %get3A_2238] : memref<3x32xf32, #tpu.memory_space<smem>>
    %mul3A_2240 = vector.broadcast %get3A_2239 : f32 to vector<1000x128xf32>
    %mul3A_2241 = arith.mulf %add3A_1509, %mul3A_2240 : vector<1000x128xf32>
    %add3A_2242 = arith.addf %add3A_2236, %mul3A_2241 : vector<1000x128xf32>
    %get3A_2243 = arith.constant 21 : index
    %get3A_2244 = memref.load %arg14[%get3A_2243] : memref<32xf32, #tpu.memory_space<smem>>
    %add3A_2245 = vector.broadcast %get3A_2244 : f32 to vector<1000x128xf32>
    %add3A_2246 = arith.addf %add3A_2242, %add3A_2245 : vector<1000x128xf32>
    %get3A_2247 = arith.constant 21 : index
    %get3A_2248 = arith.constant 0 : index
    %get3A_2249 = memref.load %arg15[%get3A_2247, %get3A_2248] : memref<32x1xf32, #tpu.memory_space<smem>>
    %logistic3A_2250 = arith.negf %add3A_2246 : vector<1000x128xf32>
    %logistic3A_2251 = math.exp %logistic3A_2250 : vector<1000x128xf32>
    %logistic3A_2252 = arith.constant 1.000000e+00 : f32
    %logistic3A_2253 = vector.broadcast %logistic3A_2252 : f32 to vector<1000x128xf32>
    %logistic3A_2254 = arith.addf %logistic3A_2253, %logistic3A_2251 : vector<1000x128xf32>
    %logistic3A_2255 = arith.divf %logistic3A_2253, %logistic3A_2254 : vector<1000x128xf32>
    %mul3A_2256 = arith.mulf %add3A_2246, %logistic3A_2255 : vector<1000x128xf32>
    %mul3A_2257 = vector.broadcast %get3A_2249 : f32 to vector<1000x128xf32>
    %mul3A_2258 = arith.mulf %mul3A_2257, %mul3A_2256 : vector<1000x128xf32>
    %add3A_2259 = arith.addf %add3A_2225, %mul3A_2258 : vector<1000x128xf32>
    %get3A_2260 = arith.constant 0 : index
    %get3A_2261 = arith.constant 22 : index
    %get3A_2262 = memref.load %arg13[%get3A_2260, %get3A_2261] : memref<3x32xf32, #tpu.memory_space<smem>>
    %mul3A_2263 = vector.broadcast %get3A_2262 : f32 to vector<1000x128xf32>
    %mul3A_2264 = arith.mulf %add3A_1487, %mul3A_2263 : vector<1000x128xf32>
    %get3A_2265 = arith.constant 1 : index
    %get3A_2266 = arith.constant 22 : index
    %get3A_2267 = memref.load %arg13[%get3A_2265, %get3A_2266] : memref<3x32xf32, #tpu.memory_space<smem>>
    %mul3A_2268 = vector.broadcast %get3A_2267 : f32 to vector<1000x128xf32>
    %mul3A_2269 = arith.mulf %add3A_1498, %mul3A_2268 : vector<1000x128xf32>
    %add3A_2270 = arith.addf %mul3A_2264, %mul3A_2269 : vector<1000x128xf32>
    %get3A_2271 = arith.constant 2 : index
    %get3A_2272 = arith.constant 22 : index
    %get3A_2273 = memref.load %arg13[%get3A_2271, %get3A_2272] : memref<3x32xf32, #tpu.memory_space<smem>>
    %mul3A_2274 = vector.broadcast %get3A_2273 : f32 to vector<1000x128xf32>
    %mul3A_2275 = arith.mulf %add3A_1509, %mul3A_2274 : vector<1000x128xf32>
    %add3A_2276 = arith.addf %add3A_2270, %mul3A_2275 : vector<1000x128xf32>
    %get3A_2277 = arith.constant 22 : index
    %get3A_2278 = memref.load %arg14[%get3A_2277] : memref<32xf32, #tpu.memory_space<smem>>
    %add3A_2279 = vector.broadcast %get3A_2278 : f32 to vector<1000x128xf32>
    %add3A_2280 = arith.addf %add3A_2276, %add3A_2279 : vector<1000x128xf32>
    %get3A_2281 = arith.constant 22 : index
    %get3A_2282 = arith.constant 0 : index
    %get3A_2283 = memref.load %arg15[%get3A_2281, %get3A_2282] : memref<32x1xf32, #tpu.memory_space<smem>>
    %logistic3A_2284 = arith.negf %add3A_2280 : vector<1000x128xf32>
    %logistic3A_2285 = math.exp %logistic3A_2284 : vector<1000x128xf32>
    %logistic3A_2286 = arith.constant 1.000000e+00 : f32
    %logistic3A_2287 = vector.broadcast %logistic3A_2286 : f32 to vector<1000x128xf32>
    %logistic3A_2288 = arith.addf %logistic3A_2287, %logistic3A_2285 : vector<1000x128xf32>
    %logistic3A_2289 = arith.divf %logistic3A_2287, %logistic3A_2288 : vector<1000x128xf32>
    %mul3A_2290 = arith.mulf %add3A_2280, %logistic3A_2289 : vector<1000x128xf32>
    %mul3A_2291 = vector.broadcast %get3A_2283 : f32 to vector<1000x128xf32>
    %mul3A_2292 = arith.mulf %mul3A_2291, %mul3A_2290 : vector<1000x128xf32>
    %add3A_2293 = arith.addf %add3A_2259, %mul3A_2292 : vector<1000x128xf32>
    %get3A_2294 = arith.constant 0 : index
    %get3A_2295 = arith.constant 23 : index
    %get3A_2296 = memref.load %arg13[%get3A_2294, %get3A_2295] : memref<3x32xf32, #tpu.memory_space<smem>>
    %mul3A_2297 = vector.broadcast %get3A_2296 : f32 to vector<1000x128xf32>
    %mul3A_2298 = arith.mulf %add3A_1487, %mul3A_2297 : vector<1000x128xf32>
    %get3A_2299 = arith.constant 1 : index
    %get3A_2300 = arith.constant 23 : index
    %get3A_2301 = memref.load %arg13[%get3A_2299, %get3A_2300] : memref<3x32xf32, #tpu.memory_space<smem>>
    %mul3A_2302 = vector.broadcast %get3A_2301 : f32 to vector<1000x128xf32>
    %mul3A_2303 = arith.mulf %add3A_1498, %mul3A_2302 : vector<1000x128xf32>
    %add3A_2304 = arith.addf %mul3A_2298, %mul3A_2303 : vector<1000x128xf32>
    %get3A_2305 = arith.constant 2 : index
    %get3A_2306 = arith.constant 23 : index
    %get3A_2307 = memref.load %arg13[%get3A_2305, %get3A_2306] : memref<3x32xf32, #tpu.memory_space<smem>>
    %mul3A_2308 = vector.broadcast %get3A_2307 : f32 to vector<1000x128xf32>
    %mul3A_2309 = arith.mulf %add3A_1509, %mul3A_2308 : vector<1000x128xf32>
    %add3A_2310 = arith.addf %add3A_2304, %mul3A_2309 : vector<1000x128xf32>
    %get3A_2311 = arith.constant 23 : index
    %get3A_2312 = memref.load %arg14[%get3A_2311] : memref<32xf32, #tpu.memory_space<smem>>
    %add3A_2313 = vector.broadcast %get3A_2312 : f32 to vector<1000x128xf32>
    %add3A_2314 = arith.addf %add3A_2310, %add3A_2313 : vector<1000x128xf32>
    %get3A_2315 = arith.constant 23 : index
    %get3A_2316 = arith.constant 0 : index
    %get3A_2317 = memref.load %arg15[%get3A_2315, %get3A_2316] : memref<32x1xf32, #tpu.memory_space<smem>>
    %logistic3A_2318 = arith.negf %add3A_2314 : vector<1000x128xf32>
    %logistic3A_2319 = math.exp %logistic3A_2318 : vector<1000x128xf32>
    %logistic3A_2320 = arith.constant 1.000000e+00 : f32
    %logistic3A_2321 = vector.broadcast %logistic3A_2320 : f32 to vector<1000x128xf32>
    %logistic3A_2322 = arith.addf %logistic3A_2321, %logistic3A_2319 : vector<1000x128xf32>
    %logistic3A_2323 = arith.divf %logistic3A_2321, %logistic3A_2322 : vector<1000x128xf32>
    %mul3A_2324 = arith.mulf %add3A_2314, %logistic3A_2323 : vector<1000x128xf32>
    %mul3A_2325 = vector.broadcast %get3A_2317 : f32 to vector<1000x128xf32>
    %mul3A_2326 = arith.mulf %mul3A_2325, %mul3A_2324 : vector<1000x128xf32>
    %add3A_2327 = arith.addf %add3A_2293, %mul3A_2326 : vector<1000x128xf32>
    %get3A_2328 = arith.constant 0 : index
    %get3A_2329 = arith.constant 24 : index
    %get3A_2330 = memref.load %arg13[%get3A_2328, %get3A_2329] : memref<3x32xf32, #tpu.memory_space<smem>>
    %mul3A_2331 = vector.broadcast %get3A_2330 : f32 to vector<1000x128xf32>
    %mul3A_2332 = arith.mulf %add3A_1487, %mul3A_2331 : vector<1000x128xf32>
    %get3A_2333 = arith.constant 1 : index
    %get3A_2334 = arith.constant 24 : index
    %get3A_2335 = memref.load %arg13[%get3A_2333, %get3A_2334] : memref<3x32xf32, #tpu.memory_space<smem>>
    %mul3A_2336 = vector.broadcast %get3A_2335 : f32 to vector<1000x128xf32>
    %mul3A_2337 = arith.mulf %add3A_1498, %mul3A_2336 : vector<1000x128xf32>
    %add3A_2338 = arith.addf %mul3A_2332, %mul3A_2337 : vector<1000x128xf32>
    %get3A_2339 = arith.constant 2 : index
    %get3A_2340 = arith.constant 24 : index
    %get3A_2341 = memref.load %arg13[%get3A_2339, %get3A_2340] : memref<3x32xf32, #tpu.memory_space<smem>>
    %mul3A_2342 = vector.broadcast %get3A_2341 : f32 to vector<1000x128xf32>
    %mul3A_2343 = arith.mulf %add3A_1509, %mul3A_2342 : vector<1000x128xf32>
    %add3A_2344 = arith.addf %add3A_2338, %mul3A_2343 : vector<1000x128xf32>
    %get3A_2345 = arith.constant 24 : index
    %get3A_2346 = memref.load %arg14[%get3A_2345] : memref<32xf32, #tpu.memory_space<smem>>
    %add3A_2347 = vector.broadcast %get3A_2346 : f32 to vector<1000x128xf32>
    %add3A_2348 = arith.addf %add3A_2344, %add3A_2347 : vector<1000x128xf32>
    %get3A_2349 = arith.constant 24 : index
    %get3A_2350 = arith.constant 0 : index
    %get3A_2351 = memref.load %arg15[%get3A_2349, %get3A_2350] : memref<32x1xf32, #tpu.memory_space<smem>>
    %logistic3A_2352 = arith.negf %add3A_2348 : vector<1000x128xf32>
    %logistic3A_2353 = math.exp %logistic3A_2352 : vector<1000x128xf32>
    %logistic3A_2354 = arith.constant 1.000000e+00 : f32
    %logistic3A_2355 = vector.broadcast %logistic3A_2354 : f32 to vector<1000x128xf32>
    %logistic3A_2356 = arith.addf %logistic3A_2355, %logistic3A_2353 : vector<1000x128xf32>
    %logistic3A_2357 = arith.divf %logistic3A_2355, %logistic3A_2356 : vector<1000x128xf32>
    %mul3A_2358 = arith.mulf %add3A_2348, %logistic3A_2357 : vector<1000x128xf32>
    %mul3A_2359 = vector.broadcast %get3A_2351 : f32 to vector<1000x128xf32>
    %mul3A_2360 = arith.mulf %mul3A_2359, %mul3A_2358 : vector<1000x128xf32>
    %add3A_2361 = arith.addf %add3A_2327, %mul3A_2360 : vector<1000x128xf32>
    %get3A_2362 = arith.constant 0 : index
    %get3A_2363 = arith.constant 25 : index
    %get3A_2364 = memref.load %arg13[%get3A_2362, %get3A_2363] : memref<3x32xf32, #tpu.memory_space<smem>>
    %mul3A_2365 = vector.broadcast %get3A_2364 : f32 to vector<1000x128xf32>
    %mul3A_2366 = arith.mulf %add3A_1487, %mul3A_2365 : vector<1000x128xf32>
    %get3A_2367 = arith.constant 1 : index
    %get3A_2368 = arith.constant 25 : index
    %get3A_2369 = memref.load %arg13[%get3A_2367, %get3A_2368] : memref<3x32xf32, #tpu.memory_space<smem>>
    %mul3A_2370 = vector.broadcast %get3A_2369 : f32 to vector<1000x128xf32>
    %mul3A_2371 = arith.mulf %add3A_1498, %mul3A_2370 : vector<1000x128xf32>
    %add3A_2372 = arith.addf %mul3A_2366, %mul3A_2371 : vector<1000x128xf32>
    %get3A_2373 = arith.constant 2 : index
    %get3A_2374 = arith.constant 25 : index
    %get3A_2375 = memref.load %arg13[%get3A_2373, %get3A_2374] : memref<3x32xf32, #tpu.memory_space<smem>>
    %mul3A_2376 = vector.broadcast %get3A_2375 : f32 to vector<1000x128xf32>
    %mul3A_2377 = arith.mulf %add3A_1509, %mul3A_2376 : vector<1000x128xf32>
    %add3A_2378 = arith.addf %add3A_2372, %mul3A_2377 : vector<1000x128xf32>
    %get3A_2379 = arith.constant 25 : index
    %get3A_2380 = memref.load %arg14[%get3A_2379] : memref<32xf32, #tpu.memory_space<smem>>
    %add3A_2381 = vector.broadcast %get3A_2380 : f32 to vector<1000x128xf32>
    %add3A_2382 = arith.addf %add3A_2378, %add3A_2381 : vector<1000x128xf32>
    %get3A_2383 = arith.constant 25 : index
    %get3A_2384 = arith.constant 0 : index
    %get3A_2385 = memref.load %arg15[%get3A_2383, %get3A_2384] : memref<32x1xf32, #tpu.memory_space<smem>>
    %logistic3A_2386 = arith.negf %add3A_2382 : vector<1000x128xf32>
    %logistic3A_2387 = math.exp %logistic3A_2386 : vector<1000x128xf32>
    %logistic3A_2388 = arith.constant 1.000000e+00 : f32
    %logistic3A_2389 = vector.broadcast %logistic3A_2388 : f32 to vector<1000x128xf32>
    %logistic3A_2390 = arith.addf %logistic3A_2389, %logistic3A_2387 : vector<1000x128xf32>
    %logistic3A_2391 = arith.divf %logistic3A_2389, %logistic3A_2390 : vector<1000x128xf32>
    %mul3A_2392 = arith.mulf %add3A_2382, %logistic3A_2391 : vector<1000x128xf32>
    %mul3A_2393 = vector.broadcast %get3A_2385 : f32 to vector<1000x128xf32>
    %mul3A_2394 = arith.mulf %mul3A_2393, %mul3A_2392 : vector<1000x128xf32>
    %add3A_2395 = arith.addf %add3A_2361, %mul3A_2394 : vector<1000x128xf32>
    %get3A_2396 = arith.constant 0 : index
    %get3A_2397 = arith.constant 26 : index
    %get3A_2398 = memref.load %arg13[%get3A_2396, %get3A_2397] : memref<3x32xf32, #tpu.memory_space<smem>>
    %mul3A_2399 = vector.broadcast %get3A_2398 : f32 to vector<1000x128xf32>
    %mul3A_2400 = arith.mulf %add3A_1487, %mul3A_2399 : vector<1000x128xf32>
    %get3A_2401 = arith.constant 1 : index
    %get3A_2402 = arith.constant 26 : index
    %get3A_2403 = memref.load %arg13[%get3A_2401, %get3A_2402] : memref<3x32xf32, #tpu.memory_space<smem>>
    %mul3A_2404 = vector.broadcast %get3A_2403 : f32 to vector<1000x128xf32>
    %mul3A_2405 = arith.mulf %add3A_1498, %mul3A_2404 : vector<1000x128xf32>
    %add3A_2406 = arith.addf %mul3A_2400, %mul3A_2405 : vector<1000x128xf32>
    %get3A_2407 = arith.constant 2 : index
    %get3A_2408 = arith.constant 26 : index
    %get3A_2409 = memref.load %arg13[%get3A_2407, %get3A_2408] : memref<3x32xf32, #tpu.memory_space<smem>>
    %mul3A_2410 = vector.broadcast %get3A_2409 : f32 to vector<1000x128xf32>
    %mul3A_2411 = arith.mulf %add3A_1509, %mul3A_2410 : vector<1000x128xf32>
    %add3A_2412 = arith.addf %add3A_2406, %mul3A_2411 : vector<1000x128xf32>
    %get3A_2413 = arith.constant 26 : index
    %get3A_2414 = memref.load %arg14[%get3A_2413] : memref<32xf32, #tpu.memory_space<smem>>
    %add3A_2415 = vector.broadcast %get3A_2414 : f32 to vector<1000x128xf32>
    %add3A_2416 = arith.addf %add3A_2412, %add3A_2415 : vector<1000x128xf32>
    %get3A_2417 = arith.constant 26 : index
    %get3A_2418 = arith.constant 0 : index
    %get3A_2419 = memref.load %arg15[%get3A_2417, %get3A_2418] : memref<32x1xf32, #tpu.memory_space<smem>>
    %logistic3A_2420 = arith.negf %add3A_2416 : vector<1000x128xf32>
    %logistic3A_2421 = math.exp %logistic3A_2420 : vector<1000x128xf32>
    %logistic3A_2422 = arith.constant 1.000000e+00 : f32
    %logistic3A_2423 = vector.broadcast %logistic3A_2422 : f32 to vector<1000x128xf32>
    %logistic3A_2424 = arith.addf %logistic3A_2423, %logistic3A_2421 : vector<1000x128xf32>
    %logistic3A_2425 = arith.divf %logistic3A_2423, %logistic3A_2424 : vector<1000x128xf32>
    %mul3A_2426 = arith.mulf %add3A_2416, %logistic3A_2425 : vector<1000x128xf32>
    %mul3A_2427 = vector.broadcast %get3A_2419 : f32 to vector<1000x128xf32>
    %mul3A_2428 = arith.mulf %mul3A_2427, %mul3A_2426 : vector<1000x128xf32>
    %add3A_2429 = arith.addf %add3A_2395, %mul3A_2428 : vector<1000x128xf32>
    %get3A_2430 = arith.constant 0 : index
    %get3A_2431 = arith.constant 27 : index
    %get3A_2432 = memref.load %arg13[%get3A_2430, %get3A_2431] : memref<3x32xf32, #tpu.memory_space<smem>>
    %mul3A_2433 = vector.broadcast %get3A_2432 : f32 to vector<1000x128xf32>
    %mul3A_2434 = arith.mulf %add3A_1487, %mul3A_2433 : vector<1000x128xf32>
    %get3A_2435 = arith.constant 1 : index
    %get3A_2436 = arith.constant 27 : index
    %get3A_2437 = memref.load %arg13[%get3A_2435, %get3A_2436] : memref<3x32xf32, #tpu.memory_space<smem>>
    %mul3A_2438 = vector.broadcast %get3A_2437 : f32 to vector<1000x128xf32>
    %mul3A_2439 = arith.mulf %add3A_1498, %mul3A_2438 : vector<1000x128xf32>
    %add3A_2440 = arith.addf %mul3A_2434, %mul3A_2439 : vector<1000x128xf32>
    %get3A_2441 = arith.constant 2 : index
    %get3A_2442 = arith.constant 27 : index
    %get3A_2443 = memref.load %arg13[%get3A_2441, %get3A_2442] : memref<3x32xf32, #tpu.memory_space<smem>>
    %mul3A_2444 = vector.broadcast %get3A_2443 : f32 to vector<1000x128xf32>
    %mul3A_2445 = arith.mulf %add3A_1509, %mul3A_2444 : vector<1000x128xf32>
    %add3A_2446 = arith.addf %add3A_2440, %mul3A_2445 : vector<1000x128xf32>
    %get3A_2447 = arith.constant 27 : index
    %get3A_2448 = memref.load %arg14[%get3A_2447] : memref<32xf32, #tpu.memory_space<smem>>
    %add3A_2449 = vector.broadcast %get3A_2448 : f32 to vector<1000x128xf32>
    %add3A_2450 = arith.addf %add3A_2446, %add3A_2449 : vector<1000x128xf32>
    %get3A_2451 = arith.constant 27 : index
    %get3A_2452 = arith.constant 0 : index
    %get3A_2453 = memref.load %arg15[%get3A_2451, %get3A_2452] : memref<32x1xf32, #tpu.memory_space<smem>>
    %logistic3A_2454 = arith.negf %add3A_2450 : vector<1000x128xf32>
    %logistic3A_2455 = math.exp %logistic3A_2454 : vector<1000x128xf32>
    %logistic3A_2456 = arith.constant 1.000000e+00 : f32
    %logistic3A_2457 = vector.broadcast %logistic3A_2456 : f32 to vector<1000x128xf32>
    %logistic3A_2458 = arith.addf %logistic3A_2457, %logistic3A_2455 : vector<1000x128xf32>
    %logistic3A_2459 = arith.divf %logistic3A_2457, %logistic3A_2458 : vector<1000x128xf32>
    %mul3A_2460 = arith.mulf %add3A_2450, %logistic3A_2459 : vector<1000x128xf32>
    %mul3A_2461 = vector.broadcast %get3A_2453 : f32 to vector<1000x128xf32>
    %mul3A_2462 = arith.mulf %mul3A_2461, %mul3A_2460 : vector<1000x128xf32>
    %add3A_2463 = arith.addf %add3A_2429, %mul3A_2462 : vector<1000x128xf32>
    %get3A_2464 = arith.constant 0 : index
    %get3A_2465 = arith.constant 28 : index
    %get3A_2466 = memref.load %arg13[%get3A_2464, %get3A_2465] : memref<3x32xf32, #tpu.memory_space<smem>>
    %mul3A_2467 = vector.broadcast %get3A_2466 : f32 to vector<1000x128xf32>
    %mul3A_2468 = arith.mulf %add3A_1487, %mul3A_2467 : vector<1000x128xf32>
    %get3A_2469 = arith.constant 1 : index
    %get3A_2470 = arith.constant 28 : index
    %get3A_2471 = memref.load %arg13[%get3A_2469, %get3A_2470] : memref<3x32xf32, #tpu.memory_space<smem>>
    %mul3A_2472 = vector.broadcast %get3A_2471 : f32 to vector<1000x128xf32>
    %mul3A_2473 = arith.mulf %add3A_1498, %mul3A_2472 : vector<1000x128xf32>
    %add3A_2474 = arith.addf %mul3A_2468, %mul3A_2473 : vector<1000x128xf32>
    %get3A_2475 = arith.constant 2 : index
    %get3A_2476 = arith.constant 28 : index
    %get3A_2477 = memref.load %arg13[%get3A_2475, %get3A_2476] : memref<3x32xf32, #tpu.memory_space<smem>>
    %mul3A_2478 = vector.broadcast %get3A_2477 : f32 to vector<1000x128xf32>
    %mul3A_2479 = arith.mulf %add3A_1509, %mul3A_2478 : vector<1000x128xf32>
    %add3A_2480 = arith.addf %add3A_2474, %mul3A_2479 : vector<1000x128xf32>
    %get3A_2481 = arith.constant 28 : index
    %get3A_2482 = memref.load %arg14[%get3A_2481] : memref<32xf32, #tpu.memory_space<smem>>
    %add3A_2483 = vector.broadcast %get3A_2482 : f32 to vector<1000x128xf32>
    %add3A_2484 = arith.addf %add3A_2480, %add3A_2483 : vector<1000x128xf32>
    %get3A_2485 = arith.constant 28 : index
    %get3A_2486 = arith.constant 0 : index
    %get3A_2487 = memref.load %arg15[%get3A_2485, %get3A_2486] : memref<32x1xf32, #tpu.memory_space<smem>>
    %logistic3A_2488 = arith.negf %add3A_2484 : vector<1000x128xf32>
    %logistic3A_2489 = math.exp %logistic3A_2488 : vector<1000x128xf32>
    %logistic3A_2490 = arith.constant 1.000000e+00 : f32
    %logistic3A_2491 = vector.broadcast %logistic3A_2490 : f32 to vector<1000x128xf32>
    %logistic3A_2492 = arith.addf %logistic3A_2491, %logistic3A_2489 : vector<1000x128xf32>
    %logistic3A_2493 = arith.divf %logistic3A_2491, %logistic3A_2492 : vector<1000x128xf32>
    %mul3A_2494 = arith.mulf %add3A_2484, %logistic3A_2493 : vector<1000x128xf32>
    %mul3A_2495 = vector.broadcast %get3A_2487 : f32 to vector<1000x128xf32>
    %mul3A_2496 = arith.mulf %mul3A_2495, %mul3A_2494 : vector<1000x128xf32>
    %add3A_2497 = arith.addf %add3A_2463, %mul3A_2496 : vector<1000x128xf32>
    %get3A_2498 = arith.constant 0 : index
    %get3A_2499 = arith.constant 29 : index
    %get3A_2500 = memref.load %arg13[%get3A_2498, %get3A_2499] : memref<3x32xf32, #tpu.memory_space<smem>>
    %mul3A_2501 = vector.broadcast %get3A_2500 : f32 to vector<1000x128xf32>
    %mul3A_2502 = arith.mulf %add3A_1487, %mul3A_2501 : vector<1000x128xf32>
    %get3A_2503 = arith.constant 1 : index
    %get3A_2504 = arith.constant 29 : index
    %get3A_2505 = memref.load %arg13[%get3A_2503, %get3A_2504] : memref<3x32xf32, #tpu.memory_space<smem>>
    %mul3A_2506 = vector.broadcast %get3A_2505 : f32 to vector<1000x128xf32>
    %mul3A_2507 = arith.mulf %add3A_1498, %mul3A_2506 : vector<1000x128xf32>
    %add3A_2508 = arith.addf %mul3A_2502, %mul3A_2507 : vector<1000x128xf32>
    %get3A_2509 = arith.constant 2 : index
    %get3A_2510 = arith.constant 29 : index
    %get3A_2511 = memref.load %arg13[%get3A_2509, %get3A_2510] : memref<3x32xf32, #tpu.memory_space<smem>>
    %mul3A_2512 = vector.broadcast %get3A_2511 : f32 to vector<1000x128xf32>
    %mul3A_2513 = arith.mulf %add3A_1509, %mul3A_2512 : vector<1000x128xf32>
    %add3A_2514 = arith.addf %add3A_2508, %mul3A_2513 : vector<1000x128xf32>
    %get3A_2515 = arith.constant 29 : index
    %get3A_2516 = memref.load %arg14[%get3A_2515] : memref<32xf32, #tpu.memory_space<smem>>
    %add3A_2517 = vector.broadcast %get3A_2516 : f32 to vector<1000x128xf32>
    %add3A_2518 = arith.addf %add3A_2514, %add3A_2517 : vector<1000x128xf32>
    %get3A_2519 = arith.constant 29 : index
    %get3A_2520 = arith.constant 0 : index
    %get3A_2521 = memref.load %arg15[%get3A_2519, %get3A_2520] : memref<32x1xf32, #tpu.memory_space<smem>>
    %logistic3A_2522 = arith.negf %add3A_2518 : vector<1000x128xf32>
    %logistic3A_2523 = math.exp %logistic3A_2522 : vector<1000x128xf32>
    %logistic3A_2524 = arith.constant 1.000000e+00 : f32
    %logistic3A_2525 = vector.broadcast %logistic3A_2524 : f32 to vector<1000x128xf32>
    %logistic3A_2526 = arith.addf %logistic3A_2525, %logistic3A_2523 : vector<1000x128xf32>
    %logistic3A_2527 = arith.divf %logistic3A_2525, %logistic3A_2526 : vector<1000x128xf32>
    %mul3A_2528 = arith.mulf %add3A_2518, %logistic3A_2527 : vector<1000x128xf32>
    %mul3A_2529 = vector.broadcast %get3A_2521 : f32 to vector<1000x128xf32>
    %mul3A_2530 = arith.mulf %mul3A_2529, %mul3A_2528 : vector<1000x128xf32>
    %add3A_2531 = arith.addf %add3A_2497, %mul3A_2530 : vector<1000x128xf32>
    %get3A_2532 = arith.constant 0 : index
    %get3A_2533 = arith.constant 30 : index
    %get3A_2534 = memref.load %arg13[%get3A_2532, %get3A_2533] : memref<3x32xf32, #tpu.memory_space<smem>>
    %mul3A_2535 = vector.broadcast %get3A_2534 : f32 to vector<1000x128xf32>
    %mul3A_2536 = arith.mulf %add3A_1487, %mul3A_2535 : vector<1000x128xf32>
    %get3A_2537 = arith.constant 1 : index
    %get3A_2538 = arith.constant 30 : index
    %get3A_2539 = memref.load %arg13[%get3A_2537, %get3A_2538] : memref<3x32xf32, #tpu.memory_space<smem>>
    %mul3A_2540 = vector.broadcast %get3A_2539 : f32 to vector<1000x128xf32>
    %mul3A_2541 = arith.mulf %add3A_1498, %mul3A_2540 : vector<1000x128xf32>
    %add3A_2542 = arith.addf %mul3A_2536, %mul3A_2541 : vector<1000x128xf32>
    %get3A_2543 = arith.constant 2 : index
    %get3A_2544 = arith.constant 30 : index
    %get3A_2545 = memref.load %arg13[%get3A_2543, %get3A_2544] : memref<3x32xf32, #tpu.memory_space<smem>>
    %mul3A_2546 = vector.broadcast %get3A_2545 : f32 to vector<1000x128xf32>
    %mul3A_2547 = arith.mulf %add3A_1509, %mul3A_2546 : vector<1000x128xf32>
    %add3A_2548 = arith.addf %add3A_2542, %mul3A_2547 : vector<1000x128xf32>
    %get3A_2549 = arith.constant 30 : index
    %get3A_2550 = memref.load %arg14[%get3A_2549] : memref<32xf32, #tpu.memory_space<smem>>
    %add3A_2551 = vector.broadcast %get3A_2550 : f32 to vector<1000x128xf32>
    %add3A_2552 = arith.addf %add3A_2548, %add3A_2551 : vector<1000x128xf32>
    %get3A_2553 = arith.constant 30 : index
    %get3A_2554 = arith.constant 0 : index
    %get3A_2555 = memref.load %arg15[%get3A_2553, %get3A_2554] : memref<32x1xf32, #tpu.memory_space<smem>>
    %logistic3A_2556 = arith.negf %add3A_2552 : vector<1000x128xf32>
    %logistic3A_2557 = math.exp %logistic3A_2556 : vector<1000x128xf32>
    %logistic3A_2558 = arith.constant 1.000000e+00 : f32
    %logistic3A_2559 = vector.broadcast %logistic3A_2558 : f32 to vector<1000x128xf32>
    %logistic3A_2560 = arith.addf %logistic3A_2559, %logistic3A_2557 : vector<1000x128xf32>
    %logistic3A_2561 = arith.divf %logistic3A_2559, %logistic3A_2560 : vector<1000x128xf32>
    %mul3A_2562 = arith.mulf %add3A_2552, %logistic3A_2561 : vector<1000x128xf32>
    %mul3A_2563 = vector.broadcast %get3A_2555 : f32 to vector<1000x128xf32>
    %mul3A_2564 = arith.mulf %mul3A_2563, %mul3A_2562 : vector<1000x128xf32>
    %add3A_2565 = arith.addf %add3A_2531, %mul3A_2564 : vector<1000x128xf32>
    %get3A_2566 = arith.constant 0 : index
    %get3A_2567 = arith.constant 31 : index
    %get3A_2568 = memref.load %arg13[%get3A_2566, %get3A_2567] : memref<3x32xf32, #tpu.memory_space<smem>>
    %mul3A_2569 = vector.broadcast %get3A_2568 : f32 to vector<1000x128xf32>
    %mul3A_2570 = arith.mulf %add3A_1487, %mul3A_2569 : vector<1000x128xf32>
    %get3A_2571 = arith.constant 1 : index
    %get3A_2572 = arith.constant 31 : index
    %get3A_2573 = memref.load %arg13[%get3A_2571, %get3A_2572] : memref<3x32xf32, #tpu.memory_space<smem>>
    %mul3A_2574 = vector.broadcast %get3A_2573 : f32 to vector<1000x128xf32>
    %mul3A_2575 = arith.mulf %add3A_1498, %mul3A_2574 : vector<1000x128xf32>
    %add3A_2576 = arith.addf %mul3A_2570, %mul3A_2575 : vector<1000x128xf32>
    %get3A_2577 = arith.constant 2 : index
    %get3A_2578 = arith.constant 31 : index
    %get3A_2579 = memref.load %arg13[%get3A_2577, %get3A_2578] : memref<3x32xf32, #tpu.memory_space<smem>>
    %mul3A_2580 = vector.broadcast %get3A_2579 : f32 to vector<1000x128xf32>
    %mul3A_2581 = arith.mulf %add3A_1509, %mul3A_2580 : vector<1000x128xf32>
    %add3A_2582 = arith.addf %add3A_2576, %mul3A_2581 : vector<1000x128xf32>
    %get3A_2583 = arith.constant 31 : index
    %get3A_2584 = memref.load %arg14[%get3A_2583] : memref<32xf32, #tpu.memory_space<smem>>
    %add3A_2585 = vector.broadcast %get3A_2584 : f32 to vector<1000x128xf32>
    %add3A_2586 = arith.addf %add3A_2582, %add3A_2585 : vector<1000x128xf32>
    %get3A_2587 = arith.constant 31 : index
    %get3A_2588 = arith.constant 0 : index
    %get3A_2589 = memref.load %arg15[%get3A_2587, %get3A_2588] : memref<32x1xf32, #tpu.memory_space<smem>>
    %logistic3A_2590 = arith.negf %add3A_2586 : vector<1000x128xf32>
    %logistic3A_2591 = math.exp %logistic3A_2590 : vector<1000x128xf32>
    %logistic3A_2592 = arith.constant 1.000000e+00 : f32
    %logistic3A_2593 = vector.broadcast %logistic3A_2592 : f32 to vector<1000x128xf32>
    %logistic3A_2594 = arith.addf %logistic3A_2593, %logistic3A_2591 : vector<1000x128xf32>
    %logistic3A_2595 = arith.divf %logistic3A_2593, %logistic3A_2594 : vector<1000x128xf32>
    %mul3A_2596 = arith.mulf %add3A_2586, %logistic3A_2595 : vector<1000x128xf32>
    %mul3A_2597 = vector.broadcast %get3A_2589 : f32 to vector<1000x128xf32>
    %mul3A_2598 = arith.mulf %mul3A_2597, %mul3A_2596 : vector<1000x128xf32>
    %add3A_2599 = arith.addf %add3A_2565, %mul3A_2598 : vector<1000x128xf32>
    %get3A_2600 = arith.constant 0 : index
    %get3A_2601 = memref.load %arg16[%get3A_2600] : memref<1xf32, #tpu.memory_space<smem>>
    %add3A_2602 = vector.broadcast %get3A_2601 : f32 to vector<1000x128xf32>
    %add3A_2603 = arith.addf %add3A_2599, %add3A_2602 : vector<1000x128xf32>
    %add3A_2604 = arith.addf %add3A_2603, %add3A_1487 : vector<1000x128xf32>
    %dot_general3A_2605 = arith.constant dense<0.000000e+00> : vector<1000x256xf32>
    %dot_general3A_2606 = tpu.matmul %add3A_2604, %get3A_250, %dot_general3A_2605 {dimension_numbers = #tpu.dot_dimension_numbers<[1], [0], [0], [1], [0, 0, 1, 1], [], []>, transpose_lhs_hint = false} : vector<1000x128xf32>, vector<128x256xf32>, vector<1000x256xf32> -> vector<1000x256xf32>
    %add3A_2607 = vector.broadcast %get3A_253 : vector<1x256xf32> to vector<1000x256xf32>
    %add3A_2608 = arith.addf %dot_general3A_2606, %add3A_2607 : vector<1000x256xf32>
    %mul3A_2609 = vector.broadcast %get3A_256 : vector<1x256xf32> to vector<1000x256xf32>
    %mul3A_2610 = arith.mulf %add3A_2608, %mul3A_2609 : vector<1000x256xf32>
    %add3A_2611 = vector.broadcast %get3A_259 : vector<1x256xf32> to vector<1000x256xf32>
    %add3A_2612 = arith.addf %mul3A_2610, %add3A_2611 : vector<1000x256xf32>
    %max3A_2613 = arith.constant 0.000000e+00 : f32
    %max3A_2614 = vector.broadcast %max3A_2613 : f32 to vector<1000x256xf32>
    %max3A_2615 = arith.maximumf %add3A_2612, %max3A_2614 : vector<1000x256xf32>
    %dot_general3A_2616 = arith.constant dense<0.000000e+00> : vector<1000x128xf32>
    %dot_general3A_2617 = tpu.matmul %max3A_2615, %get3A_262, %dot_general3A_2616 {dimension_numbers = #tpu.dot_dimension_numbers<[1], [0], [0], [1], [0, 0, 1, 1], [], []>, transpose_lhs_hint = false} : vector<1000x256xf32>, vector<256x128xf32>, vector<1000x128xf32> -> vector<1000x128xf32>
    %add3A_2618 = vector.broadcast %get3A_265 : vector<1x128xf32> to vector<1000x128xf32>
    %add3A_2619 = arith.addf %dot_general3A_2617, %add3A_2618 : vector<1000x128xf32>
    %add3A_2620 = arith.addf %add3A_1442, %add3A_2619 : vector<1000x128xf32>
    %mul3A_2621 = arith.constant 5.000000e-01 : f32
    %mul3A_2622 = vector.broadcast %mul3A_2621 : f32 to vector<1000x128xf32>
    %mul3A_2623 = arith.mulf %add3A_2620, %mul3A_2622 : vector<1000x128xf32>
    %get3A_2624 = arith.constant 0 : index
    %get3A_2625 = arith.constant 0 : index
    %get3A_2626 = vector.load %arg5[%get3A_2624, %get3A_2625] : memref<1000x128xf32, #tpu.memory_space<vmem>>, vector<1000x128xf32>
    %add3A_2627 = arith.addf %mul3A_2623, %get3A_2626 : vector<1000x128xf32>
    %swap3A = arith.constant 0 : index
    %swap3A_2628 = arith.constant 0 : index
    %swap3A_2629 = vector.load %arg23[%swap3A, %swap3A_2628] : memref<1000x128xf32, #tpu.memory_space<vmem>>, vector<1000x128xf32>
    tpu.vector_store %arg23[%swap3A, %swap3A_2628], %add3A_2627 {strides = array<i32>} : memref<1000x128xf32, #tpu.memory_space<vmem>>, vector<1000x128xf32>,
    return
  }
  func.func @transform_0(%arg0: i32) -> (i32, i32, i32) {
    %c0_i32 = arith.constant 0 : i32
    %c0_i32_0 = arith.constant 0 : i32
    %c0_i32_1 = arith.constant 0 : i32
    return %c0_i32, %arg0, %c0_i32_0 : i32, i32, i32
  }
  func.func @transform_1(%arg0: i32) -> (i32, i32) {
    %c0_i32 = arith.constant 0 : i32
    %c0_i32_0 = arith.constant 0 : i32
    return %arg0, %c0_i32 : i32, i32
  }
  func.func @transform_2(%arg0: i32) -> (i32, i32) {
    %c0_i32 = arith.constant 0 : i32
    %c0_i32_0 = arith.constant 0 : i32
    return %arg0, %c0_i32 : i32, i32
  }
  func.func @transform_3(%arg0: i32) -> (i32, i32) {
    %c0_i32 = arith.constant 0 : i32
    %c0_i32_0 = arith.constant 0 : i32
    return %arg0, %c0_i32 : i32, i32
  }
  func.func @transform_4(%arg0: i32) -> (i32, i32) {
    %c0_i32 = arith.constant 0 : i32
    %c0_i32_0 = arith.constant 0 : i32
    return %arg0, %c0_i32 : i32, i32
  }
  func.func @transform_5(%arg0: i32) -> (i32, i32) {
    %c0_i32 = arith.constant 0 : i32
    %c0_i32_0 = arith.constant 0 : i32
    %c0_i32_1 = arith.constant 0 : i32
    return %c0_i32, %c0_i32_0 : i32, i32
  }
  func.func @transform_6(%arg0: i32) -> (i32, i32) {
    %c0_i32 = arith.constant 0 : i32
    %c0_i32_0 = arith.constant 0 : i32
    %c0_i32_1 = arith.constant 0 : i32
    return %c0_i32, %c0_i32_0 : i32, i32
  }
  func.func @transform_7(%arg0: i32) -> (i32, i32) {
    %c0_i32 = arith.constant 0 : i32
    %c0_i32_0 = arith.constant 0 : i32
    %c0_i32_1 = arith.constant 0 : i32
    return %c0_i32, %c0_i32_0 : i32, i32
  }
  func.func @transform_8(%arg0: i32) -> (i32, i32) {
    %c0_i32 = arith.constant 0 : i32
    %c0_i32_0 = arith.constant 0 : i32
    %c0_i32_1 = arith.constant 0 : i32
    return %c0_i32, %c0_i32_0 : i32, i32
  }
  func.func @transform_9(%arg0: i32) -> (i32, i32) {
    %c0_i32 = arith.constant 0 : i32
    %c0_i32_0 = arith.constant 0 : i32
    %c0_i32_1 = arith.constant 0 : i32
    return %c0_i32, %c0_i32_0 : i32, i32
  }
  func.func @transform_10(%arg0: i32) -> (i32, i32) {
    %c0_i32 = arith.constant 0 : i32
    %c0_i32_0 = arith.constant 0 : i32
    %c0_i32_1 = arith.constant 0 : i32
    return %c0_i32, %c0_i32_0 : i32, i32
  }
  func.func @transform_11(%arg0: i32) -> (i32, i32) {
    %c0_i32 = arith.constant 0 : i32
    %c0_i32_0 = arith.constant 0 : i32
    %c0_i32_1 = arith.constant 0 : i32
    return %c0_i32, %c0_i32_0 : i32, i32
  }
  func.func @transform_12(%arg0: i32) -> (i32, i32) {
    %c0_i32 = arith.constant 0 : i32
    %c0_i32_0 = arith.constant 0 : i32
    %c0_i32_1 = arith.constant 0 : i32
    return %c0_i32, %c0_i32_0 : i32, i32
  }
  func.func @transform_13(%arg0: i32) -> i32 {
    %c0_i32 = arith.constant 0 : i32
    %c0_i32_0 = arith.constant 0 : i32
    return %c0_i32 : i32
  }
  func.func @transform_14(%arg0: i32) -> (i32, i32) {
    %c0_i32 = arith.constant 0 : i32
    %c0_i32_0 = arith.constant 0 : i32
    %c0_i32_1 = arith.constant 0 : i32
    return %c0_i32, %c0_i32_0 : i32, i32
  }
  func.func @transform_15(%arg0: i32) -> i32 {
    %c0_i32 = arith.constant 0 : i32
    %c0_i32_0 = arith.constant 0 : i32
    return %c0_i32 : i32
  }
  func.func @transform_16(%arg0: i32) -> (i32, i32) {
    %c0_i32 = arith.constant 0 : i32
    %c0_i32_0 = arith.constant 0 : i32
    %c0_i32_1 = arith.constant 0 : i32
    return %c0_i32, %c0_i32_0 : i32, i32
  }
  func.func @transform_17(%arg0: i32) -> (i32, i32) {
    %c0_i32 = arith.constant 0 : i32
    %c0_i32_0 = arith.constant 0 : i32
    %c0_i32_1 = arith.constant 0 : i32
    return %c0_i32, %c0_i32_0 : i32, i32
  }
  func.func @transform_18(%arg0: i32) -> (i32, i32) {
    %c0_i32 = arith.constant 0 : i32
    %c0_i32_0 = arith.constant 0 : i32
    %c0_i32_1 = arith.constant 0 : i32
    return %c0_i32, %c0_i32_0 : i32, i32
  }
  func.func @transform_19(%arg0: i32) -> (i32, i32) {
    %c0_i32 = arith.constant 0 : i32
    %c0_i32_0 = arith.constant 0 : i32
    %c0_i32_1 = arith.constant 0 : i32
    return %c0_i32, %c0_i32_0 : i32, i32
  }
  func.func @transform_20(%arg0: i32) -> (i32, i32) {
    %c0_i32 = arith.constant 0 : i32
    %c0_i32_0 = arith.constant 0 : i32
    %c0_i32_1 = arith.constant 0 : i32
    return %c0_i32, %c0_i32_0 : i32, i32
  }
  func.func @transform_21(%arg0: i32) -> (i32, i32) {
    %c0_i32 = arith.constant 0 : i32
    %c0_i32_0 = arith.constant 0 : i32
    %c0_i32_1 = arith.constant 0 : i32
    return %c0_i32, %c0_i32_0 : i32, i32
  }
  func.func @transform_22(%arg0: i32) -> (i32, i32) {
    %c0_i32 = arith.constant 0 : i32
    %c0_i32_0 = arith.constant 0 : i32
    return %arg0, %c0_i32 : i32, i32
  }
}

</mosaic_0001>

<sc_bundles>
// kernel: scatter_offload_async_start
scs
__scs_entry_jumppad:
0x0: {  	(pc) =	sbr.rel $0x88, $3  }
0x1: {  	(tag) =	ssettag $0x0;
	lr =	simm.s32 $0x1  }
0x2: {  	[smem:$0x3F8A] =	sst lr;
	_ =	strace $0xD0000000  }
0x3: {  	_ = 	snop  }
0x4: {  	_ = 	snop  }
0x5: {  	_ = 	snop  }
0x6: {  	_ = 	snop  }
0x7: {  	_ = 	snop  }
__scs_overlays_trampoline_lowered:
0x8: {  	[smem:$0x3F99] =	sst s0  }
0x9: {  	[smem:$0x3F9A] =	sst s1  }
0xa: {  	[smem:$0x3F9B] =	sst s2  }
0xb: {  	[smem:$0x3F9C] =	sst s3  }
0xc: {  	[smem:$0x3F9D] =	sst s4  }
0xd: {  	[smem:$0x3F9E] =	sst s5  }
0xe: {  	[smem:$0x3F9F] =	sst s6  }
0xf: {  	[smem:$0x3FA0] =	sst s7  }
0x10: {  	[smem:$0x3FA1] =	sst s8  }
0x11: {  	[smem:$0x3FA2] =	sst s9;
	s0 =	simm.s32 @!p0 $0x0  }
0x12: {  	s1 =	sld [smem:$0x3F88];
	s0 =	simm.s32 @p0 $0x1  }
0x13: {  	[smem:$0x3FA3] =	sst s0;
	s0 =	simm.s32 @!p1 $0x0  }
0x14: {  	s2 =	sld [smem:$0x3F87];
	s0 =	simm.s32 @p1 $0x1  }
0x15: {  	[smem:$0x3FA4] =	sst s0;
	s0 =	simm.s32 @!p2 $0x0  }
0x16: {  	s3 =	sld [smem:$0x3FDB];
	s0 =	simm.s32 @p2 $0x1  }
0x17: {  	s4 =	simm.s32 $0x1BF5;
	[smem:$0x3FA6] =	sst s0  }
0x18: {  	s0 =	sld [smem:$0x3F89];
	_ =	swait.ge [sflag:s4], $0x0  }
0x19: {  	s7 =	sld [smem:$0x3F8A]  }
0x1a: {  	s8 =	sadd.s32 $0xFFFFE003, lr  }
0x1b: {  	s9 =	sadd.s32 $0xFFFFFEF7, lr;
	s5 =	simm.s32 $0xFFFFFFFF;
	p2 =	slt.u32 s8, $0xFFFFF086  }
0x1c: {  	p1 =	slt.u32 s9, $0xF7A;
	s5 =	simm.s32 @!p2 $0x0  }
0x1d: {  	s5 =	simm.s32 @p1 $0x1;
	p0 =	seq.s32 s7, s2  }
0x1e: {  	s7 =	smul.u32 @!p0 $0xF7A, s2;
	p2 =	seq.s32 @!p0 s5, $0x0  }
0x1f: {  	s9 =	smul.u32 $0xF7A, s1;
	s8 =	simm.s32 @!p0 $0x1BF5;
	p2 =	por !p2, p0  }
0x20: {  	[sflag:s8] =	ssyncset.s32 @!p0 $0xFFFFF086;
	s6 =	sadd.s32 @!p0 s3, s7;
	s7 =	simm.s32 @!p0 $0x108  }
0x21: {  	s3 =	sadd.s32 s3, s9;
	s6 =	sadd.s32 @!p0 $0x88, s6;
	s7 =	simm.s32 @p2 $0x1082  }
0x22: {  	[simem:s7], [sflag:s8] =	dma.local @!p0 [hbm:s6], $0xF7A  }
0x23: {  	s9 =	sor.u32 $0xD0000000, s2;
	s6 =	simm.s32 $0x108;
	_ =	swait.ge @!p0 [sflag:s8], $0x0  }
0x24: {  	s3 =	sadd.s32 $0x88, s3;
	s6 =	simm.s32 @!p1 $0x1082;
	[sflag:s4] =	ssyncset.s32 $0xFFFFF086  }
0x25: {  	[simem:s6], [sflag:s4] =	dma.local [hbm:s3], $0xF7A  }
0x26: {  	[smem:$0x3F8A] =	sst s1;
	(tag) =	ssettag s2;
	_ =	strace s9  }
0x27: {  	s1 =	sld [smem:$0x3F9A]  }
0x28: {  	s2 =	sld [smem:$0x3F9B]  }
0x29: {  	s4 =	sld [smem:$0x3F9D]  }
0x2a: {  	p0 =	seq.s32 s5, $0x0;
	s5 =	sld [smem:$0x3F9E]  }
0x2b: {  	s6 =	sld [smem:$0x3F9F]  }
0x2c: {  	s7 =	sld [smem:$0x3FA0]  }
0x2d: {  	s3 =	simm.s32 $0x108;
	s8 =	sld [smem:$0x3FA1]  }
0x2e: {  	s3 =	simm.s32 @!p0 $0x1082;
	s9 =	sld [smem:$0x3FA2]  }
0x2f: {  	lr =	sadd.s32 s0, s3;
	s0 =	sld [smem:$0x3F99]  }
0x30: {  	s3 =	sld [smem:$0x3F9C]  }
0x31: {  	[smem:$0x3FA5] =	sst s10  }
0x32: {  	s10 =	sld [smem:$0x3FA3];
	_ =	sdelay $0x3  }
0x33: {  	p0 =	seq.s32 s10, $0x1;
	s10 =	sld [smem:$0x3FA5];
	_ =	sdelay $0x3  }
0x34: {  	[smem:$0x3FA5] =	sst s10  }
0x35: {  	s10 =	sld [smem:$0x3FA4];
	_ =	sdelay $0x3  }
0x36: {  	p1 =	seq.s32 s10, $0x1;
	s10 =	sld [smem:$0x3FA5];
	_ =	sdelay $0x3  }
0x37: {  	[smem:$0x3FA5] =	sst s10  }
0x38: {  	s10 =	sld [smem:$0x3FA6]  }
0x39: {  	_ = 	snop;
	(pc) =	sbr.ind lr, $3  }
0x3a: {  	_ = 	snop  }
0x3b: {  	_ = 	snop  }
0x3c: {  	p2 =	seq.s32 s10, $0x1;
	s10 =	sld [smem:$0x3FA5]  }
0x3d: {  	_ =	shalt  }
0x3e: {  	_ =	shalt  }
0x3f: {  	_ =	shalt  }
0x40: {  	_ =	shalt  }
0x41: {  	_ =	shalt  }
0x42: {  	_ =	shalt  }
0x43: {  	_ =	shalt  }
0x44: {  	_ =	shalt  }
0x45: {  	_ =	shalt  }
0x46: {  	_ =	shalt  }
0x47: {  	_ =	shalt  }
0x48: {  	_ =	shalt  }
0x49: {  	_ =	shalt  }
0x4a: {  	_ =	shalt  }
0x4b: {  	_ =	shalt  }
0x4c: {  	_ =	shalt  }
0x4d: {  	_ =	shalt  }
0x4e: {  	_ =	shalt  }
0x4f: {  	_ =	shalt  }
0x50: {  	_ =	shalt  }
0x51: {  	_ =	shalt  }
0x52: {  	_ =	shalt  }
0x53: {  	_ =	shalt  }
0x54: {  	_ =	shalt  }
0x55: {  	_ =	shalt  }
0x56: {  	_ =	shalt  }
0x57: {  	_ =	shalt  }
0x58: {  	_ =	shalt  }
0x59: {  	_ =	shalt  }
0x5a: {  	_ =	shalt  }
0x5b: {  	_ =	shalt  }
0x5c: {  	_ =	shalt  }
0x5d: {  	_ =	shalt  }
0x5e: {  	_ =	shalt  }
0x5f: {  	_ =	shalt  }
0x60: {  	_ =	shalt  }
0x61: {  	_ =	shalt  }
0x62: {  	_ =	shalt  }
0x63: {  	_ =	shalt  }
0x64: {  	_ =	shalt  }
0x65: {  	_ =	shalt  }
0x66: {  	_ =	shalt  }
0x67: {  	_ =	shalt  }
0x68: {  	_ =	shalt  }
0x69: {  	_ =	shalt  }
0x6a: {  	_ =	shalt  }
0x6b: {  	_ =	shalt  }
0x6c: {  	_ =	shalt  }
0x6d: {  	_ =	shalt  }
0x6e: {  	_ =	shalt  }
0x6f: {  	_ =	shalt  }
0x70: {  	_ =	shalt  }
0x71: {  	_ =	shalt  }
0x72: {  	_ =	shalt  }
0x73: {  	_ =	shalt  }
0x74: {  	_ =	shalt  }
0x75: {  	_ =	shalt  }
0x76: {  	_ =	shalt  }
0x77: {  	_ =	shalt  }
0x78: {  	_ =	shalt  }
0x79: {  	_ =	shalt  }
0x7a: {  	_ =	shalt  }
0x7b: {  	_ =	shalt  }
0x7c: {  	_ =	shalt  }
0x7d: {  	_ =	shalt  }
0x7e: {  	_ =	shalt  }
0x7f: {  	_ =	shalt  }
0x80: {  	_ =	shalt  }
0x81: {  	_ =	shalt  }
0x82: {  	_ =	shalt  }
0x83: {  	_ =	shalt  }
0x84: {  	_ =	shalt  }
0x85: {  	_ =	shalt  }
0x86: {  	_ =	shalt  }
0x87: {  	_ =	shalt  }
.Lfunc_end0:
.L_simem_size_0:
called_computation_lowered:
.L_overlay_start_0:
0x88: {  	s2 =	sld [smem:$0x3FD9]  }
0x89: {  	s3 =	sld [smem:$0x3FFE];
	_ =	sdelay $0x1  }
0x8a: {  	s1 =	srdreg.scid  }
0x8b: {  	s0 =	sand.u32 $0x1, s1  }
0x8c: {  	s16 =	sshll.u32 s0, $0xA;
	s2 =	sadd.s32 s3, s2  }
0x8d: {  	s2 =	sadd.s32 s2, s16  }
0x8e: {  	[smem:$0x3FB1] =	sst s2  }
0x8f: {  	_ = 	snop  }
0x90: {  	s2 =	sld [smem:$0x3FD0];
	(tm) =	ssettm $0x1  }
0x91: {  	s17 =	sld [smem:$0x3FFB];
	_ =	sdelay $0x3  }
0x92: {  	_ =	strace s17  }
0x93: {  	s3 =	sld [smem:$0x3FFC];
	_ =	sdelay $0x3  }
0x94: {  	_ =	strace s3  }
0x95: {  	s3 =	sld [smem:$0x3FFD];
	_ =	sdelay $0x3  }
0x96: {  	_ =	strace s3  }
0x97: {  	_ =	strace $0x8FFFFFFF  }
0x98: {  	s18 =	sld [smem:$0x3FDB];
	_ =	sdelay $0x1  }
0x99: {  	s4 =	simm.s32 $_scs_section_size  }
0x9a: {  	s5 =	simm.s32 $_size__tile_overlayer_lowered;
	s6 =	simm.s32 $_tile_overlayer_lowered  }
0x9b: {  	s21 =	simm.s32 $0x1BFF;
	s20 =	sshll.u32 s6, $0x1;
	s3 =	sadd.s32 s4, s18  }
0x9c: {  	s7 =	simm.s32 $0x0;
	s19 =	sshll.u32 s5, $0x1;
	s5 =	sadd.s32 s20, s3  }
0x9d: {  	[timem:s7], [sflag:s21] =	dma.local [hbm:s5], s19  }
0x9e: {  	_ =	swait.ge [sflag:s21], s19  }
0x9f: {  	s4 =	ssub.s32 $0x0, s19;
	[sflag:s21] =	ssyncset.done $0x0  }
0xa0: {  	[sflag:s21] =	ssyncadd.s32 s4;
	_ =	sdelay $0x1  }
0xa1: {  	s22 =	simm.s32 $0x1B8B  }
0xa2: {  	_ =	swait.ge [sflag:s22], $0x1  }
0xa3: {  	[sflag:s22] =	ssyncset.done $0x0  }
0xa4: {  	s23 =	sld [smem:$0x3FFE];
	[sflag:s22] =	ssyncadd.s32 $0xFFFFFFFF  }
0xa5: {  	s25 =	simm.s32 $0x1B8E;
	s24 =	sld [smem:$0x0]  }
0xa6: {  	s26 =	simm.s32 $execute0_lowered;
	[smem:$0x3FD2] =	sst s25  }
0xa7: {  	s6 =	sshll.u32 s26, $0x1;
	_ =	strace $0x80000049;
	[dreg:$0x1] =	wrdreg $0xFFFFFFFF  }
0xa8: {  	s28 =	simm.s32 $_size_execute0_lowered;
	s3 =	sadd.s32 s3, s6;
	[dreg:$0x0] =	wrdreg $0x0  }
0xa9: {  	s6 =	sshll.u32 s28, $0x1;
	[dreg:$0x2] =	wrdreg s3  }
0xaa: {  	[dreg:$0x3] =	wrdreg s6  }
0xab: {  	[dreg:$0x4] =	wrdreg $0xC0  }
0xac: {  	_ =	task [dreg:s7], $0x5FFFF  }
0xad: {  	[dreg:$0x1] =	wrdreg $0xFFFFFFFF  }
0xae: {  	[dreg:$0x0] =	wrdreg $0x60  }
0xaf: {  	[dreg:$0x2] =	wrdreg s23  }
0xb0: {  	[dreg:$0x3] =	wrdreg s2  }
0xb1: {  	[dreg:$0x4] =	wrdreg s1  }
0xb2: {  	[dreg:$0x5] =	wrdreg s24  }
0xb3: {  	[dreg:$0x6] =	wrdreg $0x9  }
0xb4: {  	_ =	task.clear_ibuf [dreg:s7], $0x7FFFF;
	_ =	strace $0x90000049  }
0xb5: {  	s29 =	simm.s32 $0x9;
	_ =	strace $0x8000004B  }
0xb6: {  	_ =	swait.ge [sflag:s29], $0x1  }
0xb7: {  	[sflag:s29] =	ssyncadd.s32 $0xFFFFFFFF  }
0xb8: {  	_ =	strace $0x9000004B  }
0xb9: {  	_ =	sfence  }
0xba: {  	s30 =	sld [smem:$0x0];
	_ =	sdelay $0x2  }
0xbb: {  	s31 =	sshll.u32 s1, $0xD;
	s1 =	sshrl.u32 s1, $0x2  }
0xbc: {  	s3 =	sand.u32 $0x4000, s31;
	s1 =	sadd.s32 s1, s30  }
0xbd: {  	s0 =	sor.u32 s3, s0;
	s1 =	sshll.u32 s1, $0x11  }
0xbe: {  	s0 =	sor.u32 s1, s0  }
0xbf: {  	s0 =	sadd.s32 $0x8F2B, s0  }
0xc0: {  	[sflag:s0] =	ssyncadd.remote.s32 $0x1  }
0xc1: {  	_ =	sfence.sel $0xFFFF  }
0xc2: {  	[dreg:$0x0] =	wrdreg $0xFFFFFFFF;
	(pc) =	sbr.abs _section_cstart, $3  }
0xc3: {  	[dreg:$0x1] =	wrdreg $0xFFFFFFFF  }
0xc4: {  	_ =	task.clear_ibuf [dreg:s7], $0x2FFFF;
	_ =	strace $0x9FFFFFFF  }
0xc5: {  	(tm) =	ssettm $0x7FFFFFFF  }
tec
execute0_lowered:
.L_overlay_start_1:
0x0: {  	(tag) =	ssettag $0x1  }
0x1: {  	s5 =	rddreg [dreg:$0x0]  }
0x2: {  	s4 =	rddreg [dreg:$0x1]  }
0x3: {  	s2 =	rddreg [dreg:$0x2];
	_ =	strace $0x8000004A;
	s3 =	simm.s32 $0x1  }
0x4: {  	v0 =	vimm.s32 $0x0;
	[sflag:s3] =	ssyncpa.u1 $0x0  }
0x5: {  	[tilespmem:$0xA8] =	vst v0  }
0x6: {  	[tilespmem:$0xB8] =	vst v0  }
0x7: {  	[tilespmem:$0xC8] =	vst v0  }
0x8: {  	[tilespmem:$0xD8] =	vst v0  }
0x9: {  	[tilespmem:$0xE8] =	vst v0  }
0xa: {  	[tilespmem:$0xF8] =	vst v0  }
0xb: {  	[tilespmem:$0x108] =	vst v0  }
0xc: {  	[tilespmem:$0x118] =	vst v0  }
0xd: {  	[tilespmem:$0x128] =	vst v0  }
0xe: {  	[tilespmem:$0x138] =	vst v0  }
0xf: {  	[tilespmem:$0x148] =	vst v0  }
0x10: {  	[tilespmem:$0x158] =	vst v0  }
0x11: {  	[tilespmem:$0x168] =	vst v0  }
0x12: {  	[tilespmem:$0x178] =	vst v0  }
0x13: {  	[tilespmem:$0x188] =	vst v0  }
0x14: {  	[tilespmem:$0x198] =	vst v0  }
0x15: {  	[tilespmem:$0x1A8] =	vst v0  }
0x16: {  	[tilespmem:$0x1B8] =	vst v0  }
0x17: {  	[tilespmem:$0x1C8] =	vst v0  }
0x18: {  	[tilespmem:$0x1D8] =	vst v0  }
0x19: {  	[tilespmem:$0x1E8] =	vst v0  }
0x1a: {  	[tilespmem:$0x1F8] =	vst v0  }
0x1b: {  	[tilespmem:$0x208] =	vst v0  }
0x1c: {  	[tilespmem:$0x218] =	vst v0  }
0x1d: {  	[tilespmem:$0x228] =	vst v0  }
0x1e: {  	[tilespmem:$0x238] =	vst v0  }
0x1f: {  	[tilespmem:$0x248] =	vst v0  }
0x20: {  	[tilespmem:$0x258] =	vst v0  }
0x21: {  	[tilespmem:$0x268] =	vst v0  }
0x22: {  	[tilespmem:$0x278] =	vst v0  }
0x23: {  	[tilespmem:$0x288] =	vst v0  }
0x24: {  	[tilespmem:$0x298] =	vst v0  }
0x25: {  	[tilespmem:$0x2A8] =	vst v0  }
0x26: {  	[tilespmem:$0x2B8] =	vst v0  }
0x27: {  	[tilespmem:$0x2C8] =	vst v0  }
0x28: {  	[tilespmem:$0x2D8] =	vst v0  }
0x29: {  	[tilespmem:$0x2E8] =	vst v0  }
0x2a: {  	[tilespmem:$0x2F8] =	vst v0  }
0x2b: {  	[tilespmem:$0x308] =	vst v0  }
0x2c: {  	[tilespmem:$0x318] =	vst v0  }
0x2d: {  	[tilespmem:$0x328] =	vst v0  }
0x2e: {  	[tilespmem:$0x338] =	vst v0  }
0x2f: {  	[tilespmem:$0x348] =	vst v0  }
0x30: {  	[tilespmem:$0x358] =	vst v0  }
0x31: {  	[tilespmem:$0x368] =	vst v0  }
0x32: {  	[tilespmem:$0x378] =	vst v0  }
0x33: {  	[tilespmem:$0x388] =	vst v0  }
0x34: {  	[tilespmem:$0x398] =	vst v0  }
0x35: {  	[tilespmem:$0x3A8] =	vst v0  }
0x36: {  	[tilespmem:$0x3B8] =	vst v0  }
0x37: {  	[tilespmem:$0x3C8] =	vst v0  }
0x38: {  	[tilespmem:$0x3D8] =	vst v0  }
0x39: {  	[tilespmem:$0x3E8] =	vst v0  }
0x3a: {  	[tilespmem:$0x3F8] =	vst v0  }
0x3b: {  	[tilespmem:$0x408] =	vst v0  }
0x3c: {  	[tilespmem:$0x418] =	vst v0  }
0x3d: {  	[tilespmem:$0x428] =	vst v0  }
0x3e: {  	[tilespmem:$0x438] =	vst v0  }
0x3f: {  	[tilespmem:$0x448] =	vst v0  }
0x40: {  	[tilespmem:$0x458] =	vst v0  }
0x41: {  	[tilespmem:$0x468] =	vst v0  }
0x42: {  	[tilespmem:$0x478] =	vst v0  }
0x43: {  	[tilespmem:$0x488] =	vst v0  }
0x44: {  	[tilespmem:$0x498] =	vst v0  }
0x45: {  	[tilespmem:$0x4A8] =	vst v0  }
0x46: {  	[tilespmem:$0x4B8] =	vst v0  }
0x47: {  	[tilespmem:$0x4C8] =	vst v0  }
0x48: {  	[tilespmem:$0x4D8] =	vst v0  }
0x49: {  	[tilespmem:$0x4E8] =	vst v0  }
0x4a: {  	[tilespmem:$0x4F8] =	vst v0  }
0x4b: {  	[tilespmem:$0x508] =	vst v0  }
0x4c: {  	[tilespmem:$0x518] =	vst v0  }
0x4d: {  	[tilespmem:$0x528] =	vst v0  }
0x4e: {  	[tilespmem:$0x538] =	vst v0  }
0x4f: {  	[tilespmem:$0x548] =	vst v0  }
0x50: {  	[tilespmem:$0x558] =	vst v0  }
0x51: {  	[tilespmem:$0x568] =	vst v0  }
0x52: {  	[tilespmem:$0x578] =	vst v0  }
0x53: {  	[tilespmem:$0x588] =	vst v0  }
0x54: {  	[tilespmem:$0x598] =	vst v0  }
0x55: {  	[tilespmem:$0x5A8] =	vst v0  }
0x56: {  	[tilespmem:$0x5B8] =	vst v0  }
0x57: {  	[tilespmem:$0x5C8] =	vst v0  }
0x58: {  	[tilespmem:$0x5D8] =	vst v0  }
0x59: {  	[tilespmem:$0x5E8] =	vst v0  }
0x5a: {  	[tilespmem:$0x5F8] =	vst v0  }
0x5b: {  	[tilespmem:$0x608] =	vst v0  }
0x5c: {  	[tilespmem:$0x618] =	vst v0  }
0x5d: {  	[tilespmem:$0x628] =	vst v0  }
0x5e: {  	[tilespmem:$0x638] =	vst v0  }
0x5f: {  	[tilespmem:$0x648] =	vst v0  }
0x60: {  	[tilespmem:$0x658] =	vst v0  }
0x61: {  	[tilespmem:$0x668] =	vst v0  }
0x62: {  	[tilespmem:$0x678] =	vst v0  }
0x63: {  	[tilespmem:$0x688] =	vst v0  }
0x64: {  	[tilespmem:$0x698] =	vst v0  }
0x65: {  	[tilespmem:$0x6A8] =	vst v0  }
0x66: {  	[tilespmem:$0x6B8] =	vst v0  }
0x67: {  	[tilespmem:$0x6C8] =	vst v0  }
0x68: {  	[tilespmem:$0x6D8] =	vst v0  }
0x69: {  	[tilespmem:$0x6E8] =	vst v0  }
0x6a: {  	[tilespmem:$0x6F8] =	vst v0  }
0x6b: {  	[tilespmem:$0x708] =	vst v0  }
0x6c: {  	[tilespmem:$0x718] =	vst v0  }
0x6d: {  	[tilespmem:$0x728] =	vst v0  }
0x6e: {  	[tilespmem:$0x738] =	vst v0  }
0x6f: {  	[tilespmem:$0x748] =	vst v0  }
0x70: {  	[tilespmem:$0x758] =	vst v0  }
0x71: {  	[tilespmem:$0x768] =	vst v0  }
0x72: {  	[tilespmem:$0x778] =	vst v0  }
0x73: {  	[tilespmem:$0x788] =	vst v0  }
0x74: {  	[tilespmem:$0x798] =	vst v0  }
0x75: {  	[tilespmem:$0x7A8] =	vst v0  }
0x76: {  	[tilespmem:$0x7B8] =	vst v0  }
0x77: {  	[tilespmem:$0x7C8] =	vst v0  }
0x78: {  	[tilespmem:$0x7D8] =	vst v0  }
0x79: {  	[tilespmem:$0x7E8] =	vst v0  }
0x7a: {  	[tilespmem:$0x7F8] =	vst v0  }
0x7b: {  	[tilespmem:$0x808] =	vst v0  }
0x7c: {  	[tilespmem:$0x818] =	vst v0  }
0x7d: {  	[tilespmem:$0x828] =	vst v0  }
0x7e: {  	[tilespmem:$0x838] =	vst v0  }
0x7f: {  	[tilespmem:$0x848] =	vst v0  }
0x80: {  	[tilespmem:$0x858] =	vst v0  }
0x81: {  	[tilespmem:$0x868] =	vst v0  }
0x82: {  	[tilespmem:$0x878] =	vst v0  }
0x83: {  	[tilespmem:$0x888] =	vst v0  }
0x84: {  	[tilespmem:$0x898] =	vst v0  }
0x85: {  	[tilespmem:$0x8A8] =	vst v0  }
0x86: {  	[tilespmem:$0x8B8] =	vst v0  }
0x87: {  	[tilespmem:$0x8C8] =	vst v0  }
0x88: {  	[tilespmem:$0x8D8] =	vst v0  }
0x89: {  	[tilespmem:$0x8E8] =	vst v0  }
0x8a: {  	[tilespmem:$0x8F8] =	vst v0  }
0x8b: {  	[tilespmem:$0x908] =	vst v0  }
0x8c: {  	[tilespmem:$0x918] =	vst v0  }
0x8d: {  	[tilespmem:$0x928] =	vst v0  }
0x8e: {  	[tilespmem:$0x938] =	vst v0  }
0x8f: {  	[tilespmem:$0x948] =	vst v0  }
0x90: {  	[tilespmem:$0x958] =	vst v0  }
0x91: {  	[tilespmem:$0x968] =	vst v0  }
0x92: {  	[tilespmem:$0x978] =	vst v0  }
0x93: {  	[tilespmem:$0x988] =	vst v0  }
0x94: {  	[tilespmem:$0x998] =	vst v0  }
0x95: {  	[tilespmem:$0x9A8] =	vst v0  }
0x96: {  	[tilespmem:$0x9B8] =	vst v0  }
0x97: {  	[tilespmem:$0x9C8] =	vst v0  }
0x98: {  	[tilespmem:$0x9D8] =	vst v0  }
0x99: {  	[tilespmem:$0x9E8] =	vst v0  }
0x9a: {  	[tilespmem:$0x9F8] =	vst v0  }
0x9b: {  	[tilespmem:$0xA08] =	vst v0  }
0x9c: {  	[tilespmem:$0xA18] =	vst v0  }
0x9d: {  	[tilespmem:$0xA28] =	vst v0  }
0x9e: {  	[tilespmem:$0xA38] =	vst v0  }
0x9f: {  	[tilespmem:$0xA48] =	vst v0  }
0xa0: {  	[tilespmem:$0xA58] =	vst v0  }
0xa1: {  	[tilespmem:$0xA68] =	vst v0  }
0xa2: {  	[tilespmem:$0xA78] =	vst v0  }
0xa3: {  	[tilespmem:$0xA88] =	vst v0  }
0xa4: {  	[tilespmem:$0xA98] =	vst v0  }
0xa5: {  	[tilespmem:$0xAA8] =	vst v0  }
0xa6: {  	[tilespmem:$0xAB8] =	vst v0  }
0xa7: {  	[tilespmem:$0xAC8] =	vst v0  }
0xa8: {  	[tilespmem:$0xAD8] =	vst v0  }
0xa9: {  	[tilespmem:$0xAE8] =	vst v0  }
0xaa: {  	[tilespmem:$0xAF8] =	vst v0  }
0xab: {  	[tilespmem:$0xB08] =	vst v0  }
0xac: {  	[tilespmem:$0xB18] =	vst v0  }
0xad: {  	[tilespmem:$0xB28] =	vst v0  }
0xae: {  	[tilespmem:$0xB38] =	vst v0  }
0xaf: {  	[tilespmem:$0xB48] =	vst v0  }
0xb0: {  	[tilespmem:$0xB58] =	vst v0  }
0xb1: {  	[tilespmem:$0xB68] =	vst v0  }
0xb2: {  	[tilespmem:$0xB78] =	vst v0  }
0xb3: {  	[tilespmem:$0xB88] =	vst v0  }
0xb4: {  	[tilespmem:$0xB98] =	vst v0  }
0xb5: {  	[tilespmem:$0xBA8] =	vst v0  }
0xb6: {  	[tilespmem:$0xBB8] =	vst v0  }
0xb7: {  	[tilespmem:$0xBC8] =	vst v0  }
0xb8: {  	[tilespmem:$0xBD8] =	vst v0  }
0xb9: {  	[tilespmem:$0xBE8] =	vst v0  }
0xba: {  	[tilespmem:$0xBF8] =	vst v0  }
0xbb: {  	[tilespmem:$0xC08] =	vst v0  }
0xbc: {  	[tilespmem:$0xC18] =	vst v0  }
0xbd: {  	[tilespmem:$0xC28] =	vst v0  }
0xbe: {  	[tilespmem:$0xC38] =	vst v0  }
0xbf: {  	[tilespmem:$0xC48] =	vst v0  }
0xc0: {  	[tilespmem:$0xC58] =	vst v0  }
0xc1: {  	[tilespmem:$0xC68] =	vst v0  }
0xc2: {  	[tilespmem:$0xC78] =	vst v0  }
0xc3: {  	[tilespmem:$0xC88] =	vst v0  }
0xc4: {  	[tilespmem:$0xC98] =	vst v0  }
0xc5: {  	[tilespmem:$0xCA8] =	vst v0  }
0xc6: {  	[tilespmem:$0xCB8] =	vst v0  }
0xc7: {  	[tilespmem:$0xCC8] =	vst v0  }
0xc8: {  	[tilespmem:$0xCD8] =	vst v0  }
0xc9: {  	[tilespmem:$0xCE8] =	vst v0  }
0xca: {  	[tilespmem:$0xCF8] =	vst v0  }
0xcb: {  	[tilespmem:$0xD08] =	vst v0  }
0xcc: {  	[tilespmem:$0xD18] =	vst v0  }
0xcd: {  	[tilespmem:$0xD28] =	vst v0  }
0xce: {  	[tilespmem:$0xD38] =	vst v0  }
0xcf: {  	[tilespmem:$0xD48] =	vst v0  }
0xd0: {  	[tilespmem:$0xD58] =	vst v0  }
0xd1: {  	[tilespmem:$0xD68] =	vst v0  }
0xd2: {  	[tilespmem:$0xD78] =	vst v0  }
0xd3: {  	[tilespmem:$0xD88] =	vst v0  }
0xd4: {  	[tilespmem:$0xD98] =	vst v0  }
0xd5: {  	[tilespmem:$0xDA8] =	vst v0  }
0xd6: {  	[tilespmem:$0xDB8] =	vst v0  }
0xd7: {  	[tilespmem:$0xDC8] =	vst v0  }
0xd8: {  	[tilespmem:$0xDD8] =	vst v0  }
0xd9: {  	[tilespmem:$0xDE8] =	vst v0  }
0xda: {  	[tilespmem:$0xDF8] =	vst v0  }
0xdb: {  	[tilespmem:$0xE08] =	vst v0  }
0xdc: {  	[tilespmem:$0xE18] =	vst v0  }
0xdd: {  	[tilespmem:$0xE28] =	vst v0  }
0xde: {  	[tilespmem:$0xE38] =	vst v0  }
0xdf: {  	[tilespmem:$0xE48] =	vst v0  }
0xe0: {  	[tilespmem:$0xE58] =	vst v0  }
0xe1: {  	[tilespmem:$0xE68] =	vst v0  }
0xe2: {  	[tilespmem:$0xE78] =	vst v0  }
0xe3: {  	[tilespmem:$0xE88] =	vst v0  }
0xe4: {  	[tilespmem:$0xE98] =	vst v0  }
0xe5: {  	[tilespmem:$0xEA8] =	vst v0  }
0xe6: {  	[tilespmem:$0xEB8] =	vst v0  }
0xe7: {  	[tilespmem:$0xEC8] =	vst v0  }
0xe8: {  	[tilespmem:$0xED8] =	vst v0  }
0xe9: {  	[tilespmem:$0xEE8] =	vst v0  }
0xea: {  	[tilespmem:$0xEF8] =	vst v0  }
0xeb: {  	[tilespmem:$0xF08] =	vst v0  }
0xec: {  	[tilespmem:$0xF18] =	vst v0  }
0xed: {  	[tilespmem:$0xF28] =	vst v0  }
0xee: {  	[tilespmem:$0xF38] =	vst v0  }
0xef: {  	[tilespmem:$0xF48] =	vst v0  }
0xf0: {  	[tilespmem:$0xF58] =	vst v0  }
0xf1: {  	[tilespmem:$0xF68] =	vst v0  }
0xf2: {  	[tilespmem:$0xF78] =	vst v0  }
0xf3: {  	[tilespmem:$0xF88] =	vst v0  }
0xf4: {  	[tilespmem:$0xF98] =	vst v0  }
0xf5: {  	[tilespmem:$0xFA8] =	vst v0  }
0xf6: {  	[tilespmem:$0xFB8] =	vst v0  }
0xf7: {  	[tilespmem:$0xFC8] =	vst v0  }
0xf8: {  	[tilespmem:$0xFD8] =	vst v0  }
0xf9: {  	[tilespmem:$0xFE8] =	vst v0  }
0xfa: {  	[tilespmem:$0xFF8] =	vst v0  }
0xfb: {  	[tilespmem:$0x1008] =	vst v0  }
0xfc: {  	[tilespmem:$0x1018] =	vst v0  }
0xfd: {  	[tilespmem:$0x1028] =	vst v0  }
0xfe: {  	[tilespmem:$0x1038] =	vst v0  }
0xff: {  	[tilespmem:$0x1048] =	vst v0  }
0x100: {  	[tilespmem:$0x1058] =	vst v0  }
0x101: {  	[tilespmem:$0x1068] =	vst v0  }
0x102: {  	[tilespmem:$0x1078] =	vst v0  }
0x103: {  	[tilespmem:$0x1088] =	vst v0  }
0x104: {  	[tilespmem:$0x1098] =	vst v0  }
0x105: {  	[tilespmem:$0x10A8] =	vst v0  }
0x106: {  	[tilespmem:$0x10B8] =	vst v0  }
0x107: {  	[tilespmem:$0x10C8] =	vst v0  }
0x108: {  	[tilespmem:$0x10D8] =	vst v0  }
0x109: {  	[tilespmem:$0x10E8] =	vst v0  }
0x10a: {  	[tilespmem:$0x10F8] =	vst v0  }
0x10b: {  	[tilespmem:$0x1108] =	vst v0  }
0x10c: {  	[tilespmem:$0x1118] =	vst v0  }
0x10d: {  	[tilespmem:$0x1128] =	vst v0  }
0x10e: {  	[tilespmem:$0x1138] =	vst v0  }
0x10f: {  	[tilespmem:$0x1148] =	vst v0  }
0x110: {  	[tilespmem:$0x1158] =	vst v0  }
0x111: {  	[tilespmem:$0x1168] =	vst v0  }
0x112: {  	[tilespmem:$0x1178] =	vst v0  }
0x113: {  	[tilespmem:$0x1188] =	vst v0  }
0x114: {  	[tilespmem:$0x1198] =	vst v0  }
0x115: {  	[tilespmem:$0x11A8] =	vst v0  }
0x116: {  	[tilespmem:$0x11B8] =	vst v0  }
0x117: {  	[tilespmem:$0x11C8] =	vst v0  }
0x118: {  	[tilespmem:$0x11D8] =	vst v0  }
0x119: {  	[tilespmem:$0x11E8] =	vst v0  }
0x11a: {  	[tilespmem:$0x11F8] =	vst v0  }
0x11b: {  	[tilespmem:$0x1208] =	vst v0  }
0x11c: {  	[tilespmem:$0x1218] =	vst v0  }
0x11d: {  	[tilespmem:$0x1228] =	vst v0  }
0x11e: {  	[tilespmem:$0x1238] =	vst v0  }
0x11f: {  	[tilespmem:$0x1248] =	vst v0  }
0x120: {  	[tilespmem:$0x1258] =	vst v0  }
0x121: {  	[tilespmem:$0x1268] =	vst v0  }
0x122: {  	[tilespmem:$0x1278] =	vst v0  }
0x123: {  	[tilespmem:$0x21A8] =	vst v0  }
0x124: {  	[tilespmem:$0x21B8] =	vst v0  }
0x125: {  	[tilespmem:$0x1288] =	vst v0  }
0x126: {  	[tilespmem:$0x1298] =	vst v0  }
0x127: {  	[tilespmem:$0x12A8] =	vst v0  }
0x128: {  	[tilespmem:$0x12B8] =	vst v0  }
0x129: {  	[tilespmem:$0x12C8] =	vst v0  }
0x12a: {  	[tilespmem:$0x12D8] =	vst v0  }
0x12b: {  	[tilespmem:$0x12E8] =	vst v0  }
0x12c: {  	[tilespmem:$0x12F8] =	vst v0  }
0x12d: {  	[tilespmem:$0x1308] =	vst v0  }
0x12e: {  	[tilespmem:$0x1318] =	vst v0  }
0x12f: {  	[tilespmem:$0x1328] =	vst v0  }
0x130: {  	[tilespmem:$0x1338] =	vst v0  }
0x131: {  	[tilespmem:$0x1348] =	vst v0  }
0x132: {  	[tilespmem:$0x1358] =	vst v0  }
0x133: {  	[tilespmem:$0x1368] =	vst v0  }
0x134: {  	[tilespmem:$0x1378] =	vst v0  }
0x135: {  	[tilespmem:$0x1388] =	vst v0  }
0x136: {  	[tilespmem:$0x1398] =	vst v0  }
0x137: {  	[tilespmem:$0x13A8] =	vst v0  }
0x138: {  	[tilespmem:$0x13B8] =	vst v0  }
0x139: {  	[tilespmem:$0x13C8] =	vst v0  }
0x13a: {  	[tilespmem:$0x13D8] =	vst v0  }
0x13b: {  	[tilespmem:$0x13E8] =	vst v0  }
0x13c: {  	[tilespmem:$0x13F8] =	vst v0  }
0x13d: {  	[tilespmem:$0x1408] =	vst v0  }
0x13e: {  	[tilespmem:$0x1418] =	vst v0  }
0x13f: {  	[tilespmem:$0x1428] =	vst v0  }
0x140: {  	[tilespmem:$0x1438] =	vst v0  }
0x141: {  	[tilespmem:$0x1448] =	vst v0  }
0x142: {  	[tilespmem:$0x1458] =	vst v0  }
0x143: {  	[tilespmem:$0x1468] =	vst v0  }
0x144: {  	[tilespmem:$0x1478] =	vst v0  }
0x145: {  	[tilespmem:$0x1488] =	vst v0  }
0x146: {  	[tilespmem:$0x1498] =	vst v0  }
0x147: {  	[tilespmem:$0x14A8] =	vst v0  }
0x148: {  	[tilespmem:$0x14B8] =	vst v0  }
0x149: {  	[tilespmem:$0x14C8] =	vst v0  }
0x14a: {  	[tilespmem:$0x14D8] =	vst v0  }
0x14b: {  	[tilespmem:$0x14E8] =	vst v0  }
0x14c: {  	[tilespmem:$0x14F8] =	vst v0  }
0x14d: {  	[tilespmem:$0x1508] =	vst v0  }
0x14e: {  	[tilespmem:$0x1518] =	vst v0  }
0x14f: {  	[tilespmem:$0x1528] =	vst v0  }
0x150: {  	[tilespmem:$0x1538] =	vst v0  }
0x151: {  	[tilespmem:$0x1548] =	vst v0  }
0x152: {  	[tilespmem:$0x1558] =	vst v0  }
0x153: {  	[tilespmem:$0x1568] =	vst v0  }
0x154: {  	[tilespmem:$0x1578] =	vst v0  }
0x155: {  	[tilespmem:$0x1588] =	vst v0  }
0x156: {  	[tilespmem:$0x1598] =	vst v0  }
0x157: {  	[tilespmem:$0x15A8] =	vst v0  }
0x158: {  	[tilespmem:$0x15B8] =	vst v0  }
0x159: {  	[tilespmem:$0x15C8] =	vst v0  }
0x15a: {  	[tilespmem:$0x15D8] =	vst v0  }
0x15b: {  	[tilespmem:$0x15E8] =	vst v0  }
0x15c: {  	[tilespmem:$0x15F8] =	vst v0  }
0x15d: {  	[tilespmem:$0x1608] =	vst v0  }
0x15e: {  	[tilespmem:$0x1618] =	vst v0  }
0x15f: {  	[tilespmem:$0x1628] =	vst v0  }
0x160: {  	[tilespmem:$0x1638] =	vst v0  }
0x161: {  	[tilespmem:$0x1648] =	vst v0  }
0x162: {  	[tilespmem:$0x1658] =	vst v0  }
0x163: {  	[tilespmem:$0x1668] =	vst v0  }
0x164: {  	[tilespmem:$0x1678] =	vst v0  }
0x165: {  	[tilespmem:$0x1688] =	vst v0  }
0x166: {  	[tilespmem:$0x1698] =	vst v0  }
0x167: {  	[tilespmem:$0x16A8] =	vst v0  }
0x168: {  	[tilespmem:$0x16B8] =	vst v0  }
0x169: {  	[tilespmem:$0x16C8] =	vst v0  }
0x16a: {  	[tilespmem:$0x16D8] =	vst v0  }
0x16b: {  	[tilespmem:$0x16E8] =	vst v0  }
0x16c: {  	[tilespmem:$0x16F8] =	vst v0  }
0x16d: {  	[tilespmem:$0x1708] =	vst v0  }
0x16e: {  	[tilespmem:$0x1718] =	vst v0  }
0x16f: {  	[tilespmem:$0x1728] =	vst v0  }
0x170: {  	[tilespmem:$0x1738] =	vst v0  }
0x171: {  	[tilespmem:$0x1748] =	vst v0  }
0x172: {  	[tilespmem:$0x1758] =	vst v0  }
0x173: {  	[tilespmem:$0x1768] =	vst v0  }
0x174: {  	[tilespmem:$0x1778] =	vst v0  }
0x175: {  	[tilespmem:$0x1788] =	vst v0  }
0x176: {  	[tilespmem:$0x1798] =	vst v0  }
0x177: {  	[tilespmem:$0x17A8] =	vst v0  }
0x178: {  	[tilespmem:$0x17B8] =	vst v0  }
0x179: {  	[tilespmem:$0x17C8] =	vst v0  }
0x17a: {  	[tilespmem:$0x17D8] =	vst v0  }
0x17b: {  	[tilespmem:$0x17E8] =	vst v0  }
0x17c: {  	[tilespmem:$0x17F8] =	vst v0  }
0x17d: {  	[tilespmem:$0x1808] =	vst v0  }
0x17e: {  	[tilespmem:$0x1818] =	vst v0  }
0x17f: {  	[tilespmem:$0x1828] =	vst v0  }
0x180: {  	[tilespmem:$0x1838] =	vst v0  }
0x181: {  	[tilespmem:$0x1848] =	vst v0  }
0x182: {  	[tilespmem:$0x1858] =	vst v0  }
0x183: {  	[tilespmem:$0x1868] =	vst v0  }
0x184: {  	[tilespmem:$0x1878] =	vst v0  }
0x185: {  	[tilespmem:$0x1888] =	vst v0  }
0x186: {  	[tilespmem:$0x1898] =	vst v0  }
0x187: {  	[tilespmem:$0x18A8] =	vst v0  }
0x188: {  	[tilespmem:$0x18B8] =	vst v0  }
0x189: {  	[tilespmem:$0x18C8] =	vst v0  }
0x18a: {  	[tilespmem:$0x18D8] =	vst v0  }
0x18b: {  	[tilespmem:$0x18E8] =	vst v0  }
0x18c: {  	[tilespmem:$0x18F8] =	vst v0  }
0x18d: {  	[tilespmem:$0x1908] =	vst v0  }
0x18e: {  	[tilespmem:$0x1918] =	vst v0  }
0x18f: {  	[tilespmem:$0x1928] =	vst v0  }
0x190: {  	[tilespmem:$0x1938] =	vst v0  }
0x191: {  	[tilespmem:$0x1948] =	vst v0  }
0x192: {  	[tilespmem:$0x1958] =	vst v0  }
0x193: {  	[tilespmem:$0x1968] =	vst v0  }
0x194: {  	[tilespmem:$0x1978] =	vst v0  }
0x195: {  	[tilespmem:$0x1988] =	vst v0  }
0x196: {  	[tilespmem:$0x1998] =	vst v0  }
0x197: {  	[tilespmem:$0x19A8] =	vst v0  }
0x198: {  	[tilespmem:$0x19B8] =	vst v0  }
0x199: {  	[tilespmem:$0x19C8] =	vst v0  }
0x19a: {  	[tilespmem:$0x19D8] =	vst v0  }
0x19b: {  	[tilespmem:$0x19E8] =	vst v0  }
0x19c: {  	[tilespmem:$0x19F8] =	vst v0  }
0x19d: {  	[tilespmem:$0x1A08] =	vst v0  }
0x19e: {  	[tilespmem:$0x1A18] =	vst v0  }
0x19f: {  	[tilespmem:$0x1A28] =	vst v0  }
0x1a0: {  	[tilespmem:$0x1A38] =	vst v0  }
0x1a1: {  	[tilespmem:$0x1A48] =	vst v0  }
0x1a2: {  	[tilespmem:$0x1A58] =	vst v0  }
0x1a3: {  	[tilespmem:$0x1A68] =	vst v0  }
0x1a4: {  	[tilespmem:$0x1A78] =	vst v0  }
0x1a5: {  	[tilespmem:$0x1A88] =	vst v0  }
0x1a6: {  	[tilespmem:$0x1A98] =	vst v0  }
0x1a7: {  	[tilespmem:$0x1AA8] =	vst v0  }
0x1a8: {  	[tilespmem:$0x1AB8] =	vst v0  }
0x1a9: {  	[tilespmem:$0x1AC8] =	vst v0  }
0x1aa: {  	[tilespmem:$0x1AD8] =	vst v0  }
0x1ab: {  	[tilespmem:$0x1AE8] =	vst v0  }
0x1ac: {  	[tilespmem:$0x1AF8] =	vst v0  }
0x1ad: {  	[tilespmem:$0x1B08] =	vst v0  }
0x1ae: {  	[tilespmem:$0x1B18] =	vst v0  }
0x1af: {  	[tilespmem:$0x1B28] =	vst v0  }
0x1b0: {  	[tilespmem:$0x1B38] =	vst v0  }
0x1b1: {  	[tilespmem:$0x1B48] =	vst v0  }
0x1b2: {  	[tilespmem:$0x1B58] =	vst v0  }
0x1b3: {  	[tilespmem:$0x1B68] =	vst v0  }
0x1b4: {  	[tilespmem:$0x1B78] =	vst v0  }
0x1b5: {  	[tilespmem:$0x1B88] =	vst v0  }
0x1b6: {  	[tilespmem:$0x1B98] =	vst v0  }
0x1b7: {  	[tilespmem:$0x1BA8] =	vst v0  }
0x1b8: {  	[tilespmem:$0x1BB8] =	vst v0  }
0x1b9: {  	[tilespmem:$0x1BC8] =	vst v0  }
0x1ba: {  	[tilespmem:$0x1BD8] =	vst v0  }
0x1bb: {  	[tilespmem:$0x1BE8] =	vst v0  }
0x1bc: {  	[tilespmem:$0x1BF8] =	vst v0  }
0x1bd: {  	[tilespmem:$0x1C08] =	vst v0  }
0x1be: {  	[tilespmem:$0x1C18] =	vst v0  }
0x1bf: {  	[tilespmem:$0x1C28] =	vst v0  }
0x1c0: {  	[tilespmem:$0x1C38] =	vst v0  }
0x1c1: {  	[tilespmem:$0x1C48] =	vst v0  }
0x1c2: {  	[tilespmem:$0x1C58] =	vst v0  }
0x1c3: {  	[tilespmem:$0x1C68] =	vst v0  }
0x1c4: {  	[tilespmem:$0x1C78] =	vst v0  }
0x1c5: {  	[tilespmem:$0x1C88] =	vst v0  }
0x1c6: {  	[tilespmem:$0x1C98] =	vst v0  }
0x1c7: {  	[tilespmem:$0x1CA8] =	vst v0  }
0x1c8: {  	[tilespmem:$0x1CB8] =	vst v0  }
0x1c9: {  	[tilespmem:$0x1CC8] =	vst v0  }
0x1ca: {  	[tilespmem:$0x1CD8] =	vst v0  }
0x1cb: {  	[tilespmem:$0x1CE8] =	vst v0  }
0x1cc: {  	[tilespmem:$0x1CF8] =	vst v0  }
0x1cd: {  	[tilespmem:$0x1D08] =	vst v0  }
0x1ce: {  	[tilespmem:$0x1D18] =	vst v0  }
0x1cf: {  	[tilespmem:$0x1D28] =	vst v0  }
0x1d0: {  	[tilespmem:$0x1D38] =	vst v0  }
0x1d1: {  	[tilespmem:$0x1D48] =	vst v0  }
0x1d2: {  	[tilespmem:$0x1D58] =	vst v0  }
0x1d3: {  	[tilespmem:$0x1D68] =	vst v0  }
0x1d4: {  	[tilespmem:$0x1D78] =	vst v0  }
0x1d5: {  	[tilespmem:$0x1D88] =	vst v0  }
0x1d6: {  	[tilespmem:$0x1D98] =	vst v0  }
0x1d7: {  	[tilespmem:$0x1DA8] =	vst v0  }
0x1d8: {  	[tilespmem:$0x1DB8] =	vst v0  }
0x1d9: {  	[tilespmem:$0x1DC8] =	vst v0  }
0x1da: {  	[tilespmem:$0x1DD8] =	vst v0  }
0x1db: {  	[tilespmem:$0x1DE8] =	vst v0  }
0x1dc: {  	[tilespmem:$0x1DF8] =	vst v0  }
0x1dd: {  	[tilespmem:$0x1E08] =	vst v0  }
0x1de: {  	[tilespmem:$0x1E18] =	vst v0  }
0x1df: {  	[tilespmem:$0x1E28] =	vst v0  }
0x1e0: {  	[tilespmem:$0x1E38] =	vst v0  }
0x1e1: {  	[tilespmem:$0x1E48] =	vst v0  }
0x1e2: {  	[tilespmem:$0x1E58] =	vst v0  }
0x1e3: {  	[tilespmem:$0x1E68] =	vst v0  }
0x1e4: {  	[tilespmem:$0x1E78] =	vst v0  }
0x1e5: {  	[tilespmem:$0x1E88] =	vst v0  }
0x1e6: {  	[tilespmem:$0x1E98] =	vst v0  }
0x1e7: {  	[tilespmem:$0x1EA8] =	vst v0  }
0x1e8: {  	[tilespmem:$0x1EB8] =	vst v0  }
0x1e9: {  	[tilespmem:$0x1EC8] =	vst v0  }
0x1ea: {  	[tilespmem:$0x1ED8] =	vst v0  }
0x1eb: {  	[tilespmem:$0x1EE8] =	vst v0  }
0x1ec: {  	[tilespmem:$0x1EF8] =	vst v0  }
0x1ed: {  	[tilespmem:$0x1F08] =	vst v0  }
0x1ee: {  	[tilespmem:$0x1F18] =	vst v0  }
0x1ef: {  	[tilespmem:$0x1F28] =	vst v0  }
0x1f0: {  	[tilespmem:$0x1F38] =	vst v0  }
0x1f1: {  	[tilespmem:$0x1F48] =	vst v0  }
0x1f2: {  	[tilespmem:$0x1F58] =	vst v0  }
0x1f3: {  	[tilespmem:$0x1F68] =	vst v0  }
0x1f4: {  	[tilespmem:$0x1F78] =	vst v0  }
0x1f5: {  	[tilespmem:$0x1F88] =	vst v0  }
0x1f6: {  	[tilespmem:$0x1F98] =	vst v0  }
0x1f7: {  	[tilespmem:$0x1FA8] =	vst v0  }
0x1f8: {  	[tilespmem:$0x1FB8] =	vst v0  }
0x1f9: {  	[tilespmem:$0x1FC8] =	vst v0  }
0x1fa: {  	[tilespmem:$0x1FD8] =	vst v0  }
0x1fb: {  	[tilespmem:$0x1FE8] =	vst v0  }
0x1fc: {  	[tilespmem:$0x1FF8] =	vst v0  }
0x1fd: {  	[tilespmem:$0x2008] =	vst v0  }
0x1fe: {  	[tilespmem:$0x2018] =	vst v0  }
0x1ff: {  	[tilespmem:$0x2028] =	vst v0  }
0x200: {  	[tilespmem:$0x2038] =	vst v0  }
0x201: {  	[tilespmem:$0x2048] =	vst v0  }
0x202: {  	[tilespmem:$0x2058] =	vst v0  }
0x203: {  	[tilespmem:$0x2068] =	vst v0  }
0x204: {  	[tilespmem:$0x2078] =	vst v0  }
0x205: {  	[tilespmem:$0x2088] =	vst v0  }
0x206: {  	[tilespmem:$0x2098] =	vst v0  }
0x207: {  	[tilespmem:$0x20A8] =	vst v0  }
0x208: {  	[tilespmem:$0x20B8] =	vst v0  }
0x209: {  	[tilespmem:$0x20C8] =	vst v0  }
0x20a: {  	[tilespmem:$0x20D8] =	vst v0  }
0x20b: {  	[tilespmem:$0x20E8] =	vst v0  }
0x20c: {  	[tilespmem:$0x20F8] =	vst v0  }
0x20d: {  	[tilespmem:$0x2108] =	vst v0  }
0x20e: {  	[tilespmem:$0x2118] =	vst v0  }
0x20f: {  	[tilespmem:$0x2128] =	vst v0  }
0x210: {  	[tilespmem:$0x2138] =	vst v0  }
0x211: {  	[tilespmem:$0x2148] =	vst v0  }
0x212: {  	[tilespmem:$0x2158] =	vst v0  }
0x213: {  	[tilespmem:$0x2168] =	vst v0  }
0x214: {  	[tilespmem:$0x2178] =	vst v0  }
0x215: {  	[tilespmem:$0x2188] =	vst v0  }
0x216: {  	[tilespmem:$0x2198] =	vst v0  }
0x217: {  	[tilespmem:$0x21C8] =	vst v0  }
0x218: {  	[tilespmem:$0x21D8] =	vst v0  }
0x219: {  	[tilespmem:$0x21E8] =	vst v0  }
0x21a: {  	[tilespmem:$0x21F8] =	vst v0  }
0x21b: {  	[tilespmem:$0x2208] =	vst v0  }
0x21c: {  	[tilespmem:$0x2218] =	vst v0  }
0x21d: {  	[tilespmem:$0x2228] =	vst v0  }
0x21e: {  	[tilespmem:$0x2238] =	vst v0  }
0x21f: {  	[tilespmem:$0x2248] =	vst v0  }
0x220: {  	[tilespmem:$0x2258] =	vst v0  }
0x221: {  	[tilespmem:$0x2268] =	vst v0  }
0x222: {  	[tilespmem:$0x2278] =	vst v0  }
0x223: {  	[tilespmem:$0x2288] =	vst v0  }
0x224: {  	[tilespmem:$0x2298] =	vst v0  }
0x225: {  	[tilespmem:$0x22A8] =	vst v0  }
0x226: {  	[tilespmem:$0x22B8] =	vst v0  }
0x227: {  	[tilespmem:$0x22C8] =	vst v0  }
0x228: {  	[tilespmem:$0x22D8] =	vst v0  }
0x229: {  	[tilespmem:$0x22E8] =	vst v0  }
0x22a: {  	[tilespmem:$0x22F8] =	vst v0  }
0x22b: {  	[tilespmem:$0x2308] =	vst v0  }
0x22c: {  	[tilespmem:$0x2318] =	vst v0  }
0x22d: {  	[tilespmem:$0x2328] =	vst v0  }
0x22e: {  	[tilespmem:$0x2338] =	vst v0  }
0x22f: {  	[tilespmem:$0x2348] =	vst v0  }
0x230: {  	[tilespmem:$0x2358] =	vst v0  }
0x231: {  	[tilespmem:$0x2368] =	vst v0  }
0x232: {  	[tilespmem:$0x2378] =	vst v0  }
0x233: {  	[tilespmem:$0x2388] =	vst v0  }
0x234: {  	[tilespmem:$0x2398] =	vst v0  }
0x235: {  	[tilespmem:$0x23A8] =	vst v0  }
0x236: {  	[tilespmem:$0x23B8] =	vst v0  }
0x237: {  	[tilespmem:$0x23C8] =	vst v0  }
0x238: {  	[tilespmem:$0x23D8] =	vst v0  }
0x239: {  	[tilespmem:$0x23E8] =	vst v0  }
0x23a: {  	[tilespmem:$0x23F8] =	vst v0  }
0x23b: {  	[tilespmem:$0x2408] =	vst v0  }
0x23c: {  	[tilespmem:$0x2418] =	vst v0  }
0x23d: {  	[tilespmem:$0x2428] =	vst v0  }
0x23e: {  	[tilespmem:$0x2438] =	vst v0  }
0x23f: {  	[tilespmem:$0x2448] =	vst v0  }
0x240: {  	[tilespmem:$0x2458] =	vst v0  }
0x241: {  	[tilespmem:$0x2468] =	vst v0  }
0x242: {  	[tilespmem:$0x2478] =	vst v0  }
0x243: {  	[tilespmem:$0x2488] =	vst v0  }
0x244: {  	[tilespmem:$0x2498] =	vst v0  }
0x245: {  	[tilespmem:$0x24A8] =	vst v0  }
0x246: {  	[tilespmem:$0x24B8] =	vst v0  }
0x247: {  	[tilespmem:$0x24C8] =	vst v0  }
0x248: {  	[tilespmem:$0x24D8] =	vst v0  }
0x249: {  	[tilespmem:$0x24E8] =	vst v0  }
0x24a: {  	[tilespmem:$0x24F8] =	vst v0  }
0x24b: {  	[tilespmem:$0x2508] =	vst v0  }
0x24c: {  	[tilespmem:$0x2518] =	vst v0  }
0x24d: {  	[tilespmem:$0x2528] =	vst v0  }
0x24e: {  	[tilespmem:$0x2538] =	vst v0  }
0x24f: {  	[tilespmem:$0x2548] =	vst v0  }
0x250: {  	[tilespmem:$0x2558] =	vst v0  }
0x251: {  	[tilespmem:$0x2568] =	vst v0  }
0x252: {  	[tilespmem:$0x2578] =	vst v0  }
0x253: {  	[tilespmem:$0x2588] =	vst v0  }
0x254: {  	[tilespmem:$0x2598] =	vst v0  }
0x255: {  	[tilespmem:$0x25A8] =	vst v0  }
0x256: {  	[tilespmem:$0x25B8] =	vst v0  }
0x257: {  	[tilespmem:$0x25C8] =	vst v0  }
0x258: {  	[tilespmem:$0x25D8] =	vst v0  }
0x259: {  	[tilespmem:$0x25E8] =	vst v0  }
0x25a: {  	[tilespmem:$0x25F8] =	vst v0  }
0x25b: {  	[tilespmem:$0x2608] =	vst v0  }
0x25c: {  	[tilespmem:$0x2618] =	vst v0  }
0x25d: {  	[tilespmem:$0x2628] =	vst v0  }
0x25e: {  	[tilespmem:$0x2638] =	vst v0  }
0x25f: {  	[tilespmem:$0x2648] =	vst v0  }
0x260: {  	[tilespmem:$0x2658] =	vst v0  }
0x261: {  	[tilespmem:$0x2668] =	vst v0  }
0x262: {  	[tilespmem:$0x2678] =	vst v0  }
0x263: {  	[tilespmem:$0x2688] =	vst v0  }
0x264: {  	[tilespmem:$0x2698] =	vst v0  }
0x265: {  	[tilespmem:$0x26A8] =	vst v0  }
0x266: {  	[tilespmem:$0x26B8] =	vst v0  }
0x267: {  	[tilespmem:$0x26C8] =	vst v0  }
0x268: {  	[tilespmem:$0x26D8] =	vst v0  }
0x269: {  	[tilespmem:$0x26E8] =	vst v0  }
0x26a: {  	[tilespmem:$0x26F8] =	vst v0  }
0x26b: {  	[tilespmem:$0x2708] =	vst v0  }
0x26c: {  	[tilespmem:$0x2718] =	vst v0  }
0x26d: {  	[tilespmem:$0x2728] =	vst v0  }
0x26e: {  	[tilespmem:$0x2738] =	vst v0  }
0x26f: {  	[tilespmem:$0x2748] =	vst v0  }
0x270: {  	[tilespmem:$0x2758] =	vst v0  }
0x271: {  	[tilespmem:$0x2768] =	vst v0  }
0x272: {  	[tilespmem:$0x2778] =	vst v0  }
0x273: {  	[tilespmem:$0x2788] =	vst v0  }
0x274: {  	[tilespmem:$0x2798] =	vst v0  }
0x275: {  	[tilespmem:$0x27A8] =	vst v0  }
0x276: {  	[tilespmem:$0x27B8] =	vst v0  }
0x277: {  	[tilespmem:$0x27C8] =	vst v0  }
0x278: {  	[tilespmem:$0x27D8] =	vst v0  }
0x279: {  	[tilespmem:$0x27E8] =	vst v0  }
0x27a: {  	[tilespmem:$0x27F8] =	vst v0  }
0x27b: {  	[tilespmem:$0x2808] =	vst v0  }
0x27c: {  	[tilespmem:$0x2818] =	vst v0  }
0x27d: {  	[tilespmem:$0x2828] =	vst v0  }
0x27e: {  	[tilespmem:$0x2838] =	vst v0  }
0x27f: {  	[tilespmem:$0x2848] =	vst v0  }
0x280: {  	[tilespmem:$0x2858] =	vst v0  }
0x281: {  	[tilespmem:$0x2868] =	vst v0  }
0x282: {  	[tilespmem:$0x2878] =	vst v0  }
0x283: {  	[tilespmem:$0x2888] =	vst v0  }
0x284: {  	[tilespmem:$0x2898] =	vst v0  }
0x285: {  	[tilespmem:$0x28A8] =	vst v0  }
0x286: {  	[tilespmem:$0x28B8] =	vst v0  }
0x287: {  	[tilespmem:$0x28C8] =	vst v0  }
0x288: {  	[tilespmem:$0x28D8] =	vst v0  }
0x289: {  	[tilespmem:$0x28E8] =	vst v0  }
0x28a: {  	[tilespmem:$0x28F8] =	vst v0  }
0x28b: {  	[tilespmem:$0x2908] =	vst v0  }
0x28c: {  	[tilespmem:$0x2918] =	vst v0  }
0x28d: {  	[tilespmem:$0x2928] =	vst v0  }
0x28e: {  	[tilespmem:$0x2938] =	vst v0  }
0x28f: {  	[tilespmem:$0x2948] =	vst v0  }
0x290: {  	[tilespmem:$0x2958] =	vst v0  }
0x291: {  	[tilespmem:$0x2968] =	vst v0  }
0x292: {  	[tilespmem:$0x2978] =	vst v0  }
0x293: {  	[tilespmem:$0x2988] =	vst v0  }
0x294: {  	[tilespmem:$0x2998] =	vst v0  }
0x295: {  	[tilespmem:$0x29A8] =	vst v0  }
0x296: {  	[tilespmem:$0x29B8] =	vst v0  }
0x297: {  	[tilespmem:$0x29C8] =	vst v0  }
0x298: {  	[tilespmem:$0x29D8] =	vst v0  }
0x299: {  	[tilespmem:$0x29E8] =	vst v0  }
0x29a: {  	[tilespmem:$0x29F8] =	vst v0  }
0x29b: {  	[tilespmem:$0x2A08] =	vst v0  }
0x29c: {  	[tilespmem:$0x2A18] =	vst v0  }
0x29d: {  	[tilespmem:$0x2A28] =	vst v0  }
0x29e: {  	[tilespmem:$0x2A38] =	vst v0  }
0x29f: {  	[tilespmem:$0x2A48] =	vst v0  }
0x2a0: {  	[tilespmem:$0x2A58] =	vst v0  }
0x2a1: {  	[tilespmem:$0x2A68] =	vst v0  }
0x2a2: {  	[tilespmem:$0x2A78] =	vst v0  }
0x2a3: {  	[tilespmem:$0x2A88] =	vst v0  }
0x2a4: {  	[tilespmem:$0x2A98] =	vst v0  }
0x2a5: {  	[tilespmem:$0x2AA8] =	vst v0  }
0x2a6: {  	[tilespmem:$0x2AB8] =	vst v0  }
0x2a7: {  	[tilespmem:$0x2AC8] =	vst v0  }
0x2a8: {  	[tilespmem:$0x2AD8] =	vst v0  }
0x2a9: {  	[tilespmem:$0x2AE8] =	vst v0  }
0x2aa: {  	[tilespmem:$0x2AF8] =	vst v0  }
0x2ab: {  	[tilespmem:$0x2B08] =	vst v0  }
0x2ac: {  	[tilespmem:$0x2B18] =	vst v0  }
0x2ad: {  	[tilespmem:$0x2B28] =	vst v0  }
0x2ae: {  	[tilespmem:$0x2B38] =	vst v0  }
0x2af: {  	[tilespmem:$0x2B48] =	vst v0  }
0x2b0: {  	[tilespmem:$0x2B58] =	vst v0  }
0x2b1: {  	[tilespmem:$0x2B68] =	vst v0  }
0x2b2: {  	[tilespmem:$0x2B78] =	vst v0  }
0x2b3: {  	[tilespmem:$0x2B88] =	vst v0  }
0x2b4: {  	[tilespmem:$0x2B98] =	vst v0  }
0x2b5: {  	[tilespmem:$0x2BA8] =	vst v0  }
0x2b6: {  	[tilespmem:$0x2BB8] =	vst v0  }
0x2b7: {  	[tilespmem:$0x2BC8] =	vst v0  }
0x2b8: {  	[tilespmem:$0x2BD8] =	vst v0  }
0x2b9: {  	[tilespmem:$0x2BE8] =	vst v0  }
0x2ba: {  	[tilespmem:$0x2BF8] =	vst v0  }
0x2bb: {  	[tilespmem:$0x2C08] =	vst v0  }
0x2bc: {  	[tilespmem:$0x2C18] =	vst v0  }
0x2bd: {  	[tilespmem:$0x2C28] =	vst v0  }
0x2be: {  	[tilespmem:$0x2C38] =	vst v0  }
0x2bf: {  	[tilespmem:$0x2C48] =	vst v0  }
0x2c0: {  	[tilespmem:$0x2C58] =	vst v0  }
0x2c1: {  	[tilespmem:$0x2C68] =	vst v0  }
0x2c2: {  	[tilespmem:$0x2C78] =	vst v0  }
0x2c3: {  	[tilespmem:$0x2C88] =	vst v0  }
0x2c4: {  	[tilespmem:$0x2C98] =	vst v0  }
0x2c5: {  	[tilespmem:$0x2CA8] =	vst v0  }
0x2c6: {  	[tilespmem:$0x2CB8] =	vst v0  }
0x2c7: {  	[tilespmem:$0x2CC8] =	vst v0  }
0x2c8: {  	[tilespmem:$0x2CD8] =	vst v0  }
0x2c9: {  	[tilespmem:$0x2CE8] =	vst v0  }
0x2ca: {  	[tilespmem:$0x2CF8] =	vst v0  }
0x2cb: {  	[tilespmem:$0x2D08] =	vst v0  }
0x2cc: {  	[tilespmem:$0x2D18] =	vst v0  }
0x2cd: {  	[tilespmem:$0x2D28] =	vst v0  }
0x2ce: {  	[tilespmem:$0x2D38] =	vst v0  }
0x2cf: {  	[tilespmem:$0x2D48] =	vst v0  }
0x2d0: {  	[tilespmem:$0x2D58] =	vst v0  }
0x2d1: {  	[tilespmem:$0x2D68] =	vst v0  }
0x2d2: {  	[tilespmem:$0x2D78] =	vst v0  }
0x2d3: {  	[tilespmem:$0x2D88] =	vst v0  }
0x2d4: {  	[tilespmem:$0x2D98] =	vst v0  }
0x2d5: {  	[tilespmem:$0x2DA8] =	vst v0  }
0x2d6: {  	[tilespmem:$0x2DB8] =	vst v0  }
0x2d7: {  	[tilespmem:$0x2DC8] =	vst v0  }
0x2d8: {  	[tilespmem:$0x2DD8] =	vst v0  }
0x2d9: {  	[tilespmem:$0x2DE8] =	vst v0  }
0x2da: {  	[tilespmem:$0x2DF8] =	vst v0  }
0x2db: {  	[tilespmem:$0x2E08] =	vst v0  }
0x2dc: {  	[tilespmem:$0x2E18] =	vst v0  }
0x2dd: {  	[tilespmem:$0x2E28] =	vst v0  }
0x2de: {  	[tilespmem:$0x2E38] =	vst v0  }
0x2df: {  	[tilespmem:$0x2E48] =	vst v0  }
0x2e0: {  	[tilespmem:$0x2E58] =	vst v0  }
0x2e1: {  	[tilespmem:$0x2E68] =	vst v0  }
0x2e2: {  	[tilespmem:$0x2E78] =	vst v0  }
0x2e3: {  	[tilespmem:$0x2E88] =	vst v0  }
0x2e4: {  	[tilespmem:$0x2E98] =	vst v0  }
0x2e5: {  	[tilespmem:$0x2EA8] =	vst v0  }
0x2e6: {  	[tilespmem:$0x2EB8] =	vst v0  }
0x2e7: {  	[tilespmem:$0x2EC8] =	vst v0  }
0x2e8: {  	[tilespmem:$0x2ED8] =	vst v0  }
0x2e9: {  	[tilespmem:$0x2EE8] =	vst v0  }
0x2ea: {  	[tilespmem:$0x2EF8] =	vst v0  }
0x2eb: {  	[tilespmem:$0x2F08] =	vst v0  }
0x2ec: {  	[tilespmem:$0x2F18] =	vst v0  }
0x2ed: {  	[tilespmem:$0x2F28] =	vst v0  }
0x2ee: {  	[tilespmem:$0x2F38] =	vst v0  }
0x2ef: {  	[tilespmem:$0x2F48] =	vst v0  }
0x2f0: {  	[tilespmem:$0x2F58] =	vst v0  }
0x2f1: {  	[tilespmem:$0x2F68] =	vst v0  }
0x2f2: {  	[tilespmem:$0x2F78] =	vst v0  }
0x2f3: {  	[tilespmem:$0x2F88] =	vst v0  }
0x2f4: {  	[tilespmem:$0x2F98] =	vst v0  }
0x2f5: {  	[tilespmem:$0x2FA8] =	vst v0  }
0x2f6: {  	[tilespmem:$0x2FB8] =	vst v0  }
0x2f7: {  	[tilespmem:$0x2FC8] =	vst v0  }
0x2f8: {  	[tilespmem:$0x2FD8] =	vst v0  }
0x2f9: {  	[tilespmem:$0x2FE8] =	vst v0  }
0x2fa: {  	[tilespmem:$0x2FF8] =	vst v0  }
0x2fb: {  	[tilespmem:$0x3008] =	vst v0  }
0x2fc: {  	[tilespmem:$0x3018] =	vst v0  }
0x2fd: {  	[tilespmem:$0x3028] =	vst v0  }
0x2fe: {  	[tilespmem:$0x3038] =	vst v0  }
0x2ff: {  	[tilespmem:$0x3048] =	vst v0  }
0x300: {  	[tilespmem:$0x3058] =	vst v0  }
0x301: {  	[tilespmem:$0x3068] =	vst v0  }
0x302: {  	[tilespmem:$0x3078] =	vst v0  }
0x303: {  	[tilespmem:$0x3088] =	vst v0  }
0x304: {  	[tilespmem:$0x3098] =	vst v0  }
0x305: {  	[tilespmem:$0x30A8] =	vst v0  }
0x306: {  	[tilespmem:$0x30B8] =	vst v0  }
0x307: {  	[tilespmem:$0x30C8] =	vst v0  }
0x308: {  	[tilespmem:$0x30D8] =	vst v0  }
0x309: {  	[tilespmem:$0x30E8] =	vst v0  }
0x30a: {  	[tilespmem:$0x30F8] =	vst v0  }
0x30b: {  	[tilespmem:$0x3108] =	vst v0  }
0x30c: {  	[tilespmem:$0x3118] =	vst v0  }
0x30d: {  	[tilespmem:$0x3128] =	vst v0  }
0x30e: {  	[tilespmem:$0x3138] =	vst v0  }
0x30f: {  	[tilespmem:$0x3148] =	vst v0  }
0x310: {  	[tilespmem:$0x3158] =	vst v0  }
0x311: {  	[tilespmem:$0x3168] =	vst v0  }
0x312: {  	[tilespmem:$0x3178] =	vst v0  }
0x313: {  	[tilespmem:$0x3188] =	vst v0  }
0x314: {  	[tilespmem:$0x3198] =	vst v0  }
0x315: {  	[tilespmem:$0x31A8] =	vst v0  }
0x316: {  	[tilespmem:$0x31B8] =	vst v0  }
0x317: {  	[tilespmem:$0x40E8] =	vst v0  }
0x318: {  	[tilespmem:$0x40F8] =	vst v0  }
0x319: {  	[tilespmem:$0x31C8] =	vst v0  }
0x31a: {  	[tilespmem:$0x31D8] =	vst v0  }
0x31b: {  	[tilespmem:$0x31E8] =	vst v0  }
0x31c: {  	[tilespmem:$0x31F8] =	vst v0  }
0x31d: {  	[tilespmem:$0x3208] =	vst v0  }
0x31e: {  	[tilespmem:$0x3218] =	vst v0  }
0x31f: {  	[tilespmem:$0x3228] =	vst v0  }
0x320: {  	[tilespmem:$0x3238] =	vst v0  }
0x321: {  	[tilespmem:$0x3248] =	vst v0  }
0x322: {  	[tilespmem:$0x3258] =	vst v0  }
0x323: {  	[tilespmem:$0x3268] =	vst v0  }
0x324: {  	[tilespmem:$0x3278] =	vst v0  }
0x325: {  	[tilespmem:$0x3288] =	vst v0  }
0x326: {  	[tilespmem:$0x3298] =	vst v0  }
0x327: {  	[tilespmem:$0x32A8] =	vst v0  }
0x328: {  	[tilespmem:$0x32B8] =	vst v0  }
0x329: {  	[tilespmem:$0x32C8] =	vst v0  }
0x32a: {  	[tilespmem:$0x32D8] =	vst v0  }
0x32b: {  	[tilespmem:$0x32E8] =	vst v0  }
0x32c: {  	[tilespmem:$0x32F8] =	vst v0  }
0x32d: {  	[tilespmem:$0x3308] =	vst v0  }
0x32e: {  	[tilespmem:$0x3318] =	vst v0  }
0x32f: {  	[tilespmem:$0x3328] =	vst v0  }
0x330: {  	[tilespmem:$0x3338] =	vst v0  }
0x331: {  	[tilespmem:$0x3348] =	vst v0  }
0x332: {  	[tilespmem:$0x3358] =	vst v0  }
0x333: {  	[tilespmem:$0x3368] =	vst v0  }
0x334: {  	[tilespmem:$0x3378] =	vst v0  }
0x335: {  	[tilespmem:$0x3388] =	vst v0  }
0x336: {  	[tilespmem:$0x3398] =	vst v0  }
0x337: {  	[tilespmem:$0x33A8] =	vst v0  }
0x338: {  	[tilespmem:$0x33B8] =	vst v0  }
0x339: {  	[tilespmem:$0x33C8] =	vst v0  }
0x33a: {  	[tilespmem:$0x33D8] =	vst v0  }
0x33b: {  	[tilespmem:$0x33E8] =	vst v0  }
0x33c: {  	[tilespmem:$0x33F8] =	vst v0  }
0x33d: {  	[tilespmem:$0x3408] =	vst v0  }
0x33e: {  	[tilespmem:$0x3418] =	vst v0  }
0x33f: {  	[tilespmem:$0x3428] =	vst v0  }
0x340: {  	[tilespmem:$0x3438] =	vst v0  }
0x341: {  	[tilespmem:$0x3448] =	vst v0  }
0x342: {  	[tilespmem:$0x3458] =	vst v0  }
0x343: {  	[tilespmem:$0x3468] =	vst v0  }
0x344: {  	[tilespmem:$0x3478] =	vst v0  }
0x345: {  	[tilespmem:$0x3488] =	vst v0  }
0x346: {  	[tilespmem:$0x3498] =	vst v0  }
0x347: {  	[tilespmem:$0x34A8] =	vst v0  }
0x348: {  	[tilespmem:$0x34B8] =	vst v0  }
0x349: {  	[tilespmem:$0x34C8] =	vst v0  }
0x34a: {  	[tilespmem:$0x34D8] =	vst v0  }
0x34b: {  	[tilespmem:$0x34E8] =	vst v0  }
0x34c: {  	[tilespmem:$0x34F8] =	vst v0  }
0x34d: {  	[tilespmem:$0x3508] =	vst v0  }
0x34e: {  	[tilespmem:$0x3518] =	vst v0  }
0x34f: {  	[tilespmem:$0x3528] =	vst v0  }
0x350: {  	[tilespmem:$0x3538] =	vst v0  }
0x351: {  	[tilespmem:$0x3548] =	vst v0  }
0x352: {  	[tilespmem:$0x3558] =	vst v0  }
0x353: {  	[tilespmem:$0x3568] =	vst v0  }
0x354: {  	[tilespmem:$0x3578] =	vst v0  }
0x355: {  	[tilespmem:$0x3588] =	vst v0  }
0x356: {  	[tilespmem:$0x3598] =	vst v0  }
0x357: {  	[tilespmem:$0x35A8] =	vst v0  }
0x358: {  	[tilespmem:$0x35B8] =	vst v0  }
0x359: {  	[tilespmem:$0x35C8] =	vst v0  }
0x35a: {  	[tilespmem:$0x35D8] =	vst v0  }
0x35b: {  	[tilespmem:$0x35E8] =	vst v0  }
0x35c: {  	[tilespmem:$0x35F8] =	vst v0  }
0x35d: {  	[tilespmem:$0x3608] =	vst v0  }
0x35e: {  	[tilespmem:$0x3618] =	vst v0  }
0x35f: {  	[tilespmem:$0x3628] =	vst v0  }
0x360: {  	[tilespmem:$0x3638] =	vst v0  }
0x361: {  	[tilespmem:$0x3648] =	vst v0  }
0x362: {  	[tilespmem:$0x3658] =	vst v0  }
0x363: {  	[tilespmem:$0x3668] =	vst v0  }
0x364: {  	[tilespmem:$0x3678] =	vst v0  }
0x365: {  	[tilespmem:$0x3688] =	vst v0  }
0x366: {  	[tilespmem:$0x3698] =	vst v0  }
0x367: {  	[tilespmem:$0x36A8] =	vst v0  }
0x368: {  	[tilespmem:$0x36B8] =	vst v0  }
0x369: {  	[tilespmem:$0x36C8] =	vst v0  }
0x36a: {  	[tilespmem:$0x36D8] =	vst v0  }
0x36b: {  	[tilespmem:$0x36E8] =	vst v0  }
0x36c: {  	[tilespmem:$0x36F8] =	vst v0  }
0x36d: {  	[tilespmem:$0x3708] =	vst v0  }
0x36e: {  	[tilespmem:$0x3718] =	vst v0  }
0x36f: {  	[tilespmem:$0x3728] =	vst v0  }
0x370: {  	[tilespmem:$0x3738] =	vst v0  }
0x371: {  	[tilespmem:$0x3748] =	vst v0  }
0x372: {  	[tilespmem:$0x3758] =	vst v0  }
0x373: {  	[tilespmem:$0x3768] =	vst v0  }
0x374: {  	[tilespmem:$0x3778] =	vst v0  }
0x375: {  	[tilespmem:$0x3788] =	vst v0  }
0x376: {  	[tilespmem:$0x3798] =	vst v0  }
0x377: {  	[tilespmem:$0x37A8] =	vst v0  }
0x378: {  	[tilespmem:$0x37B8] =	vst v0  }
0x379: {  	[tilespmem:$0x37C8] =	vst v0  }
0x37a: {  	[tilespmem:$0x37D8] =	vst v0  }
0x37b: {  	[tilespmem:$0x37E8] =	vst v0  }
0x37c: {  	[tilespmem:$0x37F8] =	vst v0  }
0x37d: {  	[tilespmem:$0x3808] =	vst v0  }
0x37e: {  	[tilespmem:$0x3818] =	vst v0  }
0x37f: {  	[tilespmem:$0x3828] =	vst v0  }
0x380: {  	[tilespmem:$0x3838] =	vst v0  }
0x381: {  	[tilespmem:$0x3848] =	vst v0  }
0x382: {  	[tilespmem:$0x3858] =	vst v0  }
0x383: {  	[tilespmem:$0x3868] =	vst v0  }
0x384: {  	[tilespmem:$0x3878] =	vst v0  }
0x385: {  	[tilespmem:$0x3888] =	vst v0  }
0x386: {  	[tilespmem:$0x3898] =	vst v0  }
0x387: {  	[tilespmem:$0x38A8] =	vst v0  }
0x388: {  	[tilespmem:$0x38B8] =	vst v0  }
0x389: {  	[tilespmem:$0x38C8] =	vst v0  }
0x38a: {  	[tilespmem:$0x38D8] =	vst v0  }
0x38b: {  	[tilespmem:$0x38E8] =	vst v0  }
0x38c: {  	[tilespmem:$0x38F8] =	vst v0  }
0x38d: {  	[tilespmem:$0x3908] =	vst v0  }
0x38e: {  	[tilespmem:$0x3918] =	vst v0  }
0x38f: {  	[tilespmem:$0x3928] =	vst v0  }
0x390: {  	[tilespmem:$0x3938] =	vst v0  }
0x391: {  	[tilespmem:$0x3948] =	vst v0  }
0x392: {  	[tilespmem:$0x3958] =	vst v0  }
0x393: {  	[tilespmem:$0x3968] =	vst v0  }
0x394: {  	[tilespmem:$0x3978] =	vst v0  }
0x395: {  	[tilespmem:$0x3988] =	vst v0  }
0x396: {  	[tilespmem:$0x3998] =	vst v0  }
0x397: {  	[tilespmem:$0x39A8] =	vst v0  }
0x398: {  	[tilespmem:$0x39B8] =	vst v0  }
0x399: {  	[tilespmem:$0x39C8] =	vst v0  }
0x39a: {  	[tilespmem:$0x39D8] =	vst v0  }
0x39b: {  	[tilespmem:$0x39E8] =	vst v0  }
0x39c: {  	[tilespmem:$0x39F8] =	vst v0  }
0x39d: {  	[tilespmem:$0x3A08] =	vst v0  }
0x39e: {  	[tilespmem:$0x3A18] =	vst v0  }
0x39f: {  	[tilespmem:$0x3A28] =	vst v0  }
0x3a0: {  	[tilespmem:$0x3A38] =	vst v0  }
0x3a1: {  	[tilespmem:$0x3A48] =	vst v0  }
0x3a2: {  	[tilespmem:$0x3A58] =	vst v0  }
0x3a3: {  	[tilespmem:$0x3A68] =	vst v0  }
0x3a4: {  	[tilespmem:$0x3A78] =	vst v0  }
0x3a5: {  	[tilespmem:$0x3A88] =	vst v0  }
0x3a6: {  	[tilespmem:$0x3A98] =	vst v0  }
0x3a7: {  	[tilespmem:$0x3AA8] =	vst v0  }
0x3a8: {  	[tilespmem:$0x3AB8] =	vst v0  }
0x3a9: {  	[tilespmem:$0x3AC8] =	vst v0  }
0x3aa: {  	[tilespmem:$0x3AD8] =	vst v0  }
0x3ab: {  	[tilespmem:$0x3AE8] =	vst v0  }
0x3ac: {  	[tilespmem:$0x3AF8] =	vst v0  }
0x3ad: {  	[tilespmem:$0x3B08] =	vst v0  }
0x3ae: {  	[tilespmem:$0x3B18] =	vst v0  }
0x3af: {  	[tilespmem:$0x3B28] =	vst v0  }
0x3b0: {  	[tilespmem:$0x3B38] =	vst v0  }
0x3b1: {  	[tilespmem:$0x3B48] =	vst v0  }
0x3b2: {  	[tilespmem:$0x3B58] =	vst v0  }
0x3b3: {  	[tilespmem:$0x3B68] =	vst v0  }
0x3b4: {  	[tilespmem:$0x3B78] =	vst v0  }
0x3b5: {  	[tilespmem:$0x3B88] =	vst v0  }
0x3b6: {  	[tilespmem:$0x3B98] =	vst v0  }
0x3b7: {  	[tilespmem:$0x3BA8] =	vst v0  }
0x3b8: {  	[tilespmem:$0x3BB8] =	vst v0  }
0x3b9: {  	[tilespmem:$0x3BC8] =	vst v0  }
0x3ba: {  	[tilespmem:$0x3BD8] =	vst v0  }
0x3bb: {  	[tilespmem:$0x3BE8] =	vst v0  }
0x3bc: {  	[tilespmem:$0x3BF8] =	vst v0  }
0x3bd: {  	[tilespmem:$0x3C08] =	vst v0  }
0x3be: {  	[tilespmem:$0x3C18] =	vst v0  }
0x3bf: {  	[tilespmem:$0x3C28] =	vst v0  }
0x3c0: {  	[tilespmem:$0x3C38] =	vst v0  }
0x3c1: {  	[tilespmem:$0x3C48] =	vst v0  }
0x3c2: {  	[tilespmem:$0x3C58] =	vst v0  }
0x3c3: {  	[tilespmem:$0x3C68] =	vst v0  }
0x3c4: {  	[tilespmem:$0x3C78] =	vst v0  }
0x3c5: {  	[tilespmem:$0x3C88] =	vst v0  }
0x3c6: {  	[tilespmem:$0x3C98] =	vst v0  }
0x3c7: {  	[tilespmem:$0x3CA8] =	vst v0  }
0x3c8: {  	[tilespmem:$0x3CB8] =	vst v0  }
0x3c9: {  	[tilespmem:$0x3CC8] =	vst v0  }
0x3ca: {  	[tilespmem:$0x3CD8] =	vst v0  }
0x3cb: {  	[tilespmem:$0x3CE8] =	vst v0  }
0x3cc: {  	[tilespmem:$0x3CF8] =	vst v0  }
0x3cd: {  	[tilespmem:$0x3D08] =	vst v0  }
0x3ce: {  	[tilespmem:$0x3D18] =	vst v0  }
0x3cf: {  	[tilespmem:$0x3D28] =	vst v0  }
0x3d0: {  	[tilespmem:$0x3D38] =	vst v0  }
0x3d1: {  	[tilespmem:$0x3D48] =	vst v0  }
0x3d2: {  	[tilespmem:$0x3D58] =	vst v0  }
0x3d3: {  	[tilespmem:$0x3D68] =	vst v0  }
0x3d4: {  	[tilespmem:$0x3D78] =	vst v0  }
0x3d5: {  	[tilespmem:$0x3D88] =	vst v0  }
0x3d6: {  	[tilespmem:$0x3D98] =	vst v0  }
0x3d7: {  	[tilespmem:$0x3DA8] =	vst v0  }
0x3d8: {  	[tilespmem:$0x3DB8] =	vst v0  }
0x3d9: {  	[tilespmem:$0x3DC8] =	vst v0  }
0x3da: {  	[tilespmem:$0x3DD8] =	vst v0  }
0x3db: {  	[tilespmem:$0x3DE8] =	vst v0  }
0x3dc: {  	[tilespmem:$0x3DF8] =	vst v0  }
0x3dd: {  	[tilespmem:$0x3E08] =	vst v0  }
0x3de: {  	[tilespmem:$0x3E18] =	vst v0  }
0x3df: {  	[tilespmem:$0x3E28] =	vst v0  }
0x3e0: {  	[tilespmem:$0x3E38] =	vst v0  }
0x3e1: {  	[tilespmem:$0x3E48] =	vst v0  }
0x3e2: {  	[tilespmem:$0x3E58] =	vst v0  }
0x3e3: {  	[tilespmem:$0x3E68] =	vst v0  }
0x3e4: {  	[tilespmem:$0x3E78] =	vst v0  }
0x3e5: {  	[tilespmem:$0x3E88] =	vst v0  }
0x3e6: {  	[tilespmem:$0x3E98] =	vst v0  }
0x3e7: {  	[tilespmem:$0x3EA8] =	vst v0  }
0x3e8: {  	[tilespmem:$0x3EB8] =	vst v0  }
0x3e9: {  	[tilespmem:$0x3EC8] =	vst v0  }
0x3ea: {  	[tilespmem:$0x3ED8] =	vst v0  }
0x3eb: {  	[tilespmem:$0x3EE8] =	vst v0  }
0x3ec: {  	[tilespmem:$0x3EF8] =	vst v0  }
0x3ed: {  	[tilespmem:$0x3F08] =	vst v0  }
0x3ee: {  	[tilespmem:$0x3F18] =	vst v0  }
0x3ef: {  	[tilespmem:$0x3F28] =	vst v0  }
0x3f0: {  	[tilespmem:$0x3F38] =	vst v0  }
0x3f1: {  	[tilespmem:$0x3F48] =	vst v0  }
0x3f2: {  	[tilespmem:$0x3F58] =	vst v0  }
0x3f3: {  	[tilespmem:$0x3F68] =	vst v0  }
0x3f4: {  	[tilespmem:$0x3F78] =	vst v0  }
0x3f5: {  	[tilespmem:$0x3F88] =	vst v0  }
0x3f6: {  	[tilespmem:$0x3F98] =	vst v0  }
0x3f7: {  	[tilespmem:$0x3FA8] =	vst v0  }
0x3f8: {  	[tilespmem:$0x3FB8] =	vst v0  }
0x3f9: {  	[tilespmem:$0x3FC8] =	vst v0  }
0x3fa: {  	[tilespmem:$0x3FD8] =	vst v0  }
0x3fb: {  	[tilespmem:$0x3FE8] =	vst v0  }
0x3fc: {  	[tilespmem:$0x3FF8] =	vst v0  }
0x3fd: {  	[tilespmem:$0x4008] =	vst v0  }
0x3fe: {  	[tilespmem:$0x4018] =	vst v0  }
0x3ff: {  	[tilespmem:$0x4028] =	vst v0  }
0x400: {  	[tilespmem:$0x4038] =	vst v0  }
0x401: {  	[tilespmem:$0x4048] =	vst v0  }
0x402: {  	[tilespmem:$0x4058] =	vst v0  }
0x403: {  	[tilespmem:$0x4068] =	vst v0  }
0x404: {  	[tilespmem:$0x4078] =	vst v0  }
0x405: {  	[tilespmem:$0x4088] =	vst v0  }
0x406: {  	[tilespmem:$0x4098] =	vst v0  }
0x407: {  	[tilespmem:$0x40A8] =	vst v0  }
0x408: {  	[tilespmem:$0x40B8] =	vst v0  }
0x409: {  	[tilespmem:$0x40C8] =	vst v0  }
0x40a: {  	[tilespmem:$0x40D8] =	vst v0  }
0x40b: {  	[tilespmem:$0x4108] =	vst v0  }
0x40c: {  	[tilespmem:$0x4118] =	vst v0  }
0x40d: {  	[tilespmem:$0x4128] =	vst v0  }
0x40e: {  	[tilespmem:$0x4138] =	vst v0  }
0x40f: {  	[tilespmem:$0x4148] =	vst v0  }
0x410: {  	[tilespmem:$0x4158] =	vst v0  }
0x411: {  	[tilespmem:$0x4168] =	vst v0  }
0x412: {  	[tilespmem:$0x4178] =	vst v0  }
0x413: {  	[tilespmem:$0x4188] =	vst v0  }
0x414: {  	[tilespmem:$0x4198] =	vst v0  }
0x415: {  	[tilespmem:$0x41A8] =	vst v0  }
0x416: {  	[tilespmem:$0x41B8] =	vst v0  }
0x417: {  	[tilespmem:$0x41C8] =	vst v0  }
0x418: {  	[tilespmem:$0x41D8] =	vst v0  }
0x419: {  	[tilespmem:$0x41E8] =	vst v0  }
0x41a: {  	[tilespmem:$0x41F8] =	vst v0  }
0x41b: {  	[tilespmem:$0x4208] =	vst v0  }
0x41c: {  	[tilespmem:$0x4218] =	vst v0  }
0x41d: {  	[tilespmem:$0x4228] =	vst v0  }
0x41e: {  	[tilespmem:$0x4238] =	vst v0  }
0x41f: {  	[tilespmem:$0x4248] =	vst v0  }
0x420: {  	[tilespmem:$0x4258] =	vst v0  }
0x421: {  	[tilespmem:$0x4268] =	vst v0  }
0x422: {  	[tilespmem:$0x4278] =	vst v0  }
0x423: {  	[tilespmem:$0x4288] =	vst v0  }
0x424: {  	[tilespmem:$0x4298] =	vst v0  }
0x425: {  	[tilespmem:$0x42A8] =	vst v0  }
0x426: {  	[tilespmem:$0x42B8] =	vst v0  }
0x427: {  	[tilespmem:$0x42C8] =	vst v0  }
0x428: {  	[tilespmem:$0x42D8] =	vst v0  }
0x429: {  	[tilespmem:$0x42E8] =	vst v0  }
0x42a: {  	[tilespmem:$0x42F8] =	vst v0  }
0x42b: {  	[tilespmem:$0x4308] =	vst v0  }
0x42c: {  	[tilespmem:$0x4318] =	vst v0  }
0x42d: {  	[tilespmem:$0x4328] =	vst v0  }
0x42e: {  	[tilespmem:$0x4338] =	vst v0  }
0x42f: {  	[tilespmem:$0x4348] =	vst v0  }
0x430: {  	[tilespmem:$0x4358] =	vst v0  }
0x431: {  	[tilespmem:$0x4368] =	vst v0  }
0x432: {  	[tilespmem:$0x4378] =	vst v0  }
0x433: {  	[tilespmem:$0x4388] =	vst v0  }
0x434: {  	[tilespmem:$0x4398] =	vst v0  }
0x435: {  	[tilespmem:$0x43A8] =	vst v0  }
0x436: {  	[tilespmem:$0x43B8] =	vst v0  }
0x437: {  	[tilespmem:$0x43C8] =	vst v0  }
0x438: {  	[tilespmem:$0x43D8] =	vst v0  }
0x439: {  	[tilespmem:$0x43E8] =	vst v0  }
0x43a: {  	[tilespmem:$0x43F8] =	vst v0  }
0x43b: {  	[tilespmem:$0x4408] =	vst v0  }
0x43c: {  	[tilespmem:$0x4418] =	vst v0  }
0x43d: {  	[tilespmem:$0x4428] =	vst v0  }
0x43e: {  	[tilespmem:$0x4438] =	vst v0  }
0x43f: {  	[tilespmem:$0x4448] =	vst v0  }
0x440: {  	[tilespmem:$0x4458] =	vst v0  }
0x441: {  	[tilespmem:$0x4468] =	vst v0  }
0x442: {  	[tilespmem:$0x4478] =	vst v0  }
0x443: {  	[tilespmem:$0x4488] =	vst v0  }
0x444: {  	[tilespmem:$0x4498] =	vst v0  }
0x445: {  	[tilespmem:$0x44A8] =	vst v0  }
0x446: {  	[tilespmem:$0x44B8] =	vst v0  }
0x447: {  	[tilespmem:$0x44C8] =	vst v0  }
0x448: {  	[tilespmem:$0x44D8] =	vst v0  }
0x449: {  	[tilespmem:$0x44E8] =	vst v0  }
0x44a: {  	[tilespmem:$0x44F8] =	vst v0  }
0x44b: {  	[tilespmem:$0x4508] =	vst v0  }
0x44c: {  	[tilespmem:$0x4518] =	vst v0  }
0x44d: {  	[tilespmem:$0x4528] =	vst v0  }
0x44e: {  	[tilespmem:$0x4538] =	vst v0  }
0x44f: {  	[tilespmem:$0x4548] =	vst v0  }
0x450: {  	[tilespmem:$0x4558] =	vst v0  }
0x451: {  	[tilespmem:$0x4568] =	vst v0  }
0x452: {  	[tilespmem:$0x4578] =	vst v0  }
0x453: {  	[tilespmem:$0x4588] =	vst v0  }
0x454: {  	[tilespmem:$0x4598] =	vst v0  }
0x455: {  	[tilespmem:$0x45A8] =	vst v0  }
0x456: {  	[tilespmem:$0x45B8] =	vst v0  }
0x457: {  	[tilespmem:$0x45C8] =	vst v0  }
0x458: {  	[tilespmem:$0x45D8] =	vst v0  }
0x459: {  	[tilespmem:$0x45E8] =	vst v0  }
0x45a: {  	[tilespmem:$0x45F8] =	vst v0  }
0x45b: {  	[tilespmem:$0x4608] =	vst v0  }
0x45c: {  	[tilespmem:$0x4618] =	vst v0  }
0x45d: {  	[tilespmem:$0x4628] =	vst v0  }
0x45e: {  	[tilespmem:$0x4638] =	vst v0  }
0x45f: {  	[tilespmem:$0x4648] =	vst v0  }
0x460: {  	[tilespmem:$0x4658] =	vst v0  }
0x461: {  	[tilespmem:$0x4668] =	vst v0  }
0x462: {  	[tilespmem:$0x4678] =	vst v0  }
0x463: {  	[tilespmem:$0x4688] =	vst v0  }
0x464: {  	[tilespmem:$0x4698] =	vst v0  }
0x465: {  	[tilespmem:$0x46A8] =	vst v0  }
0x466: {  	[tilespmem:$0x46B8] =	vst v0  }
0x467: {  	[tilespmem:$0x46C8] =	vst v0  }
0x468: {  	[tilespmem:$0x46D8] =	vst v0  }
0x469: {  	[tilespmem:$0x46E8] =	vst v0  }
0x46a: {  	[tilespmem:$0x46F8] =	vst v0  }
0x46b: {  	[tilespmem:$0x4708] =	vst v0  }
0x46c: {  	[tilespmem:$0x4718] =	vst v0  }
0x46d: {  	[tilespmem:$0x4728] =	vst v0  }
0x46e: {  	[tilespmem:$0x4738] =	vst v0  }
0x46f: {  	[tilespmem:$0x4748] =	vst v0  }
0x470: {  	[tilespmem:$0x4758] =	vst v0  }
0x471: {  	[tilespmem:$0x4768] =	vst v0  }
0x472: {  	[tilespmem:$0x4778] =	vst v0  }
0x473: {  	[tilespmem:$0x4788] =	vst v0  }
0x474: {  	[tilespmem:$0x4798] =	vst v0  }
0x475: {  	[tilespmem:$0x47A8] =	vst v0  }
0x476: {  	[tilespmem:$0x47B8] =	vst v0  }
0x477: {  	[tilespmem:$0x47C8] =	vst v0  }
0x478: {  	[tilespmem:$0x47D8] =	vst v0  }
0x479: {  	[tilespmem:$0x47E8] =	vst v0  }
0x47a: {  	[tilespmem:$0x47F8] =	vst v0  }
0x47b: {  	[tilespmem:$0x4808] =	vst v0  }
0x47c: {  	[tilespmem:$0x4818] =	vst v0  }
0x47d: {  	[tilespmem:$0x4828] =	vst v0  }
0x47e: {  	[tilespmem:$0x4838] =	vst v0  }
0x47f: {  	[tilespmem:$0x4848] =	vst v0  }
0x480: {  	[tilespmem:$0x4858] =	vst v0  }
0x481: {  	[tilespmem:$0x4868] =	vst v0  }
0x482: {  	[tilespmem:$0x4878] =	vst v0  }
0x483: {  	[tilespmem:$0x4888] =	vst v0  }
0x484: {  	[tilespmem:$0x4898] =	vst v0  }
0x485: {  	[tilespmem:$0x48A8] =	vst v0  }
0x486: {  	[tilespmem:$0x48B8] =	vst v0  }
0x487: {  	[tilespmem:$0x48C8] =	vst v0  }
0x488: {  	[tilespmem:$0x48D8] =	vst v0  }
0x489: {  	[tilespmem:$0x48E8] =	vst v0  }
0x48a: {  	[tilespmem:$0x48F8] =	vst v0  }
0x48b: {  	[tilespmem:$0x4908] =	vst v0  }
0x48c: {  	[tilespmem:$0x4918] =	vst v0  }
0x48d: {  	[tilespmem:$0x4928] =	vst v0  }
0x48e: {  	[tilespmem:$0x4938] =	vst v0  }
0x48f: {  	[tilespmem:$0x4948] =	vst v0  }
0x490: {  	[tilespmem:$0x4958] =	vst v0  }
0x491: {  	[tilespmem:$0x4968] =	vst v0  }
0x492: {  	[tilespmem:$0x4978] =	vst v0  }
0x493: {  	[tilespmem:$0x4988] =	vst v0  }
0x494: {  	[tilespmem:$0x4998] =	vst v0  }
0x495: {  	[tilespmem:$0x49A8] =	vst v0  }
0x496: {  	[tilespmem:$0x49B8] =	vst v0  }
0x497: {  	[tilespmem:$0x49C8] =	vst v0  }
0x498: {  	[tilespmem:$0x49D8] =	vst v0  }
0x499: {  	[tilespmem:$0x49E8] =	vst v0  }
0x49a: {  	[tilespmem:$0x49F8] =	vst v0  }
0x49b: {  	[tilespmem:$0x4A08] =	vst v0  }
0x49c: {  	[tilespmem:$0x4A18] =	vst v0  }
0x49d: {  	[tilespmem:$0x4A28] =	vst v0  }
0x49e: {  	[tilespmem:$0x4A38] =	vst v0  }
0x49f: {  	[tilespmem:$0x4A48] =	vst v0  }
0x4a0: {  	[tilespmem:$0x4A58] =	vst v0  }
0x4a1: {  	[tilespmem:$0x4A68] =	vst v0  }
0x4a2: {  	[tilespmem:$0x4A78] =	vst v0  }
0x4a3: {  	[tilespmem:$0x4A88] =	vst v0  }
0x4a4: {  	[tilespmem:$0x4A98] =	vst v0  }
0x4a5: {  	[tilespmem:$0x4AA8] =	vst v0  }
0x4a6: {  	[tilespmem:$0x4AB8] =	vst v0  }
0x4a7: {  	[tilespmem:$0x4AC8] =	vst v0  }
0x4a8: {  	[tilespmem:$0x4AD8] =	vst v0  }
0x4a9: {  	[tilespmem:$0x4AE8] =	vst v0  }
0x4aa: {  	[tilespmem:$0x4AF8] =	vst v0  }
0x4ab: {  	[tilespmem:$0x4B08] =	vst v0  }
0x4ac: {  	[tilespmem:$0x4B18] =	vst v0  }
0x4ad: {  	[tilespmem:$0x4B28] =	vst v0  }
0x4ae: {  	[tilespmem:$0x4B38] =	vst v0  }
0x4af: {  	[tilespmem:$0x4B48] =	vst v0  }
0x4b0: {  	[tilespmem:$0x4B58] =	vst v0  }
0x4b1: {  	[tilespmem:$0x4B68] =	vst v0  }
0x4b2: {  	[tilespmem:$0x4B78] =	vst v0  }
0x4b3: {  	[tilespmem:$0x4B88] =	vst v0  }
0x4b4: {  	[tilespmem:$0x4B98] =	vst v0  }
0x4b5: {  	[tilespmem:$0x4BA8] =	vst v0  }
0x4b6: {  	[tilespmem:$0x4BB8] =	vst v0  }
0x4b7: {  	[tilespmem:$0x4BC8] =	vst v0  }
0x4b8: {  	[tilespmem:$0x4BD8] =	vst v0  }
0x4b9: {  	[tilespmem:$0x4BE8] =	vst v0  }
0x4ba: {  	[tilespmem:$0x4BF8] =	vst v0  }
0x4bb: {  	[tilespmem:$0x4C08] =	vst v0  }
0x4bc: {  	[tilespmem:$0x4C18] =	vst v0  }
0x4bd: {  	[tilespmem:$0x4C28] =	vst v0  }
0x4be: {  	[tilespmem:$0x4C38] =	vst v0  }
0x4bf: {  	[tilespmem:$0x4C48] =	vst v0  }
0x4c0: {  	[tilespmem:$0x4C58] =	vst v0  }
0x4c1: {  	[tilespmem:$0x4C68] =	vst v0  }
0x4c2: {  	[tilespmem:$0x4C78] =	vst v0  }
0x4c3: {  	[tilespmem:$0x4C88] =	vst v0  }
0x4c4: {  	[tilespmem:$0x4C98] =	vst v0  }
0x4c5: {  	[tilespmem:$0x4CA8] =	vst v0  }
0x4c6: {  	[tilespmem:$0x4CB8] =	vst v0  }
0x4c7: {  	[tilespmem:$0x4CC8] =	vst v0  }
0x4c8: {  	[tilespmem:$0x4CD8] =	vst v0  }
0x4c9: {  	[tilespmem:$0x4CE8] =	vst v0  }
0x4ca: {  	[tilespmem:$0x4CF8] =	vst v0  }
0x4cb: {  	[tilespmem:$0x4D08] =	vst v0  }
0x4cc: {  	[tilespmem:$0x4D18] =	vst v0  }
0x4cd: {  	[tilespmem:$0x4D28] =	vst v0  }
0x4ce: {  	[tilespmem:$0x4D38] =	vst v0  }
0x4cf: {  	[tilespmem:$0x4D48] =	vst v0  }
0x4d0: {  	[tilespmem:$0x4D58] =	vst v0  }
0x4d1: {  	[tilespmem:$0x4D68] =	vst v0  }
0x4d2: {  	[tilespmem:$0x4D78] =	vst v0  }
0x4d3: {  	[tilespmem:$0x4D88] =	vst v0  }
0x4d4: {  	[tilespmem:$0x4D98] =	vst v0  }
0x4d5: {  	[tilespmem:$0x4DA8] =	vst v0  }
0x4d6: {  	[tilespmem:$0x4DB8] =	vst v0  }
0x4d7: {  	[tilespmem:$0x4DC8] =	vst v0  }
0x4d8: {  	[tilespmem:$0x4DD8] =	vst v0  }
0x4d9: {  	[tilespmem:$0x4DE8] =	vst v0  }
0x4da: {  	[tilespmem:$0x4DF8] =	vst v0  }
0x4db: {  	[tilespmem:$0x4E08] =	vst v0  }
0x4dc: {  	[tilespmem:$0x4E18] =	vst v0  }
0x4dd: {  	[tilespmem:$0x4E28] =	vst v0  }
0x4de: {  	[tilespmem:$0x4E38] =	vst v0  }
0x4df: {  	[tilespmem:$0x4E48] =	vst v0  }
0x4e0: {  	[tilespmem:$0x4E58] =	vst v0  }
0x4e1: {  	[tilespmem:$0x4E68] =	vst v0  }
0x4e2: {  	[tilespmem:$0x4E78] =	vst v0  }
0x4e3: {  	[tilespmem:$0x4E88] =	vst v0  }
0x4e4: {  	[tilespmem:$0x4E98] =	vst v0  }
0x4e5: {  	[tilespmem:$0x4EA8] =	vst v0  }
0x4e6: {  	[tilespmem:$0x4EB8] =	vst v0  }
0x4e7: {  	[tilespmem:$0x4EC8] =	vst v0  }
0x4e8: {  	[tilespmem:$0x4ED8] =	vst v0  }
0x4e9: {  	[tilespmem:$0x4EE8] =	vst v0  }
0x4ea: {  	[tilespmem:$0x4EF8] =	vst v0  }
0x4eb: {  	[tilespmem:$0x4F08] =	vst v0  }
0x4ec: {  	[tilespmem:$0x4F18] =	vst v0  }
0x4ed: {  	[tilespmem:$0x4F28] =	vst v0  }
0x4ee: {  	[tilespmem:$0x4F38] =	vst v0  }
0x4ef: {  	[tilespmem:$0x4F48] =	vst v0  }
0x4f0: {  	[tilespmem:$0x4F58] =	vst v0  }
0x4f1: {  	[tilespmem:$0x4F68] =	vst v0  }
0x4f2: {  	[tilespmem:$0x4F78] =	vst v0  }
0x4f3: {  	[tilespmem:$0x4F88] =	vst v0  }
0x4f4: {  	[tilespmem:$0x4F98] =	vst v0  }
0x4f5: {  	[tilespmem:$0x4FA8] =	vst v0  }
0x4f6: {  	[tilespmem:$0x4FB8] =	vst v0  }
0x4f7: {  	[tilespmem:$0x4FC8] =	vst v0  }
0x4f8: {  	[tilespmem:$0x4FD8] =	vst v0  }
0x4f9: {  	[tilespmem:$0x4FE8] =	vst v0  }
0x4fa: {  	[tilespmem:$0x4FF8] =	vst v0  }
0x4fb: {  	[tilespmem:$0x5008] =	vst v0  }
0x4fc: {  	[tilespmem:$0x5018] =	vst v0  }
0x4fd: {  	[tilespmem:$0x5028] =	vst v0  }
0x4fe: {  	[tilespmem:$0x5038] =	vst v0  }
0x4ff: {  	[tilespmem:$0x5048] =	vst v0  }
0x500: {  	[tilespmem:$0x5058] =	vst v0  }
0x501: {  	[tilespmem:$0x5068] =	vst v0  }
0x502: {  	[tilespmem:$0x5078] =	vst v0  }
0x503: {  	[tilespmem:$0x5088] =	vst v0  }
0x504: {  	[tilespmem:$0x5098] =	vst v0  }
0x505: {  	[tilespmem:$0x50A8] =	vst v0  }
0x506: {  	[tilespmem:$0x50B8] =	vst v0  }
0x507: {  	[tilespmem:$0x50C8] =	vst v0  }
0x508: {  	[tilespmem:$0x50D8] =	vst v0  }
0x509: {  	[tilespmem:$0x50E8] =	vst v0  }
0x50a: {  	[tilespmem:$0x50F8] =	vst v0  }
0x50b: {  	[tilespmem:$0x51A8] =	vst v0  }
0x50c: {  	[tilespmem:$0x5FE8] =	vst v0  }
0x50d: {  	[tilespmem:$0x5FD8] =	vst v0  }
0x50e: {  	[tilespmem:$0x5FC8] =	vst v0  }
0x50f: {  	[tilespmem:$0x5FB8] =	vst v0  }
0x510: {  	[tilespmem:$0x5FA8] =	vst v0  }
0x511: {  	[tilespmem:$0x5F98] =	vst v0  }
0x512: {  	[tilespmem:$0x5F88] =	vst v0  }
0x513: {  	[tilespmem:$0x5F78] =	vst v0  }
0x514: {  	[tilespmem:$0x5F68] =	vst v0  }
0x515: {  	[tilespmem:$0x5F58] =	vst v0  }
0x516: {  	[tilespmem:$0x5F48] =	vst v0  }
0x517: {  	[tilespmem:$0x5F38] =	vst v0  }
0x518: {  	[tilespmem:$0x5F28] =	vst v0  }
0x519: {  	[tilespmem:$0x5F18] =	vst v0  }
0x51a: {  	[tilespmem:$0x5F08] =	vst v0  }
0x51b: {  	[tilespmem:$0x5EF8] =	vst v0  }
0x51c: {  	[tilespmem:$0x5EE8] =	vst v0  }
0x51d: {  	[tilespmem:$0x5ED8] =	vst v0  }
0x51e: {  	[tilespmem:$0x5EC8] =	vst v0  }
0x51f: {  	[tilespmem:$0x5EB8] =	vst v0  }
0x520: {  	[tilespmem:$0x5EA8] =	vst v0  }
0x521: {  	[tilespmem:$0x5E98] =	vst v0  }
0x522: {  	[tilespmem:$0x5E88] =	vst v0  }
0x523: {  	[tilespmem:$0x5E78] =	vst v0  }
0x524: {  	[tilespmem:$0x5E68] =	vst v0  }
0x525: {  	[tilespmem:$0x5E58] =	vst v0  }
0x526: {  	[tilespmem:$0x5E48] =	vst v0  }
0x527: {  	[tilespmem:$0x5E38] =	vst v0  }
0x528: {  	[tilespmem:$0x5E28] =	vst v0  }
0x529: {  	[tilespmem:$0x5E18] =	vst v0  }
0x52a: {  	[tilespmem:$0x5E08] =	vst v0  }
0x52b: {  	[tilespmem:$0x5DF8] =	vst v0  }
0x52c: {  	[tilespmem:$0x5DE8] =	vst v0  }
0x52d: {  	[tilespmem:$0x5DD8] =	vst v0  }
0x52e: {  	[tilespmem:$0x5DC8] =	vst v0  }
0x52f: {  	[tilespmem:$0x5DB8] =	vst v0  }
0x530: {  	[tilespmem:$0x5DA8] =	vst v0  }
0x531: {  	[tilespmem:$0x5D98] =	vst v0  }
0x532: {  	[tilespmem:$0x5D88] =	vst v0  }
0x533: {  	[tilespmem:$0x5D78] =	vst v0  }
0x534: {  	[tilespmem:$0x5D68] =	vst v0  }
0x535: {  	[tilespmem:$0x5D58] =	vst v0  }
0x536: {  	[tilespmem:$0x5D48] =	vst v0  }
0x537: {  	[tilespmem:$0x5D38] =	vst v0  }
0x538: {  	[tilespmem:$0x5D28] =	vst v0  }
0x539: {  	[tilespmem:$0x5D18] =	vst v0  }
0x53a: {  	[tilespmem:$0x5D08] =	vst v0  }
0x53b: {  	[tilespmem:$0x5CF8] =	vst v0  }
0x53c: {  	[tilespmem:$0x5CE8] =	vst v0  }
0x53d: {  	[tilespmem:$0x5CD8] =	vst v0  }
0x53e: {  	[tilespmem:$0x5CC8] =	vst v0  }
0x53f: {  	[tilespmem:$0x5CB8] =	vst v0  }
0x540: {  	[tilespmem:$0x5CA8] =	vst v0  }
0x541: {  	[tilespmem:$0x5C98] =	vst v0  }
0x542: {  	[tilespmem:$0x5C88] =	vst v0  }
0x543: {  	[tilespmem:$0x5C78] =	vst v0  }
0x544: {  	[tilespmem:$0x5C68] =	vst v0  }
0x545: {  	[tilespmem:$0x5C58] =	vst v0  }
0x546: {  	[tilespmem:$0x5C48] =	vst v0  }
0x547: {  	[tilespmem:$0x5C38] =	vst v0  }
0x548: {  	[tilespmem:$0x5C28] =	vst v0  }
0x549: {  	[tilespmem:$0x5C18] =	vst v0  }
0x54a: {  	[tilespmem:$0x5C08] =	vst v0  }
0x54b: {  	[tilespmem:$0x5BF8] =	vst v0  }
0x54c: {  	[tilespmem:$0x5BE8] =	vst v0  }
0x54d: {  	[tilespmem:$0x5BD8] =	vst v0  }
0x54e: {  	[tilespmem:$0x5BC8] =	vst v0  }
0x54f: {  	[tilespmem:$0x5BB8] =	vst v0  }
0x550: {  	[tilespmem:$0x5BA8] =	vst v0  }
0x551: {  	[tilespmem:$0x5B98] =	vst v0  }
0x552: {  	[tilespmem:$0x5B88] =	vst v0  }
0x553: {  	[tilespmem:$0x5B78] =	vst v0  }
0x554: {  	[tilespmem:$0x5B68] =	vst v0  }
0x555: {  	[tilespmem:$0x5B58] =	vst v0  }
0x556: {  	[tilespmem:$0x5B48] =	vst v0  }
0x557: {  	[tilespmem:$0x5B38] =	vst v0  }
0x558: {  	[tilespmem:$0x5B28] =	vst v0  }
0x559: {  	[tilespmem:$0x5B18] =	vst v0  }
0x55a: {  	[tilespmem:$0x5B08] =	vst v0  }
0x55b: {  	[tilespmem:$0x5AF8] =	vst v0  }
0x55c: {  	[tilespmem:$0x5AE8] =	vst v0  }
0x55d: {  	[tilespmem:$0x5AD8] =	vst v0  }
0x55e: {  	[tilespmem:$0x5AC8] =	vst v0  }
0x55f: {  	[tilespmem:$0x5AB8] =	vst v0  }
0x560: {  	[tilespmem:$0x5AA8] =	vst v0  }
0x561: {  	[tilespmem:$0x5A98] =	vst v0  }
0x562: {  	[tilespmem:$0x5A88] =	vst v0  }
0x563: {  	[tilespmem:$0x5A78] =	vst v0  }
0x564: {  	[tilespmem:$0x5A68] =	vst v0  }
0x565: {  	[tilespmem:$0x5A58] =	vst v0  }
0x566: {  	[tilespmem:$0x5A48] =	vst v0  }
0x567: {  	[tilespmem:$0x5A38] =	vst v0  }
0x568: {  	[tilespmem:$0x5A28] =	vst v0  }
0x569: {  	[tilespmem:$0x5A18] =	vst v0  }
0x56a: {  	[tilespmem:$0x5A08] =	vst v0  }
0x56b: {  	[tilespmem:$0x59F8] =	vst v0  }
0x56c: {  	[tilespmem:$0x59E8] =	vst v0  }
0x56d: {  	[tilespmem:$0x59D8] =	vst v0  }
0x56e: {  	[tilespmem:$0x59C8] =	vst v0  }
0x56f: {  	[tilespmem:$0x59B8] =	vst v0  }
0x570: {  	[tilespmem:$0x59A8] =	vst v0  }
0x571: {  	[tilespmem:$0x5998] =	vst v0  }
0x572: {  	[tilespmem:$0x5988] =	vst v0  }
0x573: {  	[tilespmem:$0x5978] =	vst v0  }
0x574: {  	[tilespmem:$0x5968] =	vst v0  }
0x575: {  	[tilespmem:$0x5958] =	vst v0  }
0x576: {  	[tilespmem:$0x5948] =	vst v0  }
0x577: {  	[tilespmem:$0x5938] =	vst v0  }
0x578: {  	[tilespmem:$0x5928] =	vst v0  }
0x579: {  	[tilespmem:$0x5918] =	vst v0  }
0x57a: {  	[tilespmem:$0x5908] =	vst v0  }
0x57b: {  	[tilespmem:$0x58F8] =	vst v0  }
0x57c: {  	[tilespmem:$0x58E8] =	vst v0  }
0x57d: {  	[tilespmem:$0x58D8] =	vst v0  }
0x57e: {  	[tilespmem:$0x58C8] =	vst v0  }
0x57f: {  	[tilespmem:$0x58B8] =	vst v0  }
0x580: {  	[tilespmem:$0x58A8] =	vst v0  }
0x581: {  	[tilespmem:$0x5898] =	vst v0  }
0x582: {  	[tilespmem:$0x5888] =	vst v0  }
0x583: {  	[tilespmem:$0x5878] =	vst v0  }
0x584: {  	[tilespmem:$0x5868] =	vst v0  }
0x585: {  	[tilespmem:$0x5858] =	vst v0  }
0x586: {  	[tilespmem:$0x5848] =	vst v0  }
0x587: {  	[tilespmem:$0x5838] =	vst v0  }
0x588: {  	[tilespmem:$0x5828] =	vst v0  }
0x589: {  	[tilespmem:$0x5818] =	vst v0  }
0x58a: {  	[tilespmem:$0x5808] =	vst v0  }
0x58b: {  	[tilespmem:$0x57F8] =	vst v0  }
0x58c: {  	[tilespmem:$0x57E8] =	vst v0  }
0x58d: {  	[tilespmem:$0x57D8] =	vst v0  }
0x58e: {  	[tilespmem:$0x57C8] =	vst v0  }
0x58f: {  	[tilespmem:$0x57B8] =	vst v0  }
0x590: {  	[tilespmem:$0x57A8] =	vst v0  }
0x591: {  	[tilespmem:$0x5798] =	vst v0  }
0x592: {  	[tilespmem:$0x5788] =	vst v0  }
0x593: {  	[tilespmem:$0x5778] =	vst v0  }
0x594: {  	[tilespmem:$0x5768] =	vst v0  }
0x595: {  	[tilespmem:$0x5758] =	vst v0  }
0x596: {  	[tilespmem:$0x5748] =	vst v0  }
0x597: {  	[tilespmem:$0x5738] =	vst v0  }
0x598: {  	[tilespmem:$0x5728] =	vst v0  }
0x599: {  	[tilespmem:$0x5718] =	vst v0  }
0x59a: {  	[tilespmem:$0x5708] =	vst v0  }
0x59b: {  	[tilespmem:$0x56F8] =	vst v0  }
0x59c: {  	[tilespmem:$0x56E8] =	vst v0  }
0x59d: {  	[tilespmem:$0x56D8] =	vst v0  }
0x59e: {  	[tilespmem:$0x56C8] =	vst v0  }
0x59f: {  	[tilespmem:$0x56B8] =	vst v0  }
0x5a0: {  	[tilespmem:$0x56A8] =	vst v0  }
0x5a1: {  	[tilespmem:$0x5698] =	vst v0  }
0x5a2: {  	[tilespmem:$0x5688] =	vst v0  }
0x5a3: {  	[tilespmem:$0x5678] =	vst v0  }
0x5a4: {  	[tilespmem:$0x5668] =	vst v0  }
0x5a5: {  	[tilespmem:$0x5658] =	vst v0  }
0x5a6: {  	[tilespmem:$0x5648] =	vst v0  }
0x5a7: {  	[tilespmem:$0x5638] =	vst v0  }
0x5a8: {  	[tilespmem:$0x5628] =	vst v0  }
0x5a9: {  	[tilespmem:$0x5618] =	vst v0  }
0x5aa: {  	[tilespmem:$0x5608] =	vst v0  }
0x5ab: {  	[tilespmem:$0x55F8] =	vst v0  }
0x5ac: {  	[tilespmem:$0x55E8] =	vst v0  }
0x5ad: {  	[tilespmem:$0x55D8] =	vst v0  }
0x5ae: {  	[tilespmem:$0x55C8] =	vst v0  }
0x5af: {  	[tilespmem:$0x55B8] =	vst v0  }
0x5b0: {  	[tilespmem:$0x55A8] =	vst v0  }
0x5b1: {  	[tilespmem:$0x5598] =	vst v0  }
0x5b2: {  	[tilespmem:$0x5588] =	vst v0  }
0x5b3: {  	[tilespmem:$0x5578] =	vst v0  }
0x5b4: {  	[tilespmem:$0x5568] =	vst v0  }
0x5b5: {  	[tilespmem:$0x5558] =	vst v0  }
0x5b6: {  	[tilespmem:$0x5548] =	vst v0  }
0x5b7: {  	[tilespmem:$0x5538] =	vst v0  }
0x5b8: {  	[tilespmem:$0x5528] =	vst v0  }
0x5b9: {  	[tilespmem:$0x5518] =	vst v0  }
0x5ba: {  	[tilespmem:$0x5508] =	vst v0  }
0x5bb: {  	[tilespmem:$0x54F8] =	vst v0  }
0x5bc: {  	[tilespmem:$0x54E8] =	vst v0  }
0x5bd: {  	[tilespmem:$0x54D8] =	vst v0  }
0x5be: {  	[tilespmem:$0x54C8] =	vst v0  }
0x5bf: {  	[tilespmem:$0x54B8] =	vst v0  }
0x5c0: {  	[tilespmem:$0x54A8] =	vst v0  }
0x5c1: {  	[tilespmem:$0x5498] =	vst v0  }
0x5c2: {  	[tilespmem:$0x5488] =	vst v0  }
0x5c3: {  	[tilespmem:$0x5478] =	vst v0  }
0x5c4: {  	[tilespmem:$0x5468] =	vst v0  }
0x5c5: {  	[tilespmem:$0x5458] =	vst v0  }
0x5c6: {  	[tilespmem:$0x5448] =	vst v0  }
0x5c7: {  	[tilespmem:$0x5438] =	vst v0  }
0x5c8: {  	[tilespmem:$0x5428] =	vst v0  }
0x5c9: {  	[tilespmem:$0x5418] =	vst v0  }
0x5ca: {  	[tilespmem:$0x5408] =	vst v0  }
0x5cb: {  	[tilespmem:$0x53F8] =	vst v0  }
0x5cc: {  	[tilespmem:$0x53E8] =	vst v0  }
0x5cd: {  	[tilespmem:$0x53D8] =	vst v0  }
0x5ce: {  	[tilespmem:$0x53C8] =	vst v0  }
0x5cf: {  	[tilespmem:$0x53B8] =	vst v0  }
0x5d0: {  	[tilespmem:$0x53A8] =	vst v0  }
0x5d1: {  	[tilespmem:$0x5398] =	vst v0  }
0x5d2: {  	[tilespmem:$0x5388] =	vst v0  }
0x5d3: {  	[tilespmem:$0x5378] =	vst v0  }
0x5d4: {  	[tilespmem:$0x5368] =	vst v0  }
0x5d5: {  	[tilespmem:$0x5358] =	vst v0  }
0x5d6: {  	[tilespmem:$0x5348] =	vst v0  }
0x5d7: {  	[tilespmem:$0x5338] =	vst v0  }
0x5d8: {  	[tilespmem:$0x5328] =	vst v0  }
0x5d9: {  	[tilespmem:$0x5318] =	vst v0  }
0x5da: {  	[tilespmem:$0x5308] =	vst v0  }
0x5db: {  	[tilespmem:$0x52F8] =	vst v0  }
0x5dc: {  	[tilespmem:$0x52E8] =	vst v0  }
0x5dd: {  	[tilespmem:$0x52D8] =	vst v0  }
0x5de: {  	[tilespmem:$0x52C8] =	vst v0  }
0x5df: {  	[tilespmem:$0x52B8] =	vst v0  }
0x5e0: {  	[tilespmem:$0x52A8] =	vst v0  }
0x5e1: {  	[tilespmem:$0x5298] =	vst v0  }
0x5e2: {  	[tilespmem:$0x5288] =	vst v0  }
0x5e3: {  	[tilespmem:$0x5278] =	vst v0  }
0x5e4: {  	[tilespmem:$0x5268] =	vst v0  }
0x5e5: {  	[tilespmem:$0x5258] =	vst v0  }
0x5e6: {  	[tilespmem:$0x5248] =	vst v0  }
0x5e7: {  	[tilespmem:$0x5238] =	vst v0  }
0x5e8: {  	[tilespmem:$0x5228] =	vst v0  }
0x5e9: {  	[tilespmem:$0x5218] =	vst v0  }
0x5ea: {  	[tilespmem:$0x5208] =	vst v0  }
0x5eb: {  	[tilespmem:$0x51F8] =	vst v0  }
0x5ec: {  	[tilespmem:$0x51E8] =	vst v0  }
0x5ed: {  	s12 =	stileid.u32;
	[tilespmem:$0x51D8] =	vst v0  }
0x5ee: {  	s0 =	smul.u32 $0x31, s12;
	[tilespmem:$0x51C8] =	vst v0  }
0x5ef: {  	s1 =	smin.u32 s12, $0x6;
	[tilespmem:$0x51B8] =	vst v0  }
0x5f0: {  	[tilespmem:$0x5188] =	vst v0;
	s0 =	sadd.s32 s1, s0  }
0x5f1: {  	p0 =	slt.u32 s12, $0x6;
	[tilespmem:$0x5198] =	vst v0;
	s1 =	simm.s32 $0x3B60;
	s9 =	smul.u32 $0x130, s0  }
0x5f2: {  	s1 =	simm.s32 @!p0 $0x3A30;
	[tilespmem:$0x5178] =	vst v0  }
0x5f3: {  	[tilespmem:$0x5118] =	vst v0;
	s0 =	sadd.s32 s1, s9  }
0x5f4: {  	s7 =	simm.s32 $0x2;
	s29 =	simm.s32 $0x9;
	[tilespmem:$0x5168] =	vst v0;
	s10 =	smin.u32 s0, $0x3A980  }
0x5f5: {  	s30 =	simm.s32 $0xA;
	s18 =	simm.s32 $0x0;
	[tilespmem:$0x5158] =	vst v0;
	s0 =	ssub.s32 s10, s9  }
0x5f6: {  	p1 =	por $0x0, $0x0;
	s19 =	simm.s32 $0xC;
	[tilespmem:$0x5148] =	vst v0;
	p0 =	sgt.s32 s0, $0x0  }
0x5f7: {  	s23 =	simm.s32 $0x0;
	s20 =	simm.s32 $0x0;
	[tilespmem:$0x5138] =	vst v0;
	s0 =	simm.s32 @!p0 $0x0  }
0x5f8: {  	s22 =	simm.s32 $0x0;
	s6 =	sadd.s32 $0x1800, s5;
	[tilespmem:$0x5128] =	vst v0;
	s28 =	smulhi.u32 $0x6BCA1AF3, s0  }
0x5f9: {  	s2 =	sand.u32 $0x1, s2;
	s31 =	smul.u32 $0x280, s12;
	[tilespmem:$0x5108] =	vst v0;
	[sflag:s7] =	ssyncpa.u1 $0x0  }
0x5fa: {  	v0 =	vimm.s32 $0xFFFFFFFF;
	[dreg:$0x5] =	wrdreg s2;
	s2 =	smul.u32 $0x7530, s2;
	s1 =	sshrl.u32 s28, $0x7  }
0x5fb: {  	s13 =	sadd.s32 $0xB0CC00, s5;
	[tilespmem:$0xBF48] =	vst v0;
	[sflag:s29] =	ssyncpa.u1 $0x0;
	s8 =	smul.u32 $0x130, s1  }
.Ltmp0:
0x5fc: {  	s16 =	sshrl.u32 s31, $0x2;
	s11 =	sadd.s32 s2, s5;
	(pc) =	sbr.rel .LBB2_1-.Ltmp0, $4  }
0x5fd: {  	[sflag:s30] =	ssyncpa.u1 $0x0;
	p0 =	sne.s32 s0, s8;
	s0 =	simm.s32 $0x1  }
0x5fe: {  	s5 =	simm.s32 $0xB;
	s4 =	sadd.s32 s2, s4;
	s0 =	simm.s32 @!p0 $0x0  }
0x5ff: {  	[sflag:s5] =	ssyncpa.u1 $0x0;
	s15 =	sadd.s32 $0xAFE000, s11;
	s14 =	sadd.s32 s0, s1  }
0x600: {  	v0 =	vlaneseq.u32;
	s21 =	smov.u32 s9;
	p0 =	por $0x1, $0x1;
	s17 =	sadd.s32 $0x1, s14  }
.LBB2_22:
0x601: {  	s0 =	sshrl.u32 s0, $0x2  }
.LBB2_24:
0x602: {  	_ =	swait.ge [sflag:s19], s0  }
0x603: {  	s30 =	ssub.s32 $0x0, s0;
	v1 =	vmov s25;
	vm0 =	veq.s32 v0, $0x0;
	[sflag:s19] =	ssyncset.done $0x0  }
0x604: {  	vm15 =	veq.s32 v0, $0x2;
	v1 =	vsel vm0, s31, v1;
	[sflag:s19] =	ssyncadd.s32 s30  }
0x605: {  	v1 =	vsel vm15, s23, v1;
	[sflag:s19] =	ssyncpa.u1 $0x1  }
0x606: {  	[tilespmem:$0xBF48] =	vst v1  }
.LBB2_25:
0x607: {  	s0 =	sadd.s32 $0x130, s21  }
0x608: {  	s1 =	smov.u32 s9;
	p2 =	slt.s32 s0, s10  }
0x609: {  	s1 =	smov.u32 @p2 s0;
	p2 =	sne.s32 s22, s17  }
.Ltmp1:
0x60a: {  	_ = 	snop;
	(pc) =	sbr.rel @!p2 .LBB2_26-.Ltmp1, $4  }
0x60b: {  	_ = 	snop  }
0x60c: {  	s23 =	smov.u32 s20  }
0x60d: {  	s31 =	sadd.s32 $0x1, s22;
	s20 =	smov.u32 s21;
	p0 =	por !p0, !p0  }
0x60e: {  	p1 =	por !p1, !p1;
	s22 =	smov.u32 s31;
	s21 =	smov.u32 s1  }
.LBB2_1:
0x60f: {  	p2 =	sge.u32 s22, s14  }
0x610: {  	s0 =	smulhi.u32 @!p2 $0xAAAAAAAB, s22  }
0x611: {  	s1 =	smov.u32 s21;
	p3 =	sgt.s32 @!p2 s21, $0x3A850  }
0x612: {  	s2 =	sshra.s32 @!p2 s21, $0x1F;
	p3 =	por !p3, p2;
	s0 =	sshrl.u32 @!p2 s0, $0x1  }
0x613: {  	s2 =	sand.u32 @!p2 s2, s21;
	s1 =	simm.s32 @p3 $0x3A850;
	s0 =	smul.u32 @!p2 $0x3, s0  }
0x614: {  	s1 =	ssub.s32 @!p2 s1, s2  }
0x615: {  	s1 =	sadd.s32 @!p2 $0xFFFC57B0, s1;
	s0 =	ssub.s32 @!p2 s22, s0  }
0x616: {  	s2 =	sshll.u32 @!p2 s1, $0x2;
	p3 =	sgt.s32 @!p2 s1, $0x12F;
	s0 =	smul.u32 @!p2 $0x4C0, s0  }
0x617: {  	s7 =	sand.u32 @!p2 $0x7, s21;
	s1 =	ssub.s32 @!p2 $0x4C0, s2;
	p3 =	por !p3, p2  }
0x618: {  	s2 =	sshrl.u32 @!p2 s21, $0x3;
	s1 =	sshrl.u32 @!p2 s1, $0x2;
	s0 =	sshrl.u32 @!p2 s0, $0x2  }
0x619: {  	s2 =	sadd.s32 @!p2 s2, s15;
	s1 =	simm.s32 @!p3 $0x0;
	s0 =	sadd.s32 @!p2 $0xC988, s0  }
0x61a: {  	[tilespmem:s0], [sflag:$0xA] =	stream.linear.gather @!p2 [hbm4b:s2+s7], s1, $0x38;
	[tilespmem:$0x1FF78] =	vst v63  }
0x61b: {  	s1 =	sadd.s32 $0xFFFFFFFF, s22  }
0x61c: {  	p2 =	sge.u32 s1, s14  }
0x61d: {  	p3 =	sgt.s32 @!p2 s20, $0x3A850  }
0x61e: {  	s0 =	smov.u32 s20;
	s2 =	sshra.s32 @!p2 s20, $0x1F;
	p3 =	por !p3, p2  }
0x61f: {  	s2 =	sand.u32 @!p2 s2, s20;
	s0 =	simm.s32 @p3 $0x3A850  }
0x620: {  	s0 =	ssub.s32 @!p2 s0, s2  }
0x621: {  	s0 =	sadd.s32 @!p2 $0xFFFC57B0, s0  }
0x622: {  	s2 =	sshll.u32 @!p2 s0, $0x2  }
0x623: {  	p3 =	sgt.s32 @!p2 s0, $0x12F;
	s0 =	ssub.s32 @!p2 $0x4C0, s2  }
0x624: {  	p3 =	por !p3, p2;
	s0 =	sshrl.u32 @!p2 s0, $0x2  }
0x625: {  	s7 =	simm.s32 @!p2 $0xA;
	s2 =	sand.u32 @!p2 $0x1, s1;
	s0 =	simm.s32 @!p3 $0x0  }
0x626: {  	s2 =	smul.u32 @!p2 $0x4C0, s2;
	_ =	swait.ge @!p2 [sflag:s7], s0  }
0x627: {  	s8 =	ssub.s32 @!p2 $0x0, s0;
	[sflag:s7] =	ssyncset.done @!p2 $0x0  }
0x628: {  	s2 =	sshrl.u32 @!p2 s2, $0x2;
	[sflag:s7] =	ssyncadd.s32 @!p2 s8;
	s7 =	sshrl.u32 @!p2 s20, $0x3  }
0x629: {  	s2 =	sadd.s32 @!p2 $0xCD18, s2;
	s8 =	sand.u32 @!p2 $0x7, s20;
	s7 =	sadd.s32 @!p2 s7, s4  }
0x62a: {  	[tilespmem:s2], [sflag:$0xB] =	stream.linear.gather @!p2 [hbm4b:s7+s8], s0, $0x38;
	[tilespmem:$0x1FF78] =	vst v63  }
0x62b: {  	s0 =	ssub.s32 @!p2 $0x3A980, s20  }
0x62c: {  	p3 =	slt.s32 @!p2 s0, $0x1  }
0x62d: {  	p3 =	por p2, p3  }
.Ltmp2:
0x62e: {  	_ = 	snop;
	(pc) =	sbr.rel @p3 .LBB2_7-.Ltmp2, $1  }
0x62f: {  	_ =	sdelay $0x3  }
0x630: {  	s2 =	smulhi.u32 $0xAAAAAAAB, s1;
	_ =	sdelay $0x1  }
0x631: {  	s2 =	sshrl.u32 s2, $0x1  }
0x632: {  	s2 =	smul.u32 $0x3, s2;
	_ =	sdelay $0x1  }
0x633: {  	s29 =	ssub.s32 s1, s2  }
0x634: {  	s7 =	simm.s32 $0x1;
	s1 =	smul.u32 $0x4C0, s29  }
.Ltmp3:
0x635: {  	s7 =	simm.s32 @!p0 $0x0;
	(pc) =	sbr.rel .LBB2_4-.Ltmp3, $4  }
0x636: {  	s30 =	smul.u32 $0x26000, s7  }
0x637: {  	p3 =	slt.s32 @!p2 s0, $0x130;
	s1 =	sshrl.u32 s1, $0x2  }
0x638: {  	p2 =	por !p3, p2;
	s2 =	sshrl.u32 s30, $0x2;
	s31 =	sadd.s32 $0xC988, s1  }
0x639: {  	s24 =	simm.s32 $0x0;
	s0 =	simm.s32 @p2 $0x130;
	s1 =	sadd.s32 $0xCF78, s2;
	v1 =	vmov s31  }
.LBB2_3:
0x63a: {  	p2 =	sge.s32 s24, s0  }
.Ltmp4:
0x63b: {  	_ = 	snop;
	(pc) =	sbr.rel @p2 .LBB2_7-.Ltmp4, $2  }
0x63c: {  	_ =	sdelay $0x2  }
0x63d: {  	s1 =	sadd.s32 $0x800, s1  }
.LBB2_4:
0x63e: {  	p2 =	sle.s32 s0, s24  }
.Ltmp5:
0x63f: {  	_ = 	snop;
	(pc) =	sbr.rel @p2 .LBB2_3-.Ltmp5, $2  }
0x640: {  	_ =	sdelay $0x2  }
0x641: {  	s2 =	smov.u32 s24;
	s24 =	sadd.s32 $0x10, s24  }
0x642: {  	s7 =	ssub.s32 s0, s2  }
0x643: {  	p2 =	slt.s32 s7, $0x10  }
0x644: {  	s7 =	simm.s32 @!p2 $0x10  }
0x645: {  	v2 =	vmov s7  }
0x646: {  	vm0 =	vgt.s32 v2, v0;
	_ =	sdelay $0x5  }
0x647: {  	v2 =	vld.idx.msk [tilespmem:v1+s2+$0x0 ss:$0x1], vm0;
	_ =	sdelay $0x2  }
0x648: {  	s8 =	smov.u32 s0;
	p2 =	slt.s32 s24, s0  }
0x649: {  	s25 =	simm.s32 $0x0;
	s8 =	smov.u32 @p2 s24;
	s7 =	smov.u32 s1  }
.LBB2_6:
0x64a: {  	(v2sf) =	vpush v2, s25;
	_ =	sdelay $0xc  }
0x64b: {  	s25 =	sadd.s32 $0x1, s25  }
0x64c: {  	s31 =	sadd.s32 s25, s2  }
0x64d: {  	p2 =	slt.s32 s31, s8;
	s11 =	spop (v2sf)  }
.Ltmp6:
0x64e: {  	s11 =	sshll.u32 s11, $0x4;
	(pc) =	sbr.rel @p2 .LBB2_6-.Ltmp6, $4  }
0x64f: {  	s11 =	sand.u32 $0x1FFFFFF0, s11  }
0x650: {  	s11 =	sadd.s32 s13, s11  }
0x651: {  	[tilespmem:s7], [sflag:$0x9] =	stream.linear.gather [hbm4b:s11+s18], $0x41, $0x38;
	[tilespmem:$0x1FF78] =	vst v63  }
0x652: {  	s7 =	sadd.s32 $0x80, s7  }
.Ltmp7:
0x653: {  	_ = 	snop;
	(pc) =	sbr.rel .LBB2_3-.Ltmp7, $1  }
0x654: {  	_ =	sdelay $0x3  }
.LBB2_7:
0x655: {  	p2 =	slt.u32 s22, $0x2  }
.Ltmp8:
0x656: {  	_ = 	snop;
	(pc) =	sbr.rel @p2 .LBB2_25-.Ltmp8, $1  }
0x657: {  	_ =	sdelay $0x3  }
0x658: {  	s0 =	ssub.s32 $0x3A980, s23;
	p2 =	sgt.s32 s23, $0x3A850  }
0x659: {  	s1 =	smov.u32 s23;
	s2 =	sshra.s32 s23, $0x1F;
	p3 =	slt.s32 s0, $0x130  }
0x65a: {  	s1 =	simm.s32 @!p2 $0x3A850;
	s2 =	sand.u32 s2, s23;
	s0 =	simm.s32 @!p3 $0x130  }
0x65b: {  	s1 =	ssub.s32 s1, s2;
	s0 =	smul.u32 $0x104, s0  }
0x65c: {  	s1 =	sadd.s32 $0xFFFC57B0, s1  }
0x65d: {  	s29 =	simm.s32 $0x9;
	s25 =	sshll.u32 s1, $0x2;
	s0 =	sshrl.u32 s0, $0x2  }
0x65e: {  	p2 =	sgt.s32 s1, $0x12F;
	s26 =	ssub.s32 $0x4C0, s25;
	_ =	swait.ge [sflag:s29], s0  }
0x65f: {  	s0 =	ssub.s32 $0x0, s0;
	s1 =	sshrl.u32 s26, $0x2;
	[sflag:s29] =	ssyncset.done $0x0  }
0x660: {  	s1 =	simm.s32 @p2 $0x0;
	[sflag:s29] =	ssyncadd.s32 s0  }
0x661: {  	_ =	swait.ge [sflag:s5], s1  }
0x662: {  	s30 =	ssub.s32 $0x0, s1;
	[sflag:s5] =	ssyncset.done $0x0  }
0x663: {  	[sflag:s5] =	ssyncadd.s32 s30  }
0x664: {  	v1 =	vld [tilespmem:$0xBF48];
	_ =	sdelay $0x4  }
0x665: {  	(v2sf) =	vpush v1, $0x0  }
0x666: {  	(v2sf) =	vpush v1, $0x1  }
0x667: {  	(v2sf) =	vpush v1, $0x2;
	_ =	sdelay $0x3  }
0x668: {  	s0 =	sadd.s32 $0x130, s23  }
0x669: {  	p2 =	slt.s32 s10, s0;
	s1 =	ssub.s32 $0x75300, s23  }
0x66a: {  	s0 =	smov.u32 @p2 s10;
	p2 =	sgt.s32 s1, $0x0  }
0x66b: {  	s0 =	ssub.s32 s0, s23;
	s1 =	simm.s32 @!p2 $0x0  }
0x66c: {  	p2 =	slt.s32 s1, s0  }
0x66d: {  	s0 =	smov.u32 @p2 s1  }
0x66e: {  	s26 =	simm.s32 $0x1;
	p2 =	slt.s32 s0, $0x1  }
.Ltmp9:
0x66f: {  	s26 =	simm.s32 @!p1 $0x0;
	(pc) =	sbr.rel @p2 .LBB2_12-.Ltmp9, $4  }
0x670: {  	s31 =	smul.u32 $0x4C0, s26  }
0x671: {  	s28 =	spop (v2sf)  }
0x672: {  	s2 =	sshrl.u32 s31, $0x2;
	s1 =	spop (v2sf)  }
0x673: {  	s24 =	sadd.s32 $0xCD18, s2;
	s23 =	spop (v2sf)  }
0x674: {  	s2 =	smin.u32 s0, $0x10  }
0x675: {  	v1 =	vmov s2  }
0x676: {  	p3 =	sgt.s32 s0, $0x10;
	vm1 =	vgt.u32 v1, v0  }
.Ltmp10:
0x677: {  	_ = 	snop;
	(pc) =	sbr.rel @!p3 .LBB2_11-.Ltmp10, $2  }
0x678: {  	_ =	sdelay $0x2  }
0x679: {  	s25 =	simm.s32 $0x10;
	s29 =	sadd.s32 $0xFFFFFFF0, s0;
	s2 =	smov.u32 s24;
	vm0 =	vmmov vm1  }
.LBB2_10:
0x67a: {  	s7 =	smin.u32 s29, $0x10;
	s25 =	sadd.s32 $0x10, s25;
	v1 =	vld.msk [tilespmem:s2+$0x0 ss:$0x1], vm1  }
0x67b: {  	v2 =	vmov s7;
	p3 =	slt.s32 s25, s0  }
0x67c: {  	vm1 =	vgt.u32 v2, v0  }
.Ltmp11:
0x67d: {  	(pc) =	sbr.rel @p3 .LBB2_10-.Ltmp11, $3  }
0x67e: {  	_ =	sdelay $0x1  }
0x67f: {  	v1 =	vshll.u32 v1, $0x4  }
0x680: {  	s29 =	sadd.s32 $0xFFFFFFF0, s29;
	[tilespmem:s2+$0x0] =	vst.msk vm0, v1;
	s2 =	sadd.s32 $0x10, s2;
	vm0 =	vmmov vm1  }
.LBB2_11:
0x681: {  	_ =	sdelay $0x4  }
0x682: {  	v1 =	vld.msk [tilespmem:s2+$0x0 ss:$0x1], vm1;
	_ =	sdelay $0x4  }
0x683: {  	v1 =	vshll.u32 v1, $0x4  }
0x684: {  	[tilespmem:s2+$0x0] =	vst.msk vm0, v1  }
.LBB2_12:
0x685: {  	s2 =	sand.u32 $0x1, s22  }
0x686: {  	s2 =	smul.u32 $0x130, s2  }
0x687: {  	p3 =	sne.s32 s1, $0xFFFFFFFF  }
0x688: {  	v1 =	vld.msk @!p3 [tilespmem:s2+$0xCD18], $0x1;
	_ =	sdelay $0x4  }
0x689: {  	(v2sf) =	vpush @!p3 v1, $0x0;
	_ =	sdelay $0xc  }
.Ltmp12:
0x68a: {  	_ = 	snop;
	(pc) =	sbr.rel @p2 .LBB2_23-.Ltmp12, $4  }
0x68b: {  	_ = 	snop  }
0x68c: {  	s30 =	spop @!p3 (v2sf)  }
0x68d: {  	s23 =	simm.s32 @!p3 $0x0;
	s25 =	smov.u32 s30  }
0x68e: {  	[sflag:s19] =	ssyncpa.u1 $0x0;
	s30 =	smov.u32 @p3 s28;
	s25 =	smov.u32 @p3 s1  }
0x68f: {  	v1 =	vld.msk [tilespmem:s24+$0x0], $0x1;
	_ =	sdelay $0x4  }
0x690: {  	(v2sf) =	vpush v1, $0x0;
	_ =	sdelay $0xd  }
0x691: {  	s2 =	smul.u32 $0x26000, s26  }
0x692: {  	s26 =	ssub.s32 $0x0, s0;
	s28 =	simm.s32 $0x0;
	s1 =	spop (v2sf)  }
0x693: {  	s8 =	smov.u32 s30;
	s0 =	sadd.s32 $0x1, s26;
	p2 =	seq.s32 s30, s1  }
0x694: {  	p4 =	seq.s32 s0, $0x0;
	p3 =	sgt.s32 @!p2 s30, $0x0;
	s7 =	smul.u32 @!p2 $0x140, s28  }
.Ltmp13:
0x695: {  	s2 =	sshrl.u32 s2, $0x2;
	p3 =	por !p3, p2;
	(pc) =	sbr.rel @p4 .LBB2_15-.Ltmp13, $4  }
0x696: {  	s29 =	sadd.s32 $0xCF98, s2;
	s8 =	simm.s32 @p3 $0x0  }
0x697: {  	s2 =	simm.s32 @!p2 $0x1;
	s7 =	sshra.s32 @!p2 s7, $0x2;
	s11 =	smin.u32 @!p2 s8, $0x15F8F7  }
0x698: {  	s2 =	smov.u32 @p2 s28;
	s8 =	sadd.s32 @!p2 $0x5FF8, s7;
	s31 =	sand.u32 @!p2 $0x1FFFF8, s11  }
0x699: {  	s7 =	sand.u32 @!p2 $0x7, s11;
	s11 =	sadd.s32 @!p2 s6, s31;
	s31 =	sadd.s32 $0x1, s24  }
.LBB2_14:
0x69a: {  	s12 =	smov.u32 s2  }
0x69b: {  	[tilespmem:s8], [sflag:$0x2] =	stream.linear.gather @!p2 [hbm4b:s11+s7], $0x41, $0x38;
	[tilespmem:$0x1FF78] =	vst v63  }
0x69c: {  	s0 =	sadd.s32 $0x1, s0;
	s7 =	smov.u32 s1;
	v1 =	vld.msk [tilespmem:s31+$0x0], $0x1  }
0x69d: {  	p3 =	seq.s32 s0, $0x0;
	_ =	sdelay $0x3  }
0x69e: {  	(v2sf) =	vpush v1, $0x0;
	_ =	sdelay $0xe  }
0x69f: {  	s1 =	spop (v2sf)  }
0x6a0: {  	p2 =	seq.s32 s7, s1  }
0x6a1: {  	p4 =	sgt.s32 @!p2 s7, $0x0;
	s8 =	smul.u32 @!p2 $0x140, s2;
	s2 =	sadd.s32 @!p2 $0x1, s2  }
.Ltmp14:
0x6a2: {  	p4 =	por !p4, p2;
	s2 =	smov.u32 @p2 s12;
	(pc) =	sbr.rel @!p3 .LBB2_14-.Ltmp14, $4  }
0x6a3: {  	s7 =	simm.s32 @p4 $0x0;
	s8 =	sshra.s32 @!p2 s8, $0x2  }
0x6a4: {  	s7 =	smin.u32 @!p2 s7, $0x15F8F7;
	s8 =	sadd.s32 @!p2 $0x5FF8, s8  }
0x6a5: {  	s11 =	sand.u32 @!p2 $0x1FFFF8, s7;
	s7 =	sand.u32 @!p2 $0x7, s7  }
0x6a6: {  	s31 =	sadd.s32 $0x1, s31;
	s11 =	sadd.s32 @!p2 s6, s11  }
.LBB2_15:
0x6a7: {  	s0 =	smul.u32 $0x104, s2  }
0x6a8: {  	[tilespmem:s8], [sflag:$0x2] =	stream.linear.gather @!p2 [hbm4b:s11+s7], $0x41, $0x38;
	[tilespmem:$0x1FF78] =	vst v63  }
.Ltmp15:
0x6a9: {  	_ = 	snop;
	(pc) =	sbr.rel .LBB2_16-.Ltmp15, $4  }
0x6aa: {  	s1 =	simm.s32 $0x2;
	s0 =	sshrl.u32 s0, $0x2  }
0x6ab: {  	_ =	swait.ge [sflag:s1], s0  }
0x6ac: {  	s0 =	ssub.s32 $0x0, s0;
	[sflag:s1] =	ssyncset.done $0x0  }
0x6ad: {  	[sflag:s1] =	ssyncadd.s32 s0;
	s0 =	simm.s32 $0x0  }
.LBB2_17:
0x6ae: {  	v1 =	vld [tilespmem:s29+$0xFFFFFFE0];
	_ =	sdelay $0x4  }
0x6af: {  	[tilespmem:s1+$0xA8] =	vst.add.f32.msk $0xffff, v1  }
0x6b0: {  	v1 =	vld [tilespmem:s29+$0xFFFFFFF0];
	_ =	sdelay $0x4  }
0x6b1: {  	[tilespmem:s1+$0xB8] =	vst.add.f32.msk $0xffff, v1  }
0x6b2: {  	v1 =	vld [tilespmem:s29+$0x0];
	_ =	sdelay $0x4  }
0x6b3: {  	[tilespmem:s1+$0xC8] =	vst.add.f32.msk $0xffff, v1  }
0x6b4: {  	v1 =	vld [tilespmem:s29+$0x10];
	_ =	sdelay $0x4  }
0x6b5: {  	[tilespmem:s1+$0xD8] =	vst.add.f32.msk $0xffff, v1  }
0x6b6: {  	v1 =	vld.msk [tilespmem:s29+$0x20], $0x1;
	_ =	sdelay $0x4  }
0x6b7: {  	[tilespmem:s1+$0xE8] =	vst.add.f32.msk $0x1, v1  }
.LBB2_21:
0x6b8: {  	s26 =	sadd.s32 $0x1, s26  }
0x6b9: {  	p2 =	seq.s32 s26, $0x0  }
.Ltmp16:
0x6ba: {  	_ = 	snop;
	(pc) =	sbr.rel @p2 .LBB2_22-.Ltmp16, $2  }
0x6bb: {  	_ =	sdelay $0x2  }
0x6bc: {  	s24 =	sadd.s32 $0x1, s24;
	s29 =	sadd.s32 $0x80, s29;
	s30 =	smov.u32 s31  }
.LBB2_16:
0x6bd: {  	v1 =	vld.msk [tilespmem:s24+$0x0], $0x1;
	_ =	sdelay $0x4  }
0x6be: {  	(v2sf) =	vpush v1, $0x0;
	_ =	sdelay $0xe  }
0x6bf: {  	s31 =	spop (v2sf)  }
0x6c0: {  	p2 =	sne.s32 s30, s31  }
.Ltmp17:
0x6c1: {  	_ = 	snop;
	(pc) =	sbr.rel @!p2 .LBB2_17-.Ltmp17, $3  }
0x6c2: {  	_ = 	snop  }
0x6c3: {  	s1 =	smul.u32 $0x140, s23;
	_ =	sdelay $0x1  }
0x6c4: {  	s1 =	sshra.s32 s1, $0x2  }
0x6c5: {  	p2 =	seq.s32 s30, s25  }
.Ltmp18:
0x6c6: {  	_ = 	snop;
	(pc) =	sbr.rel @!p2 .LBB2_19-.Ltmp18, $1  }
0x6c7: {  	_ =	sdelay $0x3  }
.Ltmp19:
0x6c8: {  	s1 =	sadd.s32 $0xA8, s1;
	(pc) =	sbr.rel .LBB2_20-.Ltmp19, $4  }
0x6c9: {  	[spmem:s16] =	stream.linear.scatter [tilespmem:s1], [sflag:$0x1], $0x41, $0x38;
	[tilespmem:$0x1FF78] =	vst v63  }
0x6ca: {  	_ =	swait.ge [sflag:s3], $0x41  }
0x6cb: {  	[sflag:s3] =	ssyncset.done $0x0  }
0x6cc: {  	[sflag:s3] =	ssyncadd.s32 $0xFFFFFFBF  }
.LBB2_19:
0x6cd: {  	s2 =	smul.u32 $0x140, s28;
	_ =	sdelay $0x1  }
0x6ce: {  	s2 =	sshra.s32 s2, $0x2  }
0x6cf: {  	v1 =	vld [tilespmem:s2+$0x5FF8];
	_ =	sdelay $0x4  }
0x6d0: {  	[tilespmem:s1+$0xA8] =	vst.add.f32.msk $0xffff, v1  }
0x6d1: {  	v1 =	vld [tilespmem:s2+$0x6008];
	_ =	sdelay $0x4  }
0x6d2: {  	[tilespmem:s1+$0xB8] =	vst.add.f32.msk $0xffff, v1  }
0x6d3: {  	v1 =	vld [tilespmem:s2+$0x6018];
	_ =	sdelay $0x4  }
0x6d4: {  	[tilespmem:s1+$0xC8] =	vst.add.f32.msk $0xffff, v1  }
0x6d5: {  	v1 =	vld [tilespmem:s2+$0x6028];
	_ =	sdelay $0x4  }
0x6d6: {  	[tilespmem:s1+$0xD8] =	vst.add.f32.msk $0xffff, v1  }
0x6d7: {  	v1 =	vld.msk [tilespmem:s2+$0x6038], $0x1;
	_ =	sdelay $0x2  }
0x6d8: {  	p2 =	sgt.u32 s30, $0x15F8F7  }
0x6d9: {  	s2 =	sand.u32 @!p2 $0x1FFFF8, s30  }
0x6da: {  	s7 =	sadd.s32 $0xA8, s1;
	[tilespmem:s1+$0xE8] =	vst.add.f32.msk $0x1, v1;
	s1 =	sadd.s32 @!p2 s6, s2;
	s2 =	sand.u32 @!p2 $0x7, s30  }
0x6db: {  	[hbm4b:s1+s2] =	stream.linear.scatter @!p2 [tilespmem:s7], [sflag:$0xC], $0x41, $0x38;
	[tilespmem:$0x1FF78] =	vst v63  }
0x6dc: {  	s1 =	simm.s32 $0x0  }
0x6dd: {  	s1 =	simm.s32 @!p2 $0x104  }
0x6de: {  	s0 =	sadd.s32 s1, s0  }
.LBB2_20:
0x6df: {  	s1 =	sadd.s32 $0x1, s23  }
0x6e0: {  	s2 =	sshrl.u32 s1, $0x4  }
0x6e1: {  	s2 =	smulhi.u32 $0xD79435F, s2;
	_ =	sdelay $0x1  }
0x6e2: {  	s2 =	smul.u32 $0x130, s2  }
0x6e3: {  	v1 =	vld [tilespmem:s29+$0xFFFFFFE0]  }
0x6e4: {  	s23 =	ssub.s32 s1, s2  }
0x6e5: {  	s1 =	smul.u32 $0x140, s23;
	_ =	sdelay $0x1  }
0x6e6: {  	s1 =	sshrl.u32 s1, $0x2  }
0x6e7: {  	[tilespmem:s1+$0xA8] =	vst v1  }
0x6e8: {  	v1 =	vld [tilespmem:s29+$0xFFFFFFF0];
	_ =	sdelay $0x4  }
0x6e9: {  	[tilespmem:s1+$0xB8] =	vst v1  }
0x6ea: {  	v1 =	vld [tilespmem:s29+$0x0];
	_ =	sdelay $0x4  }
0x6eb: {  	[tilespmem:s1+$0xC8] =	vst v1  }
0x6ec: {  	v1 =	vld [tilespmem:s29+$0x10];
	_ =	sdelay $0x4  }
0x6ed: {  	[tilespmem:s1+$0xD8] =	vst v1  }
0x6ee: {  	v1 =	vld.msk [tilespmem:s29+$0x20], $0x1  }
.Ltmp20:
0x6ef: {  	_ = 	snop;
	(pc) =	sbr.rel .LBB2_21-.Ltmp20, $2  }
0x6f0: {  	_ =	sdelay $0x2  }
0x6f1: {  	s28 =	sadd.s32 $0x1, s28;
	[tilespmem:s1+$0xE8] =	vst.msk $0x1, v1  }
.LBB2_23:
.Ltmp21:
0x6f2: {  	(pc) =	sbr.rel .LBB2_24-.Ltmp21, $4  }
0x6f3: {  	_ = 	snop  }
0x6f4: {  	s0 =	simm.s32 $0x2  }
0x6f5: {  	_ =	swait.ge [sflag:s0], $0x0  }
0x6f6: {  	s31 =	smov.u32 s30;
	[sflag:s0] =	ssyncset.done $0x0;
	s0 =	simm.s32 $0x0  }
.LBB2_26:
0x6f7: {  	_ =	sfence.sel $0x180000  }
0x6f8: {  	s0 =	simm.s32 $0x9;
	[bflag:$0x0] =	sbarrier.arrive $0xFFFF  }
0x6f9: {  	s24 =	simm.s32 $0xA;
	[sflag:s0] =	ssyncpa.u1 $0x1  }
0x6fa: {  	s25 =	simm.s32 $0xB;
	[sflag:s24] =	ssyncpa.u1 $0x1  }
0x6fb: {  	s26 =	simm.s32 $0x2;
	[sflag:s25] =	ssyncpa.u1 $0x1  }
0x6fc: {  	[sflag:s26] =	ssyncpa.u1 $0x1  }
0x6fd: {  	v0 =	vld [tilespmem:$0xBF48];
	_ =	sdelay $0x4  }
0x6fe: {  	(v2sf) =	vpush v0, $0x0  }
0x6ff: {  	(v2sf) =	vpush v0, $0x1  }
0x700: {  	(v2sf) =	vpush v0, $0x2;
	_ =	sdelay $0xc  }
0x701: {  	s0 =	spop (v2sf)  }
0x702: {  	s1 =	spop (v2sf)  }
0x703: {  	s2 =	smov.u32 s0;
	p0 =	sne.s32 s0, s1;
	s3 =	spop (v2sf)  }
0x704: {  	s2 =	simm.s32 @!p0 $0xFFFFFFFF;
	p0 =	seq.s32 s3, $0xFFFFFFFF  }
0x705: {  	v2 =	vimm.s32 $0x1;
	v3 =	vlaneseq.u32;
	v1 =	vmov s2;
	p1 =	sne.s32 @!p0 s0, s1  }
0x706: {  	s14 =	stileid.u32;
	v0 =	vperm.xlane v0, v2;
	s0 =	simm.s32 @!p0 $0x1;
	v1 =	vperm.xlane v1, v3;
	p1 =	por !p1, p0  }
0x707: {  	vm0 =	vcmask $0x3F04;
	s2 =	sshll.u32 s14, $0x1;
	s1 =	smul.u32 @!p0 $0x140, s3;
	s0 =	simm.s32 @p1 $0x0  }
0x708: {  	s5 =	simm.s32 $0xBF48;
	v0 =	vsel vm0, v1, v0;
	s0 =	sor.u32 @!p0 s0, s2  }
0x709: {  	s4 =	sor.u32 $0xA00, s2;
	s1 =	sshra.s32 @!p0 s1, $0x2;
	[tilespmem:$0xBF48] =	vst v0;
	s0 =	smul.u32 @!p0 $0x140, s0  }
0x70a: {  	[spmem:s4] =	stream.linear.scatter [tilespmem:s5], [sflag:$0x1], $0x2, $0x38;
	[tilespmem:$0x1FF78] =	vst v63  }
0x70b: {  	s1 =	sadd.s32 @!p0 $0xA8, s1;
	s0 =	sshrl.u32 @!p0 s0, $0x2  }
0x70c: {  	[spmem:s0] =	stream.linear.scatter @!p0 [tilespmem:s1], [sflag:$0x1], $0x50, $0x38;
	[tilespmem:$0x1FF78] =	vst v63  }
0x70d: {  	s0 =	simm.s32 @!p0 $0x52  }
0x70e: {  	s28 =	simm.s32 $0x1;
	s0 =	simm.s32 @p0 $0x2  }
0x70f: {  	_ =	swait.ge [sflag:s28], s0  }
0x710: {  	s0 =	ssub.s32 $0x0, s0;
	[sflag:s28] =	ssyncset.done $0x0  }
0x711: {  	p0 =	sne.s32 s14, $0x0;
	[sflag:s28] =	ssyncadd.s32 s0  }
.Ltmp22:
0x712: {  	_ =	sfence.stream.spmem;
	(pc) =	sbr.rel @p0 .LBB2_43-.Ltmp22, $4  }
0x713: {  	s29 =	simm.s32 $0x3;
	[bflag:$0x0] =	sbarrier.arrive $0xFFFF  }
0x714: {  	s30 =	simm.s32 $0x4;
	[sflag:s29] =	ssyncpa.u1 $0x1  }
0x715: {  	s31 =	simm.s32 $0x3C;
	[sflag:s30] =	ssyncpa.u1 $0x1  }
0x716: {  	s15 =	rddreg [dreg:$0x5];
	[sflag:s31] =	ssyncpa.u1 $0x1  }
0x717: {  	_ =	sfence.stream.spmem;
	s0 =	simm.s32 $0x5  }
0x718: {  	s1 =	simm.s32 $0xA00;
	s2 =	simm.s32 $0xBF58;
	[sflag:s0] =	ssyncpa.u1 $0x0  }
0x719: {  	[tilespmem:s2], [sflag:$0x5] =	stream.linear.gather [spmem:s1], $0x20, $0x38;
	[tilespmem:$0x1FF78] =	vst v63  }
0x71a: {  	s26 =	simm.s32 $0x0;
	s28 =	simm.s32 $0xBF78  }
0x71b: {  	[tilespmem:s28], [sflag:$0x5] =	stream.linear.gather [spmem:s26], $0xA00, $0x38;
	[tilespmem:$0x1FF78] =	vst v63  }
0x71c: {  	_ =	swait.ge [sflag:s0], $0xA20  }
0x71d: {  	[sflag:s0] =	ssyncset.done $0x0  }
0x71e: {  	s29 =	simm.s32 $0x0;
	[sflag:s0] =	ssyncadd.s32 $0xFFFFF5E0  }
0x71f: {  	v0 =	vld.msk [tilespmem:s29+$0xBF58], $0x1;
	_ =	sdelay $0x1  }
0x720: {  	s30 =	simm.s32 $0x1  }
0x721: {  	v1 =	vld.msk [tilespmem:s30+$0xBF58], $0x1;
	_ =	sdelay $0x1  }
0x722: {  	(v2sf) =	vpush v0, $0x0;
	_ =	sdelay $0x2  }
0x723: {  	(v2sf) =	vpush v1, $0x0;
	_ =	sdelay $0x2  }
0x724: {  	s31 =	simm.s32 $0x2  }
0x725: {  	v0 =	vld.msk [tilespmem:s31+$0xBF58], $0x1;
	_ =	sdelay $0x2  }
0x726: {  	s1 =	simm.s32 $0xFFFFFFFF;
	s2 =	simm.s32 $0xFFFFFFFF;
	s0 =	simm.s32 $0xC  }
.LBB2_28:
0x727: {  	s3 =	smov.u32 s2;
	s4 =	smov.u32 s1  }
0x728: {  	s1 =	sshra.s32 s0, $0x2;
	p1 =	sne.s32 s0, $0x7C;
	s0 =	sadd.s32 $0x4, s0;
	(v2sf) =	vpush v0, $0x0  }
0x729: {  	v0 =	vld.msk [tilespmem:s1+$0xBF58], $0x1  }
.Ltmp23:
0x72a: {  	(pc) =	sbr.rel @p1 .LBB2_28-.Ltmp23, $4  }
0x72b: {  	s2 =	spop (v2sf)  }
0x72c: {  	p2 =	sne.s32 s4, $0xFFFFFFFF;
	s1 =	smov.u32 s2  }
0x72d: {  	p3 =	seq.s32 s2, $0xFFFFFFFF;
	s1 =	smov.u32 @p2 s4  }
0x72e: {  	s2 =	smov.u32 @p3 s3;
	s1 =	smov.u32 @p3 s4  }
0x72f: {  	(v2sf) =	vpush v0, $0x0;
	_ =	sdelay $0x8  }
0x730: {  	s0 =	spop (v2sf)  }
0x731: {  	p1 =	sne.s32 s1, $0xFFFFFFFF;
	s3 =	smov.u32 s0  }
0x732: {  	s9 =	simm.s32 $0x6;
	p2 =	seq.s32 s0, $0xFFFFFFFF;
	s3 =	smov.u32 @p1 s1  }
0x733: {  	s10 =	simm.s32 $0xBEF8;
	s3 =	smov.u32 @p2 s1;
	s1 =	spop (v2sf)  }
0x734: {  	s0 =	smov.u32 @p2 s2;
	p1 =	sne.s32 s3, $0xFFFFFFFF;
	s7 =	smov.u32 s1  }
.Ltmp24:
0x735: {  	p2 =	seq.s32 s1, $0xFFFFFFFF;
	s7 =	smov.u32 @p1 s3;
	(pc) =	sbr.rel .LBB2_30-.Ltmp24, $4  }
0x736: {  	s11 =	simm.s32 $0x0;
	s7 =	smov.u32 @p2 s3;
	s4 =	spop (v2sf)  }
0x737: {  	[sflag:s9] =	ssyncpa.u1 $0x0;
	p1 =	sne.s32 s7, $0xFFFFFFFF;
	s5 =	smov.u32 s4  }
0x738: {  	s1 =	smov.u32 @p2 s0;
	p2 =	seq.s32 s4, $0xFFFFFFFF;
	s5 =	smov.u32 @p1 s7  }
0x739: {  	s3 =	simm.s32 $0x0;
	s4 =	smov.u32 @p2 s1;
	s5 =	smov.u32 @p2 s7  }
.LBB2_36:
0x73a: {  	p1 =	sgt.u32 s0, $0x15F8F7  }
0x73b: {  	p2 =	seq.s32 @!p1 s0, s5  }
0x73c: {  	p1 =	por p1, p2  }
0x73d: {  	p2 =	sne.s32 @!p1 s0, s4  }
0x73e: {  	p1 =	por p1, !p2  }
0x73f: {  	s0 =	smul.u32 @p1 $0x140, s11;
	_ =	sdelay $0x1  }
0x740: {  	s1 =	sand.u32 @!p1 $0x1FFFF8, s0  }
0x741: {  	s0 =	sand.u32 @!p1 $0x7, s0;
	s1 =	sadd.s32 @!p1 s6, s1  }
0x742: {  	[tilespmem:s10], [sflag:$0x6] =	stream.linear.gather @!p1 [hbm4b:s1+s0], $0x41, $0x38;
	[tilespmem:$0x1FF78] =	vst v63  }
0x743: {  	_ =	swait.ge @!p1 [sflag:s9], $0x41  }
0x744: {  	[sflag:s9] =	ssyncset.done @!p1 $0x0  }
0x745: {  	[sflag:s9] =	ssyncadd.s32 @!p1 $0xFFFFFFBF  }
0x746: {  	v1 =	vld @!p1 [tilespmem:$0xBEF8];
	_ =	sdelay $0x1  }
0x747: {  	s0 =	smul.u32 @!p1 $0x140, s11;
	_ =	sdelay $0x1  }
0x748: {  	s1 =	sshra.s32 @!p1 s0, $0x2  }
0x749: {  	[tilespmem:s1+$0xBF78] =	vst.add.f32.msk @!p1 $0xffff, v1  }
0x74a: {  	v1 =	vld @!p1 [tilespmem:$0xBF08];
	_ =	sdelay $0x4  }
0x74b: {  	[tilespmem:s1+$0xBF88] =	vst.add.f32.msk @!p1 $0xffff, v1  }
0x74c: {  	v1 =	vld @!p1 [tilespmem:$0xBF18];
	_ =	sdelay $0x4  }
0x74d: {  	[tilespmem:s1+$0xBF98] =	vst.add.f32.msk @!p1 $0xffff, v1  }
0x74e: {  	v1 =	vld @!p1 [tilespmem:$0xBF28];
	_ =	sdelay $0x4  }
0x74f: {  	[tilespmem:s1+$0xBFA8] =	vst.add.f32.msk @!p1 $0xffff, v1  }
0x750: {  	v1 =	vld @!p1 [tilespmem:$0xBF38];
	_ =	sdelay $0x4  }
0x751: {  	[tilespmem:s1+$0xBFB8] =	vst.add.f32.msk @!p1 $0xffff, v1  }
0x752: {  	s0 =	sshra.s32 s0, $0x2;
	[tilespmem:s3+$0xBF58] =	vst.msk $0x1, v0  }
0x753: {  	v0 =	vld [tilespmem:s0+$0xBF78];
	_ =	sdelay $0x1  }
0x754: {  	s31 =	smul.u32 $0x140, s3;
	_ =	sdelay $0x1  }
0x755: {  	s1 =	sshra.s32 s31, $0x2  }
0x756: {  	[tilespmem:s1+$0xBF78] =	vst v0  }
0x757: {  	v0 =	vld [tilespmem:s0+$0xBF88];
	_ =	sdelay $0x4  }
0x758: {  	[tilespmem:s1+$0xBF88] =	vst v0  }
0x759: {  	v0 =	vld [tilespmem:s0+$0xBF98];
	_ =	sdelay $0x4  }
0x75a: {  	[tilespmem:s1+$0xBF98] =	vst v0  }
0x75b: {  	v0 =	vld [tilespmem:s0+$0xBFA8];
	_ =	sdelay $0x4  }
0x75c: {  	[tilespmem:s1+$0xBFA8] =	vst v0  }
0x75d: {  	v0 =	vld [tilespmem:s0+$0xBFB8];
	_ =	sdelay $0x4  }
0x75e: {  	s3 =	sadd.s32 $0x1, s3;
	[tilespmem:s1+$0xBFB8] =	vst v0  }
.LBB2_37:
0x75f: {  	s11 =	sadd.s32 $0x1, s11  }
0x760: {  	p1 =	sne.s32 s11, $0x20  }
.Ltmp25:
0x761: {  	_ = 	snop;
	(pc) =	sbr.rel @!p1 .LBB2_38-.Ltmp25, $1  }
0x762: {  	_ =	sdelay $0x3  }
.LBB2_30:
0x763: {  	v0 =	vld.msk [tilespmem:s11+$0xBF58], $0x1;
	_ =	sdelay $0x4  }
0x764: {  	(v2sf) =	vpush v0, $0x0;
	_ =	sdelay $0xe  }
0x765: {  	s0 =	spop (v2sf)  }
0x766: {  	p1 =	seq.s32 s0, $0xFFFFFFFF  }
.Ltmp26:
0x767: {  	_ = 	snop;
	(pc) =	sbr.rel @p1 .LBB2_37-.Ltmp26, $1  }
0x768: {  	_ =	sdelay $0x3  }
0x769: {  	p1 =	slt.s32 s3, $0x1  }
.Ltmp27:
0x76a: {  	_ = 	snop;
	(pc) =	sbr.rel @p1 .LBB2_36-.Ltmp27, $1  }
0x76b: {  	_ =	sdelay $0x3  }
0x76c: {  	s12 =	simm.s32 $0xBF58;
	p1 =	por $0x0, $0x0  }
0x76d: {  	v1 =	vld.msk @!p1 [tilespmem:s12+$0x0], $0x1;
	_ =	sdelay $0x4  }
0x76e: {  	(v2sf) =	vpush @!p1 v1, $0x0;
	_ =	sdelay $0xd  }
0x76f: {  	p3 =	sne.s32 s3, $0x1  }
.Ltmp28:
0x770: {  	s1 =	spop @!p1 (v2sf);
	(pc) =	sbr.rel @!p3 .LBB2_34-.Ltmp28, $4  }
0x771: {  	p2 =	seq.s32 @!p1 s0, s1  }
0x772: {  	s13 =	simm.s32 $0x0;
	p2 =	por !p2, p1  }
0x773: {  	s2 =	simm.s32 $0xFFFFFFFF;
	s13 =	simm.s32 @p2 $0xFFFFFFFF  }
0x774: {  	s1 =	simm.s32 $0x1;
	s13 =	smov.u32 @p1 s2  }
.LBB2_33:
0x775: {  	s2 =	smov.u32 s13;
	p1 =	sne.s32 s13, $0xFFFFFFFF  }
0x776: {  	s12 =	sadd.s32 $0x1, s12;
	s13 =	smov.u32 s1;
	s1 =	sadd.s32 $0x1, s1  }
0x777: {  	p2 =	sne.s32 s3, s1;
	v1 =	vld.msk @!p1 [tilespmem:s12+$0x0], $0x1;
	_ =	sdelay $0x4  }
0x778: {  	(v2sf) =	vpush @!p1 v1, $0x0;
	_ =	sdelay $0xe  }
.Ltmp29:
0x779: {  	s7 =	spop @!p1 (v2sf);
	(pc) =	sbr.rel @p2 .LBB2_33-.Ltmp29, $4  }
0x77a: {  	p3 =	seq.s32 @!p1 s0, s7  }
0x77b: {  	p3 =	por !p3, p1  }
0x77c: {  	s13 =	simm.s32 @p3 $0xFFFFFFFF  }
0x77d: {  	s13 =	smov.u32 @p1 s2  }
.LBB2_34:
0x77e: {  	p1 =	seq.s32 s13, $0xFFFFFFFF  }
.Ltmp30:
0x77f: {  	_ = 	snop;
	(pc) =	sbr.rel @p1 .LBB2_36-.Ltmp30, $1  }
0x780: {  	_ =	sdelay $0x3  }
0x781: {  	s0 =	smul.u32 $0x140, s11;
	_ =	sdelay $0x1  }
0x782: {  	s0 =	sshra.s32 s0, $0x2  }
0x783: {  	v0 =	vld [tilespmem:s0+$0xBF78];
	_ =	sdelay $0x1  }
0x784: {  	s1 =	smul.u32 $0x140, s13;
	_ =	sdelay $0x1  }
0x785: {  	s1 =	sshra.s32 s1, $0x2  }
0x786: {  	[tilespmem:s1+$0xBF78] =	vst.add.f32.msk $0xffff, v0  }
0x787: {  	v0 =	vld [tilespmem:s0+$0xBF88];
	_ =	sdelay $0x4  }
0x788: {  	[tilespmem:s1+$0xBF88] =	vst.add.f32.msk $0xffff, v0  }
0x789: {  	v0 =	vld [tilespmem:s0+$0xBF98];
	_ =	sdelay $0x4  }
0x78a: {  	[tilespmem:s1+$0xBF98] =	vst.add.f32.msk $0xffff, v0  }
0x78b: {  	v0 =	vld [tilespmem:s0+$0xBFA8];
	_ =	sdelay $0x4  }
0x78c: {  	[tilespmem:s1+$0xBFA8] =	vst.add.f32.msk $0xffff, v0  }
0x78d: {  	v0 =	vld [tilespmem:s0+$0xBFB8]  }
.Ltmp31:
0x78e: {  	_ = 	snop;
	(pc) =	sbr.rel .LBB2_37-.Ltmp31, $2  }
0x78f: {  	_ =	sdelay $0x2  }
0x790: {  	[tilespmem:s1+$0xBFB8] =	vst.add.f32.msk $0xffff, v0  }
.LBB2_38:
0x791: {  	s0 =	simm.s32 $0x6;
	p1 =	seq.s32 s3, $0x0  }
0x792: {  	[sflag:s0] =	ssyncpa.u1 $0x1;
	v0 =	vimm.s32 @p1 $0xFFFFFFFF  }
0x793: {  	s0 =	sadd.s32 $0xFFFFFFFF, s3;
	[tilespmem:$0xC978] =	vst @p1 v0  }
0x794: {  	v0 =	vld.msk @!p1 [tilespmem:s0+$0xBF58], $0x1;
	_ =	sdelay $0x1  }
0x795: {  	v1 =	vld.msk @!p1 [tilespmem:$0xBF58], $0x1;
	_ =	sdelay $0x2  }
0x796: {  	p2 =	seq.s32 @!p1 s0, $0x0;
	v0 =	vbroadcast @!p1 v0, $0x0  }
0x797: {  	vm0 =	vmmov @!p1 $0x1;
	p3 =	por !p2, p1  }
0x798: {  	p2 =	sne.s32 @!p1 s5, s4;
	v1 =	vnsel @!p1 vm0, $0xFFFFFFFF, v1;
	vm0 =	vcmask @!p1 $0x308;
	v0 =	vpsel !p3, $0xFFFFFFFF, v0  }
0x799: {  	p3 =	por !p2, p1;
	v0 =	vsel @!p1 vm0, v1, v0  }
0x79a: {  	s1 =	simm.s32 @!p1 $0xBF78;
	s2 =	simm.s32 @!p1 $0x0;
	s4 =	smul.u32 @!p3 $0x140, s0;
	[tilespmem:$0xC978] =	vst @!p1 v0  }
0x79b: {  	[spmem:s2] =	stream.linear.scatter @!p1 [tilespmem:s1], [sflag:$0x1], $0x50, $0x38;
	[tilespmem:$0x1FF78] =	vst v63  }
0x79c: {  	s1 =	sshra.s32 @!p3 s4, $0x2  }
0x79d: {  	s2 =	simm.s32 @!p3 $0x50;
	s1 =	sadd.s32 @!p3 $0xBF78, s1  }
0x79e: {  	[spmem:s2] =	stream.linear.scatter @!p3 [tilespmem:s1], [sflag:$0x1], $0x50, $0x38;
	[tilespmem:$0x1FF78] =	vst v63  }
0x79f: {  	s1 =	simm.s32 @!p3 $0x1  }
0x7a0: {  	_ =	swait.ge @!p3 [sflag:s1], $0xA0  }
0x7a1: {  	p1 =	por p2, p1;
	[sflag:s1] =	ssyncset.done @!p3 $0x0  }
0x7a2: {  	[sflag:s1] =	ssyncadd.s32 @!p3 $0xFFFFFF60;
	s1 =	simm.s32 @!p1 $0x1  }
0x7a3: {  	_ =	swait.ge @!p1 [sflag:s1], $0x50  }
0x7a4: {  	s29 =	simm.s32 $0xC978;
	[sflag:s1] =	ssyncset.done @!p1 $0x0  }
0x7a5: {  	s30 =	simm.s32 $0xA00;
	s31 =	simm.s32 $0x1;
	[sflag:s1] =	ssyncadd.s32 @!p1 $0xFFFFFFB0  }
0x7a6: {  	[spmem:s30] =	stream.linear.scatter [tilespmem:s29], [sflag:$0x1], $0x10, $0x38;
	[tilespmem:$0x1FF78] =	vst v63  }
0x7a7: {  	_ =	swait.ge [sflag:s31], $0x10  }
0x7a8: {  	[sflag:s31] =	ssyncset.done $0x0  }
0x7a9: {  	p1 =	seq.s32 s15, $0x0;
	s9 =	rddreg [dreg:$0x2];
	[sflag:s31] =	ssyncadd.s32 $0xFFFFFFF0  }
0x7aa: {  	s2 =	sshll.u32 @p1 s9, $0xE;
	s8 =	rddreg [dreg:$0x3]  }
0x7ab: {  	s1 =	sadd.s32 @p1 $0x15C3C, s2;
	s2 =	sshll.u32 @p1 s8, $0x11  }
0x7ac: {  	_ =	sfence.stream.spmem;
	s1 =	sor.u32 @p1 s2, s1  }
0x7ad: {  	[sflag:s1] =	ssyncadd.remote.s32 @p1 $0x1;
	s1 =	simm.s32 @p1 $0x4  }
0x7ae: {  	s4 =	simm.s32 @!p1 $0x3C;
	s2 =	sand.u32 $0xFFFFFFFE, s9;
	_ =	swait.ge @p1 [sflag:s1], $0x16  }
0x7af: {  	s5 =	simm.s32 @!p1 $0x0;
	s2 =	sadd.s32 @!p1 $0x4, s2;
	[sflag:s1] =	ssyncset.done @p1 $0x0  }
0x7b0: {  	s7 =	simm.s32 @!p1 $0xA0;
	[sflag:s1] =	ssyncadd.s32 @p1 $0xFFFFFFEA;
	s1 =	sshll.u32 @!p1 s2, $0x1A  }
0x7b1: {  	s2 =	sshll.u32 @!p1 s2, $0xD;
	s1 =	sor.u32 @!p1 s1, s8;
	_ =	swait.eq @!p1 [sflag:s4], $0x1  }
0x7b2: {  	s2 =	sor.u32 @!p1 $0x1C04, s2;
	s4 =	simm.s32 @!p1 $0x1C03;
	s1 =	sor.u32 @!p1 $0x80004000, s1  }
0x7b3: {  	[spmem:s7], [sflag:s2] =	dma.general @!p1 [spmem:s5], [sflag:s4], length:$0x14, [dreg:$0x0], stride_count:$0x0, ici_dest:s1, dma_misc:DstOpCode:WRITE  }
0x7b4: {  	p2 =	slt.s32 s0, $0x2;
	s5 =	simm.s32 @!p1 $0x140;
	s7 =	simm.s32 @!p1 $0x142  }
0x7b5: {  	[spmem:s7], [sflag:s2] =	dma.general @!p1 [spmem:s5], [sflag:s4], length:$0x2, [dreg:$0x0], stride_count:$0x0, ici_dest:s1, dma_misc:DstOpCode:WRITE  }
.Ltmp32:
0x7b6: {  	s1 =	simm.s32 @!p1 $0x3;
	(pc) =	sbr.rel @p2 .LBB2_42-.Ltmp32, $4  }
0x7b7: {  	s2 =	sshll.u32 @!p1 s9, $0xE;
	_ =	swait.ge @!p1 [sflag:s1], $0x16  }
0x7b8: {  	s4 =	sshll.u32 @!p1 s8, $0x11;
	s2 =	sadd.s32 @!p1 $0x11C3C, s2;
	[sflag:s1] =	ssyncset.done @!p1 $0x0  }
0x7b9: {  	[sflag:s1] =	ssyncadd.s32 @!p1 $0xFFFFFFEA;
	s1 =	sor.u32 @!p1 s4, s2  }
0x7ba: {  	s0 =	simm.s32 $0x0;
	[sflag:s1] =	ssyncadd.remote.s32 @!p1 $0xFFFFFFFF  }
0x7bb: {  	s0 =	simm.s32 $0xBF59  }
0x7bc: {  	v0 =	vld.msk [tilespmem:s0+$0x0], $0x1;
	_ =	sdelay $0x4  }
0x7bd: {  	(v2sf) =	vpush v0, $0x0;
	_ =	sdelay $0xc  }
0x7be: {  	s1 =	sadd.s32 $0xFFFFFFFE, s3  }
0x7bf: {  	s1 =	sadd.s32 $0xFFFFFFFF, s1  }
0x7c0: {  	p2 =	sne.s32 s1, $0x0;
	s2 =	spop (v2sf)  }
.Ltmp33:
0x7c1: {  	p1 =	sgt.u32 s2, $0x15F8F7;
	(pc) =	sbr.rel @!p2 .LBB2_41-.Ltmp33, $4  }
0x7c2: {  	s4 =	simm.s32 $0x0;
	s3 =	sand.u32 @!p1 $0x1FFFF8, s2  }
0x7c3: {  	s0 =	simm.s32 $0xBFC8;
	s2 =	sand.u32 @!p1 $0x7, s2;
	s3 =	sadd.s32 @!p1 s6, s3  }
0x7c4: {  	[hbm4b:s3+s2] =	stream.linear.scatter @!p1 [tilespmem:s0], [sflag:$0x5], $0x41, $0x38;
	[tilespmem:$0x1FF78] =	vst v63  }
0x7c5: {  	s4 =	simm.s32 @!p1 $0x104;
	s2 =	simm.s32 $0x0;
	s3 =	simm.s32 $0xBF5A  }
.LBB2_40:
0x7c6: {  	v0 =	vld.msk [tilespmem:s3+$0x0], $0x1;
	s1 =	sadd.s32 $0xFFFFFFFF, s1;
	s2 =	sadd.s32 s2, s4  }
0x7c7: {  	p1 =	sne.s32 s1, $0x0;
	_ =	sdelay $0x3  }
0x7c8: {  	(v2sf) =	vpush v0, $0x0;
	_ =	sdelay $0xe  }
.Ltmp34:
0x7c9: {  	s5 =	spop (v2sf);
	(pc) =	sbr.rel @p1 .LBB2_40-.Ltmp34, $4  }
0x7ca: {  	s4 =	simm.s32 $0x0;
	p2 =	sgt.u32 s5, $0x15F8F7  }
0x7cb: {  	s0 =	sadd.s32 $0x50, s0;
	s4 =	simm.s32 @!p2 $0x104;
	s7 =	sand.u32 @!p2 $0x1FFFF8, s5  }
0x7cc: {  	s3 =	sadd.s32 $0x1, s3;
	s5 =	sand.u32 @!p2 $0x7, s5;
	s7 =	sadd.s32 @!p2 s6, s7  }
0x7cd: {  	[hbm4b:s7+s5] =	stream.linear.scatter @!p2 [tilespmem:s0], [sflag:$0x5], $0x41, $0x38;
	[tilespmem:$0x1FF78] =	vst v63  }
.LBB2_41:
0x7ce: {  	s0 =	sadd.s32 s2, s4  }
0x7cf: {  	s0 =	sshrl.u32 s0, $0x2  }
.LBB2_42:
0x7d0: {  	s1 =	simm.s32 $0x5  }
0x7d1: {  	_ =	swait.ge [sflag:s1], s0  }
0x7d2: {  	s31 =	ssub.s32 $0x0, s0;
	[sflag:s1] =	ssyncset.done $0x0  }
0x7d3: {  	[sflag:s1] =	ssyncadd.s32 s31  }
0x7d4: {  	[sflag:s1] =	ssyncpa.u1 $0x1  }
.LBB2_43:
0x7d5: {  	s0 =	sor.u32 s15, s14  }
0x7d6: {  	p1 =	sne.s32 s0, $0x0  }
.Ltmp35:
0x7d7: {  	_ = 	snop;
	(pc) =	sbr.rel @p1 .LBB2_58-.Ltmp35, $3  }
0x7d8: {  	_ =	sdelay $0x1  }
0x7d9: {  	[bflag:$0x0] =	sbarrier.arrive $0xFFFF  }
0x7da: {  	_ =	sfence  }
0x7db: {  	s0 =	simm.s32 $0x7  }
0x7dc: {  	s1 =	simm.s32 $0xA00;
	s2 =	simm.s32 $0xBF58;
	[sflag:s0] =	ssyncpa.u1 $0x0  }
0x7dd: {  	[tilespmem:s2], [sflag:$0x7] =	stream.linear.gather [spmem:s1], $0x20, $0x38;
	[tilespmem:$0x1FF78] =	vst v63  }
0x7de: {  	s30 =	simm.s32 $0xBF78;
	s1 =	simm.s32 $0x0  }
0x7df: {  	[tilespmem:s30], [sflag:$0x7] =	stream.linear.gather [spmem:s1], $0xA00, $0x38;
	[tilespmem:$0x1FF78] =	vst v63  }
.Ltmp36:
0x7e0: {  	_ = 	snop;
	(pc) =	sbr.rel .LBB2_45-.Ltmp36, $4  }
0x7e1: {  	_ =	swait.ge [sflag:s0], $0xA20  }
0x7e2: {  	[sflag:s0] =	ssyncset.done $0x0  }
0x7e3: {  	s31 =	simm.s32 $0x8;
	[sflag:s0] =	ssyncadd.s32 $0xFFFFF5E0  }
0x7e4: {  	s2 =	simm.s32 $0x0;
	[sflag:s31] =	ssyncpa.u1 $0x0  }
.LBB2_51:
0x7e5: {  	p1 =	slt.u32 s0, $0x15F8F8  }
0x7e6: {  	s3 =	sand.u32 @p1 $0x1FFFF8, s0  }
0x7e7: {  	s0 =	sand.u32 @p1 $0x7, s0;
	s4 =	simm.s32 @p1 $0xBEF8;
	s3 =	sadd.s32 @p1 s6, s3  }
0x7e8: {  	[tilespmem:s4], [sflag:$0x8] =	stream.linear.gather @p1 [hbm4b:s3+s0], $0x41, $0x38;
	[tilespmem:$0x1FF78] =	vst v63  }
0x7e9: {  	s0 =	simm.s32 @p1 $0x8  }
0x7ea: {  	_ =	swait.ge @p1 [sflag:s0], $0x41  }
0x7eb: {  	[sflag:s0] =	ssyncset.done @p1 $0x0  }
0x7ec: {  	[sflag:s0] =	ssyncadd.s32 @p1 $0xFFFFFFBF  }
0x7ed: {  	v1 =	vld @p1 [tilespmem:$0xBEF8];
	_ =	sdelay $0x1  }
0x7ee: {  	s0 =	smul.u32 @p1 $0x140, s2;
	_ =	sdelay $0x1  }
0x7ef: {  	s3 =	sshra.s32 @p1 s0, $0x2  }
0x7f0: {  	[tilespmem:s3+$0xBF78] =	vst.add.f32.msk @p1 $0xffff, v1  }
0x7f1: {  	v1 =	vld @p1 [tilespmem:$0xBF08];
	_ =	sdelay $0x4  }
0x7f2: {  	[tilespmem:s3+$0xBF88] =	vst.add.f32.msk @p1 $0xffff, v1  }
0x7f3: {  	v1 =	vld @p1 [tilespmem:$0xBF18];
	_ =	sdelay $0x4  }
0x7f4: {  	[tilespmem:s3+$0xBF98] =	vst.add.f32.msk @p1 $0xffff, v1  }
0x7f5: {  	v1 =	vld @p1 [tilespmem:$0xBF28];
	_ =	sdelay $0x4  }
0x7f6: {  	[tilespmem:s3+$0xBFA8] =	vst.add.f32.msk @p1 $0xffff, v1  }
0x7f7: {  	v1 =	vld @p1 [tilespmem:$0xBF38];
	_ =	sdelay $0x2  }
0x7f8: {  	s4 =	smul.u32 @!p1 $0x140, s2;
	_ =	sdelay $0x1  }
0x7f9: {  	s4 =	smov.u32 @p1 s0;
	[tilespmem:s3+$0xBFB8] =	vst.add.f32.msk @p1 $0xffff, v1  }
0x7fa: {  	s0 =	sshra.s32 s4, $0x2;
	[tilespmem:s1+$0xBF58] =	vst.msk $0x1, v0  }
0x7fb: {  	v0 =	vld [tilespmem:s0+$0xBF78];
	_ =	sdelay $0x1  }
0x7fc: {  	s31 =	smul.u32 $0x140, s1;
	_ =	sdelay $0x1  }
0x7fd: {  	s3 =	sshra.s32 s31, $0x2  }
0x7fe: {  	[tilespmem:s3+$0xBF78] =	vst v0  }
0x7ff: {  	v0 =	vld [tilespmem:s0+$0xBF88];
	_ =	sdelay $0x4  }
0x800: {  	[tilespmem:s3+$0xBF88] =	vst v0  }
0x801: {  	v0 =	vld [tilespmem:s0+$0xBF98];
	_ =	sdelay $0x4  }
0x802: {  	[tilespmem:s3+$0xBF98] =	vst v0  }
0x803: {  	v0 =	vld [tilespmem:s0+$0xBFA8];
	_ =	sdelay $0x4  }
0x804: {  	[tilespmem:s3+$0xBFA8] =	vst v0  }
0x805: {  	v0 =	vld [tilespmem:s0+$0xBFB8];
	_ =	sdelay $0x4  }
0x806: {  	s1 =	sadd.s32 $0x1, s1;
	[tilespmem:s3+$0xBFB8] =	vst v0  }
.LBB2_52:
0x807: {  	s2 =	sadd.s32 $0x1, s2  }
0x808: {  	p1 =	sne.s32 s2, $0x20  }
.Ltmp37:
0x809: {  	_ = 	snop;
	(pc) =	sbr.rel @!p1 .LBB2_53-.Ltmp37, $1  }
0x80a: {  	_ =	sdelay $0x3  }
.LBB2_45:
0x80b: {  	v0 =	vld.msk [tilespmem:s2+$0xBF58], $0x1;
	_ =	sdelay $0x4  }
0x80c: {  	(v2sf) =	vpush v0, $0x0;
	_ =	sdelay $0xe  }
0x80d: {  	s0 =	spop (v2sf)  }
0x80e: {  	p1 =	seq.s32 s0, $0xFFFFFFFF  }
.Ltmp38:
0x80f: {  	_ = 	snop;
	(pc) =	sbr.rel @p1 .LBB2_52-.Ltmp38, $1  }
0x810: {  	_ =	sdelay $0x3  }
0x811: {  	p1 =	slt.s32 s1, $0x1  }
.Ltmp39:
0x812: {  	_ = 	snop;
	(pc) =	sbr.rel @p1 .LBB2_51-.Ltmp39, $1  }
0x813: {  	_ =	sdelay $0x3  }
0x814: {  	s3 =	simm.s32 $0xBF58;
	p1 =	por $0x0, $0x0  }
0x815: {  	v1 =	vld.msk @!p1 [tilespmem:s3+$0x0], $0x1;
	_ =	sdelay $0x4  }
0x816: {  	(v2sf) =	vpush @!p1 v1, $0x0;
	_ =	sdelay $0xd  }
0x817: {  	p3 =	sne.s32 s1, $0x1  }
.Ltmp40:
0x818: {  	s4 =	spop @!p1 (v2sf);
	(pc) =	sbr.rel @!p3 .LBB2_49-.Ltmp40, $4  }
0x819: {  	p2 =	seq.s32 @!p1 s0, s4  }
0x81a: {  	s4 =	simm.s32 $0x0;
	p2 =	por !p2, p1  }
0x81b: {  	s7 =	simm.s32 $0xFFFFFFFF;
	s4 =	simm.s32 @p2 $0xFFFFFFFF  }
0x81c: {  	s5 =	simm.s32 $0x1;
	s4 =	smov.u32 @p1 s7  }
.LBB2_48:
0x81d: {  	s7 =	smov.u32 s4;
	p1 =	sne.s32 s4, $0xFFFFFFFF  }
0x81e: {  	s3 =	sadd.s32 $0x1, s3;
	s4 =	smov.u32 s5;
	s5 =	sadd.s32 $0x1, s5  }
0x81f: {  	p2 =	sne.s32 s1, s5;
	v1 =	vld.msk @!p1 [tilespmem:s3+$0x0], $0x1;
	_ =	sdelay $0x4  }
0x820: {  	(v2sf) =	vpush @!p1 v1, $0x0;
	_ =	sdelay $0xe  }
.Ltmp41:
0x821: {  	s8 =	spop @!p1 (v2sf);
	(pc) =	sbr.rel @p2 .LBB2_48-.Ltmp41, $4  }
0x822: {  	p3 =	seq.s32 @!p1 s0, s8  }
0x823: {  	p3 =	por !p3, p1  }
0x824: {  	s4 =	simm.s32 @p3 $0xFFFFFFFF  }
0x825: {  	s4 =	smov.u32 @p1 s7  }
.LBB2_49:
0x826: {  	p1 =	seq.s32 s4, $0xFFFFFFFF  }
.Ltmp42:
0x827: {  	_ = 	snop;
	(pc) =	sbr.rel @p1 .LBB2_51-.Ltmp42, $1  }
0x828: {  	_ =	sdelay $0x3  }
0x829: {  	s0 =	smul.u32 $0x140, s2;
	_ =	sdelay $0x1  }
0x82a: {  	s0 =	sshra.s32 s0, $0x2  }
0x82b: {  	v0 =	vld [tilespmem:s0+$0xBF78];
	_ =	sdelay $0x1  }
0x82c: {  	s3 =	smul.u32 $0x140, s4;
	_ =	sdelay $0x1  }
0x82d: {  	s3 =	sshra.s32 s3, $0x2  }
0x82e: {  	[tilespmem:s3+$0xBF78] =	vst.add.f32.msk $0xffff, v0  }
0x82f: {  	v0 =	vld [tilespmem:s0+$0xBF88];
	_ =	sdelay $0x4  }
0x830: {  	[tilespmem:s3+$0xBF88] =	vst.add.f32.msk $0xffff, v0  }
0x831: {  	v0 =	vld [tilespmem:s0+$0xBF98];
	_ =	sdelay $0x4  }
0x832: {  	[tilespmem:s3+$0xBF98] =	vst.add.f32.msk $0xffff, v0  }
0x833: {  	v0 =	vld [tilespmem:s0+$0xBFA8];
	_ =	sdelay $0x4  }
0x834: {  	[tilespmem:s3+$0xBFA8] =	vst.add.f32.msk $0xffff, v0  }
0x835: {  	v0 =	vld [tilespmem:s0+$0xBFB8]  }
.Ltmp43:
0x836: {  	_ = 	snop;
	(pc) =	sbr.rel .LBB2_52-.Ltmp43, $2  }
0x837: {  	_ =	sdelay $0x2  }
0x838: {  	[tilespmem:s3+$0xBFB8] =	vst.add.f32.msk $0xffff, v0  }
.LBB2_53:
0x839: {  	p1 =	slt.s32 s1, $0x1  }
.Ltmp44:
0x83a: {  	_ = 	snop;
	(pc) =	sbr.rel @p1 .LBB2_57-.Ltmp44, $3  }
0x83b: {  	_ =	sdelay $0x1  }
0x83c: {  	s0 =	simm.s32 $0x8  }
0x83d: {  	[sflag:s0] =	ssyncpa.u1 $0x1;
	s0 =	simm.s32 $0x0  }
0x83e: {  	s2 =	simm.s32 $0xBF58  }
0x83f: {  	v0 =	vld.msk [tilespmem:s2+$0x0], $0x1;
	_ =	sdelay $0x4  }
0x840: {  	(v2sf) =	vpush v0, $0x0;
	_ =	sdelay $0xe  }
0x841: {  	s1 =	sadd.s32 $0xFFFFFFFF, s1;
	s3 =	spop (v2sf)  }
0x842: {  	p2 =	sne.s32 s1, $0x0;
	p1 =	sgt.u32 s3, $0x15F8F7  }
.Ltmp45:
0x843: {  	s4 =	sand.u32 @!p1 $0x1FFFF8, s3;
	(pc) =	sbr.rel @!p2 .LBB2_56-.Ltmp45, $4  }
0x844: {  	s2 =	simm.s32 $0xBF78;
	s3 =	sand.u32 @!p1 $0x7, s3;
	s4 =	sadd.s32 @!p1 s6, s4  }
0x845: {  	[hbm4b:s4+s3] =	stream.linear.scatter @!p1 [tilespmem:s2], [sflag:$0x7], $0x41, $0x38;
	[tilespmem:$0x1FF78] =	vst v63  }
0x846: {  	s4 =	simm.s32 $0x0  }
0x847: {  	s3 =	simm.s32 $0xBF59;
	s4 =	simm.s32 @!p1 $0x104  }
.LBB2_55:
0x848: {  	v0 =	vld.msk [tilespmem:s3+$0x0], $0x1;
	s1 =	sadd.s32 $0xFFFFFFFF, s1;
	s0 =	sadd.s32 s0, s4  }
0x849: {  	p1 =	sne.s32 s1, $0x0;
	_ =	sdelay $0x3  }
0x84a: {  	(v2sf) =	vpush v0, $0x0;
	_ =	sdelay $0xe  }
.Ltmp46:
0x84b: {  	s5 =	spop (v2sf);
	(pc) =	sbr.rel @p1 .LBB2_55-.Ltmp46, $4  }
0x84c: {  	s4 =	simm.s32 $0x0;
	p2 =	sgt.u32 s5, $0x15F8F7  }
0x84d: {  	s2 =	sadd.s32 $0x50, s2;
	s4 =	simm.s32 @!p2 $0x104;
	s7 =	sand.u32 @!p2 $0x1FFFF8, s5  }
0x84e: {  	s3 =	sadd.s32 $0x1, s3;
	s5 =	sand.u32 @!p2 $0x7, s5;
	s7 =	sadd.s32 @!p2 s6, s7  }
0x84f: {  	[hbm4b:s7+s5] =	stream.linear.scatter @!p2 [tilespmem:s2], [sflag:$0x7], $0x41, $0x38;
	[tilespmem:$0x1FF78] =	vst v63  }
.LBB2_56:
0x850: {  	s0 =	sadd.s32 s0, s4  }
0x851: {  	s0 =	sshrl.u32 s0, $0x2  }
.LBB2_57:
0x852: {  	s1 =	simm.s32 $0x7  }
0x853: {  	_ =	swait.ge [sflag:s1], s0  }
0x854: {  	s31 =	ssub.s32 $0x0, s0;
	[sflag:s1] =	ssyncset.done $0x0  }
0x855: {  	[sflag:s1] =	ssyncadd.s32 s31  }
0x856: {  	[sflag:s1] =	ssyncpa.u1 $0x1  }
.LBB2_58:
0x857: {  	_ =	sfence;
	s0 =	simm.s32 $0x1  }
0x858: {  	[sflag:s0] =	ssyncpa.u1 $0x1  }
0x859: {  	_ =	strace $0x9000004A  }
0x85a: {  	[bflag:$0x2] =	sbarrier.arrive $0xFFFF  }
0x85b: {  	s0 =	rddreg [dreg:$0x4]  }
0x85c: {  	s0 =	sadd.s32 @!p0 $0x100000, s0  }
0x85d: {  	[sflag:s0] =	ssyncadd.tile.s32 @!p0 $0x1;
	_ =	shalt  }
.Lfunc_end2:
_tile_overlayer_lowered:
.L_overlay_start_2:
0x85e: {  	(tag) =	ssettag $0x2  }
0x85f: {  	s0 =	rddreg [dreg:$0x0];
	s2 =	stileid.u32  }
0x860: {  	s1 =	rddreg [dreg:$0x1];
	p0 =	sne.s32 s2, $0x0  }
0x861: {  	s3 =	rddreg [dreg:$0x2];
	[bflag:$0x3] =	sbarrier.arrive $0xFFFF;
	s2 =	simm.s32 @!p0 $0x1C01  }
0x862: {  	[timem:s3], [sflag:s2] =	dma.local @!p0 [hbm:s0], s1  }
0x863: {  	s0 =	simm.s32 @!p0 $0x1  }
0x864: {  	_ =	swait.ge @!p0 [sflag:s0], s1  }
0x865: {  	s1 =	ssub.s32 @!p0 $0x0, s1;
	[sflag:s0] =	ssyncset.done @!p0 $0x0  }
0x866: {  	[sflag:s0] =	ssyncadd.s32 @!p0 s1  }
0x867: {  	[bflag:$0x3] =	sbarrier.arrive $0xFFFF  }
0x868: {  	_ =	shalt  }

// kernel: sparse-core-data-format-call.cloned.1.call-start
scs
called_computation.1_lowered:
.L_overlay_start_0:
0x0: {  	s1 =	sld [smem:$0x3FD9]  }
0x1: {  	s2 =	sld [smem:$0x3FFE];
	_ =	sdelay $0x1  }
0x2: {  	s3 =	srdreg.scid  }
0x3: {  	s0 =	sand.u32 $0x1, s3  }
0x4: {  	s17 =	sshll.u32 s0, $0xA;
	s1 =	sadd.s32 s2, s1  }
0x5: {  	s1 =	sadd.s32 s1, s17  }
0x6: {  	[smem:$0x3FB1] =	sst s1  }
0x7: {  	_ = 	snop  }
0x8: {  	(tm) =	ssettm $0x1  }
0x9: {  	s18 =	sld [smem:$0x3FFB];
	_ =	sdelay $0x3  }
0xa: {  	_ =	strace s18  }
0xb: {  	s1 =	sld [smem:$0x3FFC];
	_ =	sdelay $0x3  }
0xc: {  	_ =	strace s1  }
0xd: {  	s1 =	sld [smem:$0x3FFD];
	_ =	sdelay $0x3  }
0xe: {  	_ =	strace s1  }
0xf: {  	_ =	strace $0x8FFFFFFF  }
0x10: {  	s19 =	sld [smem:$0x3FDB];
	_ =	sdelay $0x1  }
0x11: {  	s20 =	simm.s32 $_scs_section_size  }
0x12: {  	s4 =	simm.s32 $_size__tile_overlayer_lowered;
	s5 =	simm.s32 $_tile_overlayer_lowered  }
0x13: {  	s23 =	simm.s32 $0x1BFF;
	s22 =	sshll.u32 s5, $0x1;
	s1 =	sadd.s32 s20, s19  }
0x14: {  	s6 =	simm.s32 $0x0;
	s21 =	sshll.u32 s4, $0x1;
	s4 =	sadd.s32 s22, s1  }
0x15: {  	[timem:s6], [sflag:s23] =	dma.local [hbm:s4], s21  }
0x16: {  	_ =	swait.ge [sflag:s23], s21  }
0x17: {  	s2 =	ssub.s32 $0x0, s21;
	[sflag:s23] =	ssyncset.done $0x0  }
0x18: {  	[sflag:s23] =	ssyncadd.s32 s2;
	_ =	sdelay $0x1  }
0x19: {  	s24 =	simm.s32 $0x1B8B  }
0x1a: {  	_ =	swait.ge [sflag:s24], $0x1  }
0x1b: {  	[sflag:s24] =	ssyncset.done $0x0  }
0x1c: {  	s26 =	simm.s32 $0x1B8E;
	s25 =	sld [smem:$0x3FFE];
	[sflag:s24] =	ssyncadd.s32 $0xFFFFFFFF  }
0x1d: {  	s27 =	simm.s32 $execute0_lowered;
	[smem:$0x3FD2] =	sst s26  }
0x1e: {  	s4 =	sshll.u32 s27, $0x1;
	_ =	strace $0x80000046;
	[dreg:$0x1] =	wrdreg $0xFFFFFFFF  }
0x1f: {  	s28 =	simm.s32 $_size_execute0_lowered;
	s1 =	sadd.s32 s1, s4;
	[dreg:$0x0] =	wrdreg $0x0  }
0x20: {  	s4 =	sshll.u32 s28, $0x1;
	[dreg:$0x2] =	wrdreg s1  }
0x21: {  	[dreg:$0x3] =	wrdreg s4  }
0x22: {  	[dreg:$0x4] =	wrdreg $0xC0  }
0x23: {  	_ =	task [dreg:s6], $0x5FFFF  }
0x24: {  	[dreg:$0x1] =	wrdreg $0xFFFFFFFF  }
0x25: {  	[dreg:$0x0] =	wrdreg $0x60  }
0x26: {  	[dreg:$0x2] =	wrdreg s25  }
0x27: {  	[dreg:$0x3] =	wrdreg $0x9  }
0x28: {  	_ =	task.clear_ibuf [dreg:s6], $0x4FFFF;
	_ =	strace $0x90000046  }
0x29: {  	s29 =	simm.s32 $0x9;
	_ =	strace $0x80000048  }
0x2a: {  	_ =	swait.ge [sflag:s29], $0x1  }
0x2b: {  	[sflag:s29] =	ssyncadd.s32 $0xFFFFFFFF  }
0x2c: {  	_ =	strace $0x90000048  }
0x2d: {  	_ =	sfence  }
0x2e: {  	s30 =	sld [smem:$0x0];
	_ =	sdelay $0x2  }
0x2f: {  	s31 =	sshll.u32 s3, $0xD;
	s3 =	sshrl.u32 s3, $0x2  }
0x30: {  	s2 =	sand.u32 $0x4000, s31;
	s1 =	sadd.s32 s3, s30  }
0x31: {  	s0 =	sor.u32 s2, s0;
	s1 =	sshll.u32 s1, $0x11  }
0x32: {  	s0 =	sor.u32 s1, s0  }
0x33: {  	s0 =	sadd.s32 $0x8F2B, s0  }
0x34: {  	[sflag:s0] =	ssyncadd.remote.s32 $0x1  }
0x35: {  	_ =	sfence.sel $0xFFFF  }
0x36: {  	[dreg:$0x0] =	wrdreg $0xFFFFFFFF;
	(pc) =	sbr.abs _section_cstart, $3  }
0x37: {  	[dreg:$0x1] =	wrdreg $0xFFFFFFFF  }
0x38: {  	_ =	task.clear_ibuf [dreg:s6], $0x2FFFF;
	_ =	strace $0x9FFFFFFF  }
0x39: {  	(tm) =	ssettm $0x7FFFFFFF  }
tec
execute0_lowered:
.L_overlay_start_1:
0x0: {  	(tag) =	ssettag $0x1  }
0x1: {  	s0 =	srdreg.scid  }
0x2: {  	s6 =	rddreg [dreg:$0x0];
	s7 =	simm.s32 $0x1;
	s1 =	sshll.u32 s0, $0x4  }
0x3: {  	s8 =	simm.s32 $0x2;
	s0 =	stileid.u32;
	s1 =	sand.u32 $0x10, s1  }
0x4: {  	s13 =	simm.s32 $0x0;
	s12 =	simm.s32 $0x0;
	s1 =	sor.u32 s0, s1  }
0x5: {  	s10 =	simm.s32 $0x0;
	s11 =	simm.s32 $0x0;
	s2 =	sshll.u32 s1, $0x8  }
0x6: {  	s3 =	sadd.s32 $0x1800, s6;
	s6 =	sadd.s32 $0x3AB000, s6;
	s5 =	ssub.s32 $0x75300, s2  }
.Ltmp0:
0x7: {  	s1 =	rddreg [dreg:$0x1];
	s4 =	sand.u32 $0x1F00, s5;
	(pc) =	sbr.rel .LBB1_1-.Ltmp0, $4  }
0x8: {  	_ =	strace $0x80000047;
	s9 =	smov.u32 s2;
	p0 =	sne.s32 s4, $0x0  }
0x9: {  	s5 =	sshrl.u32 s5, $0xD;
	s4 =	simm.s32 $0x1;
	s7 =	simm.s32 @!p0 $0x0  }
0xa: {  	[sflag:s4] =	ssyncpa.u1 $0x0;
	p0 =	por $0x0, $0x0;
	s5 =	sadd.s32 s7, s5  }
0xb: {  	[sflag:s8] =	ssyncpa.u1 $0x0;
	s8 =	simm.s32 $0x80;
	s7 =	sadd.s32 $0x1, s5  }
.LBB1_4:
0xc: {  	_ =	sdelay $0x3  }
0xd: {  	s21 =	sor.u32 s24, s23;
	v47 =	vld.idx.msk [tilespmem:v0+s16+$0x470 ss:$0x1], $0xffff  }
0xe: {  	v57 =	vld.idx.msk [tilespmem:v0+s21+$0x410 ss:$0x1], $0xffff  }
0xf: {  	v58 =	vld.idx.msk [tilespmem:v0+s21+$0x420 ss:$0x1], $0xffff  }
0x10: {  	[tilespmem:s18+$0x1860 ss:$0x41] =	vst.msk $0xffff, v8;
	v59 =	vld.idx.msk [tilespmem:v0+s21+$0x430 ss:$0x1], $0xffff  }
0x11: {  	[tilespmem:s18+$0x1C70 ss:$0x41] =	vst.msk $0xffff, v7;
	v60 =	vld.idx.msk [tilespmem:v0+s21+$0x440 ss:$0x1], $0xffff  }
0x12: {  	[tilespmem:s18+$0x2490 ss:$0x41] =	vst.msk $0xffff, v1;
	s22 =	sand.u32 $0x3B00, s21;
	v61 =	vld.idx.msk [tilespmem:v0+s21+$0x450 ss:$0x1], $0xffff  }
0x13: {  	s20 =	sand.u32 $0x80, s20;
	[tilespmem:s18+$0x28A0 ss:$0x41] =	vst.msk $0xffff, v2;
	v62 =	vld.idx.msk [tilespmem:v0+s21+$0x460 ss:$0x1], $0xffff;
	s15 =	sadd.s32 s22, s15  }
0x14: {  	[tilespmem:s18+$0x2CB0 ss:$0x41] =	vst.msk $0xffff, v3;
	v63 =	vld.idx.msk [tilespmem:v0+s21+$0x470 ss:$0x1], $0xffff;
	s15 =	sadd.s32 s20, s15  }
0x15: {  	[tilespmem:s18+$0x30C0 ss:$0x41] =	vst.msk $0xffff, v4;
	v48 =	vld [tilespmem:s15+$0x400]  }
0x16: {  	[tilespmem:s18+$0x34D0 ss:$0x41] =	vst.msk $0xffff, v5;
	v49 =	vld [tilespmem:s15+$0x0]  }
0x17: {  	s25 =	sshra.s32 s19, $0x2;
	[tilespmem:s18+$0x38E0 ss:$0x41] =	vst.msk $0xffff, v6;
	v50 =	vld [tilespmem:s15+$0x10]  }
0x18: {  	s16 =	sadd.s32 s25, s17;
	v51 =	vld [tilespmem:s15+$0x20];
	[tilespmem:s18+$0x3CF0 ss:$0x41] =	vst.msk $0xffff, v47  }
0x19: {  	v52 =	vld [tilespmem:s15+$0x30];
	[tilespmem:s16+$0x2490 ss:$0x41] =	vst.msk $0xffff, v57  }
0x1a: {  	v53 =	vld [tilespmem:s15+$0x40];
	[tilespmem:s16+$0x28A0 ss:$0x41] =	vst.msk $0xffff, v58  }
0x1b: {  	v54 =	vld [tilespmem:s15+$0x50];
	[tilespmem:s16+$0x2CB0 ss:$0x41] =	vst.msk $0xffff, v59  }
0x1c: {  	s13 =	sshll.u32 s13, $0x7;
	s26 =	sshll.u32 s12, $0x3;
	v55 =	vld [tilespmem:s15+$0x60];
	[tilespmem:s16+$0x30C0 ss:$0x41] =	vst.msk $0xffff, v60  }
0x1d: {  	s27 =	sand.u32 $0xFFFFFC00, s13;
	v56 =	vld [tilespmem:s15+$0x70];
	s15 =	sand.u32 $0xFFFFFC00, s26;
	[tilespmem:s16+$0x34D0 ss:$0x41] =	vst.msk $0xffff, v61  }
0x1e: {  	s13 =	sand.u32 $0x380, s13;
	s15 =	sadd.s32 s15, s27;
	[tilespmem:s16+$0x38E0 ss:$0x41] =	vst.msk $0xffff, v62  }
0x1f: {  	s13 =	sor.u32 s13, s15;
	[tilespmem:s16+$0x3CF0 ss:$0x41] =	vst.msk $0xffff, v63  }
0x20: {  	s13 =	sshrl.u32 s13, $0x7;
	[tilespmem:s16+$0x2080 ss:$0x41] =	vst.msk $0xffff, v48  }
0x21: {  	s28 =	smulhi.u32 $0x8BCF65, s13;
	[tilespmem:s16+$0x0 ss:$0x41] =	vst.msk $0xffff, v49  }
0x22: {  	[tilespmem:s16+$0x410 ss:$0x41] =	vst.msk $0xffff, v50  }
0x23: {  	[tilespmem:s16+$0x820 ss:$0x41] =	vst.msk $0xffff, v51;
	s15 =	sshrl.u32 s28, $0xA  }
0x24: {  	[tilespmem:s16+$0xC30 ss:$0x41] =	vst.msk $0xffff, v52;
	s15 =	smul.u32 $0x75300, s15  }
0x25: {  	s29 =	sshrl.u32 s12, $0x3;
	[tilespmem:s16+$0x1040 ss:$0x41] =	vst.msk $0xffff, v53  }
0x26: {  	s31 =	sand.u32 $0x7, s12;
	s30 =	sand.u32 $0xF, s29;
	[tilespmem:s16+$0x1450 ss:$0x41] =	vst.msk $0xffff, v54;
	s13 =	ssub.s32 s13, s15  }
0x27: {  	s12 =	sshll.u32 s31, $0x12;
	[tilespmem:s16+$0x1860 ss:$0x41] =	vst.msk $0xffff, v55;
	s15 =	sadd.s32 s6, s30;
	s13 =	sshll.u32 s13, $0x4  }
0x28: {  	s12 =	sor.u32 $0x40, s12;
	[tilespmem:s16+$0x1C70 ss:$0x41] =	vst.msk $0xffff, v56;
	s13 =	sadd.s32 s13, s15  }
0x29: {  	[hbm4b:s13+s12] =	stream.strided.scatter [tilespmem:s14], [sflag:$0x2], $0x4000, s8, s12, $0x18;
	[tilespmem:$0x10200] =	vst v63  }
.LBB1_5:
0x2a: {  	s14 =	sadd.s32 $0x2000, s9  }
0x2b: {  	s12 =	sadd.s32 $0x40, s10;
	s16 =	smov.u32 s10;
	p2 =	sgt.s32 s14, $0x752FF  }
0x2c: {  	s16 =	smov.u32 @p2 s12  }
0x2d: {  	s14 =	smov.u32 @p2 s2;
	p2 =	sgt.s32 s16, $0x3F  }
0x2e: {  	s16 =	simm.s32 @p2 $0x0;
	p2 =	sne.s32 s11, s7  }
.Ltmp1:
0x2f: {  	p1 =	slt.u32 s11, $0x2;
	(pc) =	sbr.rel @!p2 .LBB1_6-.Ltmp1, $4  }
0x30: {  	s15 =	simm.s32 @!p1 $0x2  }
0x31: {  	s13 =	smov.u32 s9;
	p0 =	por !p0, !p0;
	_ =	swait.ge @!p1 [sflag:s15], $0x4000  }
0x32: {  	s12 =	smov.u32 s10;
	[sflag:s15] =	ssyncset.done @!p1 $0x0;
	s9 =	smov.u32 s14  }
0x33: {  	s11 =	sadd.s32 $0x1, s11;
	[sflag:s15] =	ssyncadd.s32 @!p1 $0xFFFFC000;
	s10 =	smov.u32 s16  }
.LBB1_1:
0x34: {  	p1 =	sge.u32 s11, s5  }
0x35: {  	s14 =	sshrl.u32 @!p1 s10, $0x3  }
0x36: {  	s15 =	sshll.u32 @!p1 s9, $0x3;
	s14 =	smul.u32 @!p1 $0x3A9800, s14  }
0x37: {  	s16 =	sshll.u32 @!p1 s10, $0x7;
	s15 =	sand.u32 @!p1 $0xFFFFFC00, s15  }
0x38: {  	s14 =	sadd.s32 @!p1 s14, s15;
	s15 =	sand.u32 @!p1 $0x380, s16  }
0x39: {  	s16 =	sand.u32 @!p1 $0x7F, s9;
	s14 =	sor.u32 @!p1 s15, s14  }
0x3a: {  	s15 =	sor.u32 @!p1 s16, s14  }
0x3b: {  	s16 =	smulhi.u32 @!p1 $0x45E7B273, s15;
	_ =	sdelay $0x1  }
0x3c: {  	s14 =	smulhi.u32 @!p1 $0x45E7B273, s14;
	s16 =	sshrl.u32 @!p1 s16, $0x11  }
0x3d: {  	s16 =	smul.u32 @!p1 $0x75300, s16  }
0x3e: {  	s31 =	sadd.s32 $0xFFFFFFFF, s11;
	s17 =	sxor.u32 @!p1 $0xFFFFFFFF, s11;
	s14 =	sshrl.u32 @!p1 s14, $0x11  }
0x3f: {  	s17 =	sshll.u32 @!p1 s17, $0xE;
	s14 =	sand.u32 @!p1 $0x3F, s14;
	s15 =	ssub.s32 @!p1 s15, s16  }
0x40: {  	s14 =	smul.u32 @!p1 $0xEA60, s14;
	s16 =	sshrl.u32 @!p1 s15, $0x3;
	s15 =	sand.u32 @!p1 $0x7, s15  }
0x41: {  	s17 =	sand.u32 @!p1 $0x4000, s17;
	s16 =	sadd.s32 @!p1 s3, s16;
	s15 =	sshll.u32 @!p1 s15, $0x12  }
0x42: {  	s14 =	sadd.s32 @!p1 s14, s16;
	s15 =	sor.u32 @!p1 $0x800, s15;
	s16 =	simm.s32 @!p1 $0x3A9800  }
0x43: {  	[tilespmem:s17], [sflag:$0x1] =	stream.strided.gather @!p1 [hbm4b:s14+s15], $0x4000, s16, s15, $0x38;
	[tilespmem:$0x10200] =	vst v63  }
0x44: {  	p1 =	sge.u32 s31, s5  }
.Ltmp2:
0x45: {  	_ = 	snop;
	(pc) =	sbr.rel @p1 .LBB1_5-.Ltmp2, $1  }
0x46: {  	_ =	sdelay $0x3  }
0x47: {  	s17 =	simm.s32 $0x0  }
0x48: {  	s16 =	sand.u32 $0x3800, s17;
	s18 =	sand.u32 $0x380, s17  }
0x49: {  	s14 =	sand.u32 $0x1, s11;
	s16 =	sor.u32 s18, s16  }
0x4a: {  	_ =	swait.ge [sflag:s4], $0x4000;
	s15 =	sshll.u32 s14, $0xE;
	s18 =	sand.u32 $0x3B00, s16  }
0x4b: {  	[sflag:s4] =	ssyncset.done $0x0;
	s17 =	sand.u32 $0x80, s17;
	s18 =	sadd.s32 s18, s15  }
0x4c: {  	[sflag:s4] =	ssyncadd.s32 $0xFFFFC000;
	s20 =	sadd.s32 s17, s18  }
0x4d: {  	v4 =	vld [tilespmem:s20+$0x400]  }
0x4e: {  	s19 =	simm.s32 $0x1;
	v5 =	vld [tilespmem:s20+$0x0]  }
0x4f: {  	s19 =	simm.s32 @!p0 $0x0;
	v6 =	vld [tilespmem:s20+$0x10]  }
0x50: {  	v0 =	vmov s15;
	s31 =	smul.u32 $0x10400, s19;
	v7 =	vld [tilespmem:s20+$0x20]  }
0x51: {  	v9 =	vld [tilespmem:s20+$0x30]  }
0x52: {  	s17 =	sshrl.u32 s31, $0x2;
	v10 =	vld [tilespmem:s20+$0x40]  }
0x53: {  	s17 =	sor.u32 $0x8000, s17;
	v11 =	vld [tilespmem:s20+$0x50]  }
0x54: {  	v8 =	vld [tilespmem:s20+$0x60];
	s18 =	sadd.s32 $0x0, s17  }
0x55: {  	v1 =	vld.idx.msk [tilespmem:v0+s16+$0x410 ss:$0x1], $0xffff;
	[tilespmem:s18+$0x2080 ss:$0x41] =	vst.msk $0xffff, v4  }
0x56: {  	v2 =	vld.idx.msk [tilespmem:v0+s16+$0x420 ss:$0x1], $0xffff;
	[tilespmem:s18+$0x0 ss:$0x41] =	vst.msk $0xffff, v5  }
0x57: {  	v3 =	vld.idx.msk [tilespmem:v0+s16+$0x430 ss:$0x1], $0xffff;
	[tilespmem:s18+$0x410 ss:$0x41] =	vst.msk $0xffff, v6  }
0x58: {  	s14 =	smul.u32 $0x10400, s14;
	[tilespmem:s18+$0x820 ss:$0x41] =	vst.msk $0xffff, v7;
	v7 =	vld [tilespmem:s20+$0x70]  }
0x59: {  	s21 =	simm.s32 $0x100;
	s22 =	simm.s32 $0x8;
	[tilespmem:s18+$0xC30 ss:$0x41] =	vst.msk $0xffff, v9;
	v4 =	vld.idx.msk [tilespmem:v0+s16+$0x440 ss:$0x1], $0xffff  }
0x5a: {  	s23 =	sand.u32 $0x3800, s21;
	s14 =	sshrl.u32 s14, $0x2;
	[tilespmem:s18+$0x1040 ss:$0x41] =	vst.msk $0xffff, v10;
	v5 =	vld.idx.msk [tilespmem:v0+s16+$0x450 ss:$0x1], $0xffff;
	s20 =	simm.s32 $0x80  }
0x5b: {  	s19 =	simm.s32 $0x4;
	s14 =	sor.u32 $0x8000, s14;
	[tilespmem:s18+$0x1450 ss:$0x41] =	vst.msk $0xffff, v11;
	v6 =	vld.idx.msk [tilespmem:v0+s16+$0x460 ss:$0x1], $0xffff;
	s24 =	sand.u32 $0x380, s20  }
.LBB1_3:
0x5c: {  	p1 =	sne.s32 s22, $0xFC;
	[tilespmem:s18+$0x1860 ss:$0x41] =	vst.msk $0xffff, v8;
	v8 =	vld.idx.msk [tilespmem:v0+s16+$0x470 ss:$0x1], $0xffff;
	s16 =	sor.u32 s24, s23  }
0x5d: {  	s23 =	sand.u32 $0x3B00, s16;
	v9 =	vld.idx.msk [tilespmem:v0+s16+$0x410 ss:$0x1], $0xffff;
	[tilespmem:s18+$0x1C70 ss:$0x41] =	vst.msk $0xffff, v7  }
0x5e: {  	s24 =	sand.u32 $0x80, s20;
	s23 =	sadd.s32 s23, s15;
	v7 =	vld.idx.msk [tilespmem:v0+s16+$0x420 ss:$0x1], $0xffff;
	[tilespmem:s18+$0x2490 ss:$0x41] =	vst.msk $0xffff, v1  }
0x5f: {  	s23 =	sadd.s32 s24, s23;
	v10 =	vld.idx.msk [tilespmem:v0+s16+$0x430 ss:$0x1], $0xffff;
	[tilespmem:s18+$0x28A0 ss:$0x41] =	vst.msk $0xffff, v2  }
0x60: {  	v11 =	vld [tilespmem:s23+$0x400];
	[tilespmem:s18+$0x2CB0 ss:$0x41] =	vst.msk $0xffff, v3  }
0x61: {  	v12 =	vld [tilespmem:s23+$0x0];
	[tilespmem:s18+$0x30C0 ss:$0x41] =	vst.msk $0xffff, v4  }
0x62: {  	v4 =	vld [tilespmem:s23+$0x10];
	[tilespmem:s18+$0x34D0 ss:$0x41] =	vst.msk $0xffff, v5  }
0x63: {  	s24 =	sshra.s32 s19, $0x2;
	s19 =	smov.u32 s22;
	v1 =	vmov v9;
	v5 =	vld [tilespmem:s23+$0x20];
	[tilespmem:s18+$0x38E0 ss:$0x41] =	vst.msk $0xffff, v6  }
0x64: {  	v2 =	vmov v7;
	v6 =	vld [tilespmem:s23+$0x30];
	[tilespmem:s18+$0x3CF0 ss:$0x41] =	vst.msk $0xffff, v8;
	s18 =	sadd.s32 s24, s17  }
0x65: {  	v3 =	vmov v10;
	v9 =	vld [tilespmem:s23+$0x40];
	[tilespmem:s18+$0x2080 ss:$0x41] =	vst.msk $0xffff, v11  }
0x66: {  	[tilespmem:s18+$0x0 ss:$0x41] =	vst.msk $0xffff, v12;
	v10 =	vld [tilespmem:s23+$0x50]  }
.Ltmp3:
0x67: {  	[tilespmem:s18+$0x410 ss:$0x41] =	vst.msk $0xffff, v4;
	v8 =	vld [tilespmem:s23+$0x60];
	(pc) =	sbr.rel @p1 .LBB1_3-.Ltmp3, $4  }
0x68: {  	[tilespmem:s18+$0x820 ss:$0x41] =	vst.msk $0xffff, v5;
	v7 =	vld [tilespmem:s23+$0x70]  }
0x69: {  	[tilespmem:s18+$0xC30 ss:$0x41] =	vst.msk $0xffff, v6;
	v4 =	vld.idx.msk [tilespmem:v0+s16+$0x440 ss:$0x1], $0xffff  }
0x6a: {  	s20 =	sadd.s32 $0x80, s20;
	s21 =	sadd.s32 $0x100, s21;
	[tilespmem:s18+$0x1040 ss:$0x41] =	vst.msk $0xffff, v9;
	v5 =	vld.idx.msk [tilespmem:v0+s16+$0x450 ss:$0x1], $0xffff  }
0x6b: {  	s22 =	sadd.s32 $0x4, s22;
	s24 =	sand.u32 $0x380, s20;
	s23 =	sand.u32 $0x3800, s21;
	[tilespmem:s18+$0x1450 ss:$0x41] =	vst.msk $0xffff, v10;
	v6 =	vld.idx.msk [tilespmem:v0+s16+$0x460 ss:$0x1], $0xffff  }
.Ltmp4:
0x6c: {  	_ = 	snop;
	(pc) =	sbr.rel .LBB1_4-.Ltmp4, $1  }
0x6d: {  	_ =	sdelay $0x3  }
.LBB1_6:
0x6e: {  	_ =	sfence.sel $0x180000  }
0x6f: {  	s2 =	simm.s32 $0x1;
	[bflag:$0x0] =	sbarrier.arrive $0xFFFF  }
0x70: {  	s31 =	simm.s32 $0x2;
	[sflag:s2] =	ssyncpa.u1 $0x1  }
0x71: {  	[sflag:s31] =	ssyncpa.u1 $0x1  }
0x72: {  	p0 =	sne.s32 s0, $0x0;
	_ =	strace $0x90000047  }
0x73: {  	s0 =	sadd.s32 @!p0 $0x100000, s1;
	[bflag:$0x2] =	sbarrier.arrive $0xFFFF  }
0x74: {  	[sflag:s0] =	ssyncadd.tile.s32 @!p0 $0x1;
	_ =	shalt  }
.Lfunc_end1:
_tile_overlayer_lowered:
.L_overlay_start_2:
0x75: {  	(tag) =	ssettag $0x2  }
0x76: {  	s0 =	rddreg [dreg:$0x0];
	s2 =	stileid.u32  }
0x77: {  	s1 =	rddreg [dreg:$0x1];
	p0 =	sne.s32 s2, $0x0  }
0x78: {  	s3 =	rddreg [dreg:$0x2];
	[bflag:$0x3] =	sbarrier.arrive $0xFFFF;
	s2 =	simm.s32 @!p0 $0x1C01  }
0x79: {  	[timem:s3], [sflag:s2] =	dma.local @!p0 [hbm:s0], s1  }
0x7a: {  	s0 =	simm.s32 @!p0 $0x1  }
0x7b: {  	_ =	swait.ge @!p0 [sflag:s0], s1  }
0x7c: {  	s1 =	ssub.s32 @!p0 $0x0, s1;
	[sflag:s0] =	ssyncset.done @!p0 $0x0  }
0x7d: {  	[sflag:s0] =	ssyncadd.s32 @!p0 s1  }
0x7e: {  	[bflag:$0x3] =	sbarrier.arrive $0xFFFF  }
0x7f: {  	_ =	shalt  }

</sc_bundles>
